<compile_context>
chip_gen: v7x
topology: tpu7x:2x2x1
jax: 0.10.2.dev20260603
libtpu: 0.0.44.dev20260713+nightly
codegen_flags: <defaults>
</compile_context>

<pallas_src>
import dataclasses
import functools

import jax
import jax.numpy as jnp
from jax import lax
from jax.experimental import pallas as pl
from jax.experimental.pallas import tpu as pltpu
from jax.experimental.pallas import tpu_sc as plsc

N = 10000
E = 320000
G = 64
D = 128

NC = 2
NS = 16
NW = NC * NS
WIN = 64
WPS = 160
CH = 40
NBUF = 4
EPAD = NW * WPS * WIN
TRASH = N
NP = 10240

BR = 2048

_f32 = jnp.float32


def _sc_mesh():
    return plsc.VectorSubcoreMesh(core_axis_name="c", subcore_axis_name="s")


def _sc_deg2(edges, zeros_np):

    cp = pltpu.CompilerParams()
    if "needs_layout_passes" in pltpu.CompilerParams.__dataclass_fields__:
        cp = dataclasses.replace(cp, needs_layout_passes=False)

    @functools.partial(
        pl.kernel,
        out_type=jax.ShapeDtypeStruct((NC, NP), _f32),
        mesh=_sc_mesh(),
        compiler_params=cp,
        scratch_types=[
            pltpu.VMEM_SHARED((NS, NP), _f32),
            pltpu.VMEM((NP,), _f32),
            pltpu.VMEM((WPS, WIN), jnp.int32),
            pltpu.VMEM((NS, NP // NS), _f32),
            pltpu.VMEM((NP // NS,), _f32),
        ],
    )
    def k(e_hbm, z_hbm, out_hbm, shared_h, hist, idx_v, part, outb):
        c = lax.axis_index("c")
        s = lax.axis_index("s")
        wid = c * NS + s
        rz = NP // NS
        pltpu.sync_copy(z_hbm, hist)
        pltpu.sync_copy(e_hbm.at[1, wid, pl.ds(0, WPS)], idx_v)
        ones16 = jnp.full((16,), 1.0, _f32)

        @pl.loop(0, WPS)
        def _(w):
            @pl.loop(0, WIN // 16)
            def _(j):
                idx = idx_v[w, pl.ds(j * 16, 16)]
                plsc.addupdate_scatter(hist, [idx], ones16)

        pltpu.sync_copy(hist, shared_h.at[s])
        plsc.subcore_barrier()
        pltpu.sync_copy(shared_h.at[:, pl.ds(s * rz, rz)], part)

        @pl.loop(0, rz // 16)
        def _(kk):
            v = part[0, pl.ds(kk * 16, 16)]
            for r in range(1, NS):
                v = v + part[r, pl.ds(kk * 16, 16)]
            outb[pl.ds(kk * 16, 16)] = v

        pltpu.sync_copy(outb, out_hbm.at[c, pl.ds(s * rz, rz)])

    return k(edges, zeros_np)


def _sc_agg(g, edges, W=D):

    @functools.partial(
        pl.kernel,
        out_type=jax.ShapeDtypeStruct((NC, NP, W), _f32),
        mesh=_sc_mesh(),
        scratch_types=[
            pltpu.VMEM_SHARED((NP, W), _f32),
            pltpu.VMEM((CH, WIN), jnp.int32),
            pltpu.VMEM((CH, WIN), jnp.int32),
        ] + [pltpu.VMEM((WIN, W), _f32)] * NBUF
          + [pltpu.SemaphoreType.DMA] * NBUF,
    )
    def k(g_hbm, e_hbm, out_hbm, acc, src_v, dst_v, *bufs_and_sems):
        rows_bufs = bufs_and_sems[:NBUF]
        sems = bufs_and_sems[NBUF:]
        c = lax.axis_index("c")
        s = lax.axis_index("s")
        wid = c * NS + s
        ri = NP // NS
        pltpu.sync_copy(g_hbm.at[pl.ds(s * ri, ri)], acc.at[pl.ds(s * ri, ri)])
        plsc.subcore_barrier()

        def start(w, rows, sem):
            pltpu.make_async_copy(g_hbm.at[src_v.at[w]], rows, sem).start()

        def finish(w, rows, sem):
            pltpu.make_async_copy(g_hbm.at[src_v.at[w]], rows, sem).wait()
            pltpu.sync_copy(rows, acc.at[dst_v.at[w]], add=True)

        for h in range(WPS // CH):
            pltpu.sync_copy(e_hbm.at[0, wid, pl.ds(h * CH, CH)], src_v)
            pltpu.sync_copy(e_hbm.at[1, wid, pl.ds(h * CH, CH)], dst_v)
            for i in range(NBUF):
                start(i, rows_bufs[i], sems[i])

            @pl.loop(0, CH - NBUF, step=NBUF)
            def _(w):
                for i in range(NBUF):
                    finish(w + i, rows_bufs[i], sems[i])
                    start(w + NBUF + i, rows_bufs[i], sems[i])

            for i in range(NBUF):
                finish(CH - NBUF + i, rows_bufs[i], sems[i])

        plsc.subcore_barrier()
        pltpu.sync_copy(acc.at[pl.ds(s * ri, ri)],
                        out_hbm.at[c, pl.ds(s * ri, ri)])

    return k(g, edges)


def _dot(a, b):
    return lax.dot_general(a, b, (((1,), (0,)), ((), ())),
                           precision=lax.Precision.HIGHEST,
                           preferred_element_type=_f32)


def _tc_matmul(x, w):
    def body(x_ref, w_ref, o_ref):
        o_ref[...] = _dot(x_ref[...], w_ref[...])

    return pl.pallas_call(
        body,
        grid=(NP // BR,),
        in_specs=[pl.BlockSpec((BR, D), lambda i: (i, 0)),
                  pl.BlockSpec((D, D), lambda i: (0, 0))],
        out_specs=pl.BlockSpec((BR, D), lambda i: (i, 0)),
        out_shape=jax.ShapeDtypeStruct((NP, D), _f32),
    )(x, w)


def _tc_scale(h, degp):

    def body(h_ref, d_ref, g_ref, dinv_ref):
        deg = d_ref[0] + d_ref[1] + 1.0
        dinv = lax.rsqrt(deg)
        dinv_ref[...] = dinv[:, None]
        g_ref[...] = h_ref[...] * dinv[:, None]

    return pl.pallas_call(
        body,
        grid=(NP // BR,),
        in_specs=[pl.BlockSpec((BR, D), lambda i: (i, 0)),
                  pl.BlockSpec((NC, BR), lambda i: (0, i))],
        out_specs=[pl.BlockSpec((BR, D), lambda i: (i, 0)),
                   pl.BlockSpec((BR, 1), lambda i: (i, 0))],
        out_shape=[jax.ShapeDtypeStruct((NP, D), _f32),
                   jax.ShapeDtypeStruct((NP, 1), _f32)],
    )(h, degp)


def _tc_layer(acc, g, dinv, b, w_next):

    def body(a_ref, g_ref, dinv_ref, b_ref, w_ref, o_ref):
        dinv = dinv_ref[...]
        z = (a_ref[0] + a_ref[1] - g_ref[...]) * dinv + b_ref[...]
        z = jnp.maximum(z, 0.0)
        o_ref[...] = _dot(z, w_ref[...]) * dinv

    return pl.pallas_call(
        body,
        grid=(NP // BR,),
        in_specs=[pl.BlockSpec((NC, BR, D), lambda i: (0, i, 0)),
                  pl.BlockSpec((BR, D), lambda i: (i, 0)),
                  pl.BlockSpec((BR, 1), lambda i: (i, 0)),
                  pl.BlockSpec((1, D), lambda i: (0, 0)),
                  pl.BlockSpec((D, D), lambda i: (0, 0))],
        out_specs=pl.BlockSpec((BR, D), lambda i: (i, 0)),
        out_shape=jax.ShapeDtypeStruct((NP, D), _f32),
    )(acc, g, dinv, b, w_next)


def _tc_final(acc, g, dinv, b, batch2d, wl, bl):

    def body(a_ref, g_ref, dinv_ref, b_ref, bat_ref, wl_ref, bl_ref, o_ref,
             pool_ref):
        i = pl.program_id(0)

        @pl.when(i == 0)
        def _():
            pool_ref[...] = jnp.zeros((G, D), _f32)

        dinv = dinv_ref[...]
        z = (a_ref[0] + a_ref[1] - g_ref[...]) * dinv + b_ref[...]
        z = jnp.maximum(z, 0.0)
        gids = lax.broadcasted_iota(jnp.int32, (1, G), 1)
        onehot = (bat_ref[...] == gids).astype(_f32)
        pool_ref[...] += lax.dot_general(
            onehot, z, (((0,), (0,)), ((), ())),
            precision=lax.Precision.HIGHEST, preferred_element_type=_f32)

        @pl.when(i == NP // BR - 1)
        def _():
            o_ref[...] = _dot(pool_ref[...], wl_ref[...]) + bl_ref[...]

    return pl.pallas_call(
        body,
        grid=(NP // BR,),
        in_specs=[pl.BlockSpec((NC, BR, D), lambda i: (0, i, 0)),
                  pl.BlockSpec((BR, D), lambda i: (i, 0)),
                  pl.BlockSpec((BR, 1), lambda i: (i, 0)),
                  pl.BlockSpec((1, D), lambda i: (0, 0)),
                  pl.BlockSpec((BR, 1), lambda i: (i, 0)),
                  pl.BlockSpec((D, D), lambda i: (0, 0)),
                  pl.BlockSpec((1, D), lambda i: (0, 0))],
        out_specs=pl.BlockSpec((G, D), lambda i: (0, 0)),
        out_shape=jax.ShapeDtypeStruct((G, D), _f32),
        scratch_shapes=[pltpu.VMEM((G, D), _f32)],
    )(acc, g, dinv, b, batch2d, wl, bl)


def kernel(x, edge_index, batch, W1, b1, W2, b2, Wl, bl):
    pad_src = jnp.arange(EPAD - E, dtype=jnp.int32) % N
    pad_dst = TRASH + (jnp.arange(EPAD - E, dtype=jnp.int32) % (NP - N))
    pad_blk = jnp.stack([pad_src, pad_dst])
    edges = jnp.concatenate([edge_index.astype(jnp.int32), pad_blk],
                            axis=1).reshape(2, NW, WPS, WIN)

    zeros_np = jnp.zeros((NP,), _f32)
    xp = jnp.concatenate([x, jnp.zeros((NP - N, D), _f32)])
    batch2d = jnp.concatenate([batch.astype(jnp.int32),
                               jnp.full((NP - N,), G, jnp.int32)]).reshape(NP, 1)
    b1r = b1.reshape(1, D)
    b2r = b2.reshape(1, D)
    blr = bl.reshape(1, D)

    degp = _sc_deg2(edges, zeros_np)
    h1 = _tc_matmul(xp, W1)
    g1, dinv = _tc_scale(h1, degp)
    acc1 = _sc_agg(g1, edges)
    g2 = _tc_layer(acc1, g1, dinv, b1r, W2)
    acc2 = _sc_agg(g2, edges)
    return _tc_final(acc2, g2, dinv, b2r, batch2d, Wl, blr)

# --- scband reference (transcript-rebuilt; emitter-appended) ---
"""Pipeline reference for scband-gcn-29085518528712 (READ-ONLY COPY).

The authoritative reference and input builder live on the scoring server;
editing this copy changes nothing except your own understanding.
"""

import jax, jax.numpy as jnp
import numpy as np

N_NODES = 10000
N_EDGES = 320000
NUM_GRAPHS = 64
DIN = 128
DMID = 128
DOUT = 128


def setup_inputs(seed: int = 0) -> dict:
    key = jax.random.key(seed)
    k = jax.random.split(key, 10)
    x = jax.random.normal(k[0], (N_NODES, DIN), dtype=jnp.float32)
    edge_index = jax.random.randint(k[1], (2, N_EDGES), 0, N_NODES, dtype=jnp.int64)
    batch = jnp.sort(jax.random.randint(k[2], (N_NODES,), 0, NUM_GRAPHS, dtype=jnp.int64))
    s1 = 1.0 / np.sqrt(DIN)
    s2 = 1.0 / np.sqrt(DMID)
    W1 = jax.random.uniform(k[3], (DIN, DMID), jnp.float32, -s1, s1)
    b1 = jnp.zeros((DMID,), jnp.float32)
    W2 = jax.random.uniform(k[4], (DMID, DMID), jnp.float32, -s2, s2)
    b2 = jnp.zeros((DMID,), jnp.float32)
    Wl = jax.random.uniform(k[5], (DMID, DOUT), jnp.float32, -s2, s2)
    bl = jnp.zeros((DOUT,), jnp.float32)
    return {"x": x, "edge_index": edge_index, "batch": batch,
            "W1": W1, "b1": b1, "W2": W2, "b2": b2, "Wl": Wl, "bl": bl}


def _gcn_conv(x, src, dst, W, b, n_nodes):
    # PyG GCNConv: add self-loops, symmetric normalization, linear, scatter-add, bias
    loop = jnp.arange(n_nodes, dtype=src.dtype)
    src_f = jnp.concatenate([src, loop])
    dst_f = jnp.concatenate([dst, loop])
    deg = jnp.zeros((n_nodes,), jnp.float32).at[dst_f].add(1.0)
    dinv = jnp.where(deg > 0, jax.lax.rsqrt(deg), 0.0)
    norm = dinv[src_f] * dinv[dst_f]
    h = x @ W
    msg = jnp.take(h, src_f, axis=0) * norm[:, None]
    out = jnp.zeros((n_nodes, h.shape[1]), jnp.float32).at[dst_f].add(msg)
    return out + b


def reference(x, edge_index, batch, W1, b1, W2, b2, Wl, bl):
    src, dst = edge_index[0], edge_index[1]
    h = _gcn_conv(x, src, dst, W1, b1, N_NODES)
    h = jax.nn.relu(h)
    h = _gcn_conv(h, src, dst, W2, b2, N_NODES)
    h = jax.nn.relu(h)
    pooled = jax.ops.segment_sum(h, batch, num_segments=NUM_GRAPHS)
    return pooled @ Wl + bl

if __name__ == "__main__":
    import jax
    _d = setup_inputs()
    print(jax.jit(kernel)(*tuple(_d.values())))

</pallas_src>

<mosaic_0001>
#map = affine_map<(d0, d1) -> (0, 0)>
#map1 = affine_map<(d0, d1) -> (0, 0, 0, 0)>
#map2 = affine_map<(d0, d1) -> (0, 0, 0)>
module attributes {stable_mosaic.version = 14 : i64} {
  func.func @k(%arg0: i32, %arg1: i32, %arg2: memref<10240x128xf32, #tpu.memory_space<hbm>>, %arg3: memref<2x32x160x64xi32, #tpu.memory_space<hbm>>, %arg4: memref<2x10240x128xf32, #tpu.memory_space<hbm>>, %arg5: memref<10240x128xf32, #tpu.memory_space<vmem_shared>>, %arg6: memref<40x64xi32, #tpu.memory_space<vmem>>, %arg7: memref<40x64xi32, #tpu.memory_space<vmem>>, %arg8: memref<64x128xf32, #tpu.memory_space<vmem>>, %arg9: memref<64x128xf32, #tpu.memory_space<vmem>>, %arg10: memref<64x128xf32, #tpu.memory_space<vmem>>, %arg11: memref<64x128xf32, #tpu.memory_space<vmem>>, %arg12: memref<!tpu.dma_semaphore, #tpu.memory_space<semaphore_mem>>, %arg13: memref<!tpu.dma_semaphore, #tpu.memory_space<semaphore_mem>>, %arg14: memref<!tpu.dma_semaphore, #tpu.memory_space<semaphore_mem>>, %arg15: memref<!tpu.dma_semaphore, #tpu.memory_space<semaphore_mem>>) attributes {dimension_semantics = [#tpu.dimension_semantics<core_parallel>, #tpu.dimension_semantics<subcore_parallel>], iteration_bounds = array<i64: 2, 16>, scalar_prefetch = 0 : i64, scratch_operands = 11 : i64, tpu.core_type = #tpu.core_type<sc_vector_subcore>, window_params = [{transform_indices = #map}, {transform_indices = #map1}, {transform_indices = #map2}]} {
    %mul3A = arith.constant 16 : i32
    %mul3A_0 = arith.muli %arg0, %mul3A : i32
    %add3A = arith.addi %mul3A_0, %arg1 : i32
    %mul3A_1 = arith.constant 640 : i32
    %mul3A_2 = arith.muli %arg1, %mul3A_1 : i32
    %mul3A_3 = arith.constant 640 : i32
    %mul3A_4 = arith.muli %arg1, %mul3A_3 : i32
    "tpu.region"() ({
      %run_scoped3A_274 = tpu.sem_alloc : memref<!tpu.dma_semaphore, #tpu.memory_space<semaphore_mem>>
      %dma_start3A_275 = arith.constant 0 : i32
      %dma_start3A_276 = tpu.memref_slice %arg5[%mul3A_4, %dma_start3A_275] : memref<10240x128xf32, #tpu.memory_space<vmem_shared>> -> memref<640x128xf32, #tpu.memory_space<vmem_shared>>
      %dma_start3A_277 = arith.constant 0 : i32
      %dma_start3A_278 = tpu.memref_slice %arg2[%mul3A_2, %dma_start3A_277] : memref<10240x128xf32, #tpu.memory_space<hbm>> -> memref<640x128xf32, #tpu.memory_space<hbm>>
      tpu.enqueue_dma source(%dma_start3A_278 : memref<640x128xf32, #tpu.memory_space<hbm>>) target(%dma_start3A_276 : memref<640x128xf32, #tpu.memory_space<vmem_shared>>) target_semaphore(%run_scoped3A_274 : memref<!tpu.dma_semaphore, #tpu.memory_space<semaphore_mem>>)
      %dma_wait3A_279 = arith.constant 0 : i32
      %dma_wait3A_280 = tpu.memref_slice %arg5[%mul3A_4, %dma_wait3A_279] : memref<10240x128xf32, #tpu.memory_space<vmem_shared>> -> memref<640x128xf32, #tpu.memory_space<vmem_shared>>
      %dma_wait3A_281 = arith.constant 0 : i32
      %dma_wait3A_282 = tpu.memref_slice %arg2[%mul3A_2, %dma_wait3A_281] : memref<10240x128xf32, #tpu.memory_space<hbm>> -> memref<640x128xf32, #tpu.memory_space<hbm>>
      tpu.wait_dma2 semaphore(%run_scoped3A_274 : memref<!tpu.dma_semaphore, #tpu.memory_space<semaphore_mem>>) src(%dma_wait3A_282 : memref<640x128xf32, #tpu.memory_space<hbm>>) dst(%dma_wait3A_280 : memref<640x128xf32, #tpu.memory_space<vmem_shared>>)
      tpu.yield
    }) : () -> ()
    %barrier3A = arith.constant 0 : index
    tpu.barrier barrier_id(%barrier3A)
    %run_scoped3A = arith.constant 0 : i32
    "tpu.region"() ({
      %run_scoped3A_274 = tpu.sem_alloc : memref<!tpu.dma_semaphore, #tpu.memory_space<semaphore_mem>>
      %dma_start3A_275 = arith.constant 0 : i32
      %dma_start3A_276 = arith.constant 0 : i32
      %dma_start3A_277 = tpu.memref_slice %arg3[%run_scoped3A, %add3A, %dma_start3A_275, %dma_start3A_276] : memref<2x32x160x64xi32, #tpu.memory_space<hbm>> -> memref<1x1x40x64xi32, #tpu.memory_space<hbm>>
      %dma_start3A_278 = tpu.memref_squeeze %dma_start3A_277 : memref<1x1x40x64xi32, #tpu.memory_space<hbm>> -> memref<40x64xi32, #tpu.memory_space<hbm>>
      %dma_start3A_279 = arith.constant 0 : i32
      %dma_start3A_280 = arith.constant 0 : i32
      %dma_start3A_281 = tpu.memref_slice %arg3[%run_scoped3A, %add3A, %dma_start3A_279, %dma_start3A_280] : memref<2x32x160x64xi32, #tpu.memory_space<hbm>> -> memref<1x1x40x64xi32, #tpu.memory_space<hbm>>
      %dma_start3A_282 = tpu.memref_squeeze %dma_start3A_281 : memref<1x1x40x64xi32, #tpu.memory_space<hbm>> -> memref<40x64xi32, #tpu.memory_space<hbm>>
      tpu.enqueue_dma source(%dma_start3A_282 : memref<40x64xi32, #tpu.memory_space<hbm>>) target(%arg6 : memref<40x64xi32, #tpu.memory_space<vmem>>) target_semaphore(%run_scoped3A_274 : memref<!tpu.dma_semaphore, #tpu.memory_space<semaphore_mem>>)
      %dma_wait3A_283 = arith.constant 0 : i32
      %dma_wait3A_284 = arith.constant 0 : i32
      %dma_wait3A_285 = tpu.memref_slice %arg3[%run_scoped3A, %add3A, %dma_wait3A_283, %dma_wait3A_284] : memref<2x32x160x64xi32, #tpu.memory_space<hbm>> -> memref<1x1x40x64xi32, #tpu.memory_space<hbm>>
      %dma_wait3A_286 = tpu.memref_squeeze %dma_wait3A_285 : memref<1x1x40x64xi32, #tpu.memory_space<hbm>> -> memref<40x64xi32, #tpu.memory_space<hbm>>
      %dma_wait3A_287 = arith.constant 0 : i32
      %dma_wait3A_288 = arith.constant 0 : i32
      %dma_wait3A_289 = tpu.memref_slice %arg3[%run_scoped3A, %add3A, %dma_wait3A_287, %dma_wait3A_288] : memref<2x32x160x64xi32, #tpu.memory_space<hbm>> -> memref<1x1x40x64xi32, #tpu.memory_space<hbm>>
      %dma_wait3A_290 = tpu.memref_squeeze %dma_wait3A_289 : memref<1x1x40x64xi32, #tpu.memory_space<hbm>> -> memref<40x64xi32, #tpu.memory_space<hbm>>
      tpu.wait_dma2 semaphore(%run_scoped3A_274 : memref<!tpu.dma_semaphore, #tpu.memory_space<semaphore_mem>>) src(%dma_wait3A_290 : memref<40x64xi32, #tpu.memory_space<hbm>>) dst(%arg6 : memref<40x64xi32, #tpu.memory_space<vmem>>)
      tpu.yield
    }) : () -> ()
    %run_scoped3A_5 = arith.constant 1 : i32
    "tpu.region"() ({
      %run_scoped3A_274 = tpu.sem_alloc : memref<!tpu.dma_semaphore, #tpu.memory_space<semaphore_mem>>
      %dma_start3A_275 = arith.constant 0 : i32
      %dma_start3A_276 = arith.constant 0 : i32
      %dma_start3A_277 = tpu.memref_slice %arg3[%run_scoped3A_5, %add3A, %dma_start3A_275, %dma_start3A_276] : memref<2x32x160x64xi32, #tpu.memory_space<hbm>> -> memref<1x1x40x64xi32, #tpu.memory_space<hbm>>
      %dma_start3A_278 = tpu.memref_squeeze %dma_start3A_277 : memref<1x1x40x64xi32, #tpu.memory_space<hbm>> -> memref<40x64xi32, #tpu.memory_space<hbm>>
      %dma_start3A_279 = arith.constant 0 : i32
      %dma_start3A_280 = arith.constant 0 : i32
      %dma_start3A_281 = tpu.memref_slice %arg3[%run_scoped3A_5, %add3A, %dma_start3A_279, %dma_start3A_280] : memref<2x32x160x64xi32, #tpu.memory_space<hbm>> -> memref<1x1x40x64xi32, #tpu.memory_space<hbm>>
      %dma_start3A_282 = tpu.memref_squeeze %dma_start3A_281 : memref<1x1x40x64xi32, #tpu.memory_space<hbm>> -> memref<40x64xi32, #tpu.memory_space<hbm>>
      tpu.enqueue_dma source(%dma_start3A_282 : memref<40x64xi32, #tpu.memory_space<hbm>>) target(%arg7 : memref<40x64xi32, #tpu.memory_space<vmem>>) target_semaphore(%run_scoped3A_274 : memref<!tpu.dma_semaphore, #tpu.memory_space<semaphore_mem>>)
      %dma_wait3A_283 = arith.constant 0 : i32
      %dma_wait3A_284 = arith.constant 0 : i32
      %dma_wait3A_285 = tpu.memref_slice %arg3[%run_scoped3A_5, %add3A, %dma_wait3A_283, %dma_wait3A_284] : memref<2x32x160x64xi32, #tpu.memory_space<hbm>> -> memref<1x1x40x64xi32, #tpu.memory_space<hbm>>
      %dma_wait3A_286 = tpu.memref_squeeze %dma_wait3A_285 : memref<1x1x40x64xi32, #tpu.memory_space<hbm>> -> memref<40x64xi32, #tpu.memory_space<hbm>>
      %dma_wait3A_287 = arith.constant 0 : i32
      %dma_wait3A_288 = arith.constant 0 : i32
      %dma_wait3A_289 = tpu.memref_slice %arg3[%run_scoped3A_5, %add3A, %dma_wait3A_287, %dma_wait3A_288] : memref<2x32x160x64xi32, #tpu.memory_space<hbm>> -> memref<1x1x40x64xi32, #tpu.memory_space<hbm>>
      %dma_wait3A_290 = tpu.memref_squeeze %dma_wait3A_289 : memref<1x1x40x64xi32, #tpu.memory_space<hbm>> -> memref<40x64xi32, #tpu.memory_space<hbm>>
      tpu.wait_dma2 semaphore(%run_scoped3A_274 : memref<!tpu.dma_semaphore, #tpu.memory_space<semaphore_mem>>) src(%dma_wait3A_290 : memref<40x64xi32, #tpu.memory_space<hbm>>) dst(%arg7 : memref<40x64xi32, #tpu.memory_space<vmem>>)
      tpu.yield
    }) : () -> ()
    %dma_start3A = arith.constant 0 : i32
    %dma_start3A_6 = arith.constant 0 : i32
    %dma_start3A_7 = tpu.memref_slice %arg6[%dma_start3A, %dma_start3A_6] : memref<40x64xi32, #tpu.memory_space<vmem>> -> memref<1x64xi32, #tpu.memory_space<vmem>>
    %dma_start3A_8 = tpu.memref_squeeze %dma_start3A_7 : memref<1x64xi32, #tpu.memory_space<vmem>> -> memref<64xi32, #tpu.memory_space<vmem>>
    %dma_start3A_9 = arith.constant 0 : i32
    %dma_start3A_10 = arith.constant 0 : i32
    %dma_start3A_11 = tpu.memref_slice %arg2[%dma_start3A_9, %dma_start3A_10] : memref<10240x128xf32, #tpu.memory_space<hbm>> -> memref<10240x128xf32, #tpu.memory_space<hbm>>
    tpu.enqueue_indirect_dma source(%dma_start3A_11 : memref<10240x128xf32, #tpu.memory_space<hbm>>) target(%arg8 : memref<64x128xf32, #tpu.memory_space<vmem>>) offsets(%dma_start3A_8 : memref<64xi32, #tpu.memory_space<vmem>>) semaphore(%arg12 : memref<!tpu.dma_semaphore, #tpu.memory_space<semaphore_mem>>)
    %dma_start3A_12 = arith.constant 1 : i32
    %dma_start3A_13 = arith.constant 0 : i32
    %dma_start3A_14 = tpu.memref_slice %arg6[%dma_start3A_12, %dma_start3A_13] : memref<40x64xi32, #tpu.memory_space<vmem>> -> memref<1x64xi32, #tpu.memory_space<vmem>>
    %dma_start3A_15 = tpu.memref_squeeze %dma_start3A_14 : memref<1x64xi32, #tpu.memory_space<vmem>> -> memref<64xi32, #tpu.memory_space<vmem>>
    %dma_start3A_16 = arith.constant 0 : i32
    %dma_start3A_17 = arith.constant 0 : i32
    %dma_start3A_18 = tpu.memref_slice %arg2[%dma_start3A_16, %dma_start3A_17] : memref<10240x128xf32, #tpu.memory_space<hbm>> -> memref<10240x128xf32, #tpu.memory_space<hbm>>
    tpu.enqueue_indirect_dma source(%dma_start3A_18 : memref<10240x128xf32, #tpu.memory_space<hbm>>) target(%arg9 : memref<64x128xf32, #tpu.memory_space<vmem>>) offsets(%dma_start3A_15 : memref<64xi32, #tpu.memory_space<vmem>>) semaphore(%arg13 : memref<!tpu.dma_semaphore, #tpu.memory_space<semaphore_mem>>)
    %dma_start3A_19 = arith.constant 2 : i32
    %dma_start3A_20 = arith.constant 0 : i32
    %dma_start3A_21 = tpu.memref_slice %arg6[%dma_start3A_19, %dma_start3A_20] : memref<40x64xi32, #tpu.memory_space<vmem>> -> memref<1x64xi32, #tpu.memory_space<vmem>>
    %dma_start3A_22 = tpu.memref_squeeze %dma_start3A_21 : memref<1x64xi32, #tpu.memory_space<vmem>> -> memref<64xi32, #tpu.memory_space<vmem>>
    %dma_start3A_23 = arith.constant 0 : i32
    %dma_start3A_24 = arith.constant 0 : i32
    %dma_start3A_25 = tpu.memref_slice %arg2[%dma_start3A_23, %dma_start3A_24] : memref<10240x128xf32, #tpu.memory_space<hbm>> -> memref<10240x128xf32, #tpu.memory_space<hbm>>
    tpu.enqueue_indirect_dma source(%dma_start3A_25 : memref<10240x128xf32, #tpu.memory_space<hbm>>) target(%arg10 : memref<64x128xf32, #tpu.memory_space<vmem>>) offsets(%dma_start3A_22 : memref<64xi32, #tpu.memory_space<vmem>>) semaphore(%arg14 : memref<!tpu.dma_semaphore, #tpu.memory_space<semaphore_mem>>)
    %dma_start3A_26 = arith.constant 3 : i32
    %dma_start3A_27 = arith.constant 0 : i32
    %dma_start3A_28 = tpu.memref_slice %arg6[%dma_start3A_26, %dma_start3A_27] : memref<40x64xi32, #tpu.memory_space<vmem>> -> memref<1x64xi32, #tpu.memory_space<vmem>>
    %dma_start3A_29 = tpu.memref_squeeze %dma_start3A_28 : memref<1x64xi32, #tpu.memory_space<vmem>> -> memref<64xi32, #tpu.memory_space<vmem>>
    %dma_start3A_30 = arith.constant 0 : i32
    %dma_start3A_31 = arith.constant 0 : i32
    %dma_start3A_32 = tpu.memref_slice %arg2[%dma_start3A_30, %dma_start3A_31] : memref<10240x128xf32, #tpu.memory_space<hbm>> -> memref<10240x128xf32, #tpu.memory_space<hbm>>
    tpu.enqueue_indirect_dma source(%dma_start3A_32 : memref<10240x128xf32, #tpu.memory_space<hbm>>) target(%arg11 : memref<64x128xf32, #tpu.memory_space<vmem>>) offsets(%dma_start3A_29 : memref<64xi32, #tpu.memory_space<vmem>>) semaphore(%arg15 : memref<!tpu.dma_semaphore, #tpu.memory_space<semaphore_mem>>)
    %scan3A = arith.constant 0 : i32
    %scan3A_33 = arith.constant 9 : i32
    %scan3A_34 = arith.addi %scan3A, %scan3A_33 : i32
    %scan3A_35 = arith.constant 1 : i32
    scf.for %scan3A_274 = %scan3A to %scan3A_34 step %scan3A_35  : i32 {
      %mul3A_275 = arith.constant 4 : i32
      %mul3A_276 = arith.muli %scan3A_274, %mul3A_275 : i32
      %add3A_277 = arith.constant 0 : i32
      %add3A_278 = arith.addi %add3A_277, %mul3A_276 : i32
      %add3A_279 = arith.constant 0 : i32
      %add3A_280 = arith.addi %add3A_278, %add3A_279 : i32
      %dma_wait3A_281 = arith.constant 0 : i32
      %dma_wait3A_282 = tpu.memref_slice %arg6[%add3A_280, %dma_wait3A_281] : memref<40x64xi32, #tpu.memory_space<vmem>> -> memref<1x64xi32, #tpu.memory_space<vmem>>
      %dma_wait3A_283 = tpu.memref_squeeze %dma_wait3A_282 : memref<1x64xi32, #tpu.memory_space<vmem>> -> memref<64xi32, #tpu.memory_space<vmem>>
      %dma_wait3A_284 = arith.constant 0 : i32
      %dma_wait3A_285 = arith.constant 0 : i32
      %dma_wait3A_286 = tpu.memref_slice %arg2[%dma_wait3A_284, %dma_wait3A_285] : memref<10240x128xf32, #tpu.memory_space<hbm>> -> memref<10240x128xf32, #tpu.memory_space<hbm>>
      tpu.wait_indirect_dma semaphore(%arg12 : memref<!tpu.dma_semaphore, #tpu.memory_space<semaphore_mem>>) src(%dma_wait3A_286 : memref<10240x128xf32, #tpu.memory_space<hbm>>) dst(%arg8 : memref<64x128xf32, #tpu.memory_space<vmem>>)
      "tpu.region"() ({
        %run_scoped3A_351 = tpu.sem_alloc : memref<!tpu.dma_semaphore, #tpu.memory_space<semaphore_mem>>
        %dma_start3A_352 = arith.constant 0 : i32
        %dma_start3A_353 = tpu.memref_slice %arg7[%add3A_280, %dma_start3A_352] : memref<40x64xi32, #tpu.memory_space<vmem>> -> memref<1x64xi32, #tpu.memory_space<vmem>>
        %dma_start3A_354 = tpu.memref_squeeze %dma_start3A_353 : memref<1x64xi32, #tpu.memory_space<vmem>> -> memref<64xi32, #tpu.memory_space<vmem>>
        %dma_start3A_355 = arith.constant 0 : i32
        %dma_start3A_356 = arith.constant 0 : i32
        %dma_start3A_357 = tpu.memref_slice %arg5[%dma_start3A_355, %dma_start3A_356] : memref<10240x128xf32, #tpu.memory_space<vmem_shared>> -> memref<10240x128xf32, #tpu.memory_space<vmem_shared>>
        tpu.enqueue_indirect_dma source(%arg8 : memref<64x128xf32, #tpu.memory_space<vmem>>) target(%dma_start3A_357 : memref<10240x128xf32, #tpu.memory_space<vmem_shared>>) offsets(%dma_start3A_354 : memref<64xi32, #tpu.memory_space<vmem>>) semaphore(%run_scoped3A_351 : memref<!tpu.dma_semaphore, #tpu.memory_space<semaphore_mem>>) {add = true}
        %dma_wait3A_358 = arith.constant 0 : i32
        %dma_wait3A_359 = tpu.memref_slice %arg7[%add3A_280, %dma_wait3A_358] : memref<40x64xi32, #tpu.memory_space<vmem>> -> memref<1x64xi32, #tpu.memory_space<vmem>>
        %dma_wait3A_360 = tpu.memref_squeeze %dma_wait3A_359 : memref<1x64xi32, #tpu.memory_space<vmem>> -> memref<64xi32, #tpu.memory_space<vmem>>
        %dma_wait3A_361 = arith.constant 0 : i32
        %dma_wait3A_362 = arith.constant 0 : i32
        %dma_wait3A_363 = tpu.memref_slice %arg5[%dma_wait3A_361, %dma_wait3A_362] : memref<10240x128xf32, #tpu.memory_space<vmem_shared>> -> memref<10240x128xf32, #tpu.memory_space<vmem_shared>>
        tpu.wait_indirect_dma semaphore(%run_scoped3A_351 : memref<!tpu.dma_semaphore, #tpu.memory_space<semaphore_mem>>) src(%arg8 : memref<64x128xf32, #tpu.memory_space<vmem>>) dst(%dma_wait3A_363 : memref<10240x128xf32, #tpu.memory_space<vmem_shared>>)
        tpu.yield
      }) : () -> ()
      %add3A_287 = arith.constant 4 : i32
      %add3A_288 = arith.addi %add3A_278, %add3A_287 : i32
      %add3A_289 = arith.constant 0 : i32
      %add3A_290 = arith.addi %add3A_288, %add3A_289 : i32
      %dma_start3A_291 = arith.constant 0 : i32
      %dma_start3A_292 = tpu.memref_slice %arg6[%add3A_290, %dma_start3A_291] : memref<40x64xi32, #tpu.memory_space<vmem>> -> memref<1x64xi32, #tpu.memory_space<vmem>>
      %dma_start3A_293 = tpu.memref_squeeze %dma_start3A_292 : memref<1x64xi32, #tpu.memory_space<vmem>> -> memref<64xi32, #tpu.memory_space<vmem>>
      %dma_start3A_294 = arith.constant 0 : i32
      %dma_start3A_295 = arith.constant 0 : i32
      %dma_start3A_296 = tpu.memref_slice %arg2[%dma_start3A_294, %dma_start3A_295] : memref<10240x128xf32, #tpu.memory_space<hbm>> -> memref<10240x128xf32, #tpu.memory_space<hbm>>
      tpu.enqueue_indirect_dma source(%dma_start3A_296 : memref<10240x128xf32, #tpu.memory_space<hbm>>) target(%arg8 : memref<64x128xf32, #tpu.memory_space<vmem>>) offsets(%dma_start3A_293 : memref<64xi32, #tpu.memory_space<vmem>>) semaphore(%arg12 : memref<!tpu.dma_semaphore, #tpu.memory_space<semaphore_mem>>)
      %add3A_297 = arith.constant 1 : i32
      %add3A_298 = arith.addi %add3A_278, %add3A_297 : i32
      %dma_wait3A_299 = arith.constant 0 : i32
      %dma_wait3A_300 = tpu.memref_slice %arg6[%add3A_298, %dma_wait3A_299] : memref<40x64xi32, #tpu.memory_space<vmem>> -> memref<1x64xi32, #tpu.memory_space<vmem>>
      %dma_wait3A_301 = tpu.memref_squeeze %dma_wait3A_300 : memref<1x64xi32, #tpu.memory_space<vmem>> -> memref<64xi32, #tpu.memory_space<vmem>>
      %dma_wait3A_302 = arith.constant 0 : i32
      %dma_wait3A_303 = arith.constant 0 : i32
      %dma_wait3A_304 = tpu.memref_slice %arg2[%dma_wait3A_302, %dma_wait3A_303] : memref<10240x128xf32, #tpu.memory_space<hbm>> -> memref<10240x128xf32, #tpu.memory_space<hbm>>
      tpu.wait_indirect_dma semaphore(%arg13 : memref<!tpu.dma_semaphore, #tpu.memory_space<semaphore_mem>>) src(%dma_wait3A_304 : memref<10240x128xf32, #tpu.memory_space<hbm>>) dst(%arg9 : memref<64x128xf32, #tpu.memory_space<vmem>>)
      "tpu.region"() ({
        %run_scoped3A_351 = tpu.sem_alloc : memref<!tpu.dma_semaphore, #tpu.memory_space<semaphore_mem>>
        %dma_start3A_352 = arith.constant 0 : i32
        %dma_start3A_353 = tpu.memref_slice %arg7[%add3A_298, %dma_start3A_352] : memref<40x64xi32, #tpu.memory_space<vmem>> -> memref<1x64xi32, #tpu.memory_space<vmem>>
        %dma_start3A_354 = tpu.memref_squeeze %dma_start3A_353 : memref<1x64xi32, #tpu.memory_space<vmem>> -> memref<64xi32, #tpu.memory_space<vmem>>
        %dma_start3A_355 = arith.constant 0 : i32
        %dma_start3A_356 = arith.constant 0 : i32
        %dma_start3A_357 = tpu.memref_slice %arg5[%dma_start3A_355, %dma_start3A_356] : memref<10240x128xf32, #tpu.memory_space<vmem_shared>> -> memref<10240x128xf32, #tpu.memory_space<vmem_shared>>
        tpu.enqueue_indirect_dma source(%arg9 : memref<64x128xf32, #tpu.memory_space<vmem>>) target(%dma_start3A_357 : memref<10240x128xf32, #tpu.memory_space<vmem_shared>>) offsets(%dma_start3A_354 : memref<64xi32, #tpu.memory_space<vmem>>) semaphore(%run_scoped3A_351 : memref<!tpu.dma_semaphore, #tpu.memory_space<semaphore_mem>>) {add = true}
        %dma_wait3A_358 = arith.constant 0 : i32
        %dma_wait3A_359 = tpu.memref_slice %arg7[%add3A_298, %dma_wait3A_358] : memref<40x64xi32, #tpu.memory_space<vmem>> -> memref<1x64xi32, #tpu.memory_space<vmem>>
        %dma_wait3A_360 = tpu.memref_squeeze %dma_wait3A_359 : memref<1x64xi32, #tpu.memory_space<vmem>> -> memref<64xi32, #tpu.memory_space<vmem>>
        %dma_wait3A_361 = arith.constant 0 : i32
        %dma_wait3A_362 = arith.constant 0 : i32
        %dma_wait3A_363 = tpu.memref_slice %arg5[%dma_wait3A_361, %dma_wait3A_362] : memref<10240x128xf32, #tpu.memory_space<vmem_shared>> -> memref<10240x128xf32, #tpu.memory_space<vmem_shared>>
        tpu.wait_indirect_dma semaphore(%run_scoped3A_351 : memref<!tpu.dma_semaphore, #tpu.memory_space<semaphore_mem>>) src(%arg9 : memref<64x128xf32, #tpu.memory_space<vmem>>) dst(%dma_wait3A_363 : memref<10240x128xf32, #tpu.memory_space<vmem_shared>>)
        tpu.yield
      }) : () -> ()
      %add3A_305 = arith.constant 4 : i32
      %add3A_306 = arith.addi %add3A_278, %add3A_305 : i32
      %add3A_307 = arith.constant 1 : i32
      %add3A_308 = arith.addi %add3A_306, %add3A_307 : i32
      %dma_start3A_309 = arith.constant 0 : i32
      %dma_start3A_310 = tpu.memref_slice %arg6[%add3A_308, %dma_start3A_309] : memref<40x64xi32, #tpu.memory_space<vmem>> -> memref<1x64xi32, #tpu.memory_space<vmem>>
      %dma_start3A_311 = tpu.memref_squeeze %dma_start3A_310 : memref<1x64xi32, #tpu.memory_space<vmem>> -> memref<64xi32, #tpu.memory_space<vmem>>
      %dma_start3A_312 = arith.constant 0 : i32
      %dma_start3A_313 = arith.constant 0 : i32
      %dma_start3A_314 = tpu.memref_slice %arg2[%dma_start3A_312, %dma_start3A_313] : memref<10240x128xf32, #tpu.memory_space<hbm>> -> memref<10240x128xf32, #tpu.memory_space<hbm>>
      tpu.enqueue_indirect_dma source(%dma_start3A_314 : memref<10240x128xf32, #tpu.memory_space<hbm>>) target(%arg9 : memref<64x128xf32, #tpu.memory_space<vmem>>) offsets(%dma_start3A_311 : memref<64xi32, #tpu.memory_space<vmem>>) semaphore(%arg13 : memref<!tpu.dma_semaphore, #tpu.memory_space<semaphore_mem>>)
      %add3A_315 = arith.constant 2 : i32
      %add3A_316 = arith.addi %add3A_278, %add3A_315 : i32
      %dma_wait3A_317 = arith.constant 0 : i32
      %dma_wait3A_318 = tpu.memref_slice %arg6[%add3A_316, %dma_wait3A_317] : memref<40x64xi32, #tpu.memory_space<vmem>> -> memref<1x64xi32, #tpu.memory_space<vmem>>
      %dma_wait3A_319 = tpu.memref_squeeze %dma_wait3A_318 : memref<1x64xi32, #tpu.memory_space<vmem>> -> memref<64xi32, #tpu.memory_space<vmem>>
      %dma_wait3A_320 = arith.constant 0 : i32
      %dma_wait3A_321 = arith.constant 0 : i32
      %dma_wait3A_322 = tpu.memref_slice %arg2[%dma_wait3A_320, %dma_wait3A_321] : memref<10240x128xf32, #tpu.memory_space<hbm>> -> memref<10240x128xf32, #tpu.memory_space<hbm>>
      tpu.wait_indirect_dma semaphore(%arg14 : memref<!tpu.dma_semaphore, #tpu.memory_space<semaphore_mem>>) src(%dma_wait3A_322 : memref<10240x128xf32, #tpu.memory_space<hbm>>) dst(%arg10 : memref<64x128xf32, #tpu.memory_space<vmem>>)
      "tpu.region"() ({
        %run_scoped3A_351 = tpu.sem_alloc : memref<!tpu.dma_semaphore, #tpu.memory_space<semaphore_mem>>
        %dma_start3A_352 = arith.constant 0 : i32
        %dma_start3A_353 = tpu.memref_slice %arg7[%add3A_316, %dma_start3A_352] : memref<40x64xi32, #tpu.memory_space<vmem>> -> memref<1x64xi32, #tpu.memory_space<vmem>>
        %dma_start3A_354 = tpu.memref_squeeze %dma_start3A_353 : memref<1x64xi32, #tpu.memory_space<vmem>> -> memref<64xi32, #tpu.memory_space<vmem>>
        %dma_start3A_355 = arith.constant 0 : i32
        %dma_start3A_356 = arith.constant 0 : i32
        %dma_start3A_357 = tpu.memref_slice %arg5[%dma_start3A_355, %dma_start3A_356] : memref<10240x128xf32, #tpu.memory_space<vmem_shared>> -> memref<10240x128xf32, #tpu.memory_space<vmem_shared>>
        tpu.enqueue_indirect_dma source(%arg10 : memref<64x128xf32, #tpu.memory_space<vmem>>) target(%dma_start3A_357 : memref<10240x128xf32, #tpu.memory_space<vmem_shared>>) offsets(%dma_start3A_354 : memref<64xi32, #tpu.memory_space<vmem>>) semaphore(%run_scoped3A_351 : memref<!tpu.dma_semaphore, #tpu.memory_space<semaphore_mem>>) {add = true}
        %dma_wait3A_358 = arith.constant 0 : i32
        %dma_wait3A_359 = tpu.memref_slice %arg7[%add3A_316, %dma_wait3A_358] : memref<40x64xi32, #tpu.memory_space<vmem>> -> memref<1x64xi32, #tpu.memory_space<vmem>>
        %dma_wait3A_360 = tpu.memref_squeeze %dma_wait3A_359 : memref<1x64xi32, #tpu.memory_space<vmem>> -> memref<64xi32, #tpu.memory_space<vmem>>
        %dma_wait3A_361 = arith.constant 0 : i32
        %dma_wait3A_362 = arith.constant 0 : i32
        %dma_wait3A_363 = tpu.memref_slice %arg5[%dma_wait3A_361, %dma_wait3A_362] : memref<10240x128xf32, #tpu.memory_space<vmem_shared>> -> memref<10240x128xf32, #tpu.memory_space<vmem_shared>>
        tpu.wait_indirect_dma semaphore(%run_scoped3A_351 : memref<!tpu.dma_semaphore, #tpu.memory_space<semaphore_mem>>) src(%arg10 : memref<64x128xf32, #tpu.memory_space<vmem>>) dst(%dma_wait3A_363 : memref<10240x128xf32, #tpu.memory_space<vmem_shared>>)
        tpu.yield
      }) : () -> ()
      %add3A_323 = arith.constant 4 : i32
      %add3A_324 = arith.addi %add3A_278, %add3A_323 : i32
      %add3A_325 = arith.constant 2 : i32
      %add3A_326 = arith.addi %add3A_324, %add3A_325 : i32
      %dma_start3A_327 = arith.constant 0 : i32
      %dma_start3A_328 = tpu.memref_slice %arg6[%add3A_326, %dma_start3A_327] : memref<40x64xi32, #tpu.memory_space<vmem>> -> memref<1x64xi32, #tpu.memory_space<vmem>>
      %dma_start3A_329 = tpu.memref_squeeze %dma_start3A_328 : memref<1x64xi32, #tpu.memory_space<vmem>> -> memref<64xi32, #tpu.memory_space<vmem>>
      %dma_start3A_330 = arith.constant 0 : i32
      %dma_start3A_331 = arith.constant 0 : i32
      %dma_start3A_332 = tpu.memref_slice %arg2[%dma_start3A_330, %dma_start3A_331] : memref<10240x128xf32, #tpu.memory_space<hbm>> -> memref<10240x128xf32, #tpu.memory_space<hbm>>
      tpu.enqueue_indirect_dma source(%dma_start3A_332 : memref<10240x128xf32, #tpu.memory_space<hbm>>) target(%arg10 : memref<64x128xf32, #tpu.memory_space<vmem>>) offsets(%dma_start3A_329 : memref<64xi32, #tpu.memory_space<vmem>>) semaphore(%arg14 : memref<!tpu.dma_semaphore, #tpu.memory_space<semaphore_mem>>)
      %add3A_333 = arith.constant 3 : i32
      %add3A_334 = arith.addi %add3A_278, %add3A_333 : i32
      %dma_wait3A_335 = arith.constant 0 : i32
      %dma_wait3A_336 = tpu.memref_slice %arg6[%add3A_334, %dma_wait3A_335] : memref<40x64xi32, #tpu.memory_space<vmem>> -> memref<1x64xi32, #tpu.memory_space<vmem>>
      %dma_wait3A_337 = tpu.memref_squeeze %dma_wait3A_336 : memref<1x64xi32, #tpu.memory_space<vmem>> -> memref<64xi32, #tpu.memory_space<vmem>>
      %dma_wait3A_338 = arith.constant 0 : i32
      %dma_wait3A_339 = arith.constant 0 : i32
      %dma_wait3A_340 = tpu.memref_slice %arg2[%dma_wait3A_338, %dma_wait3A_339] : memref<10240x128xf32, #tpu.memory_space<hbm>> -> memref<10240x128xf32, #tpu.memory_space<hbm>>
      tpu.wait_indirect_dma semaphore(%arg15 : memref<!tpu.dma_semaphore, #tpu.memory_space<semaphore_mem>>) src(%dma_wait3A_340 : memref<10240x128xf32, #tpu.memory_space<hbm>>) dst(%arg11 : memref<64x128xf32, #tpu.memory_space<vmem>>)
      "tpu.region"() ({
        %run_scoped3A_351 = tpu.sem_alloc : memref<!tpu.dma_semaphore, #tpu.memory_space<semaphore_mem>>
        %dma_start3A_352 = arith.constant 0 : i32
        %dma_start3A_353 = tpu.memref_slice %arg7[%add3A_334, %dma_start3A_352] : memref<40x64xi32, #tpu.memory_space<vmem>> -> memref<1x64xi32, #tpu.memory_space<vmem>>
        %dma_start3A_354 = tpu.memref_squeeze %dma_start3A_353 : memref<1x64xi32, #tpu.memory_space<vmem>> -> memref<64xi32, #tpu.memory_space<vmem>>
        %dma_start3A_355 = arith.constant 0 : i32
        %dma_start3A_356 = arith.constant 0 : i32
        %dma_start3A_357 = tpu.memref_slice %arg5[%dma_start3A_355, %dma_start3A_356] : memref<10240x128xf32, #tpu.memory_space<vmem_shared>> -> memref<10240x128xf32, #tpu.memory_space<vmem_shared>>
        tpu.enqueue_indirect_dma source(%arg11 : memref<64x128xf32, #tpu.memory_space<vmem>>) target(%dma_start3A_357 : memref<10240x128xf32, #tpu.memory_space<vmem_shared>>) offsets(%dma_start3A_354 : memref<64xi32, #tpu.memory_space<vmem>>) semaphore(%run_scoped3A_351 : memref<!tpu.dma_semaphore, #tpu.memory_space<semaphore_mem>>) {add = true}
        %dma_wait3A_358 = arith.constant 0 : i32
        %dma_wait3A_359 = tpu.memref_slice %arg7[%add3A_334, %dma_wait3A_358] : memref<40x64xi32, #tpu.memory_space<vmem>> -> memref<1x64xi32, #tpu.memory_space<vmem>>
        %dma_wait3A_360 = tpu.memref_squeeze %dma_wait3A_359 : memref<1x64xi32, #tpu.memory_space<vmem>> -> memref<64xi32, #tpu.memory_space<vmem>>
        %dma_wait3A_361 = arith.constant 0 : i32
        %dma_wait3A_362 = arith.constant 0 : i32
        %dma_wait3A_363 = tpu.memref_slice %arg5[%dma_wait3A_361, %dma_wait3A_362] : memref<10240x128xf32, #tpu.memory_space<vmem_shared>> -> memref<10240x128xf32, #tpu.memory_space<vmem_shared>>
        tpu.wait_indirect_dma semaphore(%run_scoped3A_351 : memref<!tpu.dma_semaphore, #tpu.memory_space<semaphore_mem>>) src(%arg11 : memref<64x128xf32, #tpu.memory_space<vmem>>) dst(%dma_wait3A_363 : memref<10240x128xf32, #tpu.memory_space<vmem_shared>>)
        tpu.yield
      }) : () -> ()
      %add3A_341 = arith.constant 4 : i32
      %add3A_342 = arith.addi %add3A_278, %add3A_341 : i32
      %add3A_343 = arith.constant 3 : i32
      %add3A_344 = arith.addi %add3A_342, %add3A_343 : i32
      %dma_start3A_345 = arith.constant 0 : i32
      %dma_start3A_346 = tpu.memref_slice %arg6[%add3A_344, %dma_start3A_345] : memref<40x64xi32, #tpu.memory_space<vmem>> -> memref<1x64xi32, #tpu.memory_space<vmem>>
      %dma_start3A_347 = tpu.memref_squeeze %dma_start3A_346 : memref<1x64xi32, #tpu.memory_space<vmem>> -> memref<64xi32, #tpu.memory_space<vmem>>
      %dma_start3A_348 = arith.constant 0 : i32
      %dma_start3A_349 = arith.constant 0 : i32
      %dma_start3A_350 = tpu.memref_slice %arg2[%dma_start3A_348, %dma_start3A_349] : memref<10240x128xf32, #tpu.memory_space<hbm>> -> memref<10240x128xf32, #tpu.memory_space<hbm>>
      tpu.enqueue_indirect_dma source(%dma_start3A_350 : memref<10240x128xf32, #tpu.memory_space<hbm>>) target(%arg11 : memref<64x128xf32, #tpu.memory_space<vmem>>) offsets(%dma_start3A_347 : memref<64xi32, #tpu.memory_space<vmem>>) semaphore(%arg15 : memref<!tpu.dma_semaphore, #tpu.memory_space<semaphore_mem>>)
    }
    %scan3A_36 = arith.constant 9 : i32
    %dma_wait3A = arith.constant 36 : i32
    %dma_wait3A_37 = arith.constant 0 : i32
    %dma_wait3A_38 = tpu.memref_slice %arg6[%dma_wait3A, %dma_wait3A_37] : memref<40x64xi32, #tpu.memory_space<vmem>> -> memref<1x64xi32, #tpu.memory_space<vmem>>
    %dma_wait3A_39 = tpu.memref_squeeze %dma_wait3A_38 : memref<1x64xi32, #tpu.memory_space<vmem>> -> memref<64xi32, #tpu.memory_space<vmem>>
    %dma_wait3A_40 = arith.constant 0 : i32
    %dma_wait3A_41 = arith.constant 0 : i32
    %dma_wait3A_42 = tpu.memref_slice %arg2[%dma_wait3A_40, %dma_wait3A_41] : memref<10240x128xf32, #tpu.memory_space<hbm>> -> memref<10240x128xf32, #tpu.memory_space<hbm>>
    tpu.wait_indirect_dma semaphore(%arg12 : memref<!tpu.dma_semaphore, #tpu.memory_space<semaphore_mem>>) src(%dma_wait3A_42 : memref<10240x128xf32, #tpu.memory_space<hbm>>) dst(%arg8 : memref<64x128xf32, #tpu.memory_space<vmem>>)
    %run_scoped3A_43 = arith.constant 36 : i32
    "tpu.region"() ({
      %run_scoped3A_274 = tpu.sem_alloc : memref<!tpu.dma_semaphore, #tpu.memory_space<semaphore_mem>>
      %dma_start3A_275 = arith.constant 0 : i32
      %dma_start3A_276 = tpu.memref_slice %arg7[%run_scoped3A_43, %dma_start3A_275] : memref<40x64xi32, #tpu.memory_space<vmem>> -> memref<1x64xi32, #tpu.memory_space<vmem>>
      %dma_start3A_277 = tpu.memref_squeeze %dma_start3A_276 : memref<1x64xi32, #tpu.memory_space<vmem>> -> memref<64xi32, #tpu.memory_space<vmem>>
      %dma_start3A_278 = arith.constant 0 : i32
      %dma_start3A_279 = arith.constant 0 : i32
      %dma_start3A_280 = tpu.memref_slice %arg5[%dma_start3A_278, %dma_start3A_279] : memref<10240x128xf32, #tpu.memory_space<vmem_shared>> -> memref<10240x128xf32, #tpu.memory_space<vmem_shared>>
      tpu.enqueue_indirect_dma source(%arg8 : memref<64x128xf32, #tpu.memory_space<vmem>>) target(%dma_start3A_280 : memref<10240x128xf32, #tpu.memory_space<vmem_shared>>) offsets(%dma_start3A_277 : memref<64xi32, #tpu.memory_space<vmem>>) semaphore(%run_scoped3A_274 : memref<!tpu.dma_semaphore, #tpu.memory_space<semaphore_mem>>) {add = true}
      %dma_wait3A_281 = arith.constant 0 : i32
      %dma_wait3A_282 = tpu.memref_slice %arg7[%run_scoped3A_43, %dma_wait3A_281] : memref<40x64xi32, #tpu.memory_space<vmem>> -> memref<1x64xi32, #tpu.memory_space<vmem>>
      %dma_wait3A_283 = tpu.memref_squeeze %dma_wait3A_282 : memref<1x64xi32, #tpu.memory_space<vmem>> -> memref<64xi32, #tpu.memory_space<vmem>>
      %dma_wait3A_284 = arith.constant 0 : i32
      %dma_wait3A_285 = arith.constant 0 : i32
      %dma_wait3A_286 = tpu.memref_slice %arg5[%dma_wait3A_284, %dma_wait3A_285] : memref<10240x128xf32, #tpu.memory_space<vmem_shared>> -> memref<10240x128xf32, #tpu.memory_space<vmem_shared>>
      tpu.wait_indirect_dma semaphore(%run_scoped3A_274 : memref<!tpu.dma_semaphore, #tpu.memory_space<semaphore_mem>>) src(%arg8 : memref<64x128xf32, #tpu.memory_space<vmem>>) dst(%dma_wait3A_286 : memref<10240x128xf32, #tpu.memory_space<vmem_shared>>)
      tpu.yield
    }) : () -> ()
    %dma_wait3A_44 = arith.constant 37 : i32
    %dma_wait3A_45 = arith.constant 0 : i32
    %dma_wait3A_46 = tpu.memref_slice %arg6[%dma_wait3A_44, %dma_wait3A_45] : memref<40x64xi32, #tpu.memory_space<vmem>> -> memref<1x64xi32, #tpu.memory_space<vmem>>
    %dma_wait3A_47 = tpu.memref_squeeze %dma_wait3A_46 : memref<1x64xi32, #tpu.memory_space<vmem>> -> memref<64xi32, #tpu.memory_space<vmem>>
    %dma_wait3A_48 = arith.constant 0 : i32
    %dma_wait3A_49 = arith.constant 0 : i32
    %dma_wait3A_50 = tpu.memref_slice %arg2[%dma_wait3A_48, %dma_wait3A_49] : memref<10240x128xf32, #tpu.memory_space<hbm>> -> memref<10240x128xf32, #tpu.memory_space<hbm>>
    tpu.wait_indirect_dma semaphore(%arg13 : memref<!tpu.dma_semaphore, #tpu.memory_space<semaphore_mem>>) src(%dma_wait3A_50 : memref<10240x128xf32, #tpu.memory_space<hbm>>) dst(%arg9 : memref<64x128xf32, #tpu.memory_space<vmem>>)
    %run_scoped3A_51 = arith.constant 37 : i32
    "tpu.region"() ({
      %run_scoped3A_274 = tpu.sem_alloc : memref<!tpu.dma_semaphore, #tpu.memory_space<semaphore_mem>>
      %dma_start3A_275 = arith.constant 0 : i32
      %dma_start3A_276 = tpu.memref_slice %arg7[%run_scoped3A_51, %dma_start3A_275] : memref<40x64xi32, #tpu.memory_space<vmem>> -> memref<1x64xi32, #tpu.memory_space<vmem>>
      %dma_start3A_277 = tpu.memref_squeeze %dma_start3A_276 : memref<1x64xi32, #tpu.memory_space<vmem>> -> memref<64xi32, #tpu.memory_space<vmem>>
      %dma_start3A_278 = arith.constant 0 : i32
      %dma_start3A_279 = arith.constant 0 : i32
      %dma_start3A_280 = tpu.memref_slice %arg5[%dma_start3A_278, %dma_start3A_279] : memref<10240x128xf32, #tpu.memory_space<vmem_shared>> -> memref<10240x128xf32, #tpu.memory_space<vmem_shared>>
      tpu.enqueue_indirect_dma source(%arg9 : memref<64x128xf32, #tpu.memory_space<vmem>>) target(%dma_start3A_280 : memref<10240x128xf32, #tpu.memory_space<vmem_shared>>) offsets(%dma_start3A_277 : memref<64xi32, #tpu.memory_space<vmem>>) semaphore(%run_scoped3A_274 : memref<!tpu.dma_semaphore, #tpu.memory_space<semaphore_mem>>) {add = true}
      %dma_wait3A_281 = arith.constant 0 : i32
      %dma_wait3A_282 = tpu.memref_slice %arg7[%run_scoped3A_51, %dma_wait3A_281] : memref<40x64xi32, #tpu.memory_space<vmem>> -> memref<1x64xi32, #tpu.memory_space<vmem>>
      %dma_wait3A_283 = tpu.memref_squeeze %dma_wait3A_282 : memref<1x64xi32, #tpu.memory_space<vmem>> -> memref<64xi32, #tpu.memory_space<vmem>>
      %dma_wait3A_284 = arith.constant 0 : i32
      %dma_wait3A_285 = arith.constant 0 : i32
      %dma_wait3A_286 = tpu.memref_slice %arg5[%dma_wait3A_284, %dma_wait3A_285] : memref<10240x128xf32, #tpu.memory_space<vmem_shared>> -> memref<10240x128xf32, #tpu.memory_space<vmem_shared>>
      tpu.wait_indirect_dma semaphore(%run_scoped3A_274 : memref<!tpu.dma_semaphore, #tpu.memory_space<semaphore_mem>>) src(%arg9 : memref<64x128xf32, #tpu.memory_space<vmem>>) dst(%dma_wait3A_286 : memref<10240x128xf32, #tpu.memory_space<vmem_shared>>)
      tpu.yield
    }) : () -> ()
    %dma_wait3A_52 = arith.constant 38 : i32
    %dma_wait3A_53 = arith.constant 0 : i32
    %dma_wait3A_54 = tpu.memref_slice %arg6[%dma_wait3A_52, %dma_wait3A_53] : memref<40x64xi32, #tpu.memory_space<vmem>> -> memref<1x64xi32, #tpu.memory_space<vmem>>
    %dma_wait3A_55 = tpu.memref_squeeze %dma_wait3A_54 : memref<1x64xi32, #tpu.memory_space<vmem>> -> memref<64xi32, #tpu.memory_space<vmem>>
    %dma_wait3A_56 = arith.constant 0 : i32
    %dma_wait3A_57 = arith.constant 0 : i32
    %dma_wait3A_58 = tpu.memref_slice %arg2[%dma_wait3A_56, %dma_wait3A_57] : memref<10240x128xf32, #tpu.memory_space<hbm>> -> memref<10240x128xf32, #tpu.memory_space<hbm>>
    tpu.wait_indirect_dma semaphore(%arg14 : memref<!tpu.dma_semaphore, #tpu.memory_space<semaphore_mem>>) src(%dma_wait3A_58 : memref<10240x128xf32, #tpu.memory_space<hbm>>) dst(%arg10 : memref<64x128xf32, #tpu.memory_space<vmem>>)
    %run_scoped3A_59 = arith.constant 38 : i32
    "tpu.region"() ({
      %run_scoped3A_274 = tpu.sem_alloc : memref<!tpu.dma_semaphore, #tpu.memory_space<semaphore_mem>>
      %dma_start3A_275 = arith.constant 0 : i32
      %dma_start3A_276 = tpu.memref_slice %arg7[%run_scoped3A_59, %dma_start3A_275] : memref<40x64xi32, #tpu.memory_space<vmem>> -> memref<1x64xi32, #tpu.memory_space<vmem>>
      %dma_start3A_277 = tpu.memref_squeeze %dma_start3A_276 : memref<1x64xi32, #tpu.memory_space<vmem>> -> memref<64xi32, #tpu.memory_space<vmem>>
      %dma_start3A_278 = arith.constant 0 : i32
      %dma_start3A_279 = arith.constant 0 : i32
      %dma_start3A_280 = tpu.memref_slice %arg5[%dma_start3A_278, %dma_start3A_279] : memref<10240x128xf32, #tpu.memory_space<vmem_shared>> -> memref<10240x128xf32, #tpu.memory_space<vmem_shared>>
      tpu.enqueue_indirect_dma source(%arg10 : memref<64x128xf32, #tpu.memory_space<vmem>>) target(%dma_start3A_280 : memref<10240x128xf32, #tpu.memory_space<vmem_shared>>) offsets(%dma_start3A_277 : memref<64xi32, #tpu.memory_space<vmem>>) semaphore(%run_scoped3A_274 : memref<!tpu.dma_semaphore, #tpu.memory_space<semaphore_mem>>) {add = true}
      %dma_wait3A_281 = arith.constant 0 : i32
      %dma_wait3A_282 = tpu.memref_slice %arg7[%run_scoped3A_59, %dma_wait3A_281] : memref<40x64xi32, #tpu.memory_space<vmem>> -> memref<1x64xi32, #tpu.memory_space<vmem>>
      %dma_wait3A_283 = tpu.memref_squeeze %dma_wait3A_282 : memref<1x64xi32, #tpu.memory_space<vmem>> -> memref<64xi32, #tpu.memory_space<vmem>>
      %dma_wait3A_284 = arith.constant 0 : i32
      %dma_wait3A_285 = arith.constant 0 : i32
      %dma_wait3A_286 = tpu.memref_slice %arg5[%dma_wait3A_284, %dma_wait3A_285] : memref<10240x128xf32, #tpu.memory_space<vmem_shared>> -> memref<10240x128xf32, #tpu.memory_space<vmem_shared>>
      tpu.wait_indirect_dma semaphore(%run_scoped3A_274 : memref<!tpu.dma_semaphore, #tpu.memory_space<semaphore_mem>>) src(%arg10 : memref<64x128xf32, #tpu.memory_space<vmem>>) dst(%dma_wait3A_286 : memref<10240x128xf32, #tpu.memory_space<vmem_shared>>)
      tpu.yield
    }) : () -> ()
    %dma_wait3A_60 = arith.constant 39 : i32
    %dma_wait3A_61 = arith.constant 0 : i32
    %dma_wait3A_62 = tpu.memref_slice %arg6[%dma_wait3A_60, %dma_wait3A_61] : memref<40x64xi32, #tpu.memory_space<vmem>> -> memref<1x64xi32, #tpu.memory_space<vmem>>
    %dma_wait3A_63 = tpu.memref_squeeze %dma_wait3A_62 : memref<1x64xi32, #tpu.memory_space<vmem>> -> memref<64xi32, #tpu.memory_space<vmem>>
    %dma_wait3A_64 = arith.constant 0 : i32
    %dma_wait3A_65 = arith.constant 0 : i32
    %dma_wait3A_66 = tpu.memref_slice %arg2[%dma_wait3A_64, %dma_wait3A_65] : memref<10240x128xf32, #tpu.memory_space<hbm>> -> memref<10240x128xf32, #tpu.memory_space<hbm>>
    tpu.wait_indirect_dma semaphore(%arg15 : memref<!tpu.dma_semaphore, #tpu.memory_space<semaphore_mem>>) src(%dma_wait3A_66 : memref<10240x128xf32, #tpu.memory_space<hbm>>) dst(%arg11 : memref<64x128xf32, #tpu.memory_space<vmem>>)
    %run_scoped3A_67 = arith.constant 39 : i32
    "tpu.region"() ({
      %run_scoped3A_274 = tpu.sem_alloc : memref<!tpu.dma_semaphore, #tpu.memory_space<semaphore_mem>>
      %dma_start3A_275 = arith.constant 0 : i32
      %dma_start3A_276 = tpu.memref_slice %arg7[%run_scoped3A_67, %dma_start3A_275] : memref<40x64xi32, #tpu.memory_space<vmem>> -> memref<1x64xi32, #tpu.memory_space<vmem>>
      %dma_start3A_277 = tpu.memref_squeeze %dma_start3A_276 : memref<1x64xi32, #tpu.memory_space<vmem>> -> memref<64xi32, #tpu.memory_space<vmem>>
      %dma_start3A_278 = arith.constant 0 : i32
      %dma_start3A_279 = arith.constant 0 : i32
      %dma_start3A_280 = tpu.memref_slice %arg5[%dma_start3A_278, %dma_start3A_279] : memref<10240x128xf32, #tpu.memory_space<vmem_shared>> -> memref<10240x128xf32, #tpu.memory_space<vmem_shared>>
      tpu.enqueue_indirect_dma source(%arg11 : memref<64x128xf32, #tpu.memory_space<vmem>>) target(%dma_start3A_280 : memref<10240x128xf32, #tpu.memory_space<vmem_shared>>) offsets(%dma_start3A_277 : memref<64xi32, #tpu.memory_space<vmem>>) semaphore(%run_scoped3A_274 : memref<!tpu.dma_semaphore, #tpu.memory_space<semaphore_mem>>) {add = true}
      %dma_wait3A_281 = arith.constant 0 : i32
      %dma_wait3A_282 = tpu.memref_slice %arg7[%run_scoped3A_67, %dma_wait3A_281] : memref<40x64xi32, #tpu.memory_space<vmem>> -> memref<1x64xi32, #tpu.memory_space<vmem>>
      %dma_wait3A_283 = tpu.memref_squeeze %dma_wait3A_282 : memref<1x64xi32, #tpu.memory_space<vmem>> -> memref<64xi32, #tpu.memory_space<vmem>>
      %dma_wait3A_284 = arith.constant 0 : i32
      %dma_wait3A_285 = arith.constant 0 : i32
      %dma_wait3A_286 = tpu.memref_slice %arg5[%dma_wait3A_284, %dma_wait3A_285] : memref<10240x128xf32, #tpu.memory_space<vmem_shared>> -> memref<10240x128xf32, #tpu.memory_space<vmem_shared>>
      tpu.wait_indirect_dma semaphore(%run_scoped3A_274 : memref<!tpu.dma_semaphore, #tpu.memory_space<semaphore_mem>>) src(%arg11 : memref<64x128xf32, #tpu.memory_space<vmem>>) dst(%dma_wait3A_286 : memref<10240x128xf32, #tpu.memory_space<vmem_shared>>)
      tpu.yield
    }) : () -> ()
    %run_scoped3A_68 = arith.constant 0 : i32
    "tpu.region"() ({
      %run_scoped3A_274 = tpu.sem_alloc : memref<!tpu.dma_semaphore, #tpu.memory_space<semaphore_mem>>
      %dma_start3A_275 = arith.constant 40 : i32
      %dma_start3A_276 = arith.constant 0 : i32
      %dma_start3A_277 = tpu.memref_slice %arg3[%run_scoped3A_68, %add3A, %dma_start3A_275, %dma_start3A_276] : memref<2x32x160x64xi32, #tpu.memory_space<hbm>> -> memref<1x1x40x64xi32, #tpu.memory_space<hbm>>
      %dma_start3A_278 = tpu.memref_squeeze %dma_start3A_277 : memref<1x1x40x64xi32, #tpu.memory_space<hbm>> -> memref<40x64xi32, #tpu.memory_space<hbm>>
      %dma_start3A_279 = arith.constant 40 : i32
      %dma_start3A_280 = arith.constant 0 : i32
      %dma_start3A_281 = tpu.memref_slice %arg3[%run_scoped3A_68, %add3A, %dma_start3A_279, %dma_start3A_280] : memref<2x32x160x64xi32, #tpu.memory_space<hbm>> -> memref<1x1x40x64xi32, #tpu.memory_space<hbm>>
      %dma_start3A_282 = tpu.memref_squeeze %dma_start3A_281 : memref<1x1x40x64xi32, #tpu.memory_space<hbm>> -> memref<40x64xi32, #tpu.memory_space<hbm>>
      tpu.enqueue_dma source(%dma_start3A_282 : memref<40x64xi32, #tpu.memory_space<hbm>>) target(%arg6 : memref<40x64xi32, #tpu.memory_space<vmem>>) target_semaphore(%run_scoped3A_274 : memref<!tpu.dma_semaphore, #tpu.memory_space<semaphore_mem>>)
      %dma_wait3A_283 = arith.constant 40 : i32
      %dma_wait3A_284 = arith.constant 0 : i32
      %dma_wait3A_285 = tpu.memref_slice %arg3[%run_scoped3A_68, %add3A, %dma_wait3A_283, %dma_wait3A_284] : memref<2x32x160x64xi32, #tpu.memory_space<hbm>> -> memref<1x1x40x64xi32, #tpu.memory_space<hbm>>
      %dma_wait3A_286 = tpu.memref_squeeze %dma_wait3A_285 : memref<1x1x40x64xi32, #tpu.memory_space<hbm>> -> memref<40x64xi32, #tpu.memory_space<hbm>>
      %dma_wait3A_287 = arith.constant 40 : i32
      %dma_wait3A_288 = arith.constant 0 : i32
      %dma_wait3A_289 = tpu.memref_slice %arg3[%run_scoped3A_68, %add3A, %dma_wait3A_287, %dma_wait3A_288] : memref<2x32x160x64xi32, #tpu.memory_space<hbm>> -> memref<1x1x40x64xi32, #tpu.memory_space<hbm>>
      %dma_wait3A_290 = tpu.memref_squeeze %dma_wait3A_289 : memref<1x1x40x64xi32, #tpu.memory_space<hbm>> -> memref<40x64xi32, #tpu.memory_space<hbm>>
      tpu.wait_dma2 semaphore(%run_scoped3A_274 : memref<!tpu.dma_semaphore, #tpu.memory_space<semaphore_mem>>) src(%dma_wait3A_290 : memref<40x64xi32, #tpu.memory_space<hbm>>) dst(%arg6 : memref<40x64xi32, #tpu.memory_space<vmem>>)
      tpu.yield
    }) : () -> ()
    %run_scoped3A_69 = arith.constant 1 : i32
    "tpu.region"() ({
      %run_scoped3A_274 = tpu.sem_alloc : memref<!tpu.dma_semaphore, #tpu.memory_space<semaphore_mem>>
      %dma_start3A_275 = arith.constant 40 : i32
      %dma_start3A_276 = arith.constant 0 : i32
      %dma_start3A_277 = tpu.memref_slice %arg3[%run_scoped3A_69, %add3A, %dma_start3A_275, %dma_start3A_276] : memref<2x32x160x64xi32, #tpu.memory_space<hbm>> -> memref<1x1x40x64xi32, #tpu.memory_space<hbm>>
      %dma_start3A_278 = tpu.memref_squeeze %dma_start3A_277 : memref<1x1x40x64xi32, #tpu.memory_space<hbm>> -> memref<40x64xi32, #tpu.memory_space<hbm>>
      %dma_start3A_279 = arith.constant 40 : i32
      %dma_start3A_280 = arith.constant 0 : i32
      %dma_start3A_281 = tpu.memref_slice %arg3[%run_scoped3A_69, %add3A, %dma_start3A_279, %dma_start3A_280] : memref<2x32x160x64xi32, #tpu.memory_space<hbm>> -> memref<1x1x40x64xi32, #tpu.memory_space<hbm>>
      %dma_start3A_282 = tpu.memref_squeeze %dma_start3A_281 : memref<1x1x40x64xi32, #tpu.memory_space<hbm>> -> memref<40x64xi32, #tpu.memory_space<hbm>>
      tpu.enqueue_dma source(%dma_start3A_282 : memref<40x64xi32, #tpu.memory_space<hbm>>) target(%arg7 : memref<40x64xi32, #tpu.memory_space<vmem>>) target_semaphore(%run_scoped3A_274 : memref<!tpu.dma_semaphore, #tpu.memory_space<semaphore_mem>>)
      %dma_wait3A_283 = arith.constant 40 : i32
      %dma_wait3A_284 = arith.constant 0 : i32
      %dma_wait3A_285 = tpu.memref_slice %arg3[%run_scoped3A_69, %add3A, %dma_wait3A_283, %dma_wait3A_284] : memref<2x32x160x64xi32, #tpu.memory_space<hbm>> -> memref<1x1x40x64xi32, #tpu.memory_space<hbm>>
      %dma_wait3A_286 = tpu.memref_squeeze %dma_wait3A_285 : memref<1x1x40x64xi32, #tpu.memory_space<hbm>> -> memref<40x64xi32, #tpu.memory_space<hbm>>
      %dma_wait3A_287 = arith.constant 40 : i32
      %dma_wait3A_288 = arith.constant 0 : i32
      %dma_wait3A_289 = tpu.memref_slice %arg3[%run_scoped3A_69, %add3A, %dma_wait3A_287, %dma_wait3A_288] : memref<2x32x160x64xi32, #tpu.memory_space<hbm>> -> memref<1x1x40x64xi32, #tpu.memory_space<hbm>>
      %dma_wait3A_290 = tpu.memref_squeeze %dma_wait3A_289 : memref<1x1x40x64xi32, #tpu.memory_space<hbm>> -> memref<40x64xi32, #tpu.memory_space<hbm>>
      tpu.wait_dma2 semaphore(%run_scoped3A_274 : memref<!tpu.dma_semaphore, #tpu.memory_space<semaphore_mem>>) src(%dma_wait3A_290 : memref<40x64xi32, #tpu.memory_space<hbm>>) dst(%arg7 : memref<40x64xi32, #tpu.memory_space<vmem>>)
      tpu.yield
    }) : () -> ()
    %dma_start3A_70 = arith.constant 0 : i32
    %dma_start3A_71 = arith.constant 0 : i32
    %dma_start3A_72 = tpu.memref_slice %arg6[%dma_start3A_70, %dma_start3A_71] : memref<40x64xi32, #tpu.memory_space<vmem>> -> memref<1x64xi32, #tpu.memory_space<vmem>>
    %dma_start3A_73 = tpu.memref_squeeze %dma_start3A_72 : memref<1x64xi32, #tpu.memory_space<vmem>> -> memref<64xi32, #tpu.memory_space<vmem>>
    %dma_start3A_74 = arith.constant 0 : i32
    %dma_start3A_75 = arith.constant 0 : i32
    %dma_start3A_76 = tpu.memref_slice %arg2[%dma_start3A_74, %dma_start3A_75] : memref<10240x128xf32, #tpu.memory_space<hbm>> -> memref<10240x128xf32, #tpu.memory_space<hbm>>
    tpu.enqueue_indirect_dma source(%dma_start3A_76 : memref<10240x128xf32, #tpu.memory_space<hbm>>) target(%arg8 : memref<64x128xf32, #tpu.memory_space<vmem>>) offsets(%dma_start3A_73 : memref<64xi32, #tpu.memory_space<vmem>>) semaphore(%arg12 : memref<!tpu.dma_semaphore, #tpu.memory_space<semaphore_mem>>)
    %dma_start3A_77 = arith.constant 1 : i32
    %dma_start3A_78 = arith.constant 0 : i32
    %dma_start3A_79 = tpu.memref_slice %arg6[%dma_start3A_77, %dma_start3A_78] : memref<40x64xi32, #tpu.memory_space<vmem>> -> memref<1x64xi32, #tpu.memory_space<vmem>>
    %dma_start3A_80 = tpu.memref_squeeze %dma_start3A_79 : memref<1x64xi32, #tpu.memory_space<vmem>> -> memref<64xi32, #tpu.memory_space<vmem>>
    %dma_start3A_81 = arith.constant 0 : i32
    %dma_start3A_82 = arith.constant 0 : i32
    %dma_start3A_83 = tpu.memref_slice %arg2[%dma_start3A_81, %dma_start3A_82] : memref<10240x128xf32, #tpu.memory_space<hbm>> -> memref<10240x128xf32, #tpu.memory_space<hbm>>
    tpu.enqueue_indirect_dma source(%dma_start3A_83 : memref<10240x128xf32, #tpu.memory_space<hbm>>) target(%arg9 : memref<64x128xf32, #tpu.memory_space<vmem>>) offsets(%dma_start3A_80 : memref<64xi32, #tpu.memory_space<vmem>>) semaphore(%arg13 : memref<!tpu.dma_semaphore, #tpu.memory_space<semaphore_mem>>)
    %dma_start3A_84 = arith.constant 2 : i32
    %dma_start3A_85 = arith.constant 0 : i32
    %dma_start3A_86 = tpu.memref_slice %arg6[%dma_start3A_84, %dma_start3A_85] : memref<40x64xi32, #tpu.memory_space<vmem>> -> memref<1x64xi32, #tpu.memory_space<vmem>>
    %dma_start3A_87 = tpu.memref_squeeze %dma_start3A_86 : memref<1x64xi32, #tpu.memory_space<vmem>> -> memref<64xi32, #tpu.memory_space<vmem>>
    %dma_start3A_88 = arith.constant 0 : i32
    %dma_start3A_89 = arith.constant 0 : i32
    %dma_start3A_90 = tpu.memref_slice %arg2[%dma_start3A_88, %dma_start3A_89] : memref<10240x128xf32, #tpu.memory_space<hbm>> -> memref<10240x128xf32, #tpu.memory_space<hbm>>
    tpu.enqueue_indirect_dma source(%dma_start3A_90 : memref<10240x128xf32, #tpu.memory_space<hbm>>) target(%arg10 : memref<64x128xf32, #tpu.memory_space<vmem>>) offsets(%dma_start3A_87 : memref<64xi32, #tpu.memory_space<vmem>>) semaphore(%arg14 : memref<!tpu.dma_semaphore, #tpu.memory_space<semaphore_mem>>)
    %dma_start3A_91 = arith.constant 3 : i32
    %dma_start3A_92 = arith.constant 0 : i32
    %dma_start3A_93 = tpu.memref_slice %arg6[%dma_start3A_91, %dma_start3A_92] : memref<40x64xi32, #tpu.memory_space<vmem>> -> memref<1x64xi32, #tpu.memory_space<vmem>>
    %dma_start3A_94 = tpu.memref_squeeze %dma_start3A_93 : memref<1x64xi32, #tpu.memory_space<vmem>> -> memref<64xi32, #tpu.memory_space<vmem>>
    %dma_start3A_95 = arith.constant 0 : i32
    %dma_start3A_96 = arith.constant 0 : i32
    %dma_start3A_97 = tpu.memref_slice %arg2[%dma_start3A_95, %dma_start3A_96] : memref<10240x128xf32, #tpu.memory_space<hbm>> -> memref<10240x128xf32, #tpu.memory_space<hbm>>
    tpu.enqueue_indirect_dma source(%dma_start3A_97 : memref<10240x128xf32, #tpu.memory_space<hbm>>) target(%arg11 : memref<64x128xf32, #tpu.memory_space<vmem>>) offsets(%dma_start3A_94 : memref<64xi32, #tpu.memory_space<vmem>>) semaphore(%arg15 : memref<!tpu.dma_semaphore, #tpu.memory_space<semaphore_mem>>)
    %scan3A_98 = arith.constant 0 : i32
    %scan3A_99 = arith.constant 9 : i32
    %scan3A_100 = arith.addi %scan3A_98, %scan3A_99 : i32
    %scan3A_101 = arith.constant 1 : i32
    scf.for %scan3A_274 = %scan3A_98 to %scan3A_100 step %scan3A_101  : i32 {
      %mul3A_275 = arith.constant 4 : i32
      %mul3A_276 = arith.muli %scan3A_274, %mul3A_275 : i32
      %add3A_277 = arith.constant 0 : i32
      %add3A_278 = arith.addi %add3A_277, %mul3A_276 : i32
      %add3A_279 = arith.constant 0 : i32
      %add3A_280 = arith.addi %add3A_278, %add3A_279 : i32
      %dma_wait3A_281 = arith.constant 0 : i32
      %dma_wait3A_282 = tpu.memref_slice %arg6[%add3A_280, %dma_wait3A_281] : memref<40x64xi32, #tpu.memory_space<vmem>> -> memref<1x64xi32, #tpu.memory_space<vmem>>
      %dma_wait3A_283 = tpu.memref_squeeze %dma_wait3A_282 : memref<1x64xi32, #tpu.memory_space<vmem>> -> memref<64xi32, #tpu.memory_space<vmem>>
      %dma_wait3A_284 = arith.constant 0 : i32
      %dma_wait3A_285 = arith.constant 0 : i32
      %dma_wait3A_286 = tpu.memref_slice %arg2[%dma_wait3A_284, %dma_wait3A_285] : memref<10240x128xf32, #tpu.memory_space<hbm>> -> memref<10240x128xf32, #tpu.memory_space<hbm>>
      tpu.wait_indirect_dma semaphore(%arg12 : memref<!tpu.dma_semaphore, #tpu.memory_space<semaphore_mem>>) src(%dma_wait3A_286 : memref<10240x128xf32, #tpu.memory_space<hbm>>) dst(%arg8 : memref<64x128xf32, #tpu.memory_space<vmem>>)
      "tpu.region"() ({
        %run_scoped3A_351 = tpu.sem_alloc : memref<!tpu.dma_semaphore, #tpu.memory_space<semaphore_mem>>
        %dma_start3A_352 = arith.constant 0 : i32
        %dma_start3A_353 = tpu.memref_slice %arg7[%add3A_280, %dma_start3A_352] : memref<40x64xi32, #tpu.memory_space<vmem>> -> memref<1x64xi32, #tpu.memory_space<vmem>>
        %dma_start3A_354 = tpu.memref_squeeze %dma_start3A_353 : memref<1x64xi32, #tpu.memory_space<vmem>> -> memref<64xi32, #tpu.memory_space<vmem>>
        %dma_start3A_355 = arith.constant 0 : i32
        %dma_start3A_356 = arith.constant 0 : i32
        %dma_start3A_357 = tpu.memref_slice %arg5[%dma_start3A_355, %dma_start3A_356] : memref<10240x128xf32, #tpu.memory_space<vmem_shared>> -> memref<10240x128xf32, #tpu.memory_space<vmem_shared>>
        tpu.enqueue_indirect_dma source(%arg8 : memref<64x128xf32, #tpu.memory_space<vmem>>) target(%dma_start3A_357 : memref<10240x128xf32, #tpu.memory_space<vmem_shared>>) offsets(%dma_start3A_354 : memref<64xi32, #tpu.memory_space<vmem>>) semaphore(%run_scoped3A_351 : memref<!tpu.dma_semaphore, #tpu.memory_space<semaphore_mem>>) {add = true}
        %dma_wait3A_358 = arith.constant 0 : i32
        %dma_wait3A_359 = tpu.memref_slice %arg7[%add3A_280, %dma_wait3A_358] : memref<40x64xi32, #tpu.memory_space<vmem>> -> memref<1x64xi32, #tpu.memory_space<vmem>>
        %dma_wait3A_360 = tpu.memref_squeeze %dma_wait3A_359 : memref<1x64xi32, #tpu.memory_space<vmem>> -> memref<64xi32, #tpu.memory_space<vmem>>
        %dma_wait3A_361 = arith.constant 0 : i32
        %dma_wait3A_362 = arith.constant 0 : i32
        %dma_wait3A_363 = tpu.memref_slice %arg5[%dma_wait3A_361, %dma_wait3A_362] : memref<10240x128xf32, #tpu.memory_space<vmem_shared>> -> memref<10240x128xf32, #tpu.memory_space<vmem_shared>>
        tpu.wait_indirect_dma semaphore(%run_scoped3A_351 : memref<!tpu.dma_semaphore, #tpu.memory_space<semaphore_mem>>) src(%arg8 : memref<64x128xf32, #tpu.memory_space<vmem>>) dst(%dma_wait3A_363 : memref<10240x128xf32, #tpu.memory_space<vmem_shared>>)
        tpu.yield
      }) : () -> ()
      %add3A_287 = arith.constant 4 : i32
      %add3A_288 = arith.addi %add3A_278, %add3A_287 : i32
      %add3A_289 = arith.constant 0 : i32
      %add3A_290 = arith.addi %add3A_288, %add3A_289 : i32
      %dma_start3A_291 = arith.constant 0 : i32
      %dma_start3A_292 = tpu.memref_slice %arg6[%add3A_290, %dma_start3A_291] : memref<40x64xi32, #tpu.memory_space<vmem>> -> memref<1x64xi32, #tpu.memory_space<vmem>>
      %dma_start3A_293 = tpu.memref_squeeze %dma_start3A_292 : memref<1x64xi32, #tpu.memory_space<vmem>> -> memref<64xi32, #tpu.memory_space<vmem>>
      %dma_start3A_294 = arith.constant 0 : i32
      %dma_start3A_295 = arith.constant 0 : i32
      %dma_start3A_296 = tpu.memref_slice %arg2[%dma_start3A_294, %dma_start3A_295] : memref<10240x128xf32, #tpu.memory_space<hbm>> -> memref<10240x128xf32, #tpu.memory_space<hbm>>
      tpu.enqueue_indirect_dma source(%dma_start3A_296 : memref<10240x128xf32, #tpu.memory_space<hbm>>) target(%arg8 : memref<64x128xf32, #tpu.memory_space<vmem>>) offsets(%dma_start3A_293 : memref<64xi32, #tpu.memory_space<vmem>>) semaphore(%arg12 : memref<!tpu.dma_semaphore, #tpu.memory_space<semaphore_mem>>)
      %add3A_297 = arith.constant 1 : i32
      %add3A_298 = arith.addi %add3A_278, %add3A_297 : i32
      %dma_wait3A_299 = arith.constant 0 : i32
      %dma_wait3A_300 = tpu.memref_slice %arg6[%add3A_298, %dma_wait3A_299] : memref<40x64xi32, #tpu.memory_space<vmem>> -> memref<1x64xi32, #tpu.memory_space<vmem>>
      %dma_wait3A_301 = tpu.memref_squeeze %dma_wait3A_300 : memref<1x64xi32, #tpu.memory_space<vmem>> -> memref<64xi32, #tpu.memory_space<vmem>>
      %dma_wait3A_302 = arith.constant 0 : i32
      %dma_wait3A_303 = arith.constant 0 : i32
      %dma_wait3A_304 = tpu.memref_slice %arg2[%dma_wait3A_302, %dma_wait3A_303] : memref<10240x128xf32, #tpu.memory_space<hbm>> -> memref<10240x128xf32, #tpu.memory_space<hbm>>
      tpu.wait_indirect_dma semaphore(%arg13 : memref<!tpu.dma_semaphore, #tpu.memory_space<semaphore_mem>>) src(%dma_wait3A_304 : memref<10240x128xf32, #tpu.memory_space<hbm>>) dst(%arg9 : memref<64x128xf32, #tpu.memory_space<vmem>>)
      "tpu.region"() ({
        %run_scoped3A_351 = tpu.sem_alloc : memref<!tpu.dma_semaphore, #tpu.memory_space<semaphore_mem>>
        %dma_start3A_352 = arith.constant 0 : i32
        %dma_start3A_353 = tpu.memref_slice %arg7[%add3A_298, %dma_start3A_352] : memref<40x64xi32, #tpu.memory_space<vmem>> -> memref<1x64xi32, #tpu.memory_space<vmem>>
        %dma_start3A_354 = tpu.memref_squeeze %dma_start3A_353 : memref<1x64xi32, #tpu.memory_space<vmem>> -> memref<64xi32, #tpu.memory_space<vmem>>
        %dma_start3A_355 = arith.constant 0 : i32
        %dma_start3A_356 = arith.constant 0 : i32
        %dma_start3A_357 = tpu.memref_slice %arg5[%dma_start3A_355, %dma_start3A_356] : memref<10240x128xf32, #tpu.memory_space<vmem_shared>> -> memref<10240x128xf32, #tpu.memory_space<vmem_shared>>
        tpu.enqueue_indirect_dma source(%arg9 : memref<64x128xf32, #tpu.memory_space<vmem>>) target(%dma_start3A_357 : memref<10240x128xf32, #tpu.memory_space<vmem_shared>>) offsets(%dma_start3A_354 : memref<64xi32, #tpu.memory_space<vmem>>) semaphore(%run_scoped3A_351 : memref<!tpu.dma_semaphore, #tpu.memory_space<semaphore_mem>>) {add = true}
        %dma_wait3A_358 = arith.constant 0 : i32
        %dma_wait3A_359 = tpu.memref_slice %arg7[%add3A_298, %dma_wait3A_358] : memref<40x64xi32, #tpu.memory_space<vmem>> -> memref<1x64xi32, #tpu.memory_space<vmem>>
        %dma_wait3A_360 = tpu.memref_squeeze %dma_wait3A_359 : memref<1x64xi32, #tpu.memory_space<vmem>> -> memref<64xi32, #tpu.memory_space<vmem>>
        %dma_wait3A_361 = arith.constant 0 : i32
        %dma_wait3A_362 = arith.constant 0 : i32
        %dma_wait3A_363 = tpu.memref_slice %arg5[%dma_wait3A_361, %dma_wait3A_362] : memref<10240x128xf32, #tpu.memory_space<vmem_shared>> -> memref<10240x128xf32, #tpu.memory_space<vmem_shared>>
        tpu.wait_indirect_dma semaphore(%run_scoped3A_351 : memref<!tpu.dma_semaphore, #tpu.memory_space<semaphore_mem>>) src(%arg9 : memref<64x128xf32, #tpu.memory_space<vmem>>) dst(%dma_wait3A_363 : memref<10240x128xf32, #tpu.memory_space<vmem_shared>>)
        tpu.yield
      }) : () -> ()
      %add3A_305 = arith.constant 4 : i32
      %add3A_306 = arith.addi %add3A_278, %add3A_305 : i32
      %add3A_307 = arith.constant 1 : i32
      %add3A_308 = arith.addi %add3A_306, %add3A_307 : i32
      %dma_start3A_309 = arith.constant 0 : i32
      %dma_start3A_310 = tpu.memref_slice %arg6[%add3A_308, %dma_start3A_309] : memref<40x64xi32, #tpu.memory_space<vmem>> -> memref<1x64xi32, #tpu.memory_space<vmem>>
      %dma_start3A_311 = tpu.memref_squeeze %dma_start3A_310 : memref<1x64xi32, #tpu.memory_space<vmem>> -> memref<64xi32, #tpu.memory_space<vmem>>
      %dma_start3A_312 = arith.constant 0 : i32
      %dma_start3A_313 = arith.constant 0 : i32
      %dma_start3A_314 = tpu.memref_slice %arg2[%dma_start3A_312, %dma_start3A_313] : memref<10240x128xf32, #tpu.memory_space<hbm>> -> memref<10240x128xf32, #tpu.memory_space<hbm>>
      tpu.enqueue_indirect_dma source(%dma_start3A_314 : memref<10240x128xf32, #tpu.memory_space<hbm>>) target(%arg9 : memref<64x128xf32, #tpu.memory_space<vmem>>) offsets(%dma_start3A_311 : memref<64xi32, #tpu.memory_space<vmem>>) semaphore(%arg13 : memref<!tpu.dma_semaphore, #tpu.memory_space<semaphore_mem>>)
      %add3A_315 = arith.constant 2 : i32
      %add3A_316 = arith.addi %add3A_278, %add3A_315 : i32
      %dma_wait3A_317 = arith.constant 0 : i32
      %dma_wait3A_318 = tpu.memref_slice %arg6[%add3A_316, %dma_wait3A_317] : memref<40x64xi32, #tpu.memory_space<vmem>> -> memref<1x64xi32, #tpu.memory_space<vmem>>
      %dma_wait3A_319 = tpu.memref_squeeze %dma_wait3A_318 : memref<1x64xi32, #tpu.memory_space<vmem>> -> memref<64xi32, #tpu.memory_space<vmem>>
      %dma_wait3A_320 = arith.constant 0 : i32
      %dma_wait3A_321 = arith.constant 0 : i32
      %dma_wait3A_322 = tpu.memref_slice %arg2[%dma_wait3A_320, %dma_wait3A_321] : memref<10240x128xf32, #tpu.memory_space<hbm>> -> memref<10240x128xf32, #tpu.memory_space<hbm>>
      tpu.wait_indirect_dma semaphore(%arg14 : memref<!tpu.dma_semaphore, #tpu.memory_space<semaphore_mem>>) src(%dma_wait3A_322 : memref<10240x128xf32, #tpu.memory_space<hbm>>) dst(%arg10 : memref<64x128xf32, #tpu.memory_space<vmem>>)
      "tpu.region"() ({
        %run_scoped3A_351 = tpu.sem_alloc : memref<!tpu.dma_semaphore, #tpu.memory_space<semaphore_mem>>
        %dma_start3A_352 = arith.constant 0 : i32
        %dma_start3A_353 = tpu.memref_slice %arg7[%add3A_316, %dma_start3A_352] : memref<40x64xi32, #tpu.memory_space<vmem>> -> memref<1x64xi32, #tpu.memory_space<vmem>>
        %dma_start3A_354 = tpu.memref_squeeze %dma_start3A_353 : memref<1x64xi32, #tpu.memory_space<vmem>> -> memref<64xi32, #tpu.memory_space<vmem>>
        %dma_start3A_355 = arith.constant 0 : i32
        %dma_start3A_356 = arith.constant 0 : i32
        %dma_start3A_357 = tpu.memref_slice %arg5[%dma_start3A_355, %dma_start3A_356] : memref<10240x128xf32, #tpu.memory_space<vmem_shared>> -> memref<10240x128xf32, #tpu.memory_space<vmem_shared>>
        tpu.enqueue_indirect_dma source(%arg10 : memref<64x128xf32, #tpu.memory_space<vmem>>) target(%dma_start3A_357 : memref<10240x128xf32, #tpu.memory_space<vmem_shared>>) offsets(%dma_start3A_354 : memref<64xi32, #tpu.memory_space<vmem>>) semaphore(%run_scoped3A_351 : memref<!tpu.dma_semaphore, #tpu.memory_space<semaphore_mem>>) {add = true}
        %dma_wait3A_358 = arith.constant 0 : i32
        %dma_wait3A_359 = tpu.memref_slice %arg7[%add3A_316, %dma_wait3A_358] : memref<40x64xi32, #tpu.memory_space<vmem>> -> memref<1x64xi32, #tpu.memory_space<vmem>>
        %dma_wait3A_360 = tpu.memref_squeeze %dma_wait3A_359 : memref<1x64xi32, #tpu.memory_space<vmem>> -> memref<64xi32, #tpu.memory_space<vmem>>
        %dma_wait3A_361 = arith.constant 0 : i32
        %dma_wait3A_362 = arith.constant 0 : i32
        %dma_wait3A_363 = tpu.memref_slice %arg5[%dma_wait3A_361, %dma_wait3A_362] : memref<10240x128xf32, #tpu.memory_space<vmem_shared>> -> memref<10240x128xf32, #tpu.memory_space<vmem_shared>>
        tpu.wait_indirect_dma semaphore(%run_scoped3A_351 : memref<!tpu.dma_semaphore, #tpu.memory_space<semaphore_mem>>) src(%arg10 : memref<64x128xf32, #tpu.memory_space<vmem>>) dst(%dma_wait3A_363 : memref<10240x128xf32, #tpu.memory_space<vmem_shared>>)
        tpu.yield
      }) : () -> ()
      %add3A_323 = arith.constant 4 : i32
      %add3A_324 = arith.addi %add3A_278, %add3A_323 : i32
      %add3A_325 = arith.constant 2 : i32
      %add3A_326 = arith.addi %add3A_324, %add3A_325 : i32
      %dma_start3A_327 = arith.constant 0 : i32
      %dma_start3A_328 = tpu.memref_slice %arg6[%add3A_326, %dma_start3A_327] : memref<40x64xi32, #tpu.memory_space<vmem>> -> memref<1x64xi32, #tpu.memory_space<vmem>>
      %dma_start3A_329 = tpu.memref_squeeze %dma_start3A_328 : memref<1x64xi32, #tpu.memory_space<vmem>> -> memref<64xi32, #tpu.memory_space<vmem>>
      %dma_start3A_330 = arith.constant 0 : i32
      %dma_start3A_331 = arith.constant 0 : i32
      %dma_start3A_332 = tpu.memref_slice %arg2[%dma_start3A_330, %dma_start3A_331] : memref<10240x128xf32, #tpu.memory_space<hbm>> -> memref<10240x128xf32, #tpu.memory_space<hbm>>
      tpu.enqueue_indirect_dma source(%dma_start3A_332 : memref<10240x128xf32, #tpu.memory_space<hbm>>) target(%arg10 : memref<64x128xf32, #tpu.memory_space<vmem>>) offsets(%dma_start3A_329 : memref<64xi32, #tpu.memory_space<vmem>>) semaphore(%arg14 : memref<!tpu.dma_semaphore, #tpu.memory_space<semaphore_mem>>)
      %add3A_333 = arith.constant 3 : i32
      %add3A_334 = arith.addi %add3A_278, %add3A_333 : i32
      %dma_wait3A_335 = arith.constant 0 : i32
      %dma_wait3A_336 = tpu.memref_slice %arg6[%add3A_334, %dma_wait3A_335] : memref<40x64xi32, #tpu.memory_space<vmem>> -> memref<1x64xi32, #tpu.memory_space<vmem>>
      %dma_wait3A_337 = tpu.memref_squeeze %dma_wait3A_336 : memref<1x64xi32, #tpu.memory_space<vmem>> -> memref<64xi32, #tpu.memory_space<vmem>>
      %dma_wait3A_338 = arith.constant 0 : i32
      %dma_wait3A_339 = arith.constant 0 : i32
      %dma_wait3A_340 = tpu.memref_slice %arg2[%dma_wait3A_338, %dma_wait3A_339] : memref<10240x128xf32, #tpu.memory_space<hbm>> -> memref<10240x128xf32, #tpu.memory_space<hbm>>
      tpu.wait_indirect_dma semaphore(%arg15 : memref<!tpu.dma_semaphore, #tpu.memory_space<semaphore_mem>>) src(%dma_wait3A_340 : memref<10240x128xf32, #tpu.memory_space<hbm>>) dst(%arg11 : memref<64x128xf32, #tpu.memory_space<vmem>>)
      "tpu.region"() ({
        %run_scoped3A_351 = tpu.sem_alloc : memref<!tpu.dma_semaphore, #tpu.memory_space<semaphore_mem>>
        %dma_start3A_352 = arith.constant 0 : i32
        %dma_start3A_353 = tpu.memref_slice %arg7[%add3A_334, %dma_start3A_352] : memref<40x64xi32, #tpu.memory_space<vmem>> -> memref<1x64xi32, #tpu.memory_space<vmem>>
        %dma_start3A_354 = tpu.memref_squeeze %dma_start3A_353 : memref<1x64xi32, #tpu.memory_space<vmem>> -> memref<64xi32, #tpu.memory_space<vmem>>
        %dma_start3A_355 = arith.constant 0 : i32
        %dma_start3A_356 = arith.constant 0 : i32
        %dma_start3A_357 = tpu.memref_slice %arg5[%dma_start3A_355, %dma_start3A_356] : memref<10240x128xf32, #tpu.memory_space<vmem_shared>> -> memref<10240x128xf32, #tpu.memory_space<vmem_shared>>
        tpu.enqueue_indirect_dma source(%arg11 : memref<64x128xf32, #tpu.memory_space<vmem>>) target(%dma_start3A_357 : memref<10240x128xf32, #tpu.memory_space<vmem_shared>>) offsets(%dma_start3A_354 : memref<64xi32, #tpu.memory_space<vmem>>) semaphore(%run_scoped3A_351 : memref<!tpu.dma_semaphore, #tpu.memory_space<semaphore_mem>>) {add = true}
        %dma_wait3A_358 = arith.constant 0 : i32
        %dma_wait3A_359 = tpu.memref_slice %arg7[%add3A_334, %dma_wait3A_358] : memref<40x64xi32, #tpu.memory_space<vmem>> -> memref<1x64xi32, #tpu.memory_space<vmem>>
        %dma_wait3A_360 = tpu.memref_squeeze %dma_wait3A_359 : memref<1x64xi32, #tpu.memory_space<vmem>> -> memref<64xi32, #tpu.memory_space<vmem>>
        %dma_wait3A_361 = arith.constant 0 : i32
        %dma_wait3A_362 = arith.constant 0 : i32
        %dma_wait3A_363 = tpu.memref_slice %arg5[%dma_wait3A_361, %dma_wait3A_362] : memref<10240x128xf32, #tpu.memory_space<vmem_shared>> -> memref<10240x128xf32, #tpu.memory_space<vmem_shared>>
        tpu.wait_indirect_dma semaphore(%run_scoped3A_351 : memref<!tpu.dma_semaphore, #tpu.memory_space<semaphore_mem>>) src(%arg11 : memref<64x128xf32, #tpu.memory_space<vmem>>) dst(%dma_wait3A_363 : memref<10240x128xf32, #tpu.memory_space<vmem_shared>>)
        tpu.yield
      }) : () -> ()
      %add3A_341 = arith.constant 4 : i32
      %add3A_342 = arith.addi %add3A_278, %add3A_341 : i32
      %add3A_343 = arith.constant 3 : i32
      %add3A_344 = arith.addi %add3A_342, %add3A_343 : i32
      %dma_start3A_345 = arith.constant 0 : i32
      %dma_start3A_346 = tpu.memref_slice %arg6[%add3A_344, %dma_start3A_345] : memref<40x64xi32, #tpu.memory_space<vmem>> -> memref<1x64xi32, #tpu.memory_space<vmem>>
      %dma_start3A_347 = tpu.memref_squeeze %dma_start3A_346 : memref<1x64xi32, #tpu.memory_space<vmem>> -> memref<64xi32, #tpu.memory_space<vmem>>
      %dma_start3A_348 = arith.constant 0 : i32
      %dma_start3A_349 = arith.constant 0 : i32
      %dma_start3A_350 = tpu.memref_slice %arg2[%dma_start3A_348, %dma_start3A_349] : memref<10240x128xf32, #tpu.memory_space<hbm>> -> memref<10240x128xf32, #tpu.memory_space<hbm>>
      tpu.enqueue_indirect_dma source(%dma_start3A_350 : memref<10240x128xf32, #tpu.memory_space<hbm>>) target(%arg11 : memref<64x128xf32, #tpu.memory_space<vmem>>) offsets(%dma_start3A_347 : memref<64xi32, #tpu.memory_space<vmem>>) semaphore(%arg15 : memref<!tpu.dma_semaphore, #tpu.memory_space<semaphore_mem>>)
    }
    %scan3A_102 = arith.constant 9 : i32
    %dma_wait3A_103 = arith.constant 36 : i32
    %dma_wait3A_104 = arith.constant 0 : i32
    %dma_wait3A_105 = tpu.memref_slice %arg6[%dma_wait3A_103, %dma_wait3A_104] : memref<40x64xi32, #tpu.memory_space<vmem>> -> memref<1x64xi32, #tpu.memory_space<vmem>>
    %dma_wait3A_106 = tpu.memref_squeeze %dma_wait3A_105 : memref<1x64xi32, #tpu.memory_space<vmem>> -> memref<64xi32, #tpu.memory_space<vmem>>
    %dma_wait3A_107 = arith.constant 0 : i32
    %dma_wait3A_108 = arith.constant 0 : i32
    %dma_wait3A_109 = tpu.memref_slice %arg2[%dma_wait3A_107, %dma_wait3A_108] : memref<10240x128xf32, #tpu.memory_space<hbm>> -> memref<10240x128xf32, #tpu.memory_space<hbm>>
    tpu.wait_indirect_dma semaphore(%arg12 : memref<!tpu.dma_semaphore, #tpu.memory_space<semaphore_mem>>) src(%dma_wait3A_109 : memref<10240x128xf32, #tpu.memory_space<hbm>>) dst(%arg8 : memref<64x128xf32, #tpu.memory_space<vmem>>)
    %run_scoped3A_110 = arith.constant 36 : i32
    "tpu.region"() ({
      %run_scoped3A_274 = tpu.sem_alloc : memref<!tpu.dma_semaphore, #tpu.memory_space<semaphore_mem>>
      %dma_start3A_275 = arith.constant 0 : i32
      %dma_start3A_276 = tpu.memref_slice %arg7[%run_scoped3A_110, %dma_start3A_275] : memref<40x64xi32, #tpu.memory_space<vmem>> -> memref<1x64xi32, #tpu.memory_space<vmem>>
      %dma_start3A_277 = tpu.memref_squeeze %dma_start3A_276 : memref<1x64xi32, #tpu.memory_space<vmem>> -> memref<64xi32, #tpu.memory_space<vmem>>
      %dma_start3A_278 = arith.constant 0 : i32
      %dma_start3A_279 = arith.constant 0 : i32
      %dma_start3A_280 = tpu.memref_slice %arg5[%dma_start3A_278, %dma_start3A_279] : memref<10240x128xf32, #tpu.memory_space<vmem_shared>> -> memref<10240x128xf32, #tpu.memory_space<vmem_shared>>
      tpu.enqueue_indirect_dma source(%arg8 : memref<64x128xf32, #tpu.memory_space<vmem>>) target(%dma_start3A_280 : memref<10240x128xf32, #tpu.memory_space<vmem_shared>>) offsets(%dma_start3A_277 : memref<64xi32, #tpu.memory_space<vmem>>) semaphore(%run_scoped3A_274 : memref<!tpu.dma_semaphore, #tpu.memory_space<semaphore_mem>>) {add = true}
      %dma_wait3A_281 = arith.constant 0 : i32
      %dma_wait3A_282 = tpu.memref_slice %arg7[%run_scoped3A_110, %dma_wait3A_281] : memref<40x64xi32, #tpu.memory_space<vmem>> -> memref<1x64xi32, #tpu.memory_space<vmem>>
      %dma_wait3A_283 = tpu.memref_squeeze %dma_wait3A_282 : memref<1x64xi32, #tpu.memory_space<vmem>> -> memref<64xi32, #tpu.memory_space<vmem>>
      %dma_wait3A_284 = arith.constant 0 : i32
      %dma_wait3A_285 = arith.constant 0 : i32
      %dma_wait3A_286 = tpu.memref_slice %arg5[%dma_wait3A_284, %dma_wait3A_285] : memref<10240x128xf32, #tpu.memory_space<vmem_shared>> -> memref<10240x128xf32, #tpu.memory_space<vmem_shared>>
      tpu.wait_indirect_dma semaphore(%run_scoped3A_274 : memref<!tpu.dma_semaphore, #tpu.memory_space<semaphore_mem>>) src(%arg8 : memref<64x128xf32, #tpu.memory_space<vmem>>) dst(%dma_wait3A_286 : memref<10240x128xf32, #tpu.memory_space<vmem_shared>>)
      tpu.yield
    }) : () -> ()
    %dma_wait3A_111 = arith.constant 37 : i32
    %dma_wait3A_112 = arith.constant 0 : i32
    %dma_wait3A_113 = tpu.memref_slice %arg6[%dma_wait3A_111, %dma_wait3A_112] : memref<40x64xi32, #tpu.memory_space<vmem>> -> memref<1x64xi32, #tpu.memory_space<vmem>>
    %dma_wait3A_114 = tpu.memref_squeeze %dma_wait3A_113 : memref<1x64xi32, #tpu.memory_space<vmem>> -> memref<64xi32, #tpu.memory_space<vmem>>
    %dma_wait3A_115 = arith.constant 0 : i32
    %dma_wait3A_116 = arith.constant 0 : i32
    %dma_wait3A_117 = tpu.memref_slice %arg2[%dma_wait3A_115, %dma_wait3A_116] : memref<10240x128xf32, #tpu.memory_space<hbm>> -> memref<10240x128xf32, #tpu.memory_space<hbm>>
    tpu.wait_indirect_dma semaphore(%arg13 : memref<!tpu.dma_semaphore, #tpu.memory_space<semaphore_mem>>) src(%dma_wait3A_117 : memref<10240x128xf32, #tpu.memory_space<hbm>>) dst(%arg9 : memref<64x128xf32, #tpu.memory_space<vmem>>)
    %run_scoped3A_118 = arith.constant 37 : i32
    "tpu.region"() ({
      %run_scoped3A_274 = tpu.sem_alloc : memref<!tpu.dma_semaphore, #tpu.memory_space<semaphore_mem>>
      %dma_start3A_275 = arith.constant 0 : i32
      %dma_start3A_276 = tpu.memref_slice %arg7[%run_scoped3A_118, %dma_start3A_275] : memref<40x64xi32, #tpu.memory_space<vmem>> -> memref<1x64xi32, #tpu.memory_space<vmem>>
      %dma_start3A_277 = tpu.memref_squeeze %dma_start3A_276 : memref<1x64xi32, #tpu.memory_space<vmem>> -> memref<64xi32, #tpu.memory_space<vmem>>
      %dma_start3A_278 = arith.constant 0 : i32
      %dma_start3A_279 = arith.constant 0 : i32
      %dma_start3A_280 = tpu.memref_slice %arg5[%dma_start3A_278, %dma_start3A_279] : memref<10240x128xf32, #tpu.memory_space<vmem_shared>> -> memref<10240x128xf32, #tpu.memory_space<vmem_shared>>
      tpu.enqueue_indirect_dma source(%arg9 : memref<64x128xf32, #tpu.memory_space<vmem>>) target(%dma_start3A_280 : memref<10240x128xf32, #tpu.memory_space<vmem_shared>>) offsets(%dma_start3A_277 : memref<64xi32, #tpu.memory_space<vmem>>) semaphore(%run_scoped3A_274 : memref<!tpu.dma_semaphore, #tpu.memory_space<semaphore_mem>>) {add = true}
      %dma_wait3A_281 = arith.constant 0 : i32
      %dma_wait3A_282 = tpu.memref_slice %arg7[%run_scoped3A_118, %dma_wait3A_281] : memref<40x64xi32, #tpu.memory_space<vmem>> -> memref<1x64xi32, #tpu.memory_space<vmem>>
      %dma_wait3A_283 = tpu.memref_squeeze %dma_wait3A_282 : memref<1x64xi32, #tpu.memory_space<vmem>> -> memref<64xi32, #tpu.memory_space<vmem>>
      %dma_wait3A_284 = arith.constant 0 : i32
      %dma_wait3A_285 = arith.constant 0 : i32
      %dma_wait3A_286 = tpu.memref_slice %arg5[%dma_wait3A_284, %dma_wait3A_285] : memref<10240x128xf32, #tpu.memory_space<vmem_shared>> -> memref<10240x128xf32, #tpu.memory_space<vmem_shared>>
      tpu.wait_indirect_dma semaphore(%run_scoped3A_274 : memref<!tpu.dma_semaphore, #tpu.memory_space<semaphore_mem>>) src(%arg9 : memref<64x128xf32, #tpu.memory_space<vmem>>) dst(%dma_wait3A_286 : memref<10240x128xf32, #tpu.memory_space<vmem_shared>>)
      tpu.yield
    }) : () -> ()
    %dma_wait3A_119 = arith.constant 38 : i32
    %dma_wait3A_120 = arith.constant 0 : i32
    %dma_wait3A_121 = tpu.memref_slice %arg6[%dma_wait3A_119, %dma_wait3A_120] : memref<40x64xi32, #tpu.memory_space<vmem>> -> memref<1x64xi32, #tpu.memory_space<vmem>>
    %dma_wait3A_122 = tpu.memref_squeeze %dma_wait3A_121 : memref<1x64xi32, #tpu.memory_space<vmem>> -> memref<64xi32, #tpu.memory_space<vmem>>
    %dma_wait3A_123 = arith.constant 0 : i32
    %dma_wait3A_124 = arith.constant 0 : i32
    %dma_wait3A_125 = tpu.memref_slice %arg2[%dma_wait3A_123, %dma_wait3A_124] : memref<10240x128xf32, #tpu.memory_space<hbm>> -> memref<10240x128xf32, #tpu.memory_space<hbm>>
    tpu.wait_indirect_dma semaphore(%arg14 : memref<!tpu.dma_semaphore, #tpu.memory_space<semaphore_mem>>) src(%dma_wait3A_125 : memref<10240x128xf32, #tpu.memory_space<hbm>>) dst(%arg10 : memref<64x128xf32, #tpu.memory_space<vmem>>)
    %run_scoped3A_126 = arith.constant 38 : i32
    "tpu.region"() ({
      %run_scoped3A_274 = tpu.sem_alloc : memref<!tpu.dma_semaphore, #tpu.memory_space<semaphore_mem>>
      %dma_start3A_275 = arith.constant 0 : i32
      %dma_start3A_276 = tpu.memref_slice %arg7[%run_scoped3A_126, %dma_start3A_275] : memref<40x64xi32, #tpu.memory_space<vmem>> -> memref<1x64xi32, #tpu.memory_space<vmem>>
      %dma_start3A_277 = tpu.memref_squeeze %dma_start3A_276 : memref<1x64xi32, #tpu.memory_space<vmem>> -> memref<64xi32, #tpu.memory_space<vmem>>
      %dma_start3A_278 = arith.constant 0 : i32
      %dma_start3A_279 = arith.constant 0 : i32
      %dma_start3A_280 = tpu.memref_slice %arg5[%dma_start3A_278, %dma_start3A_279] : memref<10240x128xf32, #tpu.memory_space<vmem_shared>> -> memref<10240x128xf32, #tpu.memory_space<vmem_shared>>
      tpu.enqueue_indirect_dma source(%arg10 : memref<64x128xf32, #tpu.memory_space<vmem>>) target(%dma_start3A_280 : memref<10240x128xf32, #tpu.memory_space<vmem_shared>>) offsets(%dma_start3A_277 : memref<64xi32, #tpu.memory_space<vmem>>) semaphore(%run_scoped3A_274 : memref<!tpu.dma_semaphore, #tpu.memory_space<semaphore_mem>>) {add = true}
      %dma_wait3A_281 = arith.constant 0 : i32
      %dma_wait3A_282 = tpu.memref_slice %arg7[%run_scoped3A_126, %dma_wait3A_281] : memref<40x64xi32, #tpu.memory_space<vmem>> -> memref<1x64xi32, #tpu.memory_space<vmem>>
      %dma_wait3A_283 = tpu.memref_squeeze %dma_wait3A_282 : memref<1x64xi32, #tpu.memory_space<vmem>> -> memref<64xi32, #tpu.memory_space<vmem>>
      %dma_wait3A_284 = arith.constant 0 : i32
      %dma_wait3A_285 = arith.constant 0 : i32
      %dma_wait3A_286 = tpu.memref_slice %arg5[%dma_wait3A_284, %dma_wait3A_285] : memref<10240x128xf32, #tpu.memory_space<vmem_shared>> -> memref<10240x128xf32, #tpu.memory_space<vmem_shared>>
      tpu.wait_indirect_dma semaphore(%run_scoped3A_274 : memref<!tpu.dma_semaphore, #tpu.memory_space<semaphore_mem>>) src(%arg10 : memref<64x128xf32, #tpu.memory_space<vmem>>) dst(%dma_wait3A_286 : memref<10240x128xf32, #tpu.memory_space<vmem_shared>>)
      tpu.yield
    }) : () -> ()
    %dma_wait3A_127 = arith.constant 39 : i32
    %dma_wait3A_128 = arith.constant 0 : i32
    %dma_wait3A_129 = tpu.memref_slice %arg6[%dma_wait3A_127, %dma_wait3A_128] : memref<40x64xi32, #tpu.memory_space<vmem>> -> memref<1x64xi32, #tpu.memory_space<vmem>>
    %dma_wait3A_130 = tpu.memref_squeeze %dma_wait3A_129 : memref<1x64xi32, #tpu.memory_space<vmem>> -> memref<64xi32, #tpu.memory_space<vmem>>
    %dma_wait3A_131 = arith.constant 0 : i32
    %dma_wait3A_132 = arith.constant 0 : i32
    %dma_wait3A_133 = tpu.memref_slice %arg2[%dma_wait3A_131, %dma_wait3A_132] : memref<10240x128xf32, #tpu.memory_space<hbm>> -> memref<10240x128xf32, #tpu.memory_space<hbm>>
    tpu.wait_indirect_dma semaphore(%arg15 : memref<!tpu.dma_semaphore, #tpu.memory_space<semaphore_mem>>) src(%dma_wait3A_133 : memref<10240x128xf32, #tpu.memory_space<hbm>>) dst(%arg11 : memref<64x128xf32, #tpu.memory_space<vmem>>)
    %run_scoped3A_134 = arith.constant 39 : i32
    "tpu.region"() ({
      %run_scoped3A_274 = tpu.sem_alloc : memref<!tpu.dma_semaphore, #tpu.memory_space<semaphore_mem>>
      %dma_start3A_275 = arith.constant 0 : i32
      %dma_start3A_276 = tpu.memref_slice %arg7[%run_scoped3A_134, %dma_start3A_275] : memref<40x64xi32, #tpu.memory_space<vmem>> -> memref<1x64xi32, #tpu.memory_space<vmem>>
      %dma_start3A_277 = tpu.memref_squeeze %dma_start3A_276 : memref<1x64xi32, #tpu.memory_space<vmem>> -> memref<64xi32, #tpu.memory_space<vmem>>
      %dma_start3A_278 = arith.constant 0 : i32
      %dma_start3A_279 = arith.constant 0 : i32
      %dma_start3A_280 = tpu.memref_slice %arg5[%dma_start3A_278, %dma_start3A_279] : memref<10240x128xf32, #tpu.memory_space<vmem_shared>> -> memref<10240x128xf32, #tpu.memory_space<vmem_shared>>
      tpu.enqueue_indirect_dma source(%arg11 : memref<64x128xf32, #tpu.memory_space<vmem>>) target(%dma_start3A_280 : memref<10240x128xf32, #tpu.memory_space<vmem_shared>>) offsets(%dma_start3A_277 : memref<64xi32, #tpu.memory_space<vmem>>) semaphore(%run_scoped3A_274 : memref<!tpu.dma_semaphore, #tpu.memory_space<semaphore_mem>>) {add = true}
      %dma_wait3A_281 = arith.constant 0 : i32
      %dma_wait3A_282 = tpu.memref_slice %arg7[%run_scoped3A_134, %dma_wait3A_281] : memref<40x64xi32, #tpu.memory_space<vmem>> -> memref<1x64xi32, #tpu.memory_space<vmem>>
      %dma_wait3A_283 = tpu.memref_squeeze %dma_wait3A_282 : memref<1x64xi32, #tpu.memory_space<vmem>> -> memref<64xi32, #tpu.memory_space<vmem>>
      %dma_wait3A_284 = arith.constant 0 : i32
      %dma_wait3A_285 = arith.constant 0 : i32
      %dma_wait3A_286 = tpu.memref_slice %arg5[%dma_wait3A_284, %dma_wait3A_285] : memref<10240x128xf32, #tpu.memory_space<vmem_shared>> -> memref<10240x128xf32, #tpu.memory_space<vmem_shared>>
      tpu.wait_indirect_dma semaphore(%run_scoped3A_274 : memref<!tpu.dma_semaphore, #tpu.memory_space<semaphore_mem>>) src(%arg11 : memref<64x128xf32, #tpu.memory_space<vmem>>) dst(%dma_wait3A_286 : memref<10240x128xf32, #tpu.memory_space<vmem_shared>>)
      tpu.yield
    }) : () -> ()
    %run_scoped3A_135 = arith.constant 0 : i32
    "tpu.region"() ({
      %run_scoped3A_274 = tpu.sem_alloc : memref<!tpu.dma_semaphore, #tpu.memory_space<semaphore_mem>>
      %dma_start3A_275 = arith.constant 80 : i32
      %dma_start3A_276 = arith.constant 0 : i32
      %dma_start3A_277 = tpu.memref_slice %arg3[%run_scoped3A_135, %add3A, %dma_start3A_275, %dma_start3A_276] : memref<2x32x160x64xi32, #tpu.memory_space<hbm>> -> memref<1x1x40x64xi32, #tpu.memory_space<hbm>>
      %dma_start3A_278 = tpu.memref_squeeze %dma_start3A_277 : memref<1x1x40x64xi32, #tpu.memory_space<hbm>> -> memref<40x64xi32, #tpu.memory_space<hbm>>
      %dma_start3A_279 = arith.constant 80 : i32
      %dma_start3A_280 = arith.constant 0 : i32
      %dma_start3A_281 = tpu.memref_slice %arg3[%run_scoped3A_135, %add3A, %dma_start3A_279, %dma_start3A_280] : memref<2x32x160x64xi32, #tpu.memory_space<hbm>> -> memref<1x1x40x64xi32, #tpu.memory_space<hbm>>
      %dma_start3A_282 = tpu.memref_squeeze %dma_start3A_281 : memref<1x1x40x64xi32, #tpu.memory_space<hbm>> -> memref<40x64xi32, #tpu.memory_space<hbm>>
      tpu.enqueue_dma source(%dma_start3A_282 : memref<40x64xi32, #tpu.memory_space<hbm>>) target(%arg6 : memref<40x64xi32, #tpu.memory_space<vmem>>) target_semaphore(%run_scoped3A_274 : memref<!tpu.dma_semaphore, #tpu.memory_space<semaphore_mem>>)
      %dma_wait3A_283 = arith.constant 80 : i32
      %dma_wait3A_284 = arith.constant 0 : i32
      %dma_wait3A_285 = tpu.memref_slice %arg3[%run_scoped3A_135, %add3A, %dma_wait3A_283, %dma_wait3A_284] : memref<2x32x160x64xi32, #tpu.memory_space<hbm>> -> memref<1x1x40x64xi32, #tpu.memory_space<hbm>>
      %dma_wait3A_286 = tpu.memref_squeeze %dma_wait3A_285 : memref<1x1x40x64xi32, #tpu.memory_space<hbm>> -> memref<40x64xi32, #tpu.memory_space<hbm>>
      %dma_wait3A_287 = arith.constant 80 : i32
      %dma_wait3A_288 = arith.constant 0 : i32
      %dma_wait3A_289 = tpu.memref_slice %arg3[%run_scoped3A_135, %add3A, %dma_wait3A_287, %dma_wait3A_288] : memref<2x32x160x64xi32, #tpu.memory_space<hbm>> -> memref<1x1x40x64xi32, #tpu.memory_space<hbm>>
      %dma_wait3A_290 = tpu.memref_squeeze %dma_wait3A_289 : memref<1x1x40x64xi32, #tpu.memory_space<hbm>> -> memref<40x64xi32, #tpu.memory_space<hbm>>
      tpu.wait_dma2 semaphore(%run_scoped3A_274 : memref<!tpu.dma_semaphore, #tpu.memory_space<semaphore_mem>>) src(%dma_wait3A_290 : memref<40x64xi32, #tpu.memory_space<hbm>>) dst(%arg6 : memref<40x64xi32, #tpu.memory_space<vmem>>)
      tpu.yield
    }) : () -> ()
    %run_scoped3A_136 = arith.constant 1 : i32
    "tpu.region"() ({
      %run_scoped3A_274 = tpu.sem_alloc : memref<!tpu.dma_semaphore, #tpu.memory_space<semaphore_mem>>
      %dma_start3A_275 = arith.constant 80 : i32
      %dma_start3A_276 = arith.constant 0 : i32
      %dma_start3A_277 = tpu.memref_slice %arg3[%run_scoped3A_136, %add3A, %dma_start3A_275, %dma_start3A_276] : memref<2x32x160x64xi32, #tpu.memory_space<hbm>> -> memref<1x1x40x64xi32, #tpu.memory_space<hbm>>
      %dma_start3A_278 = tpu.memref_squeeze %dma_start3A_277 : memref<1x1x40x64xi32, #tpu.memory_space<hbm>> -> memref<40x64xi32, #tpu.memory_space<hbm>>
      %dma_start3A_279 = arith.constant 80 : i32
      %dma_start3A_280 = arith.constant 0 : i32
      %dma_start3A_281 = tpu.memref_slice %arg3[%run_scoped3A_136, %add3A, %dma_start3A_279, %dma_start3A_280] : memref<2x32x160x64xi32, #tpu.memory_space<hbm>> -> memref<1x1x40x64xi32, #tpu.memory_space<hbm>>
      %dma_start3A_282 = tpu.memref_squeeze %dma_start3A_281 : memref<1x1x40x64xi32, #tpu.memory_space<hbm>> -> memref<40x64xi32, #tpu.memory_space<hbm>>
      tpu.enqueue_dma source(%dma_start3A_282 : memref<40x64xi32, #tpu.memory_space<hbm>>) target(%arg7 : memref<40x64xi32, #tpu.memory_space<vmem>>) target_semaphore(%run_scoped3A_274 : memref<!tpu.dma_semaphore, #tpu.memory_space<semaphore_mem>>)
      %dma_wait3A_283 = arith.constant 80 : i32
      %dma_wait3A_284 = arith.constant 0 : i32
      %dma_wait3A_285 = tpu.memref_slice %arg3[%run_scoped3A_136, %add3A, %dma_wait3A_283, %dma_wait3A_284] : memref<2x32x160x64xi32, #tpu.memory_space<hbm>> -> memref<1x1x40x64xi32, #tpu.memory_space<hbm>>
      %dma_wait3A_286 = tpu.memref_squeeze %dma_wait3A_285 : memref<1x1x40x64xi32, #tpu.memory_space<hbm>> -> memref<40x64xi32, #tpu.memory_space<hbm>>
      %dma_wait3A_287 = arith.constant 80 : i32
      %dma_wait3A_288 = arith.constant 0 : i32
      %dma_wait3A_289 = tpu.memref_slice %arg3[%run_scoped3A_136, %add3A, %dma_wait3A_287, %dma_wait3A_288] : memref<2x32x160x64xi32, #tpu.memory_space<hbm>> -> memref<1x1x40x64xi32, #tpu.memory_space<hbm>>
      %dma_wait3A_290 = tpu.memref_squeeze %dma_wait3A_289 : memref<1x1x40x64xi32, #tpu.memory_space<hbm>> -> memref<40x64xi32, #tpu.memory_space<hbm>>
      tpu.wait_dma2 semaphore(%run_scoped3A_274 : memref<!tpu.dma_semaphore, #tpu.memory_space<semaphore_mem>>) src(%dma_wait3A_290 : memref<40x64xi32, #tpu.memory_space<hbm>>) dst(%arg7 : memref<40x64xi32, #tpu.memory_space<vmem>>)
      tpu.yield
    }) : () -> ()
    %dma_start3A_137 = arith.constant 0 : i32
    %dma_start3A_138 = arith.constant 0 : i32
    %dma_start3A_139 = tpu.memref_slice %arg6[%dma_start3A_137, %dma_start3A_138] : memref<40x64xi32, #tpu.memory_space<vmem>> -> memref<1x64xi32, #tpu.memory_space<vmem>>
    %dma_start3A_140 = tpu.memref_squeeze %dma_start3A_139 : memref<1x64xi32, #tpu.memory_space<vmem>> -> memref<64xi32, #tpu.memory_space<vmem>>
    %dma_start3A_141 = arith.constant 0 : i32
    %dma_start3A_142 = arith.constant 0 : i32
    %dma_start3A_143 = tpu.memref_slice %arg2[%dma_start3A_141, %dma_start3A_142] : memref<10240x128xf32, #tpu.memory_space<hbm>> -> memref<10240x128xf32, #tpu.memory_space<hbm>>
    tpu.enqueue_indirect_dma source(%dma_start3A_143 : memref<10240x128xf32, #tpu.memory_space<hbm>>) target(%arg8 : memref<64x128xf32, #tpu.memory_space<vmem>>) offsets(%dma_start3A_140 : memref<64xi32, #tpu.memory_space<vmem>>) semaphore(%arg12 : memref<!tpu.dma_semaphore, #tpu.memory_space<semaphore_mem>>)
    %dma_start3A_144 = arith.constant 1 : i32
    %dma_start3A_145 = arith.constant 0 : i32
    %dma_start3A_146 = tpu.memref_slice %arg6[%dma_start3A_144, %dma_start3A_145] : memref<40x64xi32, #tpu.memory_space<vmem>> -> memref<1x64xi32, #tpu.memory_space<vmem>>
    %dma_start3A_147 = tpu.memref_squeeze %dma_start3A_146 : memref<1x64xi32, #tpu.memory_space<vmem>> -> memref<64xi32, #tpu.memory_space<vmem>>
    %dma_start3A_148 = arith.constant 0 : i32
    %dma_start3A_149 = arith.constant 0 : i32
    %dma_start3A_150 = tpu.memref_slice %arg2[%dma_start3A_148, %dma_start3A_149] : memref<10240x128xf32, #tpu.memory_space<hbm>> -> memref<10240x128xf32, #tpu.memory_space<hbm>>
    tpu.enqueue_indirect_dma source(%dma_start3A_150 : memref<10240x128xf32, #tpu.memory_space<hbm>>) target(%arg9 : memref<64x128xf32, #tpu.memory_space<vmem>>) offsets(%dma_start3A_147 : memref<64xi32, #tpu.memory_space<vmem>>) semaphore(%arg13 : memref<!tpu.dma_semaphore, #tpu.memory_space<semaphore_mem>>)
    %dma_start3A_151 = arith.constant 2 : i32
    %dma_start3A_152 = arith.constant 0 : i32
    %dma_start3A_153 = tpu.memref_slice %arg6[%dma_start3A_151, %dma_start3A_152] : memref<40x64xi32, #tpu.memory_space<vmem>> -> memref<1x64xi32, #tpu.memory_space<vmem>>
    %dma_start3A_154 = tpu.memref_squeeze %dma_start3A_153 : memref<1x64xi32, #tpu.memory_space<vmem>> -> memref<64xi32, #tpu.memory_space<vmem>>
    %dma_start3A_155 = arith.constant 0 : i32
    %dma_start3A_156 = arith.constant 0 : i32
    %dma_start3A_157 = tpu.memref_slice %arg2[%dma_start3A_155, %dma_start3A_156] : memref<10240x128xf32, #tpu.memory_space<hbm>> -> memref<10240x128xf32, #tpu.memory_space<hbm>>
    tpu.enqueue_indirect_dma source(%dma_start3A_157 : memref<10240x128xf32, #tpu.memory_space<hbm>>) target(%arg10 : memref<64x128xf32, #tpu.memory_space<vmem>>) offsets(%dma_start3A_154 : memref<64xi32, #tpu.memory_space<vmem>>) semaphore(%arg14 : memref<!tpu.dma_semaphore, #tpu.memory_space<semaphore_mem>>)
    %dma_start3A_158 = arith.constant 3 : i32
    %dma_start3A_159 = arith.constant 0 : i32
    %dma_start3A_160 = tpu.memref_slice %arg6[%dma_start3A_158, %dma_start3A_159] : memref<40x64xi32, #tpu.memory_space<vmem>> -> memref<1x64xi32, #tpu.memory_space<vmem>>
    %dma_start3A_161 = tpu.memref_squeeze %dma_start3A_160 : memref<1x64xi32, #tpu.memory_space<vmem>> -> memref<64xi32, #tpu.memory_space<vmem>>
    %dma_start3A_162 = arith.constant 0 : i32
    %dma_start3A_163 = arith.constant 0 : i32
    %dma_start3A_164 = tpu.memref_slice %arg2[%dma_start3A_162, %dma_start3A_163] : memref<10240x128xf32, #tpu.memory_space<hbm>> -> memref<10240x128xf32, #tpu.memory_space<hbm>>
    tpu.enqueue_indirect_dma source(%dma_start3A_164 : memref<10240x128xf32, #tpu.memory_space<hbm>>) target(%arg11 : memref<64x128xf32, #tpu.memory_space<vmem>>) offsets(%dma_start3A_161 : memref<64xi32, #tpu.memory_space<vmem>>) semaphore(%arg15 : memref<!tpu.dma_semaphore, #tpu.memory_space<semaphore_mem>>)
    %scan3A_165 = arith.constant 0 : i32
    %scan3A_166 = arith.constant 9 : i32
    %scan3A_167 = arith.addi %scan3A_165, %scan3A_166 : i32
    %scan3A_168 = arith.constant 1 : i32
    scf.for %scan3A_274 = %scan3A_165 to %scan3A_167 step %scan3A_168  : i32 {
      %mul3A_275 = arith.constant 4 : i32
      %mul3A_276 = arith.muli %scan3A_274, %mul3A_275 : i32
      %add3A_277 = arith.constant 0 : i32
      %add3A_278 = arith.addi %add3A_277, %mul3A_276 : i32
      %add3A_279 = arith.constant 0 : i32
      %add3A_280 = arith.addi %add3A_278, %add3A_279 : i32
      %dma_wait3A_281 = arith.constant 0 : i32
      %dma_wait3A_282 = tpu.memref_slice %arg6[%add3A_280, %dma_wait3A_281] : memref<40x64xi32, #tpu.memory_space<vmem>> -> memref<1x64xi32, #tpu.memory_space<vmem>>
      %dma_wait3A_283 = tpu.memref_squeeze %dma_wait3A_282 : memref<1x64xi32, #tpu.memory_space<vmem>> -> memref<64xi32, #tpu.memory_space<vmem>>
      %dma_wait3A_284 = arith.constant 0 : i32
      %dma_wait3A_285 = arith.constant 0 : i32
      %dma_wait3A_286 = tpu.memref_slice %arg2[%dma_wait3A_284, %dma_wait3A_285] : memref<10240x128xf32, #tpu.memory_space<hbm>> -> memref<10240x128xf32, #tpu.memory_space<hbm>>
      tpu.wait_indirect_dma semaphore(%arg12 : memref<!tpu.dma_semaphore, #tpu.memory_space<semaphore_mem>>) src(%dma_wait3A_286 : memref<10240x128xf32, #tpu.memory_space<hbm>>) dst(%arg8 : memref<64x128xf32, #tpu.memory_space<vmem>>)
      "tpu.region"() ({
        %run_scoped3A_351 = tpu.sem_alloc : memref<!tpu.dma_semaphore, #tpu.memory_space<semaphore_mem>>
        %dma_start3A_352 = arith.constant 0 : i32
        %dma_start3A_353 = tpu.memref_slice %arg7[%add3A_280, %dma_start3A_352] : memref<40x64xi32, #tpu.memory_space<vmem>> -> memref<1x64xi32, #tpu.memory_space<vmem>>
        %dma_start3A_354 = tpu.memref_squeeze %dma_start3A_353 : memref<1x64xi32, #tpu.memory_space<vmem>> -> memref<64xi32, #tpu.memory_space<vmem>>
        %dma_start3A_355 = arith.constant 0 : i32
        %dma_start3A_356 = arith.constant 0 : i32
        %dma_start3A_357 = tpu.memref_slice %arg5[%dma_start3A_355, %dma_start3A_356] : memref<10240x128xf32, #tpu.memory_space<vmem_shared>> -> memref<10240x128xf32, #tpu.memory_space<vmem_shared>>
        tpu.enqueue_indirect_dma source(%arg8 : memref<64x128xf32, #tpu.memory_space<vmem>>) target(%dma_start3A_357 : memref<10240x128xf32, #tpu.memory_space<vmem_shared>>) offsets(%dma_start3A_354 : memref<64xi32, #tpu.memory_space<vmem>>) semaphore(%run_scoped3A_351 : memref<!tpu.dma_semaphore, #tpu.memory_space<semaphore_mem>>) {add = true}
        %dma_wait3A_358 = arith.constant 0 : i32
        %dma_wait3A_359 = tpu.memref_slice %arg7[%add3A_280, %dma_wait3A_358] : memref<40x64xi32, #tpu.memory_space<vmem>> -> memref<1x64xi32, #tpu.memory_space<vmem>>
        %dma_wait3A_360 = tpu.memref_squeeze %dma_wait3A_359 : memref<1x64xi32, #tpu.memory_space<vmem>> -> memref<64xi32, #tpu.memory_space<vmem>>
        %dma_wait3A_361 = arith.constant 0 : i32
        %dma_wait3A_362 = arith.constant 0 : i32
        %dma_wait3A_363 = tpu.memref_slice %arg5[%dma_wait3A_361, %dma_wait3A_362] : memref<10240x128xf32, #tpu.memory_space<vmem_shared>> -> memref<10240x128xf32, #tpu.memory_space<vmem_shared>>
        tpu.wait_indirect_dma semaphore(%run_scoped3A_351 : memref<!tpu.dma_semaphore, #tpu.memory_space<semaphore_mem>>) src(%arg8 : memref<64x128xf32, #tpu.memory_space<vmem>>) dst(%dma_wait3A_363 : memref<10240x128xf32, #tpu.memory_space<vmem_shared>>)
        tpu.yield
      }) : () -> ()
      %add3A_287 = arith.constant 4 : i32
      %add3A_288 = arith.addi %add3A_278, %add3A_287 : i32
      %add3A_289 = arith.constant 0 : i32
      %add3A_290 = arith.addi %add3A_288, %add3A_289 : i32
      %dma_start3A_291 = arith.constant 0 : i32
      %dma_start3A_292 = tpu.memref_slice %arg6[%add3A_290, %dma_start3A_291] : memref<40x64xi32, #tpu.memory_space<vmem>> -> memref<1x64xi32, #tpu.memory_space<vmem>>
      %dma_start3A_293 = tpu.memref_squeeze %dma_start3A_292 : memref<1x64xi32, #tpu.memory_space<vmem>> -> memref<64xi32, #tpu.memory_space<vmem>>
      %dma_start3A_294 = arith.constant 0 : i32
      %dma_start3A_295 = arith.constant 0 : i32
      %dma_start3A_296 = tpu.memref_slice %arg2[%dma_start3A_294, %dma_start3A_295] : memref<10240x128xf32, #tpu.memory_space<hbm>> -> memref<10240x128xf32, #tpu.memory_space<hbm>>
      tpu.enqueue_indirect_dma source(%dma_start3A_296 : memref<10240x128xf32, #tpu.memory_space<hbm>>) target(%arg8 : memref<64x128xf32, #tpu.memory_space<vmem>>) offsets(%dma_start3A_293 : memref<64xi32, #tpu.memory_space<vmem>>) semaphore(%arg12 : memref<!tpu.dma_semaphore, #tpu.memory_space<semaphore_mem>>)
      %add3A_297 = arith.constant 1 : i32
      %add3A_298 = arith.addi %add3A_278, %add3A_297 : i32
      %dma_wait3A_299 = arith.constant 0 : i32
      %dma_wait3A_300 = tpu.memref_slice %arg6[%add3A_298, %dma_wait3A_299] : memref<40x64xi32, #tpu.memory_space<vmem>> -> memref<1x64xi32, #tpu.memory_space<vmem>>
      %dma_wait3A_301 = tpu.memref_squeeze %dma_wait3A_300 : memref<1x64xi32, #tpu.memory_space<vmem>> -> memref<64xi32, #tpu.memory_space<vmem>>
      %dma_wait3A_302 = arith.constant 0 : i32
      %dma_wait3A_303 = arith.constant 0 : i32
      %dma_wait3A_304 = tpu.memref_slice %arg2[%dma_wait3A_302, %dma_wait3A_303] : memref<10240x128xf32, #tpu.memory_space<hbm>> -> memref<10240x128xf32, #tpu.memory_space<hbm>>
      tpu.wait_indirect_dma semaphore(%arg13 : memref<!tpu.dma_semaphore, #tpu.memory_space<semaphore_mem>>) src(%dma_wait3A_304 : memref<10240x128xf32, #tpu.memory_space<hbm>>) dst(%arg9 : memref<64x128xf32, #tpu.memory_space<vmem>>)
      "tpu.region"() ({
        %run_scoped3A_351 = tpu.sem_alloc : memref<!tpu.dma_semaphore, #tpu.memory_space<semaphore_mem>>
        %dma_start3A_352 = arith.constant 0 : i32
        %dma_start3A_353 = tpu.memref_slice %arg7[%add3A_298, %dma_start3A_352] : memref<40x64xi32, #tpu.memory_space<vmem>> -> memref<1x64xi32, #tpu.memory_space<vmem>>
        %dma_start3A_354 = tpu.memref_squeeze %dma_start3A_353 : memref<1x64xi32, #tpu.memory_space<vmem>> -> memref<64xi32, #tpu.memory_space<vmem>>
        %dma_start3A_355 = arith.constant 0 : i32
        %dma_start3A_356 = arith.constant 0 : i32
        %dma_start3A_357 = tpu.memref_slice %arg5[%dma_start3A_355, %dma_start3A_356] : memref<10240x128xf32, #tpu.memory_space<vmem_shared>> -> memref<10240x128xf32, #tpu.memory_space<vmem_shared>>
        tpu.enqueue_indirect_dma source(%arg9 : memref<64x128xf32, #tpu.memory_space<vmem>>) target(%dma_start3A_357 : memref<10240x128xf32, #tpu.memory_space<vmem_shared>>) offsets(%dma_start3A_354 : memref<64xi32, #tpu.memory_space<vmem>>) semaphore(%run_scoped3A_351 : memref<!tpu.dma_semaphore, #tpu.memory_space<semaphore_mem>>) {add = true}
        %dma_wait3A_358 = arith.constant 0 : i32
        %dma_wait3A_359 = tpu.memref_slice %arg7[%add3A_298, %dma_wait3A_358] : memref<40x64xi32, #tpu.memory_space<vmem>> -> memref<1x64xi32, #tpu.memory_space<vmem>>
        %dma_wait3A_360 = tpu.memref_squeeze %dma_wait3A_359 : memref<1x64xi32, #tpu.memory_space<vmem>> -> memref<64xi32, #tpu.memory_space<vmem>>
        %dma_wait3A_361 = arith.constant 0 : i32
        %dma_wait3A_362 = arith.constant 0 : i32
        %dma_wait3A_363 = tpu.memref_slice %arg5[%dma_wait3A_361, %dma_wait3A_362] : memref<10240x128xf32, #tpu.memory_space<vmem_shared>> -> memref<10240x128xf32, #tpu.memory_space<vmem_shared>>
        tpu.wait_indirect_dma semaphore(%run_scoped3A_351 : memref<!tpu.dma_semaphore, #tpu.memory_space<semaphore_mem>>) src(%arg9 : memref<64x128xf32, #tpu.memory_space<vmem>>) dst(%dma_wait3A_363 : memref<10240x128xf32, #tpu.memory_space<vmem_shared>>)
        tpu.yield
      }) : () -> ()
      %add3A_305 = arith.constant 4 : i32
      %add3A_306 = arith.addi %add3A_278, %add3A_305 : i32
      %add3A_307 = arith.constant 1 : i32
      %add3A_308 = arith.addi %add3A_306, %add3A_307 : i32
      %dma_start3A_309 = arith.constant 0 : i32
      %dma_start3A_310 = tpu.memref_slice %arg6[%add3A_308, %dma_start3A_309] : memref<40x64xi32, #tpu.memory_space<vmem>> -> memref<1x64xi32, #tpu.memory_space<vmem>>
      %dma_start3A_311 = tpu.memref_squeeze %dma_start3A_310 : memref<1x64xi32, #tpu.memory_space<vmem>> -> memref<64xi32, #tpu.memory_space<vmem>>
      %dma_start3A_312 = arith.constant 0 : i32
      %dma_start3A_313 = arith.constant 0 : i32
      %dma_start3A_314 = tpu.memref_slice %arg2[%dma_start3A_312, %dma_start3A_313] : memref<10240x128xf32, #tpu.memory_space<hbm>> -> memref<10240x128xf32, #tpu.memory_space<hbm>>
      tpu.enqueue_indirect_dma source(%dma_start3A_314 : memref<10240x128xf32, #tpu.memory_space<hbm>>) target(%arg9 : memref<64x128xf32, #tpu.memory_space<vmem>>) offsets(%dma_start3A_311 : memref<64xi32, #tpu.memory_space<vmem>>) semaphore(%arg13 : memref<!tpu.dma_semaphore, #tpu.memory_space<semaphore_mem>>)
      %add3A_315 = arith.constant 2 : i32
      %add3A_316 = arith.addi %add3A_278, %add3A_315 : i32
      %dma_wait3A_317 = arith.constant 0 : i32
      %dma_wait3A_318 = tpu.memref_slice %arg6[%add3A_316, %dma_wait3A_317] : memref<40x64xi32, #tpu.memory_space<vmem>> -> memref<1x64xi32, #tpu.memory_space<vmem>>
      %dma_wait3A_319 = tpu.memref_squeeze %dma_wait3A_318 : memref<1x64xi32, #tpu.memory_space<vmem>> -> memref<64xi32, #tpu.memory_space<vmem>>
      %dma_wait3A_320 = arith.constant 0 : i32
      %dma_wait3A_321 = arith.constant 0 : i32
      %dma_wait3A_322 = tpu.memref_slice %arg2[%dma_wait3A_320, %dma_wait3A_321] : memref<10240x128xf32, #tpu.memory_space<hbm>> -> memref<10240x128xf32, #tpu.memory_space<hbm>>
      tpu.wait_indirect_dma semaphore(%arg14 : memref<!tpu.dma_semaphore, #tpu.memory_space<semaphore_mem>>) src(%dma_wait3A_322 : memref<10240x128xf32, #tpu.memory_space<hbm>>) dst(%arg10 : memref<64x128xf32, #tpu.memory_space<vmem>>)
      "tpu.region"() ({
        %run_scoped3A_351 = tpu.sem_alloc : memref<!tpu.dma_semaphore, #tpu.memory_space<semaphore_mem>>
        %dma_start3A_352 = arith.constant 0 : i32
        %dma_start3A_353 = tpu.memref_slice %arg7[%add3A_316, %dma_start3A_352] : memref<40x64xi32, #tpu.memory_space<vmem>> -> memref<1x64xi32, #tpu.memory_space<vmem>>
        %dma_start3A_354 = tpu.memref_squeeze %dma_start3A_353 : memref<1x64xi32, #tpu.memory_space<vmem>> -> memref<64xi32, #tpu.memory_space<vmem>>
        %dma_start3A_355 = arith.constant 0 : i32
        %dma_start3A_356 = arith.constant 0 : i32
        %dma_start3A_357 = tpu.memref_slice %arg5[%dma_start3A_355, %dma_start3A_356] : memref<10240x128xf32, #tpu.memory_space<vmem_shared>> -> memref<10240x128xf32, #tpu.memory_space<vmem_shared>>
        tpu.enqueue_indirect_dma source(%arg10 : memref<64x128xf32, #tpu.memory_space<vmem>>) target(%dma_start3A_357 : memref<10240x128xf32, #tpu.memory_space<vmem_shared>>) offsets(%dma_start3A_354 : memref<64xi32, #tpu.memory_space<vmem>>) semaphore(%run_scoped3A_351 : memref<!tpu.dma_semaphore, #tpu.memory_space<semaphore_mem>>) {add = true}
        %dma_wait3A_358 = arith.constant 0 : i32
        %dma_wait3A_359 = tpu.memref_slice %arg7[%add3A_316, %dma_wait3A_358] : memref<40x64xi32, #tpu.memory_space<vmem>> -> memref<1x64xi32, #tpu.memory_space<vmem>>
        %dma_wait3A_360 = tpu.memref_squeeze %dma_wait3A_359 : memref<1x64xi32, #tpu.memory_space<vmem>> -> memref<64xi32, #tpu.memory_space<vmem>>
        %dma_wait3A_361 = arith.constant 0 : i32
        %dma_wait3A_362 = arith.constant 0 : i32
        %dma_wait3A_363 = tpu.memref_slice %arg5[%dma_wait3A_361, %dma_wait3A_362] : memref<10240x128xf32, #tpu.memory_space<vmem_shared>> -> memref<10240x128xf32, #tpu.memory_space<vmem_shared>>
        tpu.wait_indirect_dma semaphore(%run_scoped3A_351 : memref<!tpu.dma_semaphore, #tpu.memory_space<semaphore_mem>>) src(%arg10 : memref<64x128xf32, #tpu.memory_space<vmem>>) dst(%dma_wait3A_363 : memref<10240x128xf32, #tpu.memory_space<vmem_shared>>)
        tpu.yield
      }) : () -> ()
      %add3A_323 = arith.constant 4 : i32
      %add3A_324 = arith.addi %add3A_278, %add3A_323 : i32
      %add3A_325 = arith.constant 2 : i32
      %add3A_326 = arith.addi %add3A_324, %add3A_325 : i32
      %dma_start3A_327 = arith.constant 0 : i32
      %dma_start3A_328 = tpu.memref_slice %arg6[%add3A_326, %dma_start3A_327] : memref<40x64xi32, #tpu.memory_space<vmem>> -> memref<1x64xi32, #tpu.memory_space<vmem>>
      %dma_start3A_329 = tpu.memref_squeeze %dma_start3A_328 : memref<1x64xi32, #tpu.memory_space<vmem>> -> memref<64xi32, #tpu.memory_space<vmem>>
      %dma_start3A_330 = arith.constant 0 : i32
      %dma_start3A_331 = arith.constant 0 : i32
      %dma_start3A_332 = tpu.memref_slice %arg2[%dma_start3A_330, %dma_start3A_331] : memref<10240x128xf32, #tpu.memory_space<hbm>> -> memref<10240x128xf32, #tpu.memory_space<hbm>>
      tpu.enqueue_indirect_dma source(%dma_start3A_332 : memref<10240x128xf32, #tpu.memory_space<hbm>>) target(%arg10 : memref<64x128xf32, #tpu.memory_space<vmem>>) offsets(%dma_start3A_329 : memref<64xi32, #tpu.memory_space<vmem>>) semaphore(%arg14 : memref<!tpu.dma_semaphore, #tpu.memory_space<semaphore_mem>>)
      %add3A_333 = arith.constant 3 : i32
      %add3A_334 = arith.addi %add3A_278, %add3A_333 : i32
      %dma_wait3A_335 = arith.constant 0 : i32
      %dma_wait3A_336 = tpu.memref_slice %arg6[%add3A_334, %dma_wait3A_335] : memref<40x64xi32, #tpu.memory_space<vmem>> -> memref<1x64xi32, #tpu.memory_space<vmem>>
      %dma_wait3A_337 = tpu.memref_squeeze %dma_wait3A_336 : memref<1x64xi32, #tpu.memory_space<vmem>> -> memref<64xi32, #tpu.memory_space<vmem>>
      %dma_wait3A_338 = arith.constant 0 : i32
      %dma_wait3A_339 = arith.constant 0 : i32
      %dma_wait3A_340 = tpu.memref_slice %arg2[%dma_wait3A_338, %dma_wait3A_339] : memref<10240x128xf32, #tpu.memory_space<hbm>> -> memref<10240x128xf32, #tpu.memory_space<hbm>>
      tpu.wait_indirect_dma semaphore(%arg15 : memref<!tpu.dma_semaphore, #tpu.memory_space<semaphore_mem>>) src(%dma_wait3A_340 : memref<10240x128xf32, #tpu.memory_space<hbm>>) dst(%arg11 : memref<64x128xf32, #tpu.memory_space<vmem>>)
      "tpu.region"() ({
        %run_scoped3A_351 = tpu.sem_alloc : memref<!tpu.dma_semaphore, #tpu.memory_space<semaphore_mem>>
        %dma_start3A_352 = arith.constant 0 : i32
        %dma_start3A_353 = tpu.memref_slice %arg7[%add3A_334, %dma_start3A_352] : memref<40x64xi32, #tpu.memory_space<vmem>> -> memref<1x64xi32, #tpu.memory_space<vmem>>
        %dma_start3A_354 = tpu.memref_squeeze %dma_start3A_353 : memref<1x64xi32, #tpu.memory_space<vmem>> -> memref<64xi32, #tpu.memory_space<vmem>>
        %dma_start3A_355 = arith.constant 0 : i32
        %dma_start3A_356 = arith.constant 0 : i32
        %dma_start3A_357 = tpu.memref_slice %arg5[%dma_start3A_355, %dma_start3A_356] : memref<10240x128xf32, #tpu.memory_space<vmem_shared>> -> memref<10240x128xf32, #tpu.memory_space<vmem_shared>>
        tpu.enqueue_indirect_dma source(%arg11 : memref<64x128xf32, #tpu.memory_space<vmem>>) target(%dma_start3A_357 : memref<10240x128xf32, #tpu.memory_space<vmem_shared>>) offsets(%dma_start3A_354 : memref<64xi32, #tpu.memory_space<vmem>>) semaphore(%run_scoped3A_351 : memref<!tpu.dma_semaphore, #tpu.memory_space<semaphore_mem>>) {add = true}
        %dma_wait3A_358 = arith.constant 0 : i32
        %dma_wait3A_359 = tpu.memref_slice %arg7[%add3A_334, %dma_wait3A_358] : memref<40x64xi32, #tpu.memory_space<vmem>> -> memref<1x64xi32, #tpu.memory_space<vmem>>
        %dma_wait3A_360 = tpu.memref_squeeze %dma_wait3A_359 : memref<1x64xi32, #tpu.memory_space<vmem>> -> memref<64xi32, #tpu.memory_space<vmem>>
        %dma_wait3A_361 = arith.constant 0 : i32
        %dma_wait3A_362 = arith.constant 0 : i32
        %dma_wait3A_363 = tpu.memref_slice %arg5[%dma_wait3A_361, %dma_wait3A_362] : memref<10240x128xf32, #tpu.memory_space<vmem_shared>> -> memref<10240x128xf32, #tpu.memory_space<vmem_shared>>
        tpu.wait_indirect_dma semaphore(%run_scoped3A_351 : memref<!tpu.dma_semaphore, #tpu.memory_space<semaphore_mem>>) src(%arg11 : memref<64x128xf32, #tpu.memory_space<vmem>>) dst(%dma_wait3A_363 : memref<10240x128xf32, #tpu.memory_space<vmem_shared>>)
        tpu.yield
      }) : () -> ()
      %add3A_341 = arith.constant 4 : i32
      %add3A_342 = arith.addi %add3A_278, %add3A_341 : i32
      %add3A_343 = arith.constant 3 : i32
      %add3A_344 = arith.addi %add3A_342, %add3A_343 : i32
      %dma_start3A_345 = arith.constant 0 : i32
      %dma_start3A_346 = tpu.memref_slice %arg6[%add3A_344, %dma_start3A_345] : memref<40x64xi32, #tpu.memory_space<vmem>> -> memref<1x64xi32, #tpu.memory_space<vmem>>
      %dma_start3A_347 = tpu.memref_squeeze %dma_start3A_346 : memref<1x64xi32, #tpu.memory_space<vmem>> -> memref<64xi32, #tpu.memory_space<vmem>>
      %dma_start3A_348 = arith.constant 0 : i32
      %dma_start3A_349 = arith.constant 0 : i32
      %dma_start3A_350 = tpu.memref_slice %arg2[%dma_start3A_348, %dma_start3A_349] : memref<10240x128xf32, #tpu.memory_space<hbm>> -> memref<10240x128xf32, #tpu.memory_space<hbm>>
      tpu.enqueue_indirect_dma source(%dma_start3A_350 : memref<10240x128xf32, #tpu.memory_space<hbm>>) target(%arg11 : memref<64x128xf32, #tpu.memory_space<vmem>>) offsets(%dma_start3A_347 : memref<64xi32, #tpu.memory_space<vmem>>) semaphore(%arg15 : memref<!tpu.dma_semaphore, #tpu.memory_space<semaphore_mem>>)
    }
    %scan3A_169 = arith.constant 9 : i32
    %dma_wait3A_170 = arith.constant 36 : i32
    %dma_wait3A_171 = arith.constant 0 : i32
    %dma_wait3A_172 = tpu.memref_slice %arg6[%dma_wait3A_170, %dma_wait3A_171] : memref<40x64xi32, #tpu.memory_space<vmem>> -> memref<1x64xi32, #tpu.memory_space<vmem>>
    %dma_wait3A_173 = tpu.memref_squeeze %dma_wait3A_172 : memref<1x64xi32, #tpu.memory_space<vmem>> -> memref<64xi32, #tpu.memory_space<vmem>>
    %dma_wait3A_174 = arith.constant 0 : i32
    %dma_wait3A_175 = arith.constant 0 : i32
    %dma_wait3A_176 = tpu.memref_slice %arg2[%dma_wait3A_174, %dma_wait3A_175] : memref<10240x128xf32, #tpu.memory_space<hbm>> -> memref<10240x128xf32, #tpu.memory_space<hbm>>
    tpu.wait_indirect_dma semaphore(%arg12 : memref<!tpu.dma_semaphore, #tpu.memory_space<semaphore_mem>>) src(%dma_wait3A_176 : memref<10240x128xf32, #tpu.memory_space<hbm>>) dst(%arg8 : memref<64x128xf32, #tpu.memory_space<vmem>>)
    %run_scoped3A_177 = arith.constant 36 : i32
    "tpu.region"() ({
      %run_scoped3A_274 = tpu.sem_alloc : memref<!tpu.dma_semaphore, #tpu.memory_space<semaphore_mem>>
      %dma_start3A_275 = arith.constant 0 : i32
      %dma_start3A_276 = tpu.memref_slice %arg7[%run_scoped3A_177, %dma_start3A_275] : memref<40x64xi32, #tpu.memory_space<vmem>> -> memref<1x64xi32, #tpu.memory_space<vmem>>
      %dma_start3A_277 = tpu.memref_squeeze %dma_start3A_276 : memref<1x64xi32, #tpu.memory_space<vmem>> -> memref<64xi32, #tpu.memory_space<vmem>>
      %dma_start3A_278 = arith.constant 0 : i32
      %dma_start3A_279 = arith.constant 0 : i32
      %dma_start3A_280 = tpu.memref_slice %arg5[%dma_start3A_278, %dma_start3A_279] : memref<10240x128xf32, #tpu.memory_space<vmem_shared>> -> memref<10240x128xf32, #tpu.memory_space<vmem_shared>>
      tpu.enqueue_indirect_dma source(%arg8 : memref<64x128xf32, #tpu.memory_space<vmem>>) target(%dma_start3A_280 : memref<10240x128xf32, #tpu.memory_space<vmem_shared>>) offsets(%dma_start3A_277 : memref<64xi32, #tpu.memory_space<vmem>>) semaphore(%run_scoped3A_274 : memref<!tpu.dma_semaphore, #tpu.memory_space<semaphore_mem>>) {add = true}
      %dma_wait3A_281 = arith.constant 0 : i32
      %dma_wait3A_282 = tpu.memref_slice %arg7[%run_scoped3A_177, %dma_wait3A_281] : memref<40x64xi32, #tpu.memory_space<vmem>> -> memref<1x64xi32, #tpu.memory_space<vmem>>
      %dma_wait3A_283 = tpu.memref_squeeze %dma_wait3A_282 : memref<1x64xi32, #tpu.memory_space<vmem>> -> memref<64xi32, #tpu.memory_space<vmem>>
      %dma_wait3A_284 = arith.constant 0 : i32
      %dma_wait3A_285 = arith.constant 0 : i32
      %dma_wait3A_286 = tpu.memref_slice %arg5[%dma_wait3A_284, %dma_wait3A_285] : memref<10240x128xf32, #tpu.memory_space<vmem_shared>> -> memref<10240x128xf32, #tpu.memory_space<vmem_shared>>
      tpu.wait_indirect_dma semaphore(%run_scoped3A_274 : memref<!tpu.dma_semaphore, #tpu.memory_space<semaphore_mem>>) src(%arg8 : memref<64x128xf32, #tpu.memory_space<vmem>>) dst(%dma_wait3A_286 : memref<10240x128xf32, #tpu.memory_space<vmem_shared>>)
      tpu.yield
    }) : () -> ()
    %dma_wait3A_178 = arith.constant 37 : i32
    %dma_wait3A_179 = arith.constant 0 : i32
    %dma_wait3A_180 = tpu.memref_slice %arg6[%dma_wait3A_178, %dma_wait3A_179] : memref<40x64xi32, #tpu.memory_space<vmem>> -> memref<1x64xi32, #tpu.memory_space<vmem>>
    %dma_wait3A_181 = tpu.memref_squeeze %dma_wait3A_180 : memref<1x64xi32, #tpu.memory_space<vmem>> -> memref<64xi32, #tpu.memory_space<vmem>>
    %dma_wait3A_182 = arith.constant 0 : i32
    %dma_wait3A_183 = arith.constant 0 : i32
    %dma_wait3A_184 = tpu.memref_slice %arg2[%dma_wait3A_182, %dma_wait3A_183] : memref<10240x128xf32, #tpu.memory_space<hbm>> -> memref<10240x128xf32, #tpu.memory_space<hbm>>
    tpu.wait_indirect_dma semaphore(%arg13 : memref<!tpu.dma_semaphore, #tpu.memory_space<semaphore_mem>>) src(%dma_wait3A_184 : memref<10240x128xf32, #tpu.memory_space<hbm>>) dst(%arg9 : memref<64x128xf32, #tpu.memory_space<vmem>>)
    %run_scoped3A_185 = arith.constant 37 : i32
    "tpu.region"() ({
      %run_scoped3A_274 = tpu.sem_alloc : memref<!tpu.dma_semaphore, #tpu.memory_space<semaphore_mem>>
      %dma_start3A_275 = arith.constant 0 : i32
      %dma_start3A_276 = tpu.memref_slice %arg7[%run_scoped3A_185, %dma_start3A_275] : memref<40x64xi32, #tpu.memory_space<vmem>> -> memref<1x64xi32, #tpu.memory_space<vmem>>
      %dma_start3A_277 = tpu.memref_squeeze %dma_start3A_276 : memref<1x64xi32, #tpu.memory_space<vmem>> -> memref<64xi32, #tpu.memory_space<vmem>>
      %dma_start3A_278 = arith.constant 0 : i32
      %dma_start3A_279 = arith.constant 0 : i32
      %dma_start3A_280 = tpu.memref_slice %arg5[%dma_start3A_278, %dma_start3A_279] : memref<10240x128xf32, #tpu.memory_space<vmem_shared>> -> memref<10240x128xf32, #tpu.memory_space<vmem_shared>>
      tpu.enqueue_indirect_dma source(%arg9 : memref<64x128xf32, #tpu.memory_space<vmem>>) target(%dma_start3A_280 : memref<10240x128xf32, #tpu.memory_space<vmem_shared>>) offsets(%dma_start3A_277 : memref<64xi32, #tpu.memory_space<vmem>>) semaphore(%run_scoped3A_274 : memref<!tpu.dma_semaphore, #tpu.memory_space<semaphore_mem>>) {add = true}
      %dma_wait3A_281 = arith.constant 0 : i32
      %dma_wait3A_282 = tpu.memref_slice %arg7[%run_scoped3A_185, %dma_wait3A_281] : memref<40x64xi32, #tpu.memory_space<vmem>> -> memref<1x64xi32, #tpu.memory_space<vmem>>
      %dma_wait3A_283 = tpu.memref_squeeze %dma_wait3A_282 : memref<1x64xi32, #tpu.memory_space<vmem>> -> memref<64xi32, #tpu.memory_space<vmem>>
      %dma_wait3A_284 = arith.constant 0 : i32
      %dma_wait3A_285 = arith.constant 0 : i32
      %dma_wait3A_286 = tpu.memref_slice %arg5[%dma_wait3A_284, %dma_wait3A_285] : memref<10240x128xf32, #tpu.memory_space<vmem_shared>> -> memref<10240x128xf32, #tpu.memory_space<vmem_shared>>
      tpu.wait_indirect_dma semaphore(%run_scoped3A_274 : memref<!tpu.dma_semaphore, #tpu.memory_space<semaphore_mem>>) src(%arg9 : memref<64x128xf32, #tpu.memory_space<vmem>>) dst(%dma_wait3A_286 : memref<10240x128xf32, #tpu.memory_space<vmem_shared>>)
      tpu.yield
    }) : () -> ()
    %dma_wait3A_186 = arith.constant 38 : i32
    %dma_wait3A_187 = arith.constant 0 : i32
    %dma_wait3A_188 = tpu.memref_slice %arg6[%dma_wait3A_186, %dma_wait3A_187] : memref<40x64xi32, #tpu.memory_space<vmem>> -> memref<1x64xi32, #tpu.memory_space<vmem>>
    %dma_wait3A_189 = tpu.memref_squeeze %dma_wait3A_188 : memref<1x64xi32, #tpu.memory_space<vmem>> -> memref<64xi32, #tpu.memory_space<vmem>>
    %dma_wait3A_190 = arith.constant 0 : i32
    %dma_wait3A_191 = arith.constant 0 : i32
    %dma_wait3A_192 = tpu.memref_slice %arg2[%dma_wait3A_190, %dma_wait3A_191] : memref<10240x128xf32, #tpu.memory_space<hbm>> -> memref<10240x128xf32, #tpu.memory_space<hbm>>
    tpu.wait_indirect_dma semaphore(%arg14 : memref<!tpu.dma_semaphore, #tpu.memory_space<semaphore_mem>>) src(%dma_wait3A_192 : memref<10240x128xf32, #tpu.memory_space<hbm>>) dst(%arg10 : memref<64x128xf32, #tpu.memory_space<vmem>>)
    %run_scoped3A_193 = arith.constant 38 : i32
    "tpu.region"() ({
      %run_scoped3A_274 = tpu.sem_alloc : memref<!tpu.dma_semaphore, #tpu.memory_space<semaphore_mem>>
      %dma_start3A_275 = arith.constant 0 : i32
      %dma_start3A_276 = tpu.memref_slice %arg7[%run_scoped3A_193, %dma_start3A_275] : memref<40x64xi32, #tpu.memory_space<vmem>> -> memref<1x64xi32, #tpu.memory_space<vmem>>
      %dma_start3A_277 = tpu.memref_squeeze %dma_start3A_276 : memref<1x64xi32, #tpu.memory_space<vmem>> -> memref<64xi32, #tpu.memory_space<vmem>>
      %dma_start3A_278 = arith.constant 0 : i32
      %dma_start3A_279 = arith.constant 0 : i32
      %dma_start3A_280 = tpu.memref_slice %arg5[%dma_start3A_278, %dma_start3A_279] : memref<10240x128xf32, #tpu.memory_space<vmem_shared>> -> memref<10240x128xf32, #tpu.memory_space<vmem_shared>>
      tpu.enqueue_indirect_dma source(%arg10 : memref<64x128xf32, #tpu.memory_space<vmem>>) target(%dma_start3A_280 : memref<10240x128xf32, #tpu.memory_space<vmem_shared>>) offsets(%dma_start3A_277 : memref<64xi32, #tpu.memory_space<vmem>>) semaphore(%run_scoped3A_274 : memref<!tpu.dma_semaphore, #tpu.memory_space<semaphore_mem>>) {add = true}
      %dma_wait3A_281 = arith.constant 0 : i32
      %dma_wait3A_282 = tpu.memref_slice %arg7[%run_scoped3A_193, %dma_wait3A_281] : memref<40x64xi32, #tpu.memory_space<vmem>> -> memref<1x64xi32, #tpu.memory_space<vmem>>
      %dma_wait3A_283 = tpu.memref_squeeze %dma_wait3A_282 : memref<1x64xi32, #tpu.memory_space<vmem>> -> memref<64xi32, #tpu.memory_space<vmem>>
      %dma_wait3A_284 = arith.constant 0 : i32
      %dma_wait3A_285 = arith.constant 0 : i32
      %dma_wait3A_286 = tpu.memref_slice %arg5[%dma_wait3A_284, %dma_wait3A_285] : memref<10240x128xf32, #tpu.memory_space<vmem_shared>> -> memref<10240x128xf32, #tpu.memory_space<vmem_shared>>
      tpu.wait_indirect_dma semaphore(%run_scoped3A_274 : memref<!tpu.dma_semaphore, #tpu.memory_space<semaphore_mem>>) src(%arg10 : memref<64x128xf32, #tpu.memory_space<vmem>>) dst(%dma_wait3A_286 : memref<10240x128xf32, #tpu.memory_space<vmem_shared>>)
      tpu.yield
    }) : () -> ()
    %dma_wait3A_194 = arith.constant 39 : i32
    %dma_wait3A_195 = arith.constant 0 : i32
    %dma_wait3A_196 = tpu.memref_slice %arg6[%dma_wait3A_194, %dma_wait3A_195] : memref<40x64xi32, #tpu.memory_space<vmem>> -> memref<1x64xi32, #tpu.memory_space<vmem>>
    %dma_wait3A_197 = tpu.memref_squeeze %dma_wait3A_196 : memref<1x64xi32, #tpu.memory_space<vmem>> -> memref<64xi32, #tpu.memory_space<vmem>>
    %dma_wait3A_198 = arith.constant 0 : i32
    %dma_wait3A_199 = arith.constant 0 : i32
    %dma_wait3A_200 = tpu.memref_slice %arg2[%dma_wait3A_198, %dma_wait3A_199] : memref<10240x128xf32, #tpu.memory_space<hbm>> -> memref<10240x128xf32, #tpu.memory_space<hbm>>
    tpu.wait_indirect_dma semaphore(%arg15 : memref<!tpu.dma_semaphore, #tpu.memory_space<semaphore_mem>>) src(%dma_wait3A_200 : memref<10240x128xf32, #tpu.memory_space<hbm>>) dst(%arg11 : memref<64x128xf32, #tpu.memory_space<vmem>>)
    %run_scoped3A_201 = arith.constant 39 : i32
    "tpu.region"() ({
      %run_scoped3A_274 = tpu.sem_alloc : memref<!tpu.dma_semaphore, #tpu.memory_space<semaphore_mem>>
      %dma_start3A_275 = arith.constant 0 : i32
      %dma_start3A_276 = tpu.memref_slice %arg7[%run_scoped3A_201, %dma_start3A_275] : memref<40x64xi32, #tpu.memory_space<vmem>> -> memref<1x64xi32, #tpu.memory_space<vmem>>
      %dma_start3A_277 = tpu.memref_squeeze %dma_start3A_276 : memref<1x64xi32, #tpu.memory_space<vmem>> -> memref<64xi32, #tpu.memory_space<vmem>>
      %dma_start3A_278 = arith.constant 0 : i32
      %dma_start3A_279 = arith.constant 0 : i32
      %dma_start3A_280 = tpu.memref_slice %arg5[%dma_start3A_278, %dma_start3A_279] : memref<10240x128xf32, #tpu.memory_space<vmem_shared>> -> memref<10240x128xf32, #tpu.memory_space<vmem_shared>>
      tpu.enqueue_indirect_dma source(%arg11 : memref<64x128xf32, #tpu.memory_space<vmem>>) target(%dma_start3A_280 : memref<10240x128xf32, #tpu.memory_space<vmem_shared>>) offsets(%dma_start3A_277 : memref<64xi32, #tpu.memory_space<vmem>>) semaphore(%run_scoped3A_274 : memref<!tpu.dma_semaphore, #tpu.memory_space<semaphore_mem>>) {add = true}
      %dma_wait3A_281 = arith.constant 0 : i32
      %dma_wait3A_282 = tpu.memref_slice %arg7[%run_scoped3A_201, %dma_wait3A_281] : memref<40x64xi32, #tpu.memory_space<vmem>> -> memref<1x64xi32, #tpu.memory_space<vmem>>
      %dma_wait3A_283 = tpu.memref_squeeze %dma_wait3A_282 : memref<1x64xi32, #tpu.memory_space<vmem>> -> memref<64xi32, #tpu.memory_space<vmem>>
      %dma_wait3A_284 = arith.constant 0 : i32
      %dma_wait3A_285 = arith.constant 0 : i32
      %dma_wait3A_286 = tpu.memref_slice %arg5[%dma_wait3A_284, %dma_wait3A_285] : memref<10240x128xf32, #tpu.memory_space<vmem_shared>> -> memref<10240x128xf32, #tpu.memory_space<vmem_shared>>
      tpu.wait_indirect_dma semaphore(%run_scoped3A_274 : memref<!tpu.dma_semaphore, #tpu.memory_space<semaphore_mem>>) src(%arg11 : memref<64x128xf32, #tpu.memory_space<vmem>>) dst(%dma_wait3A_286 : memref<10240x128xf32, #tpu.memory_space<vmem_shared>>)
      tpu.yield
    }) : () -> ()
    %run_scoped3A_202 = arith.constant 0 : i32
    "tpu.region"() ({
      %run_scoped3A_274 = tpu.sem_alloc : memref<!tpu.dma_semaphore, #tpu.memory_space<semaphore_mem>>
      %dma_start3A_275 = arith.constant 120 : i32
      %dma_start3A_276 = arith.constant 0 : i32
      %dma_start3A_277 = tpu.memref_slice %arg3[%run_scoped3A_202, %add3A, %dma_start3A_275, %dma_start3A_276] : memref<2x32x160x64xi32, #tpu.memory_space<hbm>> -> memref<1x1x40x64xi32, #tpu.memory_space<hbm>>
      %dma_start3A_278 = tpu.memref_squeeze %dma_start3A_277 : memref<1x1x40x64xi32, #tpu.memory_space<hbm>> -> memref<40x64xi32, #tpu.memory_space<hbm>>
      %dma_start3A_279 = arith.constant 120 : i32
      %dma_start3A_280 = arith.constant 0 : i32
      %dma_start3A_281 = tpu.memref_slice %arg3[%run_scoped3A_202, %add3A, %dma_start3A_279, %dma_start3A_280] : memref<2x32x160x64xi32, #tpu.memory_space<hbm>> -> memref<1x1x40x64xi32, #tpu.memory_space<hbm>>
      %dma_start3A_282 = tpu.memref_squeeze %dma_start3A_281 : memref<1x1x40x64xi32, #tpu.memory_space<hbm>> -> memref<40x64xi32, #tpu.memory_space<hbm>>
      tpu.enqueue_dma source(%dma_start3A_282 : memref<40x64xi32, #tpu.memory_space<hbm>>) target(%arg6 : memref<40x64xi32, #tpu.memory_space<vmem>>) target_semaphore(%run_scoped3A_274 : memref<!tpu.dma_semaphore, #tpu.memory_space<semaphore_mem>>)
      %dma_wait3A_283 = arith.constant 120 : i32
      %dma_wait3A_284 = arith.constant 0 : i32
      %dma_wait3A_285 = tpu.memref_slice %arg3[%run_scoped3A_202, %add3A, %dma_wait3A_283, %dma_wait3A_284] : memref<2x32x160x64xi32, #tpu.memory_space<hbm>> -> memref<1x1x40x64xi32, #tpu.memory_space<hbm>>
      %dma_wait3A_286 = tpu.memref_squeeze %dma_wait3A_285 : memref<1x1x40x64xi32, #tpu.memory_space<hbm>> -> memref<40x64xi32, #tpu.memory_space<hbm>>
      %dma_wait3A_287 = arith.constant 120 : i32
      %dma_wait3A_288 = arith.constant 0 : i32
      %dma_wait3A_289 = tpu.memref_slice %arg3[%run_scoped3A_202, %add3A, %dma_wait3A_287, %dma_wait3A_288] : memref<2x32x160x64xi32, #tpu.memory_space<hbm>> -> memref<1x1x40x64xi32, #tpu.memory_space<hbm>>
      %dma_wait3A_290 = tpu.memref_squeeze %dma_wait3A_289 : memref<1x1x40x64xi32, #tpu.memory_space<hbm>> -> memref<40x64xi32, #tpu.memory_space<hbm>>
      tpu.wait_dma2 semaphore(%run_scoped3A_274 : memref<!tpu.dma_semaphore, #tpu.memory_space<semaphore_mem>>) src(%dma_wait3A_290 : memref<40x64xi32, #tpu.memory_space<hbm>>) dst(%arg6 : memref<40x64xi32, #tpu.memory_space<vmem>>)
      tpu.yield
    }) : () -> ()
    %run_scoped3A_203 = arith.constant 1 : i32
    "tpu.region"() ({
      %run_scoped3A_274 = tpu.sem_alloc : memref<!tpu.dma_semaphore, #tpu.memory_space<semaphore_mem>>
      %dma_start3A_275 = arith.constant 120 : i32
      %dma_start3A_276 = arith.constant 0 : i32
      %dma_start3A_277 = tpu.memref_slice %arg3[%run_scoped3A_203, %add3A, %dma_start3A_275, %dma_start3A_276] : memref<2x32x160x64xi32, #tpu.memory_space<hbm>> -> memref<1x1x40x64xi32, #tpu.memory_space<hbm>>
      %dma_start3A_278 = tpu.memref_squeeze %dma_start3A_277 : memref<1x1x40x64xi32, #tpu.memory_space<hbm>> -> memref<40x64xi32, #tpu.memory_space<hbm>>
      %dma_start3A_279 = arith.constant 120 : i32
      %dma_start3A_280 = arith.constant 0 : i32
      %dma_start3A_281 = tpu.memref_slice %arg3[%run_scoped3A_203, %add3A, %dma_start3A_279, %dma_start3A_280] : memref<2x32x160x64xi32, #tpu.memory_space<hbm>> -> memref<1x1x40x64xi32, #tpu.memory_space<hbm>>
      %dma_start3A_282 = tpu.memref_squeeze %dma_start3A_281 : memref<1x1x40x64xi32, #tpu.memory_space<hbm>> -> memref<40x64xi32, #tpu.memory_space<hbm>>
      tpu.enqueue_dma source(%dma_start3A_282 : memref<40x64xi32, #tpu.memory_space<hbm>>) target(%arg7 : memref<40x64xi32, #tpu.memory_space<vmem>>) target_semaphore(%run_scoped3A_274 : memref<!tpu.dma_semaphore, #tpu.memory_space<semaphore_mem>>)
      %dma_wait3A_283 = arith.constant 120 : i32
      %dma_wait3A_284 = arith.constant 0 : i32
      %dma_wait3A_285 = tpu.memref_slice %arg3[%run_scoped3A_203, %add3A, %dma_wait3A_283, %dma_wait3A_284] : memref<2x32x160x64xi32, #tpu.memory_space<hbm>> -> memref<1x1x40x64xi32, #tpu.memory_space<hbm>>
      %dma_wait3A_286 = tpu.memref_squeeze %dma_wait3A_285 : memref<1x1x40x64xi32, #tpu.memory_space<hbm>> -> memref<40x64xi32, #tpu.memory_space<hbm>>
      %dma_wait3A_287 = arith.constant 120 : i32
      %dma_wait3A_288 = arith.constant 0 : i32
      %dma_wait3A_289 = tpu.memref_slice %arg3[%run_scoped3A_203, %add3A, %dma_wait3A_287, %dma_wait3A_288] : memref<2x32x160x64xi32, #tpu.memory_space<hbm>> -> memref<1x1x40x64xi32, #tpu.memory_space<hbm>>
      %dma_wait3A_290 = tpu.memref_squeeze %dma_wait3A_289 : memref<1x1x40x64xi32, #tpu.memory_space<hbm>> -> memref<40x64xi32, #tpu.memory_space<hbm>>
      tpu.wait_dma2 semaphore(%run_scoped3A_274 : memref<!tpu.dma_semaphore, #tpu.memory_space<semaphore_mem>>) src(%dma_wait3A_290 : memref<40x64xi32, #tpu.memory_space<hbm>>) dst(%arg7 : memref<40x64xi32, #tpu.memory_space<vmem>>)
      tpu.yield
    }) : () -> ()
    %dma_start3A_204 = arith.constant 0 : i32
    %dma_start3A_205 = arith.constant 0 : i32
    %dma_start3A_206 = tpu.memref_slice %arg6[%dma_start3A_204, %dma_start3A_205] : memref<40x64xi32, #tpu.memory_space<vmem>> -> memref<1x64xi32, #tpu.memory_space<vmem>>
    %dma_start3A_207 = tpu.memref_squeeze %dma_start3A_206 : memref<1x64xi32, #tpu.memory_space<vmem>> -> memref<64xi32, #tpu.memory_space<vmem>>
    %dma_start3A_208 = arith.constant 0 : i32
    %dma_start3A_209 = arith.constant 0 : i32
    %dma_start3A_210 = tpu.memref_slice %arg2[%dma_start3A_208, %dma_start3A_209] : memref<10240x128xf32, #tpu.memory_space<hbm>> -> memref<10240x128xf32, #tpu.memory_space<hbm>>
    tpu.enqueue_indirect_dma source(%dma_start3A_210 : memref<10240x128xf32, #tpu.memory_space<hbm>>) target(%arg8 : memref<64x128xf32, #tpu.memory_space<vmem>>) offsets(%dma_start3A_207 : memref<64xi32, #tpu.memory_space<vmem>>) semaphore(%arg12 : memref<!tpu.dma_semaphore, #tpu.memory_space<semaphore_mem>>)
    %dma_start3A_211 = arith.constant 1 : i32
    %dma_start3A_212 = arith.constant 0 : i32
    %dma_start3A_213 = tpu.memref_slice %arg6[%dma_start3A_211, %dma_start3A_212] : memref<40x64xi32, #tpu.memory_space<vmem>> -> memref<1x64xi32, #tpu.memory_space<vmem>>
    %dma_start3A_214 = tpu.memref_squeeze %dma_start3A_213 : memref<1x64xi32, #tpu.memory_space<vmem>> -> memref<64xi32, #tpu.memory_space<vmem>>
    %dma_start3A_215 = arith.constant 0 : i32
    %dma_start3A_216 = arith.constant 0 : i32
    %dma_start3A_217 = tpu.memref_slice %arg2[%dma_start3A_215, %dma_start3A_216] : memref<10240x128xf32, #tpu.memory_space<hbm>> -> memref<10240x128xf32, #tpu.memory_space<hbm>>
    tpu.enqueue_indirect_dma source(%dma_start3A_217 : memref<10240x128xf32, #tpu.memory_space<hbm>>) target(%arg9 : memref<64x128xf32, #tpu.memory_space<vmem>>) offsets(%dma_start3A_214 : memref<64xi32, #tpu.memory_space<vmem>>) semaphore(%arg13 : memref<!tpu.dma_semaphore, #tpu.memory_space<semaphore_mem>>)
    %dma_start3A_218 = arith.constant 2 : i32
    %dma_start3A_219 = arith.constant 0 : i32
    %dma_start3A_220 = tpu.memref_slice %arg6[%dma_start3A_218, %dma_start3A_219] : memref<40x64xi32, #tpu.memory_space<vmem>> -> memref<1x64xi32, #tpu.memory_space<vmem>>
    %dma_start3A_221 = tpu.memref_squeeze %dma_start3A_220 : memref<1x64xi32, #tpu.memory_space<vmem>> -> memref<64xi32, #tpu.memory_space<vmem>>
    %dma_start3A_222 = arith.constant 0 : i32
    %dma_start3A_223 = arith.constant 0 : i32
    %dma_start3A_224 = tpu.memref_slice %arg2[%dma_start3A_222, %dma_start3A_223] : memref<10240x128xf32, #tpu.memory_space<hbm>> -> memref<10240x128xf32, #tpu.memory_space<hbm>>
    tpu.enqueue_indirect_dma source(%dma_start3A_224 : memref<10240x128xf32, #tpu.memory_space<hbm>>) target(%arg10 : memref<64x128xf32, #tpu.memory_space<vmem>>) offsets(%dma_start3A_221 : memref<64xi32, #tpu.memory_space<vmem>>) semaphore(%arg14 : memref<!tpu.dma_semaphore, #tpu.memory_space<semaphore_mem>>)
    %dma_start3A_225 = arith.constant 3 : i32
    %dma_start3A_226 = arith.constant 0 : i32
    %dma_start3A_227 = tpu.memref_slice %arg6[%dma_start3A_225, %dma_start3A_226] : memref<40x64xi32, #tpu.memory_space<vmem>> -> memref<1x64xi32, #tpu.memory_space<vmem>>
    %dma_start3A_228 = tpu.memref_squeeze %dma_start3A_227 : memref<1x64xi32, #tpu.memory_space<vmem>> -> memref<64xi32, #tpu.memory_space<vmem>>
    %dma_start3A_229 = arith.constant 0 : i32
    %dma_start3A_230 = arith.constant 0 : i32
    %dma_start3A_231 = tpu.memref_slice %arg2[%dma_start3A_229, %dma_start3A_230] : memref<10240x128xf32, #tpu.memory_space<hbm>> -> memref<10240x128xf32, #tpu.memory_space<hbm>>
    tpu.enqueue_indirect_dma source(%dma_start3A_231 : memref<10240x128xf32, #tpu.memory_space<hbm>>) target(%arg11 : memref<64x128xf32, #tpu.memory_space<vmem>>) offsets(%dma_start3A_228 : memref<64xi32, #tpu.memory_space<vmem>>) semaphore(%arg15 : memref<!tpu.dma_semaphore, #tpu.memory_space<semaphore_mem>>)
    %scan3A_232 = arith.constant 0 : i32
    %scan3A_233 = arith.constant 9 : i32
    %scan3A_234 = arith.addi %scan3A_232, %scan3A_233 : i32
    %scan3A_235 = arith.constant 1 : i32
    scf.for %scan3A_274 = %scan3A_232 to %scan3A_234 step %scan3A_235  : i32 {
      %mul3A_275 = arith.constant 4 : i32
      %mul3A_276 = arith.muli %scan3A_274, %mul3A_275 : i32
      %add3A_277 = arith.constant 0 : i32
      %add3A_278 = arith.addi %add3A_277, %mul3A_276 : i32
      %add3A_279 = arith.constant 0 : i32
      %add3A_280 = arith.addi %add3A_278, %add3A_279 : i32
      %dma_wait3A_281 = arith.constant 0 : i32
      %dma_wait3A_282 = tpu.memref_slice %arg6[%add3A_280, %dma_wait3A_281] : memref<40x64xi32, #tpu.memory_space<vmem>> -> memref<1x64xi32, #tpu.memory_space<vmem>>
      %dma_wait3A_283 = tpu.memref_squeeze %dma_wait3A_282 : memref<1x64xi32, #tpu.memory_space<vmem>> -> memref<64xi32, #tpu.memory_space<vmem>>
      %dma_wait3A_284 = arith.constant 0 : i32
      %dma_wait3A_285 = arith.constant 0 : i32
      %dma_wait3A_286 = tpu.memref_slice %arg2[%dma_wait3A_284, %dma_wait3A_285] : memref<10240x128xf32, #tpu.memory_space<hbm>> -> memref<10240x128xf32, #tpu.memory_space<hbm>>
      tpu.wait_indirect_dma semaphore(%arg12 : memref<!tpu.dma_semaphore, #tpu.memory_space<semaphore_mem>>) src(%dma_wait3A_286 : memref<10240x128xf32, #tpu.memory_space<hbm>>) dst(%arg8 : memref<64x128xf32, #tpu.memory_space<vmem>>)
      "tpu.region"() ({
        %run_scoped3A_351 = tpu.sem_alloc : memref<!tpu.dma_semaphore, #tpu.memory_space<semaphore_mem>>
        %dma_start3A_352 = arith.constant 0 : i32
        %dma_start3A_353 = tpu.memref_slice %arg7[%add3A_280, %dma_start3A_352] : memref<40x64xi32, #tpu.memory_space<vmem>> -> memref<1x64xi32, #tpu.memory_space<vmem>>
        %dma_start3A_354 = tpu.memref_squeeze %dma_start3A_353 : memref<1x64xi32, #tpu.memory_space<vmem>> -> memref<64xi32, #tpu.memory_space<vmem>>
        %dma_start3A_355 = arith.constant 0 : i32
        %dma_start3A_356 = arith.constant 0 : i32
        %dma_start3A_357 = tpu.memref_slice %arg5[%dma_start3A_355, %dma_start3A_356] : memref<10240x128xf32, #tpu.memory_space<vmem_shared>> -> memref<10240x128xf32, #tpu.memory_space<vmem_shared>>
        tpu.enqueue_indirect_dma source(%arg8 : memref<64x128xf32, #tpu.memory_space<vmem>>) target(%dma_start3A_357 : memref<10240x128xf32, #tpu.memory_space<vmem_shared>>) offsets(%dma_start3A_354 : memref<64xi32, #tpu.memory_space<vmem>>) semaphore(%run_scoped3A_351 : memref<!tpu.dma_semaphore, #tpu.memory_space<semaphore_mem>>) {add = true}
        %dma_wait3A_358 = arith.constant 0 : i32
        %dma_wait3A_359 = tpu.memref_slice %arg7[%add3A_280, %dma_wait3A_358] : memref<40x64xi32, #tpu.memory_space<vmem>> -> memref<1x64xi32, #tpu.memory_space<vmem>>
        %dma_wait3A_360 = tpu.memref_squeeze %dma_wait3A_359 : memref<1x64xi32, #tpu.memory_space<vmem>> -> memref<64xi32, #tpu.memory_space<vmem>>
        %dma_wait3A_361 = arith.constant 0 : i32
        %dma_wait3A_362 = arith.constant 0 : i32
        %dma_wait3A_363 = tpu.memref_slice %arg5[%dma_wait3A_361, %dma_wait3A_362] : memref<10240x128xf32, #tpu.memory_space<vmem_shared>> -> memref<10240x128xf32, #tpu.memory_space<vmem_shared>>
        tpu.wait_indirect_dma semaphore(%run_scoped3A_351 : memref<!tpu.dma_semaphore, #tpu.memory_space<semaphore_mem>>) src(%arg8 : memref<64x128xf32, #tpu.memory_space<vmem>>) dst(%dma_wait3A_363 : memref<10240x128xf32, #tpu.memory_space<vmem_shared>>)
        tpu.yield
      }) : () -> ()
      %add3A_287 = arith.constant 4 : i32
      %add3A_288 = arith.addi %add3A_278, %add3A_287 : i32
      %add3A_289 = arith.constant 0 : i32
      %add3A_290 = arith.addi %add3A_288, %add3A_289 : i32
      %dma_start3A_291 = arith.constant 0 : i32
      %dma_start3A_292 = tpu.memref_slice %arg6[%add3A_290, %dma_start3A_291] : memref<40x64xi32, #tpu.memory_space<vmem>> -> memref<1x64xi32, #tpu.memory_space<vmem>>
      %dma_start3A_293 = tpu.memref_squeeze %dma_start3A_292 : memref<1x64xi32, #tpu.memory_space<vmem>> -> memref<64xi32, #tpu.memory_space<vmem>>
      %dma_start3A_294 = arith.constant 0 : i32
      %dma_start3A_295 = arith.constant 0 : i32
      %dma_start3A_296 = tpu.memref_slice %arg2[%dma_start3A_294, %dma_start3A_295] : memref<10240x128xf32, #tpu.memory_space<hbm>> -> memref<10240x128xf32, #tpu.memory_space<hbm>>
      tpu.enqueue_indirect_dma source(%dma_start3A_296 : memref<10240x128xf32, #tpu.memory_space<hbm>>) target(%arg8 : memref<64x128xf32, #tpu.memory_space<vmem>>) offsets(%dma_start3A_293 : memref<64xi32, #tpu.memory_space<vmem>>) semaphore(%arg12 : memref<!tpu.dma_semaphore, #tpu.memory_space<semaphore_mem>>)
      %add3A_297 = arith.constant 1 : i32
      %add3A_298 = arith.addi %add3A_278, %add3A_297 : i32
      %dma_wait3A_299 = arith.constant 0 : i32
      %dma_wait3A_300 = tpu.memref_slice %arg6[%add3A_298, %dma_wait3A_299] : memref<40x64xi32, #tpu.memory_space<vmem>> -> memref<1x64xi32, #tpu.memory_space<vmem>>
      %dma_wait3A_301 = tpu.memref_squeeze %dma_wait3A_300 : memref<1x64xi32, #tpu.memory_space<vmem>> -> memref<64xi32, #tpu.memory_space<vmem>>
      %dma_wait3A_302 = arith.constant 0 : i32
      %dma_wait3A_303 = arith.constant 0 : i32
      %dma_wait3A_304 = tpu.memref_slice %arg2[%dma_wait3A_302, %dma_wait3A_303] : memref<10240x128xf32, #tpu.memory_space<hbm>> -> memref<10240x128xf32, #tpu.memory_space<hbm>>
      tpu.wait_indirect_dma semaphore(%arg13 : memref<!tpu.dma_semaphore, #tpu.memory_space<semaphore_mem>>) src(%dma_wait3A_304 : memref<10240x128xf32, #tpu.memory_space<hbm>>) dst(%arg9 : memref<64x128xf32, #tpu.memory_space<vmem>>)
      "tpu.region"() ({
        %run_scoped3A_351 = tpu.sem_alloc : memref<!tpu.dma_semaphore, #tpu.memory_space<semaphore_mem>>
        %dma_start3A_352 = arith.constant 0 : i32
        %dma_start3A_353 = tpu.memref_slice %arg7[%add3A_298, %dma_start3A_352] : memref<40x64xi32, #tpu.memory_space<vmem>> -> memref<1x64xi32, #tpu.memory_space<vmem>>
        %dma_start3A_354 = tpu.memref_squeeze %dma_start3A_353 : memref<1x64xi32, #tpu.memory_space<vmem>> -> memref<64xi32, #tpu.memory_space<vmem>>
        %dma_start3A_355 = arith.constant 0 : i32
        %dma_start3A_356 = arith.constant 0 : i32
        %dma_start3A_357 = tpu.memref_slice %arg5[%dma_start3A_355, %dma_start3A_356] : memref<10240x128xf32, #tpu.memory_space<vmem_shared>> -> memref<10240x128xf32, #tpu.memory_space<vmem_shared>>
        tpu.enqueue_indirect_dma source(%arg9 : memref<64x128xf32, #tpu.memory_space<vmem>>) target(%dma_start3A_357 : memref<10240x128xf32, #tpu.memory_space<vmem_shared>>) offsets(%dma_start3A_354 : memref<64xi32, #tpu.memory_space<vmem>>) semaphore(%run_scoped3A_351 : memref<!tpu.dma_semaphore, #tpu.memory_space<semaphore_mem>>) {add = true}
        %dma_wait3A_358 = arith.constant 0 : i32
        %dma_wait3A_359 = tpu.memref_slice %arg7[%add3A_298, %dma_wait3A_358] : memref<40x64xi32, #tpu.memory_space<vmem>> -> memref<1x64xi32, #tpu.memory_space<vmem>>
        %dma_wait3A_360 = tpu.memref_squeeze %dma_wait3A_359 : memref<1x64xi32, #tpu.memory_space<vmem>> -> memref<64xi32, #tpu.memory_space<vmem>>
        %dma_wait3A_361 = arith.constant 0 : i32
        %dma_wait3A_362 = arith.constant 0 : i32
        %dma_wait3A_363 = tpu.memref_slice %arg5[%dma_wait3A_361, %dma_wait3A_362] : memref<10240x128xf32, #tpu.memory_space<vmem_shared>> -> memref<10240x128xf32, #tpu.memory_space<vmem_shared>>
        tpu.wait_indirect_dma semaphore(%run_scoped3A_351 : memref<!tpu.dma_semaphore, #tpu.memory_space<semaphore_mem>>) src(%arg9 : memref<64x128xf32, #tpu.memory_space<vmem>>) dst(%dma_wait3A_363 : memref<10240x128xf32, #tpu.memory_space<vmem_shared>>)
        tpu.yield
      }) : () -> ()
      %add3A_305 = arith.constant 4 : i32
      %add3A_306 = arith.addi %add3A_278, %add3A_305 : i32
      %add3A_307 = arith.constant 1 : i32
      %add3A_308 = arith.addi %add3A_306, %add3A_307 : i32
      %dma_start3A_309 = arith.constant 0 : i32
      %dma_start3A_310 = tpu.memref_slice %arg6[%add3A_308, %dma_start3A_309] : memref<40x64xi32, #tpu.memory_space<vmem>> -> memref<1x64xi32, #tpu.memory_space<vmem>>
      %dma_start3A_311 = tpu.memref_squeeze %dma_start3A_310 : memref<1x64xi32, #tpu.memory_space<vmem>> -> memref<64xi32, #tpu.memory_space<vmem>>
      %dma_start3A_312 = arith.constant 0 : i32
      %dma_start3A_313 = arith.constant 0 : i32
      %dma_start3A_314 = tpu.memref_slice %arg2[%dma_start3A_312, %dma_start3A_313] : memref<10240x128xf32, #tpu.memory_space<hbm>> -> memref<10240x128xf32, #tpu.memory_space<hbm>>
      tpu.enqueue_indirect_dma source(%dma_start3A_314 : memref<10240x128xf32, #tpu.memory_space<hbm>>) target(%arg9 : memref<64x128xf32, #tpu.memory_space<vmem>>) offsets(%dma_start3A_311 : memref<64xi32, #tpu.memory_space<vmem>>) semaphore(%arg13 : memref<!tpu.dma_semaphore, #tpu.memory_space<semaphore_mem>>)
      %add3A_315 = arith.constant 2 : i32
      %add3A_316 = arith.addi %add3A_278, %add3A_315 : i32
      %dma_wait3A_317 = arith.constant 0 : i32
      %dma_wait3A_318 = tpu.memref_slice %arg6[%add3A_316, %dma_wait3A_317] : memref<40x64xi32, #tpu.memory_space<vmem>> -> memref<1x64xi32, #tpu.memory_space<vmem>>
      %dma_wait3A_319 = tpu.memref_squeeze %dma_wait3A_318 : memref<1x64xi32, #tpu.memory_space<vmem>> -> memref<64xi32, #tpu.memory_space<vmem>>
      %dma_wait3A_320 = arith.constant 0 : i32
      %dma_wait3A_321 = arith.constant 0 : i32
      %dma_wait3A_322 = tpu.memref_slice %arg2[%dma_wait3A_320, %dma_wait3A_321] : memref<10240x128xf32, #tpu.memory_space<hbm>> -> memref<10240x128xf32, #tpu.memory_space<hbm>>
      tpu.wait_indirect_dma semaphore(%arg14 : memref<!tpu.dma_semaphore, #tpu.memory_space<semaphore_mem>>) src(%dma_wait3A_322 : memref<10240x128xf32, #tpu.memory_space<hbm>>) dst(%arg10 : memref<64x128xf32, #tpu.memory_space<vmem>>)
      "tpu.region"() ({
        %run_scoped3A_351 = tpu.sem_alloc : memref<!tpu.dma_semaphore, #tpu.memory_space<semaphore_mem>>
        %dma_start3A_352 = arith.constant 0 : i32
        %dma_start3A_353 = tpu.memref_slice %arg7[%add3A_316, %dma_start3A_352] : memref<40x64xi32, #tpu.memory_space<vmem>> -> memref<1x64xi32, #tpu.memory_space<vmem>>
        %dma_start3A_354 = tpu.memref_squeeze %dma_start3A_353 : memref<1x64xi32, #tpu.memory_space<vmem>> -> memref<64xi32, #tpu.memory_space<vmem>>
        %dma_start3A_355 = arith.constant 0 : i32
        %dma_start3A_356 = arith.constant 0 : i32
        %dma_start3A_357 = tpu.memref_slice %arg5[%dma_start3A_355, %dma_start3A_356] : memref<10240x128xf32, #tpu.memory_space<vmem_shared>> -> memref<10240x128xf32, #tpu.memory_space<vmem_shared>>
        tpu.enqueue_indirect_dma source(%arg10 : memref<64x128xf32, #tpu.memory_space<vmem>>) target(%dma_start3A_357 : memref<10240x128xf32, #tpu.memory_space<vmem_shared>>) offsets(%dma_start3A_354 : memref<64xi32, #tpu.memory_space<vmem>>) semaphore(%run_scoped3A_351 : memref<!tpu.dma_semaphore, #tpu.memory_space<semaphore_mem>>) {add = true}
        %dma_wait3A_358 = arith.constant 0 : i32
        %dma_wait3A_359 = tpu.memref_slice %arg7[%add3A_316, %dma_wait3A_358] : memref<40x64xi32, #tpu.memory_space<vmem>> -> memref<1x64xi32, #tpu.memory_space<vmem>>
        %dma_wait3A_360 = tpu.memref_squeeze %dma_wait3A_359 : memref<1x64xi32, #tpu.memory_space<vmem>> -> memref<64xi32, #tpu.memory_space<vmem>>
        %dma_wait3A_361 = arith.constant 0 : i32
        %dma_wait3A_362 = arith.constant 0 : i32
        %dma_wait3A_363 = tpu.memref_slice %arg5[%dma_wait3A_361, %dma_wait3A_362] : memref<10240x128xf32, #tpu.memory_space<vmem_shared>> -> memref<10240x128xf32, #tpu.memory_space<vmem_shared>>
        tpu.wait_indirect_dma semaphore(%run_scoped3A_351 : memref<!tpu.dma_semaphore, #tpu.memory_space<semaphore_mem>>) src(%arg10 : memref<64x128xf32, #tpu.memory_space<vmem>>) dst(%dma_wait3A_363 : memref<10240x128xf32, #tpu.memory_space<vmem_shared>>)
        tpu.yield
      }) : () -> ()
      %add3A_323 = arith.constant 4 : i32
      %add3A_324 = arith.addi %add3A_278, %add3A_323 : i32
      %add3A_325 = arith.constant 2 : i32
      %add3A_326 = arith.addi %add3A_324, %add3A_325 : i32
      %dma_start3A_327 = arith.constant 0 : i32
      %dma_start3A_328 = tpu.memref_slice %arg6[%add3A_326, %dma_start3A_327] : memref<40x64xi32, #tpu.memory_space<vmem>> -> memref<1x64xi32, #tpu.memory_space<vmem>>
      %dma_start3A_329 = tpu.memref_squeeze %dma_start3A_328 : memref<1x64xi32, #tpu.memory_space<vmem>> -> memref<64xi32, #tpu.memory_space<vmem>>
      %dma_start3A_330 = arith.constant 0 : i32
      %dma_start3A_331 = arith.constant 0 : i32
      %dma_start3A_332 = tpu.memref_slice %arg2[%dma_start3A_330, %dma_start3A_331] : memref<10240x128xf32, #tpu.memory_space<hbm>> -> memref<10240x128xf32, #tpu.memory_space<hbm>>
      tpu.enqueue_indirect_dma source(%dma_start3A_332 : memref<10240x128xf32, #tpu.memory_space<hbm>>) target(%arg10 : memref<64x128xf32, #tpu.memory_space<vmem>>) offsets(%dma_start3A_329 : memref<64xi32, #tpu.memory_space<vmem>>) semaphore(%arg14 : memref<!tpu.dma_semaphore, #tpu.memory_space<semaphore_mem>>)
      %add3A_333 = arith.constant 3 : i32
      %add3A_334 = arith.addi %add3A_278, %add3A_333 : i32
      %dma_wait3A_335 = arith.constant 0 : i32
      %dma_wait3A_336 = tpu.memref_slice %arg6[%add3A_334, %dma_wait3A_335] : memref<40x64xi32, #tpu.memory_space<vmem>> -> memref<1x64xi32, #tpu.memory_space<vmem>>
      %dma_wait3A_337 = tpu.memref_squeeze %dma_wait3A_336 : memref<1x64xi32, #tpu.memory_space<vmem>> -> memref<64xi32, #tpu.memory_space<vmem>>
      %dma_wait3A_338 = arith.constant 0 : i32
      %dma_wait3A_339 = arith.constant 0 : i32
      %dma_wait3A_340 = tpu.memref_slice %arg2[%dma_wait3A_338, %dma_wait3A_339] : memref<10240x128xf32, #tpu.memory_space<hbm>> -> memref<10240x128xf32, #tpu.memory_space<hbm>>
      tpu.wait_indirect_dma semaphore(%arg15 : memref<!tpu.dma_semaphore, #tpu.memory_space<semaphore_mem>>) src(%dma_wait3A_340 : memref<10240x128xf32, #tpu.memory_space<hbm>>) dst(%arg11 : memref<64x128xf32, #tpu.memory_space<vmem>>)
      "tpu.region"() ({
        %run_scoped3A_351 = tpu.sem_alloc : memref<!tpu.dma_semaphore, #tpu.memory_space<semaphore_mem>>
        %dma_start3A_352 = arith.constant 0 : i32
        %dma_start3A_353 = tpu.memref_slice %arg7[%add3A_334, %dma_start3A_352] : memref<40x64xi32, #tpu.memory_space<vmem>> -> memref<1x64xi32, #tpu.memory_space<vmem>>
        %dma_start3A_354 = tpu.memref_squeeze %dma_start3A_353 : memref<1x64xi32, #tpu.memory_space<vmem>> -> memref<64xi32, #tpu.memory_space<vmem>>
        %dma_start3A_355 = arith.constant 0 : i32
        %dma_start3A_356 = arith.constant 0 : i32
        %dma_start3A_357 = tpu.memref_slice %arg5[%dma_start3A_355, %dma_start3A_356] : memref<10240x128xf32, #tpu.memory_space<vmem_shared>> -> memref<10240x128xf32, #tpu.memory_space<vmem_shared>>
        tpu.enqueue_indirect_dma source(%arg11 : memref<64x128xf32, #tpu.memory_space<vmem>>) target(%dma_start3A_357 : memref<10240x128xf32, #tpu.memory_space<vmem_shared>>) offsets(%dma_start3A_354 : memref<64xi32, #tpu.memory_space<vmem>>) semaphore(%run_scoped3A_351 : memref<!tpu.dma_semaphore, #tpu.memory_space<semaphore_mem>>) {add = true}
        %dma_wait3A_358 = arith.constant 0 : i32
        %dma_wait3A_359 = tpu.memref_slice %arg7[%add3A_334, %dma_wait3A_358] : memref<40x64xi32, #tpu.memory_space<vmem>> -> memref<1x64xi32, #tpu.memory_space<vmem>>
        %dma_wait3A_360 = tpu.memref_squeeze %dma_wait3A_359 : memref<1x64xi32, #tpu.memory_space<vmem>> -> memref<64xi32, #tpu.memory_space<vmem>>
        %dma_wait3A_361 = arith.constant 0 : i32
        %dma_wait3A_362 = arith.constant 0 : i32
        %dma_wait3A_363 = tpu.memref_slice %arg5[%dma_wait3A_361, %dma_wait3A_362] : memref<10240x128xf32, #tpu.memory_space<vmem_shared>> -> memref<10240x128xf32, #tpu.memory_space<vmem_shared>>
        tpu.wait_indirect_dma semaphore(%run_scoped3A_351 : memref<!tpu.dma_semaphore, #tpu.memory_space<semaphore_mem>>) src(%arg11 : memref<64x128xf32, #tpu.memory_space<vmem>>) dst(%dma_wait3A_363 : memref<10240x128xf32, #tpu.memory_space<vmem_shared>>)
        tpu.yield
      }) : () -> ()
      %add3A_341 = arith.constant 4 : i32
      %add3A_342 = arith.addi %add3A_278, %add3A_341 : i32
      %add3A_343 = arith.constant 3 : i32
      %add3A_344 = arith.addi %add3A_342, %add3A_343 : i32
      %dma_start3A_345 = arith.constant 0 : i32
      %dma_start3A_346 = tpu.memref_slice %arg6[%add3A_344, %dma_start3A_345] : memref<40x64xi32, #tpu.memory_space<vmem>> -> memref<1x64xi32, #tpu.memory_space<vmem>>
      %dma_start3A_347 = tpu.memref_squeeze %dma_start3A_346 : memref<1x64xi32, #tpu.memory_space<vmem>> -> memref<64xi32, #tpu.memory_space<vmem>>
      %dma_start3A_348 = arith.constant 0 : i32
      %dma_start3A_349 = arith.constant 0 : i32
      %dma_start3A_350 = tpu.memref_slice %arg2[%dma_start3A_348, %dma_start3A_349] : memref<10240x128xf32, #tpu.memory_space<hbm>> -> memref<10240x128xf32, #tpu.memory_space<hbm>>
      tpu.enqueue_indirect_dma source(%dma_start3A_350 : memref<10240x128xf32, #tpu.memory_space<hbm>>) target(%arg11 : memref<64x128xf32, #tpu.memory_space<vmem>>) offsets(%dma_start3A_347 : memref<64xi32, #tpu.memory_space<vmem>>) semaphore(%arg15 : memref<!tpu.dma_semaphore, #tpu.memory_space<semaphore_mem>>)
    }
    %scan3A_236 = arith.constant 9 : i32
    %dma_wait3A_237 = arith.constant 36 : i32
    %dma_wait3A_238 = arith.constant 0 : i32
    %dma_wait3A_239 = tpu.memref_slice %arg6[%dma_wait3A_237, %dma_wait3A_238] : memref<40x64xi32, #tpu.memory_space<vmem>> -> memref<1x64xi32, #tpu.memory_space<vmem>>
    %dma_wait3A_240 = tpu.memref_squeeze %dma_wait3A_239 : memref<1x64xi32, #tpu.memory_space<vmem>> -> memref<64xi32, #tpu.memory_space<vmem>>
    %dma_wait3A_241 = arith.constant 0 : i32
    %dma_wait3A_242 = arith.constant 0 : i32
    %dma_wait3A_243 = tpu.memref_slice %arg2[%dma_wait3A_241, %dma_wait3A_242] : memref<10240x128xf32, #tpu.memory_space<hbm>> -> memref<10240x128xf32, #tpu.memory_space<hbm>>
    tpu.wait_indirect_dma semaphore(%arg12 : memref<!tpu.dma_semaphore, #tpu.memory_space<semaphore_mem>>) src(%dma_wait3A_243 : memref<10240x128xf32, #tpu.memory_space<hbm>>) dst(%arg8 : memref<64x128xf32, #tpu.memory_space<vmem>>)
    %run_scoped3A_244 = arith.constant 36 : i32
    "tpu.region"() ({
      %run_scoped3A_274 = tpu.sem_alloc : memref<!tpu.dma_semaphore, #tpu.memory_space<semaphore_mem>>
      %dma_start3A_275 = arith.constant 0 : i32
      %dma_start3A_276 = tpu.memref_slice %arg7[%run_scoped3A_244, %dma_start3A_275] : memref<40x64xi32, #tpu.memory_space<vmem>> -> memref<1x64xi32, #tpu.memory_space<vmem>>
      %dma_start3A_277 = tpu.memref_squeeze %dma_start3A_276 : memref<1x64xi32, #tpu.memory_space<vmem>> -> memref<64xi32, #tpu.memory_space<vmem>>
      %dma_start3A_278 = arith.constant 0 : i32
      %dma_start3A_279 = arith.constant 0 : i32
      %dma_start3A_280 = tpu.memref_slice %arg5[%dma_start3A_278, %dma_start3A_279] : memref<10240x128xf32, #tpu.memory_space<vmem_shared>> -> memref<10240x128xf32, #tpu.memory_space<vmem_shared>>
      tpu.enqueue_indirect_dma source(%arg8 : memref<64x128xf32, #tpu.memory_space<vmem>>) target(%dma_start3A_280 : memref<10240x128xf32, #tpu.memory_space<vmem_shared>>) offsets(%dma_start3A_277 : memref<64xi32, #tpu.memory_space<vmem>>) semaphore(%run_scoped3A_274 : memref<!tpu.dma_semaphore, #tpu.memory_space<semaphore_mem>>) {add = true}
      %dma_wait3A_281 = arith.constant 0 : i32
      %dma_wait3A_282 = tpu.memref_slice %arg7[%run_scoped3A_244, %dma_wait3A_281] : memref<40x64xi32, #tpu.memory_space<vmem>> -> memref<1x64xi32, #tpu.memory_space<vmem>>
      %dma_wait3A_283 = tpu.memref_squeeze %dma_wait3A_282 : memref<1x64xi32, #tpu.memory_space<vmem>> -> memref<64xi32, #tpu.memory_space<vmem>>
      %dma_wait3A_284 = arith.constant 0 : i32
      %dma_wait3A_285 = arith.constant 0 : i32
      %dma_wait3A_286 = tpu.memref_slice %arg5[%dma_wait3A_284, %dma_wait3A_285] : memref<10240x128xf32, #tpu.memory_space<vmem_shared>> -> memref<10240x128xf32, #tpu.memory_space<vmem_shared>>
      tpu.wait_indirect_dma semaphore(%run_scoped3A_274 : memref<!tpu.dma_semaphore, #tpu.memory_space<semaphore_mem>>) src(%arg8 : memref<64x128xf32, #tpu.memory_space<vmem>>) dst(%dma_wait3A_286 : memref<10240x128xf32, #tpu.memory_space<vmem_shared>>)
      tpu.yield
    }) : () -> ()
    %dma_wait3A_245 = arith.constant 37 : i32
    %dma_wait3A_246 = arith.constant 0 : i32
    %dma_wait3A_247 = tpu.memref_slice %arg6[%dma_wait3A_245, %dma_wait3A_246] : memref<40x64xi32, #tpu.memory_space<vmem>> -> memref<1x64xi32, #tpu.memory_space<vmem>>
    %dma_wait3A_248 = tpu.memref_squeeze %dma_wait3A_247 : memref<1x64xi32, #tpu.memory_space<vmem>> -> memref<64xi32, #tpu.memory_space<vmem>>
    %dma_wait3A_249 = arith.constant 0 : i32
    %dma_wait3A_250 = arith.constant 0 : i32
    %dma_wait3A_251 = tpu.memref_slice %arg2[%dma_wait3A_249, %dma_wait3A_250] : memref<10240x128xf32, #tpu.memory_space<hbm>> -> memref<10240x128xf32, #tpu.memory_space<hbm>>
    tpu.wait_indirect_dma semaphore(%arg13 : memref<!tpu.dma_semaphore, #tpu.memory_space<semaphore_mem>>) src(%dma_wait3A_251 : memref<10240x128xf32, #tpu.memory_space<hbm>>) dst(%arg9 : memref<64x128xf32, #tpu.memory_space<vmem>>)
    %run_scoped3A_252 = arith.constant 37 : i32
    "tpu.region"() ({
      %run_scoped3A_274 = tpu.sem_alloc : memref<!tpu.dma_semaphore, #tpu.memory_space<semaphore_mem>>
      %dma_start3A_275 = arith.constant 0 : i32
      %dma_start3A_276 = tpu.memref_slice %arg7[%run_scoped3A_252, %dma_start3A_275] : memref<40x64xi32, #tpu.memory_space<vmem>> -> memref<1x64xi32, #tpu.memory_space<vmem>>
      %dma_start3A_277 = tpu.memref_squeeze %dma_start3A_276 : memref<1x64xi32, #tpu.memory_space<vmem>> -> memref<64xi32, #tpu.memory_space<vmem>>
      %dma_start3A_278 = arith.constant 0 : i32
      %dma_start3A_279 = arith.constant 0 : i32
      %dma_start3A_280 = tpu.memref_slice %arg5[%dma_start3A_278, %dma_start3A_279] : memref<10240x128xf32, #tpu.memory_space<vmem_shared>> -> memref<10240x128xf32, #tpu.memory_space<vmem_shared>>
      tpu.enqueue_indirect_dma source(%arg9 : memref<64x128xf32, #tpu.memory_space<vmem>>) target(%dma_start3A_280 : memref<10240x128xf32, #tpu.memory_space<vmem_shared>>) offsets(%dma_start3A_277 : memref<64xi32, #tpu.memory_space<vmem>>) semaphore(%run_scoped3A_274 : memref<!tpu.dma_semaphore, #tpu.memory_space<semaphore_mem>>) {add = true}
      %dma_wait3A_281 = arith.constant 0 : i32
      %dma_wait3A_282 = tpu.memref_slice %arg7[%run_scoped3A_252, %dma_wait3A_281] : memref<40x64xi32, #tpu.memory_space<vmem>> -> memref<1x64xi32, #tpu.memory_space<vmem>>
      %dma_wait3A_283 = tpu.memref_squeeze %dma_wait3A_282 : memref<1x64xi32, #tpu.memory_space<vmem>> -> memref<64xi32, #tpu.memory_space<vmem>>
      %dma_wait3A_284 = arith.constant 0 : i32
      %dma_wait3A_285 = arith.constant 0 : i32
      %dma_wait3A_286 = tpu.memref_slice %arg5[%dma_wait3A_284, %dma_wait3A_285] : memref<10240x128xf32, #tpu.memory_space<vmem_shared>> -> memref<10240x128xf32, #tpu.memory_space<vmem_shared>>
      tpu.wait_indirect_dma semaphore(%run_scoped3A_274 : memref<!tpu.dma_semaphore, #tpu.memory_space<semaphore_mem>>) src(%arg9 : memref<64x128xf32, #tpu.memory_space<vmem>>) dst(%dma_wait3A_286 : memref<10240x128xf32, #tpu.memory_space<vmem_shared>>)
      tpu.yield
    }) : () -> ()
    %dma_wait3A_253 = arith.constant 38 : i32
    %dma_wait3A_254 = arith.constant 0 : i32
    %dma_wait3A_255 = tpu.memref_slice %arg6[%dma_wait3A_253, %dma_wait3A_254] : memref<40x64xi32, #tpu.memory_space<vmem>> -> memref<1x64xi32, #tpu.memory_space<vmem>>
    %dma_wait3A_256 = tpu.memref_squeeze %dma_wait3A_255 : memref<1x64xi32, #tpu.memory_space<vmem>> -> memref<64xi32, #tpu.memory_space<vmem>>
    %dma_wait3A_257 = arith.constant 0 : i32
    %dma_wait3A_258 = arith.constant 0 : i32
    %dma_wait3A_259 = tpu.memref_slice %arg2[%dma_wait3A_257, %dma_wait3A_258] : memref<10240x128xf32, #tpu.memory_space<hbm>> -> memref<10240x128xf32, #tpu.memory_space<hbm>>
    tpu.wait_indirect_dma semaphore(%arg14 : memref<!tpu.dma_semaphore, #tpu.memory_space<semaphore_mem>>) src(%dma_wait3A_259 : memref<10240x128xf32, #tpu.memory_space<hbm>>) dst(%arg10 : memref<64x128xf32, #tpu.memory_space<vmem>>)
    %run_scoped3A_260 = arith.constant 38 : i32
    "tpu.region"() ({
      %run_scoped3A_274 = tpu.sem_alloc : memref<!tpu.dma_semaphore, #tpu.memory_space<semaphore_mem>>
      %dma_start3A_275 = arith.constant 0 : i32
      %dma_start3A_276 = tpu.memref_slice %arg7[%run_scoped3A_260, %dma_start3A_275] : memref<40x64xi32, #tpu.memory_space<vmem>> -> memref<1x64xi32, #tpu.memory_space<vmem>>
      %dma_start3A_277 = tpu.memref_squeeze %dma_start3A_276 : memref<1x64xi32, #tpu.memory_space<vmem>> -> memref<64xi32, #tpu.memory_space<vmem>>
      %dma_start3A_278 = arith.constant 0 : i32
      %dma_start3A_279 = arith.constant 0 : i32
      %dma_start3A_280 = tpu.memref_slice %arg5[%dma_start3A_278, %dma_start3A_279] : memref<10240x128xf32, #tpu.memory_space<vmem_shared>> -> memref<10240x128xf32, #tpu.memory_space<vmem_shared>>
      tpu.enqueue_indirect_dma source(%arg10 : memref<64x128xf32, #tpu.memory_space<vmem>>) target(%dma_start3A_280 : memref<10240x128xf32, #tpu.memory_space<vmem_shared>>) offsets(%dma_start3A_277 : memref<64xi32, #tpu.memory_space<vmem>>) semaphore(%run_scoped3A_274 : memref<!tpu.dma_semaphore, #tpu.memory_space<semaphore_mem>>) {add = true}
      %dma_wait3A_281 = arith.constant 0 : i32
      %dma_wait3A_282 = tpu.memref_slice %arg7[%run_scoped3A_260, %dma_wait3A_281] : memref<40x64xi32, #tpu.memory_space<vmem>> -> memref<1x64xi32, #tpu.memory_space<vmem>>
      %dma_wait3A_283 = tpu.memref_squeeze %dma_wait3A_282 : memref<1x64xi32, #tpu.memory_space<vmem>> -> memref<64xi32, #tpu.memory_space<vmem>>
      %dma_wait3A_284 = arith.constant 0 : i32
      %dma_wait3A_285 = arith.constant 0 : i32
      %dma_wait3A_286 = tpu.memref_slice %arg5[%dma_wait3A_284, %dma_wait3A_285] : memref<10240x128xf32, #tpu.memory_space<vmem_shared>> -> memref<10240x128xf32, #tpu.memory_space<vmem_shared>>
      tpu.wait_indirect_dma semaphore(%run_scoped3A_274 : memref<!tpu.dma_semaphore, #tpu.memory_space<semaphore_mem>>) src(%arg10 : memref<64x128xf32, #tpu.memory_space<vmem>>) dst(%dma_wait3A_286 : memref<10240x128xf32, #tpu.memory_space<vmem_shared>>)
      tpu.yield
    }) : () -> ()
    %dma_wait3A_261 = arith.constant 39 : i32
    %dma_wait3A_262 = arith.constant 0 : i32
    %dma_wait3A_263 = tpu.memref_slice %arg6[%dma_wait3A_261, %dma_wait3A_262] : memref<40x64xi32, #tpu.memory_space<vmem>> -> memref<1x64xi32, #tpu.memory_space<vmem>>
    %dma_wait3A_264 = tpu.memref_squeeze %dma_wait3A_263 : memref<1x64xi32, #tpu.memory_space<vmem>> -> memref<64xi32, #tpu.memory_space<vmem>>
    %dma_wait3A_265 = arith.constant 0 : i32
    %dma_wait3A_266 = arith.constant 0 : i32
    %dma_wait3A_267 = tpu.memref_slice %arg2[%dma_wait3A_265, %dma_wait3A_266] : memref<10240x128xf32, #tpu.memory_space<hbm>> -> memref<10240x128xf32, #tpu.memory_space<hbm>>
    tpu.wait_indirect_dma semaphore(%arg15 : memref<!tpu.dma_semaphore, #tpu.memory_space<semaphore_mem>>) src(%dma_wait3A_267 : memref<10240x128xf32, #tpu.memory_space<hbm>>) dst(%arg11 : memref<64x128xf32, #tpu.memory_space<vmem>>)
    %run_scoped3A_268 = arith.constant 39 : i32
    "tpu.region"() ({
      %run_scoped3A_274 = tpu.sem_alloc : memref<!tpu.dma_semaphore, #tpu.memory_space<semaphore_mem>>
      %dma_start3A_275 = arith.constant 0 : i32
      %dma_start3A_276 = tpu.memref_slice %arg7[%run_scoped3A_268, %dma_start3A_275] : memref<40x64xi32, #tpu.memory_space<vmem>> -> memref<1x64xi32, #tpu.memory_space<vmem>>
      %dma_start3A_277 = tpu.memref_squeeze %dma_start3A_276 : memref<1x64xi32, #tpu.memory_space<vmem>> -> memref<64xi32, #tpu.memory_space<vmem>>
      %dma_start3A_278 = arith.constant 0 : i32
      %dma_start3A_279 = arith.constant 0 : i32
      %dma_start3A_280 = tpu.memref_slice %arg5[%dma_start3A_278, %dma_start3A_279] : memref<10240x128xf32, #tpu.memory_space<vmem_shared>> -> memref<10240x128xf32, #tpu.memory_space<vmem_shared>>
      tpu.enqueue_indirect_dma source(%arg11 : memref<64x128xf32, #tpu.memory_space<vmem>>) target(%dma_start3A_280 : memref<10240x128xf32, #tpu.memory_space<vmem_shared>>) offsets(%dma_start3A_277 : memref<64xi32, #tpu.memory_space<vmem>>) semaphore(%run_scoped3A_274 : memref<!tpu.dma_semaphore, #tpu.memory_space<semaphore_mem>>) {add = true}
      %dma_wait3A_281 = arith.constant 0 : i32
      %dma_wait3A_282 = tpu.memref_slice %arg7[%run_scoped3A_268, %dma_wait3A_281] : memref<40x64xi32, #tpu.memory_space<vmem>> -> memref<1x64xi32, #tpu.memory_space<vmem>>
      %dma_wait3A_283 = tpu.memref_squeeze %dma_wait3A_282 : memref<1x64xi32, #tpu.memory_space<vmem>> -> memref<64xi32, #tpu.memory_space<vmem>>
      %dma_wait3A_284 = arith.constant 0 : i32
      %dma_wait3A_285 = arith.constant 0 : i32
      %dma_wait3A_286 = tpu.memref_slice %arg5[%dma_wait3A_284, %dma_wait3A_285] : memref<10240x128xf32, #tpu.memory_space<vmem_shared>> -> memref<10240x128xf32, #tpu.memory_space<vmem_shared>>
      tpu.wait_indirect_dma semaphore(%run_scoped3A_274 : memref<!tpu.dma_semaphore, #tpu.memory_space<semaphore_mem>>) src(%arg11 : memref<64x128xf32, #tpu.memory_space<vmem>>) dst(%dma_wait3A_286 : memref<10240x128xf32, #tpu.memory_space<vmem_shared>>)
      tpu.yield
    }) : () -> ()
    %barrier3A_269 = arith.constant 0 : index
    tpu.barrier barrier_id(%barrier3A_269)
    %mul3A_270 = arith.constant 640 : i32
    %mul3A_271 = arith.muli %arg1, %mul3A_270 : i32
    %mul3A_272 = arith.constant 640 : i32
    %mul3A_273 = arith.muli %arg1, %mul3A_272 : i32
    "tpu.region"() ({
      %run_scoped3A_274 = tpu.sem_alloc : memref<!tpu.dma_semaphore, #tpu.memory_space<semaphore_mem>>
      %dma_start3A_275 = arith.constant 0 : i32
      %dma_start3A_276 = tpu.memref_slice %arg4[%arg0, %mul3A_273, %dma_start3A_275] : memref<2x10240x128xf32, #tpu.memory_space<hbm>> -> memref<1x640x128xf32, #tpu.memory_space<hbm>>
      %dma_start3A_277 = tpu.memref_squeeze %dma_start3A_276 : memref<1x640x128xf32, #tpu.memory_space<hbm>> -> memref<640x128xf32, #tpu.memory_space<hbm>>
      %dma_start3A_278 = arith.constant 0 : i32
      %dma_start3A_279 = tpu.memref_slice %arg5[%mul3A_271, %dma_start3A_278] : memref<10240x128xf32, #tpu.memory_space<vmem_shared>> -> memref<640x128xf32, #tpu.memory_space<vmem_shared>>
      tpu.enqueue_dma source(%dma_start3A_279 : memref<640x128xf32, #tpu.memory_space<vmem_shared>>) target(%dma_start3A_277 : memref<640x128xf32, #tpu.memory_space<hbm>>) target_semaphore(%run_scoped3A_274 : memref<!tpu.dma_semaphore, #tpu.memory_space<semaphore_mem>>)
      %dma_wait3A_280 = arith.constant 0 : i32
      %dma_wait3A_281 = tpu.memref_slice %arg4[%arg0, %mul3A_273, %dma_wait3A_280] : memref<2x10240x128xf32, #tpu.memory_space<hbm>> -> memref<1x640x128xf32, #tpu.memory_space<hbm>>
      %dma_wait3A_282 = tpu.memref_squeeze %dma_wait3A_281 : memref<1x640x128xf32, #tpu.memory_space<hbm>> -> memref<640x128xf32, #tpu.memory_space<hbm>>
      %dma_wait3A_283 = arith.constant 0 : i32
      %dma_wait3A_284 = tpu.memref_slice %arg5[%mul3A_271, %dma_wait3A_283] : memref<10240x128xf32, #tpu.memory_space<vmem_shared>> -> memref<640x128xf32, #tpu.memory_space<vmem_shared>>
      tpu.wait_dma2 semaphore(%run_scoped3A_274 : memref<!tpu.dma_semaphore, #tpu.memory_space<semaphore_mem>>) src(%dma_wait3A_284 : memref<640x128xf32, #tpu.memory_space<vmem_shared>>) dst(%dma_wait3A_282 : memref<640x128xf32, #tpu.memory_space<hbm>>)
      tpu.yield
    }) : () -> ()
    return
  }
}

#map = affine_map<(d0, d1) -> (0, 0, 0, 0)>
#map1 = affine_map<(d0, d1) -> (0)>
#map2 = affine_map<(d0, d1) -> (0, 0)>
module attributes {stable_mosaic.version = 14 : i64} {
  func.func @k(%arg0: i32, %arg1: i32, %arg2: memref<2x32x160x64xi32, #tpu.memory_space<hbm>>, %arg3: memref<10240xf32, #tpu.memory_space<hbm>>, %arg4: memref<2x10240xf32, #tpu.memory_space<hbm>>, %arg5: memref<16x10240xf32, #tpu.memory_space<vmem_shared>>, %arg6: memref<10240xf32, #tpu.memory_space<vmem>>, %arg7: memref<160x64xi32, #tpu.memory_space<vmem>>, %arg8: memref<16x640xf32, #tpu.memory_space<vmem>>, %arg9: memref<640xf32, #tpu.memory_space<vmem>>) attributes {dimension_semantics = [#tpu.dimension_semantics<core_parallel>, #tpu.dimension_semantics<subcore_parallel>], iteration_bounds = array<i64: 2, 16>, scalar_prefetch = 0 : i64, scratch_operands = 5 : i64, tpu.core_type = #tpu.core_type<sc_vector_subcore>, window_params = [{transform_indices = #map}, {transform_indices = #map1}, {transform_indices = #map2}]} {
    %mul3A = arith.constant 16 : i32
    %mul3A_0 = arith.muli %arg0, %mul3A : i32
    %add3A = arith.addi %mul3A_0, %arg1 : i32
    "tpu.region"() ({
      %run_scoped3A_15 = tpu.sem_alloc : memref<!tpu.dma_semaphore, #tpu.memory_space<semaphore_mem>>
      tpu.enqueue_dma source(%arg3 : memref<10240xf32, #tpu.memory_space<hbm>>) target(%arg6 : memref<10240xf32, #tpu.memory_space<vmem>>) target_semaphore(%run_scoped3A_15 : memref<!tpu.dma_semaphore, #tpu.memory_space<semaphore_mem>>)
      tpu.wait_dma2 semaphore(%run_scoped3A_15 : memref<!tpu.dma_semaphore, #tpu.memory_space<semaphore_mem>>) src(%arg3 : memref<10240xf32, #tpu.memory_space<hbm>>) dst(%arg6 : memref<10240xf32, #tpu.memory_space<vmem>>)
      tpu.yield
    }) : () -> ()
    %run_scoped3A = arith.constant 1 : i32
    "tpu.region"() ({
      %run_scoped3A_15 = tpu.sem_alloc : memref<!tpu.dma_semaphore, #tpu.memory_space<semaphore_mem>>
      %dma_start3A = arith.constant 0 : i32
      %dma_start3A_16 = arith.constant 0 : i32
      %dma_start3A_17 = tpu.memref_slice %arg2[%run_scoped3A, %add3A, %dma_start3A, %dma_start3A_16] : memref<2x32x160x64xi32, #tpu.memory_space<hbm>> -> memref<1x1x160x64xi32, #tpu.memory_space<hbm>>
      %dma_start3A_18 = tpu.memref_squeeze %dma_start3A_17 : memref<1x1x160x64xi32, #tpu.memory_space<hbm>> -> memref<160x64xi32, #tpu.memory_space<hbm>>
      %dma_start3A_19 = arith.constant 0 : i32
      %dma_start3A_20 = arith.constant 0 : i32
      %dma_start3A_21 = tpu.memref_slice %arg2[%run_scoped3A, %add3A, %dma_start3A_19, %dma_start3A_20] : memref<2x32x160x64xi32, #tpu.memory_space<hbm>> -> memref<1x1x160x64xi32, #tpu.memory_space<hbm>>
      %dma_start3A_22 = tpu.memref_squeeze %dma_start3A_21 : memref<1x1x160x64xi32, #tpu.memory_space<hbm>> -> memref<160x64xi32, #tpu.memory_space<hbm>>
      tpu.enqueue_dma source(%dma_start3A_22 : memref<160x64xi32, #tpu.memory_space<hbm>>) target(%arg7 : memref<160x64xi32, #tpu.memory_space<vmem>>) target_semaphore(%run_scoped3A_15 : memref<!tpu.dma_semaphore, #tpu.memory_space<semaphore_mem>>)
      %dma_wait3A = arith.constant 0 : i32
      %dma_wait3A_23 = arith.constant 0 : i32
      %dma_wait3A_24 = tpu.memref_slice %arg2[%run_scoped3A, %add3A, %dma_wait3A, %dma_wait3A_23] : memref<2x32x160x64xi32, #tpu.memory_space<hbm>> -> memref<1x1x160x64xi32, #tpu.memory_space<hbm>>
      %dma_wait3A_25 = tpu.memref_squeeze %dma_wait3A_24 : memref<1x1x160x64xi32, #tpu.memory_space<hbm>> -> memref<160x64xi32, #tpu.memory_space<hbm>>
      %dma_wait3A_26 = arith.constant 0 : i32
      %dma_wait3A_27 = arith.constant 0 : i32
      %dma_wait3A_28 = tpu.memref_slice %arg2[%run_scoped3A, %add3A, %dma_wait3A_26, %dma_wait3A_27] : memref<2x32x160x64xi32, #tpu.memory_space<hbm>> -> memref<1x1x160x64xi32, #tpu.memory_space<hbm>>
      %dma_wait3A_29 = tpu.memref_squeeze %dma_wait3A_28 : memref<1x1x160x64xi32, #tpu.memory_space<hbm>> -> memref<160x64xi32, #tpu.memory_space<hbm>>
      tpu.wait_dma2 semaphore(%run_scoped3A_15 : memref<!tpu.dma_semaphore, #tpu.memory_space<semaphore_mem>>) src(%dma_wait3A_29 : memref<160x64xi32, #tpu.memory_space<hbm>>) dst(%arg7 : memref<160x64xi32, #tpu.memory_space<vmem>>)
      tpu.yield
    }) : () -> ()
    %broadcast_in_dim3A = arith.constant 1.000000e+00 : f32
    %broadcast_in_dim3A_1 = vector.broadcast %broadcast_in_dim3A : f32 to vector<16xf32>
    %scan3A = arith.constant 0 : i32
    %scan3A_2 = arith.constant 160 : i32
    %scan3A_3 = arith.addi %scan3A, %scan3A_2 : i32
    %scan3A_4 = arith.constant 1 : i32
    scf.for %scan3A_15 = %scan3A to %scan3A_3 step %scan3A_4  : i32 {
      %mul3A_16 = arith.constant 1 : i32
      %mul3A_17 = arith.muli %scan3A_15, %mul3A_16 : i32
      %add3A_18 = arith.constant 0 : i32
      %add3A_19 = arith.addi %add3A_18, %mul3A_17 : i32
      %scan3A_20 = arith.constant 0 : i32
      %scan3A_21 = arith.constant 4 : i32
      %scan3A_22 = arith.addi %scan3A_20, %scan3A_21 : i32
      %scan3A_23 = arith.constant 1 : i32
      scf.for %scan3A_25 = %scan3A_20 to %scan3A_22 step %scan3A_23  : i32 {
        %mul3A_26 = arith.constant 1 : i32
        %mul3A_27 = arith.muli %scan3A_25, %mul3A_26 : i32
        %add3A_28 = arith.constant 0 : i32
        %add3A_29 = arith.addi %add3A_28, %mul3A_27 : i32
        %mul3A_30 = arith.constant 16 : i32
        %mul3A_31 = arith.muli %add3A_29, %mul3A_30 : i32
        %get3A = arith.index_cast %add3A_19 : i32 to index
        %get3A_32 = arith.index_cast %mul3A_31 : i32 to index
        %get3A_33 = tpu.vector_load %arg7[%get3A, %get3A_32] {strides = array<i32>} : memref<160x64xi32, #tpu.memory_space<vmem>>, vector<16xi32>,
        tpu.vector_store_idx %arg6[%get3A_33], %broadcast_in_dim3A_1 {add = true} : memref<10240xf32, #tpu.memory_space<vmem>>[vector<16xi32>], vector<16xf32>,
      }
      %scan3A_24 = arith.constant 4 : i32
    }
    %scan3A_5 = arith.constant 160 : i32
    "tpu.region"() ({
      %run_scoped3A_15 = tpu.sem_alloc : memref<!tpu.dma_semaphore, #tpu.memory_space<semaphore_mem>>
      %dma_start3A = arith.constant 0 : i32
      %dma_start3A_16 = tpu.memref_slice %arg5[%arg1, %dma_start3A] : memref<16x10240xf32, #tpu.memory_space<vmem_shared>> -> memref<1x10240xf32, #tpu.memory_space<vmem_shared>>
      %dma_start3A_17 = tpu.memref_squeeze %dma_start3A_16 : memref<1x10240xf32, #tpu.memory_space<vmem_shared>> -> memref<10240xf32, #tpu.memory_space<vmem_shared>>
      %dma_start3A_18 = arith.constant 0 : i32
      %dma_start3A_19 = tpu.memref_slice %arg5[%arg1, %dma_start3A_18] : memref<16x10240xf32, #tpu.memory_space<vmem_shared>> -> memref<1x10240xf32, #tpu.memory_space<vmem_shared>>
      %dma_start3A_20 = tpu.memref_squeeze %dma_start3A_19 : memref<1x10240xf32, #tpu.memory_space<vmem_shared>> -> memref<10240xf32, #tpu.memory_space<vmem_shared>>
      tpu.enqueue_dma source(%arg6 : memref<10240xf32, #tpu.memory_space<vmem>>) target(%dma_start3A_20 : memref<10240xf32, #tpu.memory_space<vmem_shared>>) target_semaphore(%run_scoped3A_15 : memref<!tpu.dma_semaphore, #tpu.memory_space<semaphore_mem>>)
      %dma_wait3A = arith.constant 0 : i32
      %dma_wait3A_21 = tpu.memref_slice %arg5[%arg1, %dma_wait3A] : memref<16x10240xf32, #tpu.memory_space<vmem_shared>> -> memref<1x10240xf32, #tpu.memory_space<vmem_shared>>
      %dma_wait3A_22 = tpu.memref_squeeze %dma_wait3A_21 : memref<1x10240xf32, #tpu.memory_space<vmem_shared>> -> memref<10240xf32, #tpu.memory_space<vmem_shared>>
      %dma_wait3A_23 = arith.constant 0 : i32
      %dma_wait3A_24 = tpu.memref_slice %arg5[%arg1, %dma_wait3A_23] : memref<16x10240xf32, #tpu.memory_space<vmem_shared>> -> memref<1x10240xf32, #tpu.memory_space<vmem_shared>>
      %dma_wait3A_25 = tpu.memref_squeeze %dma_wait3A_24 : memref<1x10240xf32, #tpu.memory_space<vmem_shared>> -> memref<10240xf32, #tpu.memory_space<vmem_shared>>
      tpu.wait_dma2 semaphore(%run_scoped3A_15 : memref<!tpu.dma_semaphore, #tpu.memory_space<semaphore_mem>>) src(%arg6 : memref<10240xf32, #tpu.memory_space<vmem>>) dst(%dma_wait3A_25 : memref<10240xf32, #tpu.memory_space<vmem_shared>>)
      tpu.yield
    }) : () -> ()
    %barrier3A = arith.constant 0 : index
    tpu.barrier barrier_id(%barrier3A)
    %mul3A_6 = arith.constant 640 : i32
    %mul3A_7 = arith.muli %arg1, %mul3A_6 : i32
    "tpu.region"() ({
      %run_scoped3A_15 = tpu.sem_alloc : memref<!tpu.dma_semaphore, #tpu.memory_space<semaphore_mem>>
      %dma_start3A = arith.constant 0 : i32
      %dma_start3A_16 = tpu.memref_slice %arg5[%dma_start3A, %mul3A_7] : memref<16x10240xf32, #tpu.memory_space<vmem_shared>> -> memref<16x640xf32, #tpu.memory_space<vmem_shared>>
      %dma_start3A_17 = arith.constant 0 : i32
      %dma_start3A_18 = tpu.memref_slice %arg5[%dma_start3A_17, %mul3A_7] : memref<16x10240xf32, #tpu.memory_space<vmem_shared>> -> memref<16x640xf32, #tpu.memory_space<vmem_shared>>
      tpu.enqueue_dma source(%dma_start3A_18 : memref<16x640xf32, #tpu.memory_space<vmem_shared>>) target(%arg8 : memref<16x640xf32, #tpu.memory_space<vmem>>) target_semaphore(%run_scoped3A_15 : memref<!tpu.dma_semaphore, #tpu.memory_space<semaphore_mem>>)
      %dma_wait3A = arith.constant 0 : i32
      %dma_wait3A_19 = tpu.memref_slice %arg5[%dma_wait3A, %mul3A_7] : memref<16x10240xf32, #tpu.memory_space<vmem_shared>> -> memref<16x640xf32, #tpu.memory_space<vmem_shared>>
      %dma_wait3A_20 = arith.constant 0 : i32
      %dma_wait3A_21 = tpu.memref_slice %arg5[%dma_wait3A_20, %mul3A_7] : memref<16x10240xf32, #tpu.memory_space<vmem_shared>> -> memref<16x640xf32, #tpu.memory_space<vmem_shared>>
      tpu.wait_dma2 semaphore(%run_scoped3A_15 : memref<!tpu.dma_semaphore, #tpu.memory_space<semaphore_mem>>) src(%dma_wait3A_21 : memref<16x640xf32, #tpu.memory_space<vmem_shared>>) dst(%arg8 : memref<16x640xf32, #tpu.memory_space<vmem>>)
      tpu.yield
    }) : () -> ()
    %scan3A_8 = arith.constant 0 : i32
    %scan3A_9 = arith.constant 40 : i32
    %scan3A_10 = arith.addi %scan3A_8, %scan3A_9 : i32
    %scan3A_11 = arith.constant 1 : i32
    scf.for %scan3A_15 = %scan3A_8 to %scan3A_10 step %scan3A_11  : i32 {
      %mul3A_16 = arith.constant 1 : i32
      %mul3A_17 = arith.muli %scan3A_15, %mul3A_16 : i32
      %add3A_18 = arith.constant 0 : i32
      %add3A_19 = arith.addi %add3A_18, %mul3A_17 : i32
      %mul3A_20 = arith.constant 16 : i32
      %mul3A_21 = arith.muli %add3A_19, %mul3A_20 : i32
      %get3A = arith.constant 0 : i32
      %get3A_22 = arith.index_cast %get3A : i32 to index
      %get3A_23 = arith.index_cast %mul3A_21 : i32 to index
      %get3A_24 = tpu.vector_load %arg8[%get3A_22, %get3A_23] {strides = array<i32>} : memref<16x640xf32, #tpu.memory_space<vmem>>, vector<16xf32>,
      %mul3A_25 = arith.constant 16 : i32
      %mul3A_26 = arith.muli %add3A_19, %mul3A_25 : i32
      %get3A_27 = arith.constant 1 : i32
      %get3A_28 = arith.index_cast %get3A_27 : i32 to index
      %get3A_29 = arith.index_cast %mul3A_26 : i32 to index
      %get3A_30 = tpu.vector_load %arg8[%get3A_28, %get3A_29] {strides = array<i32>} : memref<16x640xf32, #tpu.memory_space<vmem>>, vector<16xf32>,
      %add3A_31 = arith.addf %get3A_24, %get3A_30 : vector<16xf32>
      %mul3A_32 = arith.constant 16 : i32
      %mul3A_33 = arith.muli %add3A_19, %mul3A_32 : i32
      %get3A_34 = arith.constant 2 : i32
      %get3A_35 = arith.index_cast %get3A_34 : i32 to index
      %get3A_36 = arith.index_cast %mul3A_33 : i32 to index
      %get3A_37 = tpu.vector_load %arg8[%get3A_35, %get3A_36] {strides = array<i32>} : memref<16x640xf32, #tpu.memory_space<vmem>>, vector<16xf32>,
      %add3A_38 = arith.addf %add3A_31, %get3A_37 : vector<16xf32>
      %mul3A_39 = arith.constant 16 : i32
      %mul3A_40 = arith.muli %add3A_19, %mul3A_39 : i32
      %get3A_41 = arith.constant 3 : i32
      %get3A_42 = arith.index_cast %get3A_41 : i32 to index
      %get3A_43 = arith.index_cast %mul3A_40 : i32 to index
      %get3A_44 = tpu.vector_load %arg8[%get3A_42, %get3A_43] {strides = array<i32>} : memref<16x640xf32, #tpu.memory_space<vmem>>, vector<16xf32>,
      %add3A_45 = arith.addf %add3A_38, %get3A_44 : vector<16xf32>
      %mul3A_46 = arith.constant 16 : i32
      %mul3A_47 = arith.muli %add3A_19, %mul3A_46 : i32
      %get3A_48 = arith.constant 4 : i32
      %get3A_49 = arith.index_cast %get3A_48 : i32 to index
      %get3A_50 = arith.index_cast %mul3A_47 : i32 to index
      %get3A_51 = tpu.vector_load %arg8[%get3A_49, %get3A_50] {strides = array<i32>} : memref<16x640xf32, #tpu.memory_space<vmem>>, vector<16xf32>,
      %add3A_52 = arith.addf %add3A_45, %get3A_51 : vector<16xf32>
      %mul3A_53 = arith.constant 16 : i32
      %mul3A_54 = arith.muli %add3A_19, %mul3A_53 : i32
      %get3A_55 = arith.constant 5 : i32
      %get3A_56 = arith.index_cast %get3A_55 : i32 to index
      %get3A_57 = arith.index_cast %mul3A_54 : i32 to index
      %get3A_58 = tpu.vector_load %arg8[%get3A_56, %get3A_57] {strides = array<i32>} : memref<16x640xf32, #tpu.memory_space<vmem>>, vector<16xf32>,
      %add3A_59 = arith.addf %add3A_52, %get3A_58 : vector<16xf32>
      %mul3A_60 = arith.constant 16 : i32
      %mul3A_61 = arith.muli %add3A_19, %mul3A_60 : i32
      %get3A_62 = arith.constant 6 : i32
      %get3A_63 = arith.index_cast %get3A_62 : i32 to index
      %get3A_64 = arith.index_cast %mul3A_61 : i32 to index
      %get3A_65 = tpu.vector_load %arg8[%get3A_63, %get3A_64] {strides = array<i32>} : memref<16x640xf32, #tpu.memory_space<vmem>>, vector<16xf32>,
      %add3A_66 = arith.addf %add3A_59, %get3A_65 : vector<16xf32>
      %mul3A_67 = arith.constant 16 : i32
      %mul3A_68 = arith.muli %add3A_19, %mul3A_67 : i32
      %get3A_69 = arith.constant 7 : i32
      %get3A_70 = arith.index_cast %get3A_69 : i32 to index
      %get3A_71 = arith.index_cast %mul3A_68 : i32 to index
      %get3A_72 = tpu.vector_load %arg8[%get3A_70, %get3A_71] {strides = array<i32>} : memref<16x640xf32, #tpu.memory_space<vmem>>, vector<16xf32>,
      %add3A_73 = arith.addf %add3A_66, %get3A_72 : vector<16xf32>
      %mul3A_74 = arith.constant 16 : i32
      %mul3A_75 = arith.muli %add3A_19, %mul3A_74 : i32
      %get3A_76 = arith.constant 8 : i32
      %get3A_77 = arith.index_cast %get3A_76 : i32 to index
      %get3A_78 = arith.index_cast %mul3A_75 : i32 to index
      %get3A_79 = tpu.vector_load %arg8[%get3A_77, %get3A_78] {strides = array<i32>} : memref<16x640xf32, #tpu.memory_space<vmem>>, vector<16xf32>,
      %add3A_80 = arith.addf %add3A_73, %get3A_79 : vector<16xf32>
      %mul3A_81 = arith.constant 16 : i32
      %mul3A_82 = arith.muli %add3A_19, %mul3A_81 : i32
      %get3A_83 = arith.constant 9 : i32
      %get3A_84 = arith.index_cast %get3A_83 : i32 to index
      %get3A_85 = arith.index_cast %mul3A_82 : i32 to index
      %get3A_86 = tpu.vector_load %arg8[%get3A_84, %get3A_85] {strides = array<i32>} : memref<16x640xf32, #tpu.memory_space<vmem>>, vector<16xf32>,
      %add3A_87 = arith.addf %add3A_80, %get3A_86 : vector<16xf32>
      %mul3A_88 = arith.constant 16 : i32
      %mul3A_89 = arith.muli %add3A_19, %mul3A_88 : i32
      %get3A_90 = arith.constant 10 : i32
      %get3A_91 = arith.index_cast %get3A_90 : i32 to index
      %get3A_92 = arith.index_cast %mul3A_89 : i32 to index
      %get3A_93 = tpu.vector_load %arg8[%get3A_91, %get3A_92] {strides = array<i32>} : memref<16x640xf32, #tpu.memory_space<vmem>>, vector<16xf32>,
      %add3A_94 = arith.addf %add3A_87, %get3A_93 : vector<16xf32>
      %mul3A_95 = arith.constant 16 : i32
      %mul3A_96 = arith.muli %add3A_19, %mul3A_95 : i32
      %get3A_97 = arith.constant 11 : i32
      %get3A_98 = arith.index_cast %get3A_97 : i32 to index
      %get3A_99 = arith.index_cast %mul3A_96 : i32 to index
      %get3A_100 = tpu.vector_load %arg8[%get3A_98, %get3A_99] {strides = array<i32>} : memref<16x640xf32, #tpu.memory_space<vmem>>, vector<16xf32>,
      %add3A_101 = arith.addf %add3A_94, %get3A_100 : vector<16xf32>
      %mul3A_102 = arith.constant 16 : i32
      %mul3A_103 = arith.muli %add3A_19, %mul3A_102 : i32
      %get3A_104 = arith.constant 12 : i32
      %get3A_105 = arith.index_cast %get3A_104 : i32 to index
      %get3A_106 = arith.index_cast %mul3A_103 : i32 to index
      %get3A_107 = tpu.vector_load %arg8[%get3A_105, %get3A_106] {strides = array<i32>} : memref<16x640xf32, #tpu.memory_space<vmem>>, vector<16xf32>,
      %add3A_108 = arith.addf %add3A_101, %get3A_107 : vector<16xf32>
      %mul3A_109 = arith.constant 16 : i32
      %mul3A_110 = arith.muli %add3A_19, %mul3A_109 : i32
      %get3A_111 = arith.constant 13 : i32
      %get3A_112 = arith.index_cast %get3A_111 : i32 to index
      %get3A_113 = arith.index_cast %mul3A_110 : i32 to index
      %get3A_114 = tpu.vector_load %arg8[%get3A_112, %get3A_113] {strides = array<i32>} : memref<16x640xf32, #tpu.memory_space<vmem>>, vector<16xf32>,
      %add3A_115 = arith.addf %add3A_108, %get3A_114 : vector<16xf32>
      %mul3A_116 = arith.constant 16 : i32
      %mul3A_117 = arith.muli %add3A_19, %mul3A_116 : i32
      %get3A_118 = arith.constant 14 : i32
      %get3A_119 = arith.index_cast %get3A_118 : i32 to index
      %get3A_120 = arith.index_cast %mul3A_117 : i32 to index
      %get3A_121 = tpu.vector_load %arg8[%get3A_119, %get3A_120] {strides = array<i32>} : memref<16x640xf32, #tpu.memory_space<vmem>>, vector<16xf32>,
      %add3A_122 = arith.addf %add3A_115, %get3A_121 : vector<16xf32>
      %mul3A_123 = arith.constant 16 : i32
      %mul3A_124 = arith.muli %add3A_19, %mul3A_123 : i32
      %get3A_125 = arith.constant 15 : i32
      %get3A_126 = arith.index_cast %get3A_125 : i32 to index
      %get3A_127 = arith.index_cast %mul3A_124 : i32 to index
      %get3A_128 = tpu.vector_load %arg8[%get3A_126, %get3A_127] {strides = array<i32>} : memref<16x640xf32, #tpu.memory_space<vmem>>, vector<16xf32>,
      %add3A_129 = arith.addf %add3A_122, %get3A_128 : vector<16xf32>
      %mul3A_130 = arith.constant 16 : i32
      %mul3A_131 = arith.muli %add3A_19, %mul3A_130 : i32
      %swap3A = arith.index_cast %mul3A_131 : i32 to index
      %swap3A_132 = tpu.vector_load %arg9[%swap3A] {strides = array<i32>} : memref<640xf32, #tpu.memory_space<vmem>>, vector<16xf32>,
      tpu.vector_store %arg9[%swap3A], %add3A_129 {strides = array<i32>} : memref<640xf32, #tpu.memory_space<vmem>>, vector<16xf32>,
    }
    %scan3A_12 = arith.constant 40 : i32
    %mul3A_13 = arith.constant 640 : i32
    %mul3A_14 = arith.muli %arg1, %mul3A_13 : i32
    "tpu.region"() ({
      %run_scoped3A_15 = tpu.sem_alloc : memref<!tpu.dma_semaphore, #tpu.memory_space<semaphore_mem>>
      %dma_start3A = tpu.memref_slice %arg4[%arg0, %mul3A_14] : memref<2x10240xf32, #tpu.memory_space<hbm>> -> memref<1x640xf32, #tpu.memory_space<hbm>>
      %dma_start3A_16 = tpu.memref_squeeze %dma_start3A : memref<1x640xf32, #tpu.memory_space<hbm>> -> memref<640xf32, #tpu.memory_space<hbm>>
      %dma_start3A_17 = tpu.memref_slice %arg4[%arg0, %mul3A_14] : memref<2x10240xf32, #tpu.memory_space<hbm>> -> memref<1x640xf32, #tpu.memory_space<hbm>>
      %dma_start3A_18 = tpu.memref_squeeze %dma_start3A_17 : memref<1x640xf32, #tpu.memory_space<hbm>> -> memref<640xf32, #tpu.memory_space<hbm>>
      tpu.enqueue_dma source(%arg9 : memref<640xf32, #tpu.memory_space<vmem>>) target(%dma_start3A_18 : memref<640xf32, #tpu.memory_space<hbm>>) target_semaphore(%run_scoped3A_15 : memref<!tpu.dma_semaphore, #tpu.memory_space<semaphore_mem>>)
      %dma_wait3A = tpu.memref_slice %arg4[%arg0, %mul3A_14] : memref<2x10240xf32, #tpu.memory_space<hbm>> -> memref<1x640xf32, #tpu.memory_space<hbm>>
      %dma_wait3A_19 = tpu.memref_squeeze %dma_wait3A : memref<1x640xf32, #tpu.memory_space<hbm>> -> memref<640xf32, #tpu.memory_space<hbm>>
      %dma_wait3A_20 = tpu.memref_slice %arg4[%arg0, %mul3A_14] : memref<2x10240xf32, #tpu.memory_space<hbm>> -> memref<1x640xf32, #tpu.memory_space<hbm>>
      %dma_wait3A_21 = tpu.memref_squeeze %dma_wait3A_20 : memref<1x640xf32, #tpu.memory_space<hbm>> -> memref<640xf32, #tpu.memory_space<hbm>>
      tpu.wait_dma2 semaphore(%run_scoped3A_15 : memref<!tpu.dma_semaphore, #tpu.memory_space<semaphore_mem>>) src(%arg9 : memref<640xf32, #tpu.memory_space<vmem>>) dst(%dma_wait3A_21 : memref<640xf32, #tpu.memory_space<hbm>>)
      tpu.yield
    }) : () -> ()
    return
  }
}

#map = affine_map<(d0, d1) -> (0, 0)>
#map1 = affine_map<(d0, d1) -> (0, 0, 0, 0)>
#map2 = affine_map<(d0, d1) -> (0, 0, 0)>
module attributes {stable_mosaic.version = 14 : i64} {
  func.func @k(%arg0: i32, %arg1: i32, %arg2: memref<10240x128xf32, #tpu.memory_space<hbm>>, %arg3: memref<2x32x160x64xi32, #tpu.memory_space<hbm>>, %arg4: memref<2x10240x128xf32, #tpu.memory_space<hbm>>, %arg5: memref<10240x128xf32, #tpu.memory_space<vmem_shared>>, %arg6: memref<40x64xi32, #tpu.memory_space<vmem>>, %arg7: memref<40x64xi32, #tpu.memory_space<vmem>>, %arg8: memref<64x128xf32, #tpu.memory_space<vmem>>, %arg9: memref<64x128xf32, #tpu.memory_space<vmem>>, %arg10: memref<64x128xf32, #tpu.memory_space<vmem>>, %arg11: memref<64x128xf32, #tpu.memory_space<vmem>>, %arg12: memref<!tpu.dma_semaphore, #tpu.memory_space<semaphore_mem>>, %arg13: memref<!tpu.dma_semaphore, #tpu.memory_space<semaphore_mem>>, %arg14: memref<!tpu.dma_semaphore, #tpu.memory_space<semaphore_mem>>, %arg15: memref<!tpu.dma_semaphore, #tpu.memory_space<semaphore_mem>>) attributes {dimension_semantics = [#tpu.dimension_semantics<core_parallel>, #tpu.dimension_semantics<subcore_parallel>], iteration_bounds = array<i64: 2, 16>, scalar_prefetch = 0 : i64, scratch_operands = 11 : i64, tpu.core_type = #tpu.core_type<sc_vector_subcore>, window_params = [{transform_indices = #map}, {transform_indices = #map1}, {transform_indices = #map2}]} {
    %mul3A = arith.constant 16 : i32
    %mul3A_0 = arith.muli %arg0, %mul3A : i32
    %add3A = arith.addi %mul3A_0, %arg1 : i32
    %mul3A_1 = arith.constant 640 : i32
    %mul3A_2 = arith.muli %arg1, %mul3A_1 : i32
    %mul3A_3 = arith.constant 640 : i32
    %mul3A_4 = arith.muli %arg1, %mul3A_3 : i32
    "tpu.region"() ({
      %run_scoped3A_274 = tpu.sem_alloc : memref<!tpu.dma_semaphore, #tpu.memory_space<semaphore_mem>>
      %dma_start3A_275 = arith.constant 0 : i32
      %dma_start3A_276 = tpu.memref_slice %arg5[%mul3A_4, %dma_start3A_275] : memref<10240x128xf32, #tpu.memory_space<vmem_shared>> -> memref<640x128xf32, #tpu.memory_space<vmem_shared>>
      %dma_start3A_277 = arith.constant 0 : i32
      %dma_start3A_278 = tpu.memref_slice %arg2[%mul3A_2, %dma_start3A_277] : memref<10240x128xf32, #tpu.memory_space<hbm>> -> memref<640x128xf32, #tpu.memory_space<hbm>>
      tpu.enqueue_dma source(%dma_start3A_278 : memref<640x128xf32, #tpu.memory_space<hbm>>) target(%dma_start3A_276 : memref<640x128xf32, #tpu.memory_space<vmem_shared>>) target_semaphore(%run_scoped3A_274 : memref<!tpu.dma_semaphore, #tpu.memory_space<semaphore_mem>>)
      %dma_wait3A_279 = arith.constant 0 : i32
      %dma_wait3A_280 = tpu.memref_slice %arg5[%mul3A_4, %dma_wait3A_279] : memref<10240x128xf32, #tpu.memory_space<vmem_shared>> -> memref<640x128xf32, #tpu.memory_space<vmem_shared>>
      %dma_wait3A_281 = arith.constant 0 : i32
      %dma_wait3A_282 = tpu.memref_slice %arg2[%mul3A_2, %dma_wait3A_281] : memref<10240x128xf32, #tpu.memory_space<hbm>> -> memref<640x128xf32, #tpu.memory_space<hbm>>
      tpu.wait_dma2 semaphore(%run_scoped3A_274 : memref<!tpu.dma_semaphore, #tpu.memory_space<semaphore_mem>>) src(%dma_wait3A_282 : memref<640x128xf32, #tpu.memory_space<hbm>>) dst(%dma_wait3A_280 : memref<640x128xf32, #tpu.memory_space<vmem_shared>>)
      tpu.yield
    }) : () -> ()
    %barrier3A = arith.constant 0 : index
    tpu.barrier barrier_id(%barrier3A)
    %run_scoped3A = arith.constant 0 : i32
    "tpu.region"() ({
      %run_scoped3A_274 = tpu.sem_alloc : memref<!tpu.dma_semaphore, #tpu.memory_space<semaphore_mem>>
      %dma_start3A_275 = arith.constant 0 : i32
      %dma_start3A_276 = arith.constant 0 : i32
      %dma_start3A_277 = tpu.memref_slice %arg3[%run_scoped3A, %add3A, %dma_start3A_275, %dma_start3A_276] : memref<2x32x160x64xi32, #tpu.memory_space<hbm>> -> memref<1x1x40x64xi32, #tpu.memory_space<hbm>>
      %dma_start3A_278 = tpu.memref_squeeze %dma_start3A_277 : memref<1x1x40x64xi32, #tpu.memory_space<hbm>> -> memref<40x64xi32, #tpu.memory_space<hbm>>
      %dma_start3A_279 = arith.constant 0 : i32
      %dma_start3A_280 = arith.constant 0 : i32
      %dma_start3A_281 = tpu.memref_slice %arg3[%run_scoped3A, %add3A, %dma_start3A_279, %dma_start3A_280] : memref<2x32x160x64xi32, #tpu.memory_space<hbm>> -> memref<1x1x40x64xi32, #tpu.memory_space<hbm>>
      %dma_start3A_282 = tpu.memref_squeeze %dma_start3A_281 : memref<1x1x40x64xi32, #tpu.memory_space<hbm>> -> memref<40x64xi32, #tpu.memory_space<hbm>>
      tpu.enqueue_dma source(%dma_start3A_282 : memref<40x64xi32, #tpu.memory_space<hbm>>) target(%arg6 : memref<40x64xi32, #tpu.memory_space<vmem>>) target_semaphore(%run_scoped3A_274 : memref<!tpu.dma_semaphore, #tpu.memory_space<semaphore_mem>>)
      %dma_wait3A_283 = arith.constant 0 : i32
      %dma_wait3A_284 = arith.constant 0 : i32
      %dma_wait3A_285 = tpu.memref_slice %arg3[%run_scoped3A, %add3A, %dma_wait3A_283, %dma_wait3A_284] : memref<2x32x160x64xi32, #tpu.memory_space<hbm>> -> memref<1x1x40x64xi32, #tpu.memory_space<hbm>>
      %dma_wait3A_286 = tpu.memref_squeeze %dma_wait3A_285 : memref<1x1x40x64xi32, #tpu.memory_space<hbm>> -> memref<40x64xi32, #tpu.memory_space<hbm>>
      %dma_wait3A_287 = arith.constant 0 : i32
      %dma_wait3A_288 = arith.constant 0 : i32
      %dma_wait3A_289 = tpu.memref_slice %arg3[%run_scoped3A, %add3A, %dma_wait3A_287, %dma_wait3A_288] : memref<2x32x160x64xi32, #tpu.memory_space<hbm>> -> memref<1x1x40x64xi32, #tpu.memory_space<hbm>>
      %dma_wait3A_290 = tpu.memref_squeeze %dma_wait3A_289 : memref<1x1x40x64xi32, #tpu.memory_space<hbm>> -> memref<40x64xi32, #tpu.memory_space<hbm>>
      tpu.wait_dma2 semaphore(%run_scoped3A_274 : memref<!tpu.dma_semaphore, #tpu.memory_space<semaphore_mem>>) src(%dma_wait3A_290 : memref<40x64xi32, #tpu.memory_space<hbm>>) dst(%arg6 : memref<40x64xi32, #tpu.memory_space<vmem>>)
      tpu.yield
    }) : () -> ()
    %run_scoped3A_5 = arith.constant 1 : i32
    "tpu.region"() ({
      %run_scoped3A_274 = tpu.sem_alloc : memref<!tpu.dma_semaphore, #tpu.memory_space<semaphore_mem>>
      %dma_start3A_275 = arith.constant 0 : i32
      %dma_start3A_276 = arith.constant 0 : i32
      %dma_start3A_277 = tpu.memref_slice %arg3[%run_scoped3A_5, %add3A, %dma_start3A_275, %dma_start3A_276] : memref<2x32x160x64xi32, #tpu.memory_space<hbm>> -> memref<1x1x40x64xi32, #tpu.memory_space<hbm>>
      %dma_start3A_278 = tpu.memref_squeeze %dma_start3A_277 : memref<1x1x40x64xi32, #tpu.memory_space<hbm>> -> memref<40x64xi32, #tpu.memory_space<hbm>>
      %dma_start3A_279 = arith.constant 0 : i32
      %dma_start3A_280 = arith.constant 0 : i32
      %dma_start3A_281 = tpu.memref_slice %arg3[%run_scoped3A_5, %add3A, %dma_start3A_279, %dma_start3A_280] : memref<2x32x160x64xi32, #tpu.memory_space<hbm>> -> memref<1x1x40x64xi32, #tpu.memory_space<hbm>>
      %dma_start3A_282 = tpu.memref_squeeze %dma_start3A_281 : memref<1x1x40x64xi32, #tpu.memory_space<hbm>> -> memref<40x64xi32, #tpu.memory_space<hbm>>
      tpu.enqueue_dma source(%dma_start3A_282 : memref<40x64xi32, #tpu.memory_space<hbm>>) target(%arg7 : memref<40x64xi32, #tpu.memory_space<vmem>>) target_semaphore(%run_scoped3A_274 : memref<!tpu.dma_semaphore, #tpu.memory_space<semaphore_mem>>)
      %dma_wait3A_283 = arith.constant 0 : i32
      %dma_wait3A_284 = arith.constant 0 : i32
      %dma_wait3A_285 = tpu.memref_slice %arg3[%run_scoped3A_5, %add3A, %dma_wait3A_283, %dma_wait3A_284] : memref<2x32x160x64xi32, #tpu.memory_space<hbm>> -> memref<1x1x40x64xi32, #tpu.memory_space<hbm>>
      %dma_wait3A_286 = tpu.memref_squeeze %dma_wait3A_285 : memref<1x1x40x64xi32, #tpu.memory_space<hbm>> -> memref<40x64xi32, #tpu.memory_space<hbm>>
      %dma_wait3A_287 = arith.constant 0 : i32
      %dma_wait3A_288 = arith.constant 0 : i32
      %dma_wait3A_289 = tpu.memref_slice %arg3[%run_scoped3A_5, %add3A, %dma_wait3A_287, %dma_wait3A_288] : memref<2x32x160x64xi32, #tpu.memory_space<hbm>> -> memref<1x1x40x64xi32, #tpu.memory_space<hbm>>
      %dma_wait3A_290 = tpu.memref_squeeze %dma_wait3A_289 : memref<1x1x40x64xi32, #tpu.memory_space<hbm>> -> memref<40x64xi32, #tpu.memory_space<hbm>>
      tpu.wait_dma2 semaphore(%run_scoped3A_274 : memref<!tpu.dma_semaphore, #tpu.memory_space<semaphore_mem>>) src(%dma_wait3A_290 : memref<40x64xi32, #tpu.memory_space<hbm>>) dst(%arg7 : memref<40x64xi32, #tpu.memory_space<vmem>>)
      tpu.yield
    }) : () -> ()
    %dma_start3A = arith.constant 0 : i32
    %dma_start3A_6 = arith.constant 0 : i32
    %dma_start3A_7 = tpu.memref_slice %arg6[%dma_start3A, %dma_start3A_6] : memref<40x64xi32, #tpu.memory_space<vmem>> -> memref<1x64xi32, #tpu.memory_space<vmem>>
    %dma_start3A_8 = tpu.memref_squeeze %dma_start3A_7 : memref<1x64xi32, #tpu.memory_space<vmem>> -> memref<64xi32, #tpu.memory_space<vmem>>
    %dma_start3A_9 = arith.constant 0 : i32
    %dma_start3A_10 = arith.constant 0 : i32
    %dma_start3A_11 = tpu.memref_slice %arg2[%dma_start3A_9, %dma_start3A_10] : memref<10240x128xf32, #tpu.memory_space<hbm>> -> memref<10240x128xf32, #tpu.memory_space<hbm>>
    tpu.enqueue_indirect_dma source(%dma_start3A_11 : memref<10240x128xf32, #tpu.memory_space<hbm>>) target(%arg8 : memref<64x128xf32, #tpu.memory_space<vmem>>) offsets(%dma_start3A_8 : memref<64xi32, #tpu.memory_space<vmem>>) semaphore(%arg12 : memref<!tpu.dma_semaphore, #tpu.memory_space<semaphore_mem>>)
    %dma_start3A_12 = arith.constant 1 : i32
    %dma_start3A_13 = arith.constant 0 : i32
    %dma_start3A_14 = tpu.memref_slice %arg6[%dma_start3A_12, %dma_start3A_13] : memref<40x64xi32, #tpu.memory_space<vmem>> -> memref<1x64xi32, #tpu.memory_space<vmem>>
    %dma_start3A_15 = tpu.memref_squeeze %dma_start3A_14 : memref<1x64xi32, #tpu.memory_space<vmem>> -> memref<64xi32, #tpu.memory_space<vmem>>
    %dma_start3A_16 = arith.constant 0 : i32
    %dma_start3A_17 = arith.constant 0 : i32
    %dma_start3A_18 = tpu.memref_slice %arg2[%dma_start3A_16, %dma_start3A_17] : memref<10240x128xf32, #tpu.memory_space<hbm>> -> memref<10240x128xf32, #tpu.memory_space<hbm>>
    tpu.enqueue_indirect_dma source(%dma_start3A_18 : memref<10240x128xf32, #tpu.memory_space<hbm>>) target(%arg9 : memref<64x128xf32, #tpu.memory_space<vmem>>) offsets(%dma_start3A_15 : memref<64xi32, #tpu.memory_space<vmem>>) semaphore(%arg13 : memref<!tpu.dma_semaphore, #tpu.memory_space<semaphore_mem>>)
    %dma_start3A_19 = arith.constant 2 : i32
    %dma_start3A_20 = arith.constant 0 : i32
    %dma_start3A_21 = tpu.memref_slice %arg6[%dma_start3A_19, %dma_start3A_20] : memref<40x64xi32, #tpu.memory_space<vmem>> -> memref<1x64xi32, #tpu.memory_space<vmem>>
    %dma_start3A_22 = tpu.memref_squeeze %dma_start3A_21 : memref<1x64xi32, #tpu.memory_space<vmem>> -> memref<64xi32, #tpu.memory_space<vmem>>
    %dma_start3A_23 = arith.constant 0 : i32
    %dma_start3A_24 = arith.constant 0 : i32
    %dma_start3A_25 = tpu.memref_slice %arg2[%dma_start3A_23, %dma_start3A_24] : memref<10240x128xf32, #tpu.memory_space<hbm>> -> memref<10240x128xf32, #tpu.memory_space<hbm>>
    tpu.enqueue_indirect_dma source(%dma_start3A_25 : memref<10240x128xf32, #tpu.memory_space<hbm>>) target(%arg10 : memref<64x128xf32, #tpu.memory_space<vmem>>) offsets(%dma_start3A_22 : memref<64xi32, #tpu.memory_space<vmem>>) semaphore(%arg14 : memref<!tpu.dma_semaphore, #tpu.memory_space<semaphore_mem>>)
    %dma_start3A_26 = arith.constant 3 : i32
    %dma_start3A_27 = arith.constant 0 : i32
    %dma_start3A_28 = tpu.memref_slice %arg6[%dma_start3A_26, %dma_start3A_27] : memref<40x64xi32, #tpu.memory_space<vmem>> -> memref<1x64xi32, #tpu.memory_space<vmem>>
    %dma_start3A_29 = tpu.memref_squeeze %dma_start3A_28 : memref<1x64xi32, #tpu.memory_space<vmem>> -> memref<64xi32, #tpu.memory_space<vmem>>
    %dma_start3A_30 = arith.constant 0 : i32
    %dma_start3A_31 = arith.constant 0 : i32
    %dma_start3A_32 = tpu.memref_slice %arg2[%dma_start3A_30, %dma_start3A_31] : memref<10240x128xf32, #tpu.memory_space<hbm>> -> memref<10240x128xf32, #tpu.memory_space<hbm>>
    tpu.enqueue_indirect_dma source(%dma_start3A_32 : memref<10240x128xf32, #tpu.memory_space<hbm>>) target(%arg11 : memref<64x128xf32, #tpu.memory_space<vmem>>) offsets(%dma_start3A_29 : memref<64xi32, #tpu.memory_space<vmem>>) semaphore(%arg15 : memref<!tpu.dma_semaphore, #tpu.memory_space<semaphore_mem>>)
    %scan3A = arith.constant 0 : i32
    %scan3A_33 = arith.constant 9 : i32
    %scan3A_34 = arith.addi %scan3A, %scan3A_33 : i32
    %scan3A_35 = arith.constant 1 : i32
    scf.for %scan3A_274 = %scan3A to %scan3A_34 step %scan3A_35  : i32 {
      %mul3A_275 = arith.constant 4 : i32
      %mul3A_276 = arith.muli %scan3A_274, %mul3A_275 : i32
      %add3A_277 = arith.constant 0 : i32
      %add3A_278 = arith.addi %add3A_277, %mul3A_276 : i32
      %add3A_279 = arith.constant 0 : i32
      %add3A_280 = arith.addi %add3A_278, %add3A_279 : i32
      %dma_wait3A_281 = arith.constant 0 : i32
      %dma_wait3A_282 = tpu.memref_slice %arg6[%add3A_280, %dma_wait3A_281] : memref<40x64xi32, #tpu.memory_space<vmem>> -> memref<1x64xi32, #tpu.memory_space<vmem>>
      %dma_wait3A_283 = tpu.memref_squeeze %dma_wait3A_282 : memref<1x64xi32, #tpu.memory_space<vmem>> -> memref<64xi32, #tpu.memory_space<vmem>>
      %dma_wait3A_284 = arith.constant 0 : i32
      %dma_wait3A_285 = arith.constant 0 : i32
      %dma_wait3A_286 = tpu.memref_slice %arg2[%dma_wait3A_284, %dma_wait3A_285] : memref<10240x128xf32, #tpu.memory_space<hbm>> -> memref<10240x128xf32, #tpu.memory_space<hbm>>
      tpu.wait_indirect_dma semaphore(%arg12 : memref<!tpu.dma_semaphore, #tpu.memory_space<semaphore_mem>>) src(%dma_wait3A_286 : memref<10240x128xf32, #tpu.memory_space<hbm>>) dst(%arg8 : memref<64x128xf32, #tpu.memory_space<vmem>>)
      "tpu.region"() ({
        %run_scoped3A_351 = tpu.sem_alloc : memref<!tpu.dma_semaphore, #tpu.memory_space<semaphore_mem>>
        %dma_start3A_352 = arith.constant 0 : i32
        %dma_start3A_353 = tpu.memref_slice %arg7[%add3A_280, %dma_start3A_352] : memref<40x64xi32, #tpu.memory_space<vmem>> -> memref<1x64xi32, #tpu.memory_space<vmem>>
        %dma_start3A_354 = tpu.memref_squeeze %dma_start3A_353 : memref<1x64xi32, #tpu.memory_space<vmem>> -> memref<64xi32, #tpu.memory_space<vmem>>
        %dma_start3A_355 = arith.constant 0 : i32
        %dma_start3A_356 = arith.constant 0 : i32
        %dma_start3A_357 = tpu.memref_slice %arg5[%dma_start3A_355, %dma_start3A_356] : memref<10240x128xf32, #tpu.memory_space<vmem_shared>> -> memref<10240x128xf32, #tpu.memory_space<vmem_shared>>
        tpu.enqueue_indirect_dma source(%arg8 : memref<64x128xf32, #tpu.memory_space<vmem>>) target(%dma_start3A_357 : memref<10240x128xf32, #tpu.memory_space<vmem_shared>>) offsets(%dma_start3A_354 : memref<64xi32, #tpu.memory_space<vmem>>) semaphore(%run_scoped3A_351 : memref<!tpu.dma_semaphore, #tpu.memory_space<semaphore_mem>>) {add = true}
        %dma_wait3A_358 = arith.constant 0 : i32
        %dma_wait3A_359 = tpu.memref_slice %arg7[%add3A_280, %dma_wait3A_358] : memref<40x64xi32, #tpu.memory_space<vmem>> -> memref<1x64xi32, #tpu.memory_space<vmem>>
        %dma_wait3A_360 = tpu.memref_squeeze %dma_wait3A_359 : memref<1x64xi32, #tpu.memory_space<vmem>> -> memref<64xi32, #tpu.memory_space<vmem>>
        %dma_wait3A_361 = arith.constant 0 : i32
        %dma_wait3A_362 = arith.constant 0 : i32
        %dma_wait3A_363 = tpu.memref_slice %arg5[%dma_wait3A_361, %dma_wait3A_362] : memref<10240x128xf32, #tpu.memory_space<vmem_shared>> -> memref<10240x128xf32, #tpu.memory_space<vmem_shared>>
        tpu.wait_indirect_dma semaphore(%run_scoped3A_351 : memref<!tpu.dma_semaphore, #tpu.memory_space<semaphore_mem>>) src(%arg8 : memref<64x128xf32, #tpu.memory_space<vmem>>) dst(%dma_wait3A_363 : memref<10240x128xf32, #tpu.memory_space<vmem_shared>>)
        tpu.yield
      }) : () -> ()
      %add3A_287 = arith.constant 4 : i32
      %add3A_288 = arith.addi %add3A_278, %add3A_287 : i32
      %add3A_289 = arith.constant 0 : i32
      %add3A_290 = arith.addi %add3A_288, %add3A_289 : i32
      %dma_start3A_291 = arith.constant 0 : i32
      %dma_start3A_292 = tpu.memref_slice %arg6[%add3A_290, %dma_start3A_291] : memref<40x64xi32, #tpu.memory_space<vmem>> -> memref<1x64xi32, #tpu.memory_space<vmem>>
      %dma_start3A_293 = tpu.memref_squeeze %dma_start3A_292 : memref<1x64xi32, #tpu.memory_space<vmem>> -> memref<64xi32, #tpu.memory_space<vmem>>
      %dma_start3A_294 = arith.constant 0 : i32
      %dma_start3A_295 = arith.constant 0 : i32
      %dma_start3A_296 = tpu.memref_slice %arg2[%dma_start3A_294, %dma_start3A_295] : memref<10240x128xf32, #tpu.memory_space<hbm>> -> memref<10240x128xf32, #tpu.memory_space<hbm>>
      tpu.enqueue_indirect_dma source(%dma_start3A_296 : memref<10240x128xf32, #tpu.memory_space<hbm>>) target(%arg8 : memref<64x128xf32, #tpu.memory_space<vmem>>) offsets(%dma_start3A_293 : memref<64xi32, #tpu.memory_space<vmem>>) semaphore(%arg12 : memref<!tpu.dma_semaphore, #tpu.memory_space<semaphore_mem>>)
      %add3A_297 = arith.constant 1 : i32
      %add3A_298 = arith.addi %add3A_278, %add3A_297 : i32
      %dma_wait3A_299 = arith.constant 0 : i32
      %dma_wait3A_300 = tpu.memref_slice %arg6[%add3A_298, %dma_wait3A_299] : memref<40x64xi32, #tpu.memory_space<vmem>> -> memref<1x64xi32, #tpu.memory_space<vmem>>
      %dma_wait3A_301 = tpu.memref_squeeze %dma_wait3A_300 : memref<1x64xi32, #tpu.memory_space<vmem>> -> memref<64xi32, #tpu.memory_space<vmem>>
      %dma_wait3A_302 = arith.constant 0 : i32
      %dma_wait3A_303 = arith.constant 0 : i32
      %dma_wait3A_304 = tpu.memref_slice %arg2[%dma_wait3A_302, %dma_wait3A_303] : memref<10240x128xf32, #tpu.memory_space<hbm>> -> memref<10240x128xf32, #tpu.memory_space<hbm>>
      tpu.wait_indirect_dma semaphore(%arg13 : memref<!tpu.dma_semaphore, #tpu.memory_space<semaphore_mem>>) src(%dma_wait3A_304 : memref<10240x128xf32, #tpu.memory_space<hbm>>) dst(%arg9 : memref<64x128xf32, #tpu.memory_space<vmem>>)
      "tpu.region"() ({
        %run_scoped3A_351 = tpu.sem_alloc : memref<!tpu.dma_semaphore, #tpu.memory_space<semaphore_mem>>
        %dma_start3A_352 = arith.constant 0 : i32
        %dma_start3A_353 = tpu.memref_slice %arg7[%add3A_298, %dma_start3A_352] : memref<40x64xi32, #tpu.memory_space<vmem>> -> memref<1x64xi32, #tpu.memory_space<vmem>>
        %dma_start3A_354 = tpu.memref_squeeze %dma_start3A_353 : memref<1x64xi32, #tpu.memory_space<vmem>> -> memref<64xi32, #tpu.memory_space<vmem>>
        %dma_start3A_355 = arith.constant 0 : i32
        %dma_start3A_356 = arith.constant 0 : i32
        %dma_start3A_357 = tpu.memref_slice %arg5[%dma_start3A_355, %dma_start3A_356] : memref<10240x128xf32, #tpu.memory_space<vmem_shared>> -> memref<10240x128xf32, #tpu.memory_space<vmem_shared>>
        tpu.enqueue_indirect_dma source(%arg9 : memref<64x128xf32, #tpu.memory_space<vmem>>) target(%dma_start3A_357 : memref<10240x128xf32, #tpu.memory_space<vmem_shared>>) offsets(%dma_start3A_354 : memref<64xi32, #tpu.memory_space<vmem>>) semaphore(%run_scoped3A_351 : memref<!tpu.dma_semaphore, #tpu.memory_space<semaphore_mem>>) {add = true}
        %dma_wait3A_358 = arith.constant 0 : i32
        %dma_wait3A_359 = tpu.memref_slice %arg7[%add3A_298, %dma_wait3A_358] : memref<40x64xi32, #tpu.memory_space<vmem>> -> memref<1x64xi32, #tpu.memory_space<vmem>>
        %dma_wait3A_360 = tpu.memref_squeeze %dma_wait3A_359 : memref<1x64xi32, #tpu.memory_space<vmem>> -> memref<64xi32, #tpu.memory_space<vmem>>
        %dma_wait3A_361 = arith.constant 0 : i32
        %dma_wait3A_362 = arith.constant 0 : i32
        %dma_wait3A_363 = tpu.memref_slice %arg5[%dma_wait3A_361, %dma_wait3A_362] : memref<10240x128xf32, #tpu.memory_space<vmem_shared>> -> memref<10240x128xf32, #tpu.memory_space<vmem_shared>>
        tpu.wait_indirect_dma semaphore(%run_scoped3A_351 : memref<!tpu.dma_semaphore, #tpu.memory_space<semaphore_mem>>) src(%arg9 : memref<64x128xf32, #tpu.memory_space<vmem>>) dst(%dma_wait3A_363 : memref<10240x128xf32, #tpu.memory_space<vmem_shared>>)
        tpu.yield
      }) : () -> ()
      %add3A_305 = arith.constant 4 : i32
      %add3A_306 = arith.addi %add3A_278, %add3A_305 : i32
      %add3A_307 = arith.constant 1 : i32
      %add3A_308 = arith.addi %add3A_306, %add3A_307 : i32
      %dma_start3A_309 = arith.constant 0 : i32
      %dma_start3A_310 = tpu.memref_slice %arg6[%add3A_308, %dma_start3A_309] : memref<40x64xi32, #tpu.memory_space<vmem>> -> memref<1x64xi32, #tpu.memory_space<vmem>>
      %dma_start3A_311 = tpu.memref_squeeze %dma_start3A_310 : memref<1x64xi32, #tpu.memory_space<vmem>> -> memref<64xi32, #tpu.memory_space<vmem>>
      %dma_start3A_312 = arith.constant 0 : i32
      %dma_start3A_313 = arith.constant 0 : i32
      %dma_start3A_314 = tpu.memref_slice %arg2[%dma_start3A_312, %dma_start3A_313] : memref<10240x128xf32, #tpu.memory_space<hbm>> -> memref<10240x128xf32, #tpu.memory_space<hbm>>
      tpu.enqueue_indirect_dma source(%dma_start3A_314 : memref<10240x128xf32, #tpu.memory_space<hbm>>) target(%arg9 : memref<64x128xf32, #tpu.memory_space<vmem>>) offsets(%dma_start3A_311 : memref<64xi32, #tpu.memory_space<vmem>>) semaphore(%arg13 : memref<!tpu.dma_semaphore, #tpu.memory_space<semaphore_mem>>)
      %add3A_315 = arith.constant 2 : i32
      %add3A_316 = arith.addi %add3A_278, %add3A_315 : i32
      %dma_wait3A_317 = arith.constant 0 : i32
      %dma_wait3A_318 = tpu.memref_slice %arg6[%add3A_316, %dma_wait3A_317] : memref<40x64xi32, #tpu.memory_space<vmem>> -> memref<1x64xi32, #tpu.memory_space<vmem>>
      %dma_wait3A_319 = tpu.memref_squeeze %dma_wait3A_318 : memref<1x64xi32, #tpu.memory_space<vmem>> -> memref<64xi32, #tpu.memory_space<vmem>>
      %dma_wait3A_320 = arith.constant 0 : i32
      %dma_wait3A_321 = arith.constant 0 : i32
      %dma_wait3A_322 = tpu.memref_slice %arg2[%dma_wait3A_320, %dma_wait3A_321] : memref<10240x128xf32, #tpu.memory_space<hbm>> -> memref<10240x128xf32, #tpu.memory_space<hbm>>
      tpu.wait_indirect_dma semaphore(%arg14 : memref<!tpu.dma_semaphore, #tpu.memory_space<semaphore_mem>>) src(%dma_wait3A_322 : memref<10240x128xf32, #tpu.memory_space<hbm>>) dst(%arg10 : memref<64x128xf32, #tpu.memory_space<vmem>>)
      "tpu.region"() ({
        %run_scoped3A_351 = tpu.sem_alloc : memref<!tpu.dma_semaphore, #tpu.memory_space<semaphore_mem>>
        %dma_start3A_352 = arith.constant 0 : i32
        %dma_start3A_353 = tpu.memref_slice %arg7[%add3A_316, %dma_start3A_352] : memref<40x64xi32, #tpu.memory_space<vmem>> -> memref<1x64xi32, #tpu.memory_space<vmem>>
        %dma_start3A_354 = tpu.memref_squeeze %dma_start3A_353 : memref<1x64xi32, #tpu.memory_space<vmem>> -> memref<64xi32, #tpu.memory_space<vmem>>
        %dma_start3A_355 = arith.constant 0 : i32
        %dma_start3A_356 = arith.constant 0 : i32
        %dma_start3A_357 = tpu.memref_slice %arg5[%dma_start3A_355, %dma_start3A_356] : memref<10240x128xf32, #tpu.memory_space<vmem_shared>> -> memref<10240x128xf32, #tpu.memory_space<vmem_shared>>
        tpu.enqueue_indirect_dma source(%arg10 : memref<64x128xf32, #tpu.memory_space<vmem>>) target(%dma_start3A_357 : memref<10240x128xf32, #tpu.memory_space<vmem_shared>>) offsets(%dma_start3A_354 : memref<64xi32, #tpu.memory_space<vmem>>) semaphore(%run_scoped3A_351 : memref<!tpu.dma_semaphore, #tpu.memory_space<semaphore_mem>>) {add = true}
        %dma_wait3A_358 = arith.constant 0 : i32
        %dma_wait3A_359 = tpu.memref_slice %arg7[%add3A_316, %dma_wait3A_358] : memref<40x64xi32, #tpu.memory_space<vmem>> -> memref<1x64xi32, #tpu.memory_space<vmem>>
        %dma_wait3A_360 = tpu.memref_squeeze %dma_wait3A_359 : memref<1x64xi32, #tpu.memory_space<vmem>> -> memref<64xi32, #tpu.memory_space<vmem>>
        %dma_wait3A_361 = arith.constant 0 : i32
        %dma_wait3A_362 = arith.constant 0 : i32
        %dma_wait3A_363 = tpu.memref_slice %arg5[%dma_wait3A_361, %dma_wait3A_362] : memref<10240x128xf32, #tpu.memory_space<vmem_shared>> -> memref<10240x128xf32, #tpu.memory_space<vmem_shared>>
        tpu.wait_indirect_dma semaphore(%run_scoped3A_351 : memref<!tpu.dma_semaphore, #tpu.memory_space<semaphore_mem>>) src(%arg10 : memref<64x128xf32, #tpu.memory_space<vmem>>) dst(%dma_wait3A_363 : memref<10240x128xf32, #tpu.memory_space<vmem_shared>>)
        tpu.yield
      }) : () -> ()
      %add3A_323 = arith.constant 4 : i32
      %add3A_324 = arith.addi %add3A_278, %add3A_323 : i32
      %add3A_325 = arith.constant 2 : i32
      %add3A_326 = arith.addi %add3A_324, %add3A_325 : i32
      %dma_start3A_327 = arith.constant 0 : i32
      %dma_start3A_328 = tpu.memref_slice %arg6[%add3A_326, %dma_start3A_327] : memref<40x64xi32, #tpu.memory_space<vmem>> -> memref<1x64xi32, #tpu.memory_space<vmem>>
      %dma_start3A_329 = tpu.memref_squeeze %dma_start3A_328 : memref<1x64xi32, #tpu.memory_space<vmem>> -> memref<64xi32, #tpu.memory_space<vmem>>
      %dma_start3A_330 = arith.constant 0 : i32
      %dma_start3A_331 = arith.constant 0 : i32
      %dma_start3A_332 = tpu.memref_slice %arg2[%dma_start3A_330, %dma_start3A_331] : memref<10240x128xf32, #tpu.memory_space<hbm>> -> memref<10240x128xf32, #tpu.memory_space<hbm>>
      tpu.enqueue_indirect_dma source(%dma_start3A_332 : memref<10240x128xf32, #tpu.memory_space<hbm>>) target(%arg10 : memref<64x128xf32, #tpu.memory_space<vmem>>) offsets(%dma_start3A_329 : memref<64xi32, #tpu.memory_space<vmem>>) semaphore(%arg14 : memref<!tpu.dma_semaphore, #tpu.memory_space<semaphore_mem>>)
      %add3A_333 = arith.constant 3 : i32
      %add3A_334 = arith.addi %add3A_278, %add3A_333 : i32
      %dma_wait3A_335 = arith.constant 0 : i32
      %dma_wait3A_336 = tpu.memref_slice %arg6[%add3A_334, %dma_wait3A_335] : memref<40x64xi32, #tpu.memory_space<vmem>> -> memref<1x64xi32, #tpu.memory_space<vmem>>
      %dma_wait3A_337 = tpu.memref_squeeze %dma_wait3A_336 : memref<1x64xi32, #tpu.memory_space<vmem>> -> memref<64xi32, #tpu.memory_space<vmem>>
      %dma_wait3A_338 = arith.constant 0 : i32
      %dma_wait3A_339 = arith.constant 0 : i32
      %dma_wait3A_340 = tpu.memref_slice %arg2[%dma_wait3A_338, %dma_wait3A_339] : memref<10240x128xf32, #tpu.memory_space<hbm>> -> memref<10240x128xf32, #tpu.memory_space<hbm>>
      tpu.wait_indirect_dma semaphore(%arg15 : memref<!tpu.dma_semaphore, #tpu.memory_space<semaphore_mem>>) src(%dma_wait3A_340 : memref<10240x128xf32, #tpu.memory_space<hbm>>) dst(%arg11 : memref<64x128xf32, #tpu.memory_space<vmem>>)
      "tpu.region"() ({
        %run_scoped3A_351 = tpu.sem_alloc : memref<!tpu.dma_semaphore, #tpu.memory_space<semaphore_mem>>
        %dma_start3A_352 = arith.constant 0 : i32
        %dma_start3A_353 = tpu.memref_slice %arg7[%add3A_334, %dma_start3A_352] : memref<40x64xi32, #tpu.memory_space<vmem>> -> memref<1x64xi32, #tpu.memory_space<vmem>>
        %dma_start3A_354 = tpu.memref_squeeze %dma_start3A_353 : memref<1x64xi32, #tpu.memory_space<vmem>> -> memref<64xi32, #tpu.memory_space<vmem>>
        %dma_start3A_355 = arith.constant 0 : i32
        %dma_start3A_356 = arith.constant 0 : i32
        %dma_start3A_357 = tpu.memref_slice %arg5[%dma_start3A_355, %dma_start3A_356] : memref<10240x128xf32, #tpu.memory_space<vmem_shared>> -> memref<10240x128xf32, #tpu.memory_space<vmem_shared>>
        tpu.enqueue_indirect_dma source(%arg11 : memref<64x128xf32, #tpu.memory_space<vmem>>) target(%dma_start3A_357 : memref<10240x128xf32, #tpu.memory_space<vmem_shared>>) offsets(%dma_start3A_354 : memref<64xi32, #tpu.memory_space<vmem>>) semaphore(%run_scoped3A_351 : memref<!tpu.dma_semaphore, #tpu.memory_space<semaphore_mem>>) {add = true}
        %dma_wait3A_358 = arith.constant 0 : i32
        %dma_wait3A_359 = tpu.memref_slice %arg7[%add3A_334, %dma_wait3A_358] : memref<40x64xi32, #tpu.memory_space<vmem>> -> memref<1x64xi32, #tpu.memory_space<vmem>>
        %dma_wait3A_360 = tpu.memref_squeeze %dma_wait3A_359 : memref<1x64xi32, #tpu.memory_space<vmem>> -> memref<64xi32, #tpu.memory_space<vmem>>
        %dma_wait3A_361 = arith.constant 0 : i32
        %dma_wait3A_362 = arith.constant 0 : i32
        %dma_wait3A_363 = tpu.memref_slice %arg5[%dma_wait3A_361, %dma_wait3A_362] : memref<10240x128xf32, #tpu.memory_space<vmem_shared>> -> memref<10240x128xf32, #tpu.memory_space<vmem_shared>>
        tpu.wait_indirect_dma semaphore(%run_scoped3A_351 : memref<!tpu.dma_semaphore, #tpu.memory_space<semaphore_mem>>) src(%arg11 : memref<64x128xf32, #tpu.memory_space<vmem>>) dst(%dma_wait3A_363 : memref<10240x128xf32, #tpu.memory_space<vmem_shared>>)
        tpu.yield
      }) : () -> ()
      %add3A_341 = arith.constant 4 : i32
      %add3A_342 = arith.addi %add3A_278, %add3A_341 : i32
      %add3A_343 = arith.constant 3 : i32
      %add3A_344 = arith.addi %add3A_342, %add3A_343 : i32
      %dma_start3A_345 = arith.constant 0 : i32
      %dma_start3A_346 = tpu.memref_slice %arg6[%add3A_344, %dma_start3A_345] : memref<40x64xi32, #tpu.memory_space<vmem>> -> memref<1x64xi32, #tpu.memory_space<vmem>>
      %dma_start3A_347 = tpu.memref_squeeze %dma_start3A_346 : memref<1x64xi32, #tpu.memory_space<vmem>> -> memref<64xi32, #tpu.memory_space<vmem>>
      %dma_start3A_348 = arith.constant 0 : i32
      %dma_start3A_349 = arith.constant 0 : i32
      %dma_start3A_350 = tpu.memref_slice %arg2[%dma_start3A_348, %dma_start3A_349] : memref<10240x128xf32, #tpu.memory_space<hbm>> -> memref<10240x128xf32, #tpu.memory_space<hbm>>
      tpu.enqueue_indirect_dma source(%dma_start3A_350 : memref<10240x128xf32, #tpu.memory_space<hbm>>) target(%arg11 : memref<64x128xf32, #tpu.memory_space<vmem>>) offsets(%dma_start3A_347 : memref<64xi32, #tpu.memory_space<vmem>>) semaphore(%arg15 : memref<!tpu.dma_semaphore, #tpu.memory_space<semaphore_mem>>)
    }
    %scan3A_36 = arith.constant 9 : i32
    %dma_wait3A = arith.constant 36 : i32
    %dma_wait3A_37 = arith.constant 0 : i32
    %dma_wait3A_38 = tpu.memref_slice %arg6[%dma_wait3A, %dma_wait3A_37] : memref<40x64xi32, #tpu.memory_space<vmem>> -> memref<1x64xi32, #tpu.memory_space<vmem>>
    %dma_wait3A_39 = tpu.memref_squeeze %dma_wait3A_38 : memref<1x64xi32, #tpu.memory_space<vmem>> -> memref<64xi32, #tpu.memory_space<vmem>>
    %dma_wait3A_40 = arith.constant 0 : i32
    %dma_wait3A_41 = arith.constant 0 : i32
    %dma_wait3A_42 = tpu.memref_slice %arg2[%dma_wait3A_40, %dma_wait3A_41] : memref<10240x128xf32, #tpu.memory_space<hbm>> -> memref<10240x128xf32, #tpu.memory_space<hbm>>
    tpu.wait_indirect_dma semaphore(%arg12 : memref<!tpu.dma_semaphore, #tpu.memory_space<semaphore_mem>>) src(%dma_wait3A_42 : memref<10240x128xf32, #tpu.memory_space<hbm>>) dst(%arg8 : memref<64x128xf32, #tpu.memory_space<vmem>>)
    %run_scoped3A_43 = arith.constant 36 : i32
    "tpu.region"() ({
      %run_scoped3A_274 = tpu.sem_alloc : memref<!tpu.dma_semaphore, #tpu.memory_space<semaphore_mem>>
      %dma_start3A_275 = arith.constant 0 : i32
      %dma_start3A_276 = tpu.memref_slice %arg7[%run_scoped3A_43, %dma_start3A_275] : memref<40x64xi32, #tpu.memory_space<vmem>> -> memref<1x64xi32, #tpu.memory_space<vmem>>
      %dma_start3A_277 = tpu.memref_squeeze %dma_start3A_276 : memref<1x64xi32, #tpu.memory_space<vmem>> -> memref<64xi32, #tpu.memory_space<vmem>>
      %dma_start3A_278 = arith.constant 0 : i32
      %dma_start3A_279 = arith.constant 0 : i32
      %dma_start3A_280 = tpu.memref_slice %arg5[%dma_start3A_278, %dma_start3A_279] : memref<10240x128xf32, #tpu.memory_space<vmem_shared>> -> memref<10240x128xf32, #tpu.memory_space<vmem_shared>>
      tpu.enqueue_indirect_dma source(%arg8 : memref<64x128xf32, #tpu.memory_space<vmem>>) target(%dma_start3A_280 : memref<10240x128xf32, #tpu.memory_space<vmem_shared>>) offsets(%dma_start3A_277 : memref<64xi32, #tpu.memory_space<vmem>>) semaphore(%run_scoped3A_274 : memref<!tpu.dma_semaphore, #tpu.memory_space<semaphore_mem>>) {add = true}
      %dma_wait3A_281 = arith.constant 0 : i32
      %dma_wait3A_282 = tpu.memref_slice %arg7[%run_scoped3A_43, %dma_wait3A_281] : memref<40x64xi32, #tpu.memory_space<vmem>> -> memref<1x64xi32, #tpu.memory_space<vmem>>
      %dma_wait3A_283 = tpu.memref_squeeze %dma_wait3A_282 : memref<1x64xi32, #tpu.memory_space<vmem>> -> memref<64xi32, #tpu.memory_space<vmem>>
      %dma_wait3A_284 = arith.constant 0 : i32
      %dma_wait3A_285 = arith.constant 0 : i32
      %dma_wait3A_286 = tpu.memref_slice %arg5[%dma_wait3A_284, %dma_wait3A_285] : memref<10240x128xf32, #tpu.memory_space<vmem_shared>> -> memref<10240x128xf32, #tpu.memory_space<vmem_shared>>
      tpu.wait_indirect_dma semaphore(%run_scoped3A_274 : memref<!tpu.dma_semaphore, #tpu.memory_space<semaphore_mem>>) src(%arg8 : memref<64x128xf32, #tpu.memory_space<vmem>>) dst(%dma_wait3A_286 : memref<10240x128xf32, #tpu.memory_space<vmem_shared>>)
      tpu.yield
    }) : () -> ()
    %dma_wait3A_44 = arith.constant 37 : i32
    %dma_wait3A_45 = arith.constant 0 : i32
    %dma_wait3A_46 = tpu.memref_slice %arg6[%dma_wait3A_44, %dma_wait3A_45] : memref<40x64xi32, #tpu.memory_space<vmem>> -> memref<1x64xi32, #tpu.memory_space<vmem>>
    %dma_wait3A_47 = tpu.memref_squeeze %dma_wait3A_46 : memref<1x64xi32, #tpu.memory_space<vmem>> -> memref<64xi32, #tpu.memory_space<vmem>>
    %dma_wait3A_48 = arith.constant 0 : i32
    %dma_wait3A_49 = arith.constant 0 : i32
    %dma_wait3A_50 = tpu.memref_slice %arg2[%dma_wait3A_48, %dma_wait3A_49] : memref<10240x128xf32, #tpu.memory_space<hbm>> -> memref<10240x128xf32, #tpu.memory_space<hbm>>
    tpu.wait_indirect_dma semaphore(%arg13 : memref<!tpu.dma_semaphore, #tpu.memory_space<semaphore_mem>>) src(%dma_wait3A_50 : memref<10240x128xf32, #tpu.memory_space<hbm>>) dst(%arg9 : memref<64x128xf32, #tpu.memory_space<vmem>>)
    %run_scoped3A_51 = arith.constant 37 : i32
    "tpu.region"() ({
      %run_scoped3A_274 = tpu.sem_alloc : memref<!tpu.dma_semaphore, #tpu.memory_space<semaphore_mem>>
      %dma_start3A_275 = arith.constant 0 : i32
      %dma_start3A_276 = tpu.memref_slice %arg7[%run_scoped3A_51, %dma_start3A_275] : memref<40x64xi32, #tpu.memory_space<vmem>> -> memref<1x64xi32, #tpu.memory_space<vmem>>
      %dma_start3A_277 = tpu.memref_squeeze %dma_start3A_276 : memref<1x64xi32, #tpu.memory_space<vmem>> -> memref<64xi32, #tpu.memory_space<vmem>>
      %dma_start3A_278 = arith.constant 0 : i32
      %dma_start3A_279 = arith.constant 0 : i32
      %dma_start3A_280 = tpu.memref_slice %arg5[%dma_start3A_278, %dma_start3A_279] : memref<10240x128xf32, #tpu.memory_space<vmem_shared>> -> memref<10240x128xf32, #tpu.memory_space<vmem_shared>>
      tpu.enqueue_indirect_dma source(%arg9 : memref<64x128xf32, #tpu.memory_space<vmem>>) target(%dma_start3A_280 : memref<10240x128xf32, #tpu.memory_space<vmem_shared>>) offsets(%dma_start3A_277 : memref<64xi32, #tpu.memory_space<vmem>>) semaphore(%run_scoped3A_274 : memref<!tpu.dma_semaphore, #tpu.memory_space<semaphore_mem>>) {add = true}
      %dma_wait3A_281 = arith.constant 0 : i32
      %dma_wait3A_282 = tpu.memref_slice %arg7[%run_scoped3A_51, %dma_wait3A_281] : memref<40x64xi32, #tpu.memory_space<vmem>> -> memref<1x64xi32, #tpu.memory_space<vmem>>
      %dma_wait3A_283 = tpu.memref_squeeze %dma_wait3A_282 : memref<1x64xi32, #tpu.memory_space<vmem>> -> memref<64xi32, #tpu.memory_space<vmem>>
      %dma_wait3A_284 = arith.constant 0 : i32
      %dma_wait3A_285 = arith.constant 0 : i32
      %dma_wait3A_286 = tpu.memref_slice %arg5[%dma_wait3A_284, %dma_wait3A_285] : memref<10240x128xf32, #tpu.memory_space<vmem_shared>> -> memref<10240x128xf32, #tpu.memory_space<vmem_shared>>
      tpu.wait_indirect_dma semaphore(%run_scoped3A_274 : memref<!tpu.dma_semaphore, #tpu.memory_space<semaphore_mem>>) src(%arg9 : memref<64x128xf32, #tpu.memory_space<vmem>>) dst(%dma_wait3A_286 : memref<10240x128xf32, #tpu.memory_space<vmem_shared>>)
      tpu.yield
    }) : () -> ()
    %dma_wait3A_52 = arith.constant 38 : i32
    %dma_wait3A_53 = arith.constant 0 : i32
    %dma_wait3A_54 = tpu.memref_slice %arg6[%dma_wait3A_52, %dma_wait3A_53] : memref<40x64xi32, #tpu.memory_space<vmem>> -> memref<1x64xi32, #tpu.memory_space<vmem>>
    %dma_wait3A_55 = tpu.memref_squeeze %dma_wait3A_54 : memref<1x64xi32, #tpu.memory_space<vmem>> -> memref<64xi32, #tpu.memory_space<vmem>>
    %dma_wait3A_56 = arith.constant 0 : i32
    %dma_wait3A_57 = arith.constant 0 : i32
    %dma_wait3A_58 = tpu.memref_slice %arg2[%dma_wait3A_56, %dma_wait3A_57] : memref<10240x128xf32, #tpu.memory_space<hbm>> -> memref<10240x128xf32, #tpu.memory_space<hbm>>
    tpu.wait_indirect_dma semaphore(%arg14 : memref<!tpu.dma_semaphore, #tpu.memory_space<semaphore_mem>>) src(%dma_wait3A_58 : memref<10240x128xf32, #tpu.memory_space<hbm>>) dst(%arg10 : memref<64x128xf32, #tpu.memory_space<vmem>>)
    %run_scoped3A_59 = arith.constant 38 : i32
    "tpu.region"() ({
      %run_scoped3A_274 = tpu.sem_alloc : memref<!tpu.dma_semaphore, #tpu.memory_space<semaphore_mem>>
      %dma_start3A_275 = arith.constant 0 : i32
      %dma_start3A_276 = tpu.memref_slice %arg7[%run_scoped3A_59, %dma_start3A_275] : memref<40x64xi32, #tpu.memory_space<vmem>> -> memref<1x64xi32, #tpu.memory_space<vmem>>
      %dma_start3A_277 = tpu.memref_squeeze %dma_start3A_276 : memref<1x64xi32, #tpu.memory_space<vmem>> -> memref<64xi32, #tpu.memory_space<vmem>>
      %dma_start3A_278 = arith.constant 0 : i32
      %dma_start3A_279 = arith.constant 0 : i32
      %dma_start3A_280 = tpu.memref_slice %arg5[%dma_start3A_278, %dma_start3A_279] : memref<10240x128xf32, #tpu.memory_space<vmem_shared>> -> memref<10240x128xf32, #tpu.memory_space<vmem_shared>>
      tpu.enqueue_indirect_dma source(%arg10 : memref<64x128xf32, #tpu.memory_space<vmem>>) target(%dma_start3A_280 : memref<10240x128xf32, #tpu.memory_space<vmem_shared>>) offsets(%dma_start3A_277 : memref<64xi32, #tpu.memory_space<vmem>>) semaphore(%run_scoped3A_274 : memref<!tpu.dma_semaphore, #tpu.memory_space<semaphore_mem>>) {add = true}
      %dma_wait3A_281 = arith.constant 0 : i32
      %dma_wait3A_282 = tpu.memref_slice %arg7[%run_scoped3A_59, %dma_wait3A_281] : memref<40x64xi32, #tpu.memory_space<vmem>> -> memref<1x64xi32, #tpu.memory_space<vmem>>
      %dma_wait3A_283 = tpu.memref_squeeze %dma_wait3A_282 : memref<1x64xi32, #tpu.memory_space<vmem>> -> memref<64xi32, #tpu.memory_space<vmem>>
      %dma_wait3A_284 = arith.constant 0 : i32
      %dma_wait3A_285 = arith.constant 0 : i32
      %dma_wait3A_286 = tpu.memref_slice %arg5[%dma_wait3A_284, %dma_wait3A_285] : memref<10240x128xf32, #tpu.memory_space<vmem_shared>> -> memref<10240x128xf32, #tpu.memory_space<vmem_shared>>
      tpu.wait_indirect_dma semaphore(%run_scoped3A_274 : memref<!tpu.dma_semaphore, #tpu.memory_space<semaphore_mem>>) src(%arg10 : memref<64x128xf32, #tpu.memory_space<vmem>>) dst(%dma_wait3A_286 : memref<10240x128xf32, #tpu.memory_space<vmem_shared>>)
      tpu.yield
    }) : () -> ()
    %dma_wait3A_60 = arith.constant 39 : i32
    %dma_wait3A_61 = arith.constant 0 : i32
    %dma_wait3A_62 = tpu.memref_slice %arg6[%dma_wait3A_60, %dma_wait3A_61] : memref<40x64xi32, #tpu.memory_space<vmem>> -> memref<1x64xi32, #tpu.memory_space<vmem>>
    %dma_wait3A_63 = tpu.memref_squeeze %dma_wait3A_62 : memref<1x64xi32, #tpu.memory_space<vmem>> -> memref<64xi32, #tpu.memory_space<vmem>>
    %dma_wait3A_64 = arith.constant 0 : i32
    %dma_wait3A_65 = arith.constant 0 : i32
    %dma_wait3A_66 = tpu.memref_slice %arg2[%dma_wait3A_64, %dma_wait3A_65] : memref<10240x128xf32, #tpu.memory_space<hbm>> -> memref<10240x128xf32, #tpu.memory_space<hbm>>
    tpu.wait_indirect_dma semaphore(%arg15 : memref<!tpu.dma_semaphore, #tpu.memory_space<semaphore_mem>>) src(%dma_wait3A_66 : memref<10240x128xf32, #tpu.memory_space<hbm>>) dst(%arg11 : memref<64x128xf32, #tpu.memory_space<vmem>>)
    %run_scoped3A_67 = arith.constant 39 : i32
    "tpu.region"() ({
      %run_scoped3A_274 = tpu.sem_alloc : memref<!tpu.dma_semaphore, #tpu.memory_space<semaphore_mem>>
      %dma_start3A_275 = arith.constant 0 : i32
      %dma_start3A_276 = tpu.memref_slice %arg7[%run_scoped3A_67, %dma_start3A_275] : memref<40x64xi32, #tpu.memory_space<vmem>> -> memref<1x64xi32, #tpu.memory_space<vmem>>
      %dma_start3A_277 = tpu.memref_squeeze %dma_start3A_276 : memref<1x64xi32, #tpu.memory_space<vmem>> -> memref<64xi32, #tpu.memory_space<vmem>>
      %dma_start3A_278 = arith.constant 0 : i32
      %dma_start3A_279 = arith.constant 0 : i32
      %dma_start3A_280 = tpu.memref_slice %arg5[%dma_start3A_278, %dma_start3A_279] : memref<10240x128xf32, #tpu.memory_space<vmem_shared>> -> memref<10240x128xf32, #tpu.memory_space<vmem_shared>>
      tpu.enqueue_indirect_dma source(%arg11 : memref<64x128xf32, #tpu.memory_space<vmem>>) target(%dma_start3A_280 : memref<10240x128xf32, #tpu.memory_space<vmem_shared>>) offsets(%dma_start3A_277 : memref<64xi32, #tpu.memory_space<vmem>>) semaphore(%run_scoped3A_274 : memref<!tpu.dma_semaphore, #tpu.memory_space<semaphore_mem>>) {add = true}
      %dma_wait3A_281 = arith.constant 0 : i32
      %dma_wait3A_282 = tpu.memref_slice %arg7[%run_scoped3A_67, %dma_wait3A_281] : memref<40x64xi32, #tpu.memory_space<vmem>> -> memref<1x64xi32, #tpu.memory_space<vmem>>
      %dma_wait3A_283 = tpu.memref_squeeze %dma_wait3A_282 : memref<1x64xi32, #tpu.memory_space<vmem>> -> memref<64xi32, #tpu.memory_space<vmem>>
      %dma_wait3A_284 = arith.constant 0 : i32
      %dma_wait3A_285 = arith.constant 0 : i32
      %dma_wait3A_286 = tpu.memref_slice %arg5[%dma_wait3A_284, %dma_wait3A_285] : memref<10240x128xf32, #tpu.memory_space<vmem_shared>> -> memref<10240x128xf32, #tpu.memory_space<vmem_shared>>
      tpu.wait_indirect_dma semaphore(%run_scoped3A_274 : memref<!tpu.dma_semaphore, #tpu.memory_space<semaphore_mem>>) src(%arg11 : memref<64x128xf32, #tpu.memory_space<vmem>>) dst(%dma_wait3A_286 : memref<10240x128xf32, #tpu.memory_space<vmem_shared>>)
      tpu.yield
    }) : () -> ()
    %run_scoped3A_68 = arith.constant 0 : i32
    "tpu.region"() ({
      %run_scoped3A_274 = tpu.sem_alloc : memref<!tpu.dma_semaphore, #tpu.memory_space<semaphore_mem>>
      %dma_start3A_275 = arith.constant 40 : i32
      %dma_start3A_276 = arith.constant 0 : i32
      %dma_start3A_277 = tpu.memref_slice %arg3[%run_scoped3A_68, %add3A, %dma_start3A_275, %dma_start3A_276] : memref<2x32x160x64xi32, #tpu.memory_space<hbm>> -> memref<1x1x40x64xi32, #tpu.memory_space<hbm>>
      %dma_start3A_278 = tpu.memref_squeeze %dma_start3A_277 : memref<1x1x40x64xi32, #tpu.memory_space<hbm>> -> memref<40x64xi32, #tpu.memory_space<hbm>>
      %dma_start3A_279 = arith.constant 40 : i32
      %dma_start3A_280 = arith.constant 0 : i32
      %dma_start3A_281 = tpu.memref_slice %arg3[%run_scoped3A_68, %add3A, %dma_start3A_279, %dma_start3A_280] : memref<2x32x160x64xi32, #tpu.memory_space<hbm>> -> memref<1x1x40x64xi32, #tpu.memory_space<hbm>>
      %dma_start3A_282 = tpu.memref_squeeze %dma_start3A_281 : memref<1x1x40x64xi32, #tpu.memory_space<hbm>> -> memref<40x64xi32, #tpu.memory_space<hbm>>
      tpu.enqueue_dma source(%dma_start3A_282 : memref<40x64xi32, #tpu.memory_space<hbm>>) target(%arg6 : memref<40x64xi32, #tpu.memory_space<vmem>>) target_semaphore(%run_scoped3A_274 : memref<!tpu.dma_semaphore, #tpu.memory_space<semaphore_mem>>)
      %dma_wait3A_283 = arith.constant 40 : i32
      %dma_wait3A_284 = arith.constant 0 : i32
      %dma_wait3A_285 = tpu.memref_slice %arg3[%run_scoped3A_68, %add3A, %dma_wait3A_283, %dma_wait3A_284] : memref<2x32x160x64xi32, #tpu.memory_space<hbm>> -> memref<1x1x40x64xi32, #tpu.memory_space<hbm>>
      %dma_wait3A_286 = tpu.memref_squeeze %dma_wait3A_285 : memref<1x1x40x64xi32, #tpu.memory_space<hbm>> -> memref<40x64xi32, #tpu.memory_space<hbm>>
      %dma_wait3A_287 = arith.constant 40 : i32
      %dma_wait3A_288 = arith.constant 0 : i32
      %dma_wait3A_289 = tpu.memref_slice %arg3[%run_scoped3A_68, %add3A, %dma_wait3A_287, %dma_wait3A_288] : memref<2x32x160x64xi32, #tpu.memory_space<hbm>> -> memref<1x1x40x64xi32, #tpu.memory_space<hbm>>
      %dma_wait3A_290 = tpu.memref_squeeze %dma_wait3A_289 : memref<1x1x40x64xi32, #tpu.memory_space<hbm>> -> memref<40x64xi32, #tpu.memory_space<hbm>>
      tpu.wait_dma2 semaphore(%run_scoped3A_274 : memref<!tpu.dma_semaphore, #tpu.memory_space<semaphore_mem>>) src(%dma_wait3A_290 : memref<40x64xi32, #tpu.memory_space<hbm>>) dst(%arg6 : memref<40x64xi32, #tpu.memory_space<vmem>>)
      tpu.yield
    }) : () -> ()
    %run_scoped3A_69 = arith.constant 1 : i32
    "tpu.region"() ({
      %run_scoped3A_274 = tpu.sem_alloc : memref<!tpu.dma_semaphore, #tpu.memory_space<semaphore_mem>>
      %dma_start3A_275 = arith.constant 40 : i32
      %dma_start3A_276 = arith.constant 0 : i32
      %dma_start3A_277 = tpu.memref_slice %arg3[%run_scoped3A_69, %add3A, %dma_start3A_275, %dma_start3A_276] : memref<2x32x160x64xi32, #tpu.memory_space<hbm>> -> memref<1x1x40x64xi32, #tpu.memory_space<hbm>>
      %dma_start3A_278 = tpu.memref_squeeze %dma_start3A_277 : memref<1x1x40x64xi32, #tpu.memory_space<hbm>> -> memref<40x64xi32, #tpu.memory_space<hbm>>
      %dma_start3A_279 = arith.constant 40 : i32
      %dma_start3A_280 = arith.constant 0 : i32
      %dma_start3A_281 = tpu.memref_slice %arg3[%run_scoped3A_69, %add3A, %dma_start3A_279, %dma_start3A_280] : memref<2x32x160x64xi32, #tpu.memory_space<hbm>> -> memref<1x1x40x64xi32, #tpu.memory_space<hbm>>
      %dma_start3A_282 = tpu.memref_squeeze %dma_start3A_281 : memref<1x1x40x64xi32, #tpu.memory_space<hbm>> -> memref<40x64xi32, #tpu.memory_space<hbm>>
      tpu.enqueue_dma source(%dma_start3A_282 : memref<40x64xi32, #tpu.memory_space<hbm>>) target(%arg7 : memref<40x64xi32, #tpu.memory_space<vmem>>) target_semaphore(%run_scoped3A_274 : memref<!tpu.dma_semaphore, #tpu.memory_space<semaphore_mem>>)
      %dma_wait3A_283 = arith.constant 40 : i32
      %dma_wait3A_284 = arith.constant 0 : i32
      %dma_wait3A_285 = tpu.memref_slice %arg3[%run_scoped3A_69, %add3A, %dma_wait3A_283, %dma_wait3A_284] : memref<2x32x160x64xi32, #tpu.memory_space<hbm>> -> memref<1x1x40x64xi32, #tpu.memory_space<hbm>>
      %dma_wait3A_286 = tpu.memref_squeeze %dma_wait3A_285 : memref<1x1x40x64xi32, #tpu.memory_space<hbm>> -> memref<40x64xi32, #tpu.memory_space<hbm>>
      %dma_wait3A_287 = arith.constant 40 : i32
      %dma_wait3A_288 = arith.constant 0 : i32
      %dma_wait3A_289 = tpu.memref_slice %arg3[%run_scoped3A_69, %add3A, %dma_wait3A_287, %dma_wait3A_288] : memref<2x32x160x64xi32, #tpu.memory_space<hbm>> -> memref<1x1x40x64xi32, #tpu.memory_space<hbm>>
      %dma_wait3A_290 = tpu.memref_squeeze %dma_wait3A_289 : memref<1x1x40x64xi32, #tpu.memory_space<hbm>> -> memref<40x64xi32, #tpu.memory_space<hbm>>
      tpu.wait_dma2 semaphore(%run_scoped3A_274 : memref<!tpu.dma_semaphore, #tpu.memory_space<semaphore_mem>>) src(%dma_wait3A_290 : memref<40x64xi32, #tpu.memory_space<hbm>>) dst(%arg7 : memref<40x64xi32, #tpu.memory_space<vmem>>)
      tpu.yield
    }) : () -> ()
    %dma_start3A_70 = arith.constant 0 : i32
    %dma_start3A_71 = arith.constant 0 : i32
    %dma_start3A_72 = tpu.memref_slice %arg6[%dma_start3A_70, %dma_start3A_71] : memref<40x64xi32, #tpu.memory_space<vmem>> -> memref<1x64xi32, #tpu.memory_space<vmem>>
    %dma_start3A_73 = tpu.memref_squeeze %dma_start3A_72 : memref<1x64xi32, #tpu.memory_space<vmem>> -> memref<64xi32, #tpu.memory_space<vmem>>
    %dma_start3A_74 = arith.constant 0 : i32
    %dma_start3A_75 = arith.constant 0 : i32
    %dma_start3A_76 = tpu.memref_slice %arg2[%dma_start3A_74, %dma_start3A_75] : memref<10240x128xf32, #tpu.memory_space<hbm>> -> memref<10240x128xf32, #tpu.memory_space<hbm>>
    tpu.enqueue_indirect_dma source(%dma_start3A_76 : memref<10240x128xf32, #tpu.memory_space<hbm>>) target(%arg8 : memref<64x128xf32, #tpu.memory_space<vmem>>) offsets(%dma_start3A_73 : memref<64xi32, #tpu.memory_space<vmem>>) semaphore(%arg12 : memref<!tpu.dma_semaphore, #tpu.memory_space<semaphore_mem>>)
    %dma_start3A_77 = arith.constant 1 : i32
    %dma_start3A_78 = arith.constant 0 : i32
    %dma_start3A_79 = tpu.memref_slice %arg6[%dma_start3A_77, %dma_start3A_78] : memref<40x64xi32, #tpu.memory_space<vmem>> -> memref<1x64xi32, #tpu.memory_space<vmem>>
    %dma_start3A_80 = tpu.memref_squeeze %dma_start3A_79 : memref<1x64xi32, #tpu.memory_space<vmem>> -> memref<64xi32, #tpu.memory_space<vmem>>
    %dma_start3A_81 = arith.constant 0 : i32
    %dma_start3A_82 = arith.constant 0 : i32
    %dma_start3A_83 = tpu.memref_slice %arg2[%dma_start3A_81, %dma_start3A_82] : memref<10240x128xf32, #tpu.memory_space<hbm>> -> memref<10240x128xf32, #tpu.memory_space<hbm>>
    tpu.enqueue_indirect_dma source(%dma_start3A_83 : memref<10240x128xf32, #tpu.memory_space<hbm>>) target(%arg9 : memref<64x128xf32, #tpu.memory_space<vmem>>) offsets(%dma_start3A_80 : memref<64xi32, #tpu.memory_space<vmem>>) semaphore(%arg13 : memref<!tpu.dma_semaphore, #tpu.memory_space<semaphore_mem>>)
    %dma_start3A_84 = arith.constant 2 : i32
    %dma_start3A_85 = arith.constant 0 : i32
    %dma_start3A_86 = tpu.memref_slice %arg6[%dma_start3A_84, %dma_start3A_85] : memref<40x64xi32, #tpu.memory_space<vmem>> -> memref<1x64xi32, #tpu.memory_space<vmem>>
    %dma_start3A_87 = tpu.memref_squeeze %dma_start3A_86 : memref<1x64xi32, #tpu.memory_space<vmem>> -> memref<64xi32, #tpu.memory_space<vmem>>
    %dma_start3A_88 = arith.constant 0 : i32
    %dma_start3A_89 = arith.constant 0 : i32
    %dma_start3A_90 = tpu.memref_slice %arg2[%dma_start3A_88, %dma_start3A_89] : memref<10240x128xf32, #tpu.memory_space<hbm>> -> memref<10240x128xf32, #tpu.memory_space<hbm>>
    tpu.enqueue_indirect_dma source(%dma_start3A_90 : memref<10240x128xf32, #tpu.memory_space<hbm>>) target(%arg10 : memref<64x128xf32, #tpu.memory_space<vmem>>) offsets(%dma_start3A_87 : memref<64xi32, #tpu.memory_space<vmem>>) semaphore(%arg14 : memref<!tpu.dma_semaphore, #tpu.memory_space<semaphore_mem>>)
    %dma_start3A_91 = arith.constant 3 : i32
    %dma_start3A_92 = arith.constant 0 : i32
    %dma_start3A_93 = tpu.memref_slice %arg6[%dma_start3A_91, %dma_start3A_92] : memref<40x64xi32, #tpu.memory_space<vmem>> -> memref<1x64xi32, #tpu.memory_space<vmem>>
    %dma_start3A_94 = tpu.memref_squeeze %dma_start3A_93 : memref<1x64xi32, #tpu.memory_space<vmem>> -> memref<64xi32, #tpu.memory_space<vmem>>
    %dma_start3A_95 = arith.constant 0 : i32
    %dma_start3A_96 = arith.constant 0 : i32
    %dma_start3A_97 = tpu.memref_slice %arg2[%dma_start3A_95, %dma_start3A_96] : memref<10240x128xf32, #tpu.memory_space<hbm>> -> memref<10240x128xf32, #tpu.memory_space<hbm>>
    tpu.enqueue_indirect_dma source(%dma_start3A_97 : memref<10240x128xf32, #tpu.memory_space<hbm>>) target(%arg11 : memref<64x128xf32, #tpu.memory_space<vmem>>) offsets(%dma_start3A_94 : memref<64xi32, #tpu.memory_space<vmem>>) semaphore(%arg15 : memref<!tpu.dma_semaphore, #tpu.memory_space<semaphore_mem>>)
    %scan3A_98 = arith.constant 0 : i32
    %scan3A_99 = arith.constant 9 : i32
    %scan3A_100 = arith.addi %scan3A_98, %scan3A_99 : i32
    %scan3A_101 = arith.constant 1 : i32
    scf.for %scan3A_274 = %scan3A_98 to %scan3A_100 step %scan3A_101  : i32 {
      %mul3A_275 = arith.constant 4 : i32
      %mul3A_276 = arith.muli %scan3A_274, %mul3A_275 : i32
      %add3A_277 = arith.constant 0 : i32
      %add3A_278 = arith.addi %add3A_277, %mul3A_276 : i32
      %add3A_279 = arith.constant 0 : i32
      %add3A_280 = arith.addi %add3A_278, %add3A_279 : i32
      %dma_wait3A_281 = arith.constant 0 : i32
      %dma_wait3A_282 = tpu.memref_slice %arg6[%add3A_280, %dma_wait3A_281] : memref<40x64xi32, #tpu.memory_space<vmem>> -> memref<1x64xi32, #tpu.memory_space<vmem>>
      %dma_wait3A_283 = tpu.memref_squeeze %dma_wait3A_282 : memref<1x64xi32, #tpu.memory_space<vmem>> -> memref<64xi32, #tpu.memory_space<vmem>>
      %dma_wait3A_284 = arith.constant 0 : i32
      %dma_wait3A_285 = arith.constant 0 : i32
      %dma_wait3A_286 = tpu.memref_slice %arg2[%dma_wait3A_284, %dma_wait3A_285] : memref<10240x128xf32, #tpu.memory_space<hbm>> -> memref<10240x128xf32, #tpu.memory_space<hbm>>
      tpu.wait_indirect_dma semaphore(%arg12 : memref<!tpu.dma_semaphore, #tpu.memory_space<semaphore_mem>>) src(%dma_wait3A_286 : memref<10240x128xf32, #tpu.memory_space<hbm>>) dst(%arg8 : memref<64x128xf32, #tpu.memory_space<vmem>>)
      "tpu.region"() ({
        %run_scoped3A_351 = tpu.sem_alloc : memref<!tpu.dma_semaphore, #tpu.memory_space<semaphore_mem>>
        %dma_start3A_352 = arith.constant 0 : i32
        %dma_start3A_353 = tpu.memref_slice %arg7[%add3A_280, %dma_start3A_352] : memref<40x64xi32, #tpu.memory_space<vmem>> -> memref<1x64xi32, #tpu.memory_space<vmem>>
        %dma_start3A_354 = tpu.memref_squeeze %dma_start3A_353 : memref<1x64xi32, #tpu.memory_space<vmem>> -> memref<64xi32, #tpu.memory_space<vmem>>
        %dma_start3A_355 = arith.constant 0 : i32
        %dma_start3A_356 = arith.constant 0 : i32
        %dma_start3A_357 = tpu.memref_slice %arg5[%dma_start3A_355, %dma_start3A_356] : memref<10240x128xf32, #tpu.memory_space<vmem_shared>> -> memref<10240x128xf32, #tpu.memory_space<vmem_shared>>
        tpu.enqueue_indirect_dma source(%arg8 : memref<64x128xf32, #tpu.memory_space<vmem>>) target(%dma_start3A_357 : memref<10240x128xf32, #tpu.memory_space<vmem_shared>>) offsets(%dma_start3A_354 : memref<64xi32, #tpu.memory_space<vmem>>) semaphore(%run_scoped3A_351 : memref<!tpu.dma_semaphore, #tpu.memory_space<semaphore_mem>>) {add = true}
        %dma_wait3A_358 = arith.constant 0 : i32
        %dma_wait3A_359 = tpu.memref_slice %arg7[%add3A_280, %dma_wait3A_358] : memref<40x64xi32, #tpu.memory_space<vmem>> -> memref<1x64xi32, #tpu.memory_space<vmem>>
        %dma_wait3A_360 = tpu.memref_squeeze %dma_wait3A_359 : memref<1x64xi32, #tpu.memory_space<vmem>> -> memref<64xi32, #tpu.memory_space<vmem>>
        %dma_wait3A_361 = arith.constant 0 : i32
        %dma_wait3A_362 = arith.constant 0 : i32
        %dma_wait3A_363 = tpu.memref_slice %arg5[%dma_wait3A_361, %dma_wait3A_362] : memref<10240x128xf32, #tpu.memory_space<vmem_shared>> -> memref<10240x128xf32, #tpu.memory_space<vmem_shared>>
        tpu.wait_indirect_dma semaphore(%run_scoped3A_351 : memref<!tpu.dma_semaphore, #tpu.memory_space<semaphore_mem>>) src(%arg8 : memref<64x128xf32, #tpu.memory_space<vmem>>) dst(%dma_wait3A_363 : memref<10240x128xf32, #tpu.memory_space<vmem_shared>>)
        tpu.yield
      }) : () -> ()
      %add3A_287 = arith.constant 4 : i32
      %add3A_288 = arith.addi %add3A_278, %add3A_287 : i32
      %add3A_289 = arith.constant 0 : i32
      %add3A_290 = arith.addi %add3A_288, %add3A_289 : i32
      %dma_start3A_291 = arith.constant 0 : i32
      %dma_start3A_292 = tpu.memref_slice %arg6[%add3A_290, %dma_start3A_291] : memref<40x64xi32, #tpu.memory_space<vmem>> -> memref<1x64xi32, #tpu.memory_space<vmem>>
      %dma_start3A_293 = tpu.memref_squeeze %dma_start3A_292 : memref<1x64xi32, #tpu.memory_space<vmem>> -> memref<64xi32, #tpu.memory_space<vmem>>
      %dma_start3A_294 = arith.constant 0 : i32
      %dma_start3A_295 = arith.constant 0 : i32
      %dma_start3A_296 = tpu.memref_slice %arg2[%dma_start3A_294, %dma_start3A_295] : memref<10240x128xf32, #tpu.memory_space<hbm>> -> memref<10240x128xf32, #tpu.memory_space<hbm>>
      tpu.enqueue_indirect_dma source(%dma_start3A_296 : memref<10240x128xf32, #tpu.memory_space<hbm>>) target(%arg8 : memref<64x128xf32, #tpu.memory_space<vmem>>) offsets(%dma_start3A_293 : memref<64xi32, #tpu.memory_space<vmem>>) semaphore(%arg12 : memref<!tpu.dma_semaphore, #tpu.memory_space<semaphore_mem>>)
      %add3A_297 = arith.constant 1 : i32
      %add3A_298 = arith.addi %add3A_278, %add3A_297 : i32
      %dma_wait3A_299 = arith.constant 0 : i32
      %dma_wait3A_300 = tpu.memref_slice %arg6[%add3A_298, %dma_wait3A_299] : memref<40x64xi32, #tpu.memory_space<vmem>> -> memref<1x64xi32, #tpu.memory_space<vmem>>
      %dma_wait3A_301 = tpu.memref_squeeze %dma_wait3A_300 : memref<1x64xi32, #tpu.memory_space<vmem>> -> memref<64xi32, #tpu.memory_space<vmem>>
      %dma_wait3A_302 = arith.constant 0 : i32
      %dma_wait3A_303 = arith.constant 0 : i32
      %dma_wait3A_304 = tpu.memref_slice %arg2[%dma_wait3A_302, %dma_wait3A_303] : memref<10240x128xf32, #tpu.memory_space<hbm>> -> memref<10240x128xf32, #tpu.memory_space<hbm>>
      tpu.wait_indirect_dma semaphore(%arg13 : memref<!tpu.dma_semaphore, #tpu.memory_space<semaphore_mem>>) src(%dma_wait3A_304 : memref<10240x128xf32, #tpu.memory_space<hbm>>) dst(%arg9 : memref<64x128xf32, #tpu.memory_space<vmem>>)
      "tpu.region"() ({
        %run_scoped3A_351 = tpu.sem_alloc : memref<!tpu.dma_semaphore, #tpu.memory_space<semaphore_mem>>
        %dma_start3A_352 = arith.constant 0 : i32
        %dma_start3A_353 = tpu.memref_slice %arg7[%add3A_298, %dma_start3A_352] : memref<40x64xi32, #tpu.memory_space<vmem>> -> memref<1x64xi32, #tpu.memory_space<vmem>>
        %dma_start3A_354 = tpu.memref_squeeze %dma_start3A_353 : memref<1x64xi32, #tpu.memory_space<vmem>> -> memref<64xi32, #tpu.memory_space<vmem>>
        %dma_start3A_355 = arith.constant 0 : i32
        %dma_start3A_356 = arith.constant 0 : i32
        %dma_start3A_357 = tpu.memref_slice %arg5[%dma_start3A_355, %dma_start3A_356] : memref<10240x128xf32, #tpu.memory_space<vmem_shared>> -> memref<10240x128xf32, #tpu.memory_space<vmem_shared>>
        tpu.enqueue_indirect_dma source(%arg9 : memref<64x128xf32, #tpu.memory_space<vmem>>) target(%dma_start3A_357 : memref<10240x128xf32, #tpu.memory_space<vmem_shared>>) offsets(%dma_start3A_354 : memref<64xi32, #tpu.memory_space<vmem>>) semaphore(%run_scoped3A_351 : memref<!tpu.dma_semaphore, #tpu.memory_space<semaphore_mem>>) {add = true}
        %dma_wait3A_358 = arith.constant 0 : i32
        %dma_wait3A_359 = tpu.memref_slice %arg7[%add3A_298, %dma_wait3A_358] : memref<40x64xi32, #tpu.memory_space<vmem>> -> memref<1x64xi32, #tpu.memory_space<vmem>>
        %dma_wait3A_360 = tpu.memref_squeeze %dma_wait3A_359 : memref<1x64xi32, #tpu.memory_space<vmem>> -> memref<64xi32, #tpu.memory_space<vmem>>
        %dma_wait3A_361 = arith.constant 0 : i32
        %dma_wait3A_362 = arith.constant 0 : i32
        %dma_wait3A_363 = tpu.memref_slice %arg5[%dma_wait3A_361, %dma_wait3A_362] : memref<10240x128xf32, #tpu.memory_space<vmem_shared>> -> memref<10240x128xf32, #tpu.memory_space<vmem_shared>>
        tpu.wait_indirect_dma semaphore(%run_scoped3A_351 : memref<!tpu.dma_semaphore, #tpu.memory_space<semaphore_mem>>) src(%arg9 : memref<64x128xf32, #tpu.memory_space<vmem>>) dst(%dma_wait3A_363 : memref<10240x128xf32, #tpu.memory_space<vmem_shared>>)
        tpu.yield
      }) : () -> ()
      %add3A_305 = arith.constant 4 : i32
      %add3A_306 = arith.addi %add3A_278, %add3A_305 : i32
      %add3A_307 = arith.constant 1 : i32
      %add3A_308 = arith.addi %add3A_306, %add3A_307 : i32
      %dma_start3A_309 = arith.constant 0 : i32
      %dma_start3A_310 = tpu.memref_slice %arg6[%add3A_308, %dma_start3A_309] : memref<40x64xi32, #tpu.memory_space<vmem>> -> memref<1x64xi32, #tpu.memory_space<vmem>>
      %dma_start3A_311 = tpu.memref_squeeze %dma_start3A_310 : memref<1x64xi32, #tpu.memory_space<vmem>> -> memref<64xi32, #tpu.memory_space<vmem>>
      %dma_start3A_312 = arith.constant 0 : i32
      %dma_start3A_313 = arith.constant 0 : i32
      %dma_start3A_314 = tpu.memref_slice %arg2[%dma_start3A_312, %dma_start3A_313] : memref<10240x128xf32, #tpu.memory_space<hbm>> -> memref<10240x128xf32, #tpu.memory_space<hbm>>
      tpu.enqueue_indirect_dma source(%dma_start3A_314 : memref<10240x128xf32, #tpu.memory_space<hbm>>) target(%arg9 : memref<64x128xf32, #tpu.memory_space<vmem>>) offsets(%dma_start3A_311 : memref<64xi32, #tpu.memory_space<vmem>>) semaphore(%arg13 : memref<!tpu.dma_semaphore, #tpu.memory_space<semaphore_mem>>)
      %add3A_315 = arith.constant 2 : i32
      %add3A_316 = arith.addi %add3A_278, %add3A_315 : i32
      %dma_wait3A_317 = arith.constant 0 : i32
      %dma_wait3A_318 = tpu.memref_slice %arg6[%add3A_316, %dma_wait3A_317] : memref<40x64xi32, #tpu.memory_space<vmem>> -> memref<1x64xi32, #tpu.memory_space<vmem>>
      %dma_wait3A_319 = tpu.memref_squeeze %dma_wait3A_318 : memref<1x64xi32, #tpu.memory_space<vmem>> -> memref<64xi32, #tpu.memory_space<vmem>>
      %dma_wait3A_320 = arith.constant 0 : i32
      %dma_wait3A_321 = arith.constant 0 : i32
      %dma_wait3A_322 = tpu.memref_slice %arg2[%dma_wait3A_320, %dma_wait3A_321] : memref<10240x128xf32, #tpu.memory_space<hbm>> -> memref<10240x128xf32, #tpu.memory_space<hbm>>
      tpu.wait_indirect_dma semaphore(%arg14 : memref<!tpu.dma_semaphore, #tpu.memory_space<semaphore_mem>>) src(%dma_wait3A_322 : memref<10240x128xf32, #tpu.memory_space<hbm>>) dst(%arg10 : memref<64x128xf32, #tpu.memory_space<vmem>>)
      "tpu.region"() ({
        %run_scoped3A_351 = tpu.sem_alloc : memref<!tpu.dma_semaphore, #tpu.memory_space<semaphore_mem>>
        %dma_start3A_352 = arith.constant 0 : i32
        %dma_start3A_353 = tpu.memref_slice %arg7[%add3A_316, %dma_start3A_352] : memref<40x64xi32, #tpu.memory_space<vmem>> -> memref<1x64xi32, #tpu.memory_space<vmem>>
        %dma_start3A_354 = tpu.memref_squeeze %dma_start3A_353 : memref<1x64xi32, #tpu.memory_space<vmem>> -> memref<64xi32, #tpu.memory_space<vmem>>
        %dma_start3A_355 = arith.constant 0 : i32
        %dma_start3A_356 = arith.constant 0 : i32
        %dma_start3A_357 = tpu.memref_slice %arg5[%dma_start3A_355, %dma_start3A_356] : memref<10240x128xf32, #tpu.memory_space<vmem_shared>> -> memref<10240x128xf32, #tpu.memory_space<vmem_shared>>
        tpu.enqueue_indirect_dma source(%arg10 : memref<64x128xf32, #tpu.memory_space<vmem>>) target(%dma_start3A_357 : memref<10240x128xf32, #tpu.memory_space<vmem_shared>>) offsets(%dma_start3A_354 : memref<64xi32, #tpu.memory_space<vmem>>) semaphore(%run_scoped3A_351 : memref<!tpu.dma_semaphore, #tpu.memory_space<semaphore_mem>>) {add = true}
        %dma_wait3A_358 = arith.constant 0 : i32
        %dma_wait3A_359 = tpu.memref_slice %arg7[%add3A_316, %dma_wait3A_358] : memref<40x64xi32, #tpu.memory_space<vmem>> -> memref<1x64xi32, #tpu.memory_space<vmem>>
        %dma_wait3A_360 = tpu.memref_squeeze %dma_wait3A_359 : memref<1x64xi32, #tpu.memory_space<vmem>> -> memref<64xi32, #tpu.memory_space<vmem>>
        %dma_wait3A_361 = arith.constant 0 : i32
        %dma_wait3A_362 = arith.constant 0 : i32
        %dma_wait3A_363 = tpu.memref_slice %arg5[%dma_wait3A_361, %dma_wait3A_362] : memref<10240x128xf32, #tpu.memory_space<vmem_shared>> -> memref<10240x128xf32, #tpu.memory_space<vmem_shared>>
        tpu.wait_indirect_dma semaphore(%run_scoped3A_351 : memref<!tpu.dma_semaphore, #tpu.memory_space<semaphore_mem>>) src(%arg10 : memref<64x128xf32, #tpu.memory_space<vmem>>) dst(%dma_wait3A_363 : memref<10240x128xf32, #tpu.memory_space<vmem_shared>>)
        tpu.yield
      }) : () -> ()
      %add3A_323 = arith.constant 4 : i32
      %add3A_324 = arith.addi %add3A_278, %add3A_323 : i32
      %add3A_325 = arith.constant 2 : i32
      %add3A_326 = arith.addi %add3A_324, %add3A_325 : i32
      %dma_start3A_327 = arith.constant 0 : i32
      %dma_start3A_328 = tpu.memref_slice %arg6[%add3A_326, %dma_start3A_327] : memref<40x64xi32, #tpu.memory_space<vmem>> -> memref<1x64xi32, #tpu.memory_space<vmem>>
      %dma_start3A_329 = tpu.memref_squeeze %dma_start3A_328 : memref<1x64xi32, #tpu.memory_space<vmem>> -> memref<64xi32, #tpu.memory_space<vmem>>
      %dma_start3A_330 = arith.constant 0 : i32
      %dma_start3A_331 = arith.constant 0 : i32
      %dma_start3A_332 = tpu.memref_slice %arg2[%dma_start3A_330, %dma_start3A_331] : memref<10240x128xf32, #tpu.memory_space<hbm>> -> memref<10240x128xf32, #tpu.memory_space<hbm>>
      tpu.enqueue_indirect_dma source(%dma_start3A_332 : memref<10240x128xf32, #tpu.memory_space<hbm>>) target(%arg10 : memref<64x128xf32, #tpu.memory_space<vmem>>) offsets(%dma_start3A_329 : memref<64xi32, #tpu.memory_space<vmem>>) semaphore(%arg14 : memref<!tpu.dma_semaphore, #tpu.memory_space<semaphore_mem>>)
      %add3A_333 = arith.constant 3 : i32
      %add3A_334 = arith.addi %add3A_278, %add3A_333 : i32
      %dma_wait3A_335 = arith.constant 0 : i32
      %dma_wait3A_336 = tpu.memref_slice %arg6[%add3A_334, %dma_wait3A_335] : memref<40x64xi32, #tpu.memory_space<vmem>> -> memref<1x64xi32, #tpu.memory_space<vmem>>
      %dma_wait3A_337 = tpu.memref_squeeze %dma_wait3A_336 : memref<1x64xi32, #tpu.memory_space<vmem>> -> memref<64xi32, #tpu.memory_space<vmem>>
      %dma_wait3A_338 = arith.constant 0 : i32
      %dma_wait3A_339 = arith.constant 0 : i32
      %dma_wait3A_340 = tpu.memref_slice %arg2[%dma_wait3A_338, %dma_wait3A_339] : memref<10240x128xf32, #tpu.memory_space<hbm>> -> memref<10240x128xf32, #tpu.memory_space<hbm>>
      tpu.wait_indirect_dma semaphore(%arg15 : memref<!tpu.dma_semaphore, #tpu.memory_space<semaphore_mem>>) src(%dma_wait3A_340 : memref<10240x128xf32, #tpu.memory_space<hbm>>) dst(%arg11 : memref<64x128xf32, #tpu.memory_space<vmem>>)
      "tpu.region"() ({
        %run_scoped3A_351 = tpu.sem_alloc : memref<!tpu.dma_semaphore, #tpu.memory_space<semaphore_mem>>
        %dma_start3A_352 = arith.constant 0 : i32
        %dma_start3A_353 = tpu.memref_slice %arg7[%add3A_334, %dma_start3A_352] : memref<40x64xi32, #tpu.memory_space<vmem>> -> memref<1x64xi32, #tpu.memory_space<vmem>>
        %dma_start3A_354 = tpu.memref_squeeze %dma_start3A_353 : memref<1x64xi32, #tpu.memory_space<vmem>> -> memref<64xi32, #tpu.memory_space<vmem>>
        %dma_start3A_355 = arith.constant 0 : i32
        %dma_start3A_356 = arith.constant 0 : i32
        %dma_start3A_357 = tpu.memref_slice %arg5[%dma_start3A_355, %dma_start3A_356] : memref<10240x128xf32, #tpu.memory_space<vmem_shared>> -> memref<10240x128xf32, #tpu.memory_space<vmem_shared>>
        tpu.enqueue_indirect_dma source(%arg11 : memref<64x128xf32, #tpu.memory_space<vmem>>) target(%dma_start3A_357 : memref<10240x128xf32, #tpu.memory_space<vmem_shared>>) offsets(%dma_start3A_354 : memref<64xi32, #tpu.memory_space<vmem>>) semaphore(%run_scoped3A_351 : memref<!tpu.dma_semaphore, #tpu.memory_space<semaphore_mem>>) {add = true}
        %dma_wait3A_358 = arith.constant 0 : i32
        %dma_wait3A_359 = tpu.memref_slice %arg7[%add3A_334, %dma_wait3A_358] : memref<40x64xi32, #tpu.memory_space<vmem>> -> memref<1x64xi32, #tpu.memory_space<vmem>>
        %dma_wait3A_360 = tpu.memref_squeeze %dma_wait3A_359 : memref<1x64xi32, #tpu.memory_space<vmem>> -> memref<64xi32, #tpu.memory_space<vmem>>
        %dma_wait3A_361 = arith.constant 0 : i32
        %dma_wait3A_362 = arith.constant 0 : i32
        %dma_wait3A_363 = tpu.memref_slice %arg5[%dma_wait3A_361, %dma_wait3A_362] : memref<10240x128xf32, #tpu.memory_space<vmem_shared>> -> memref<10240x128xf32, #tpu.memory_space<vmem_shared>>
        tpu.wait_indirect_dma semaphore(%run_scoped3A_351 : memref<!tpu.dma_semaphore, #tpu.memory_space<semaphore_mem>>) src(%arg11 : memref<64x128xf32, #tpu.memory_space<vmem>>) dst(%dma_wait3A_363 : memref<10240x128xf32, #tpu.memory_space<vmem_shared>>)
        tpu.yield
      }) : () -> ()
      %add3A_341 = arith.constant 4 : i32
      %add3A_342 = arith.addi %add3A_278, %add3A_341 : i32
      %add3A_343 = arith.constant 3 : i32
      %add3A_344 = arith.addi %add3A_342, %add3A_343 : i32
      %dma_start3A_345 = arith.constant 0 : i32
      %dma_start3A_346 = tpu.memref_slice %arg6[%add3A_344, %dma_start3A_345] : memref<40x64xi32, #tpu.memory_space<vmem>> -> memref<1x64xi32, #tpu.memory_space<vmem>>
      %dma_start3A_347 = tpu.memref_squeeze %dma_start3A_346 : memref<1x64xi32, #tpu.memory_space<vmem>> -> memref<64xi32, #tpu.memory_space<vmem>>
      %dma_start3A_348 = arith.constant 0 : i32
      %dma_start3A_349 = arith.constant 0 : i32
      %dma_start3A_350 = tpu.memref_slice %arg2[%dma_start3A_348, %dma_start3A_349] : memref<10240x128xf32, #tpu.memory_space<hbm>> -> memref<10240x128xf32, #tpu.memory_space<hbm>>
      tpu.enqueue_indirect_dma source(%dma_start3A_350 : memref<10240x128xf32, #tpu.memory_space<hbm>>) target(%arg11 : memref<64x128xf32, #tpu.memory_space<vmem>>) offsets(%dma_start3A_347 : memref<64xi32, #tpu.memory_space<vmem>>) semaphore(%arg15 : memref<!tpu.dma_semaphore, #tpu.memory_space<semaphore_mem>>)
    }
    %scan3A_102 = arith.constant 9 : i32
    %dma_wait3A_103 = arith.constant 36 : i32
    %dma_wait3A_104 = arith.constant 0 : i32
    %dma_wait3A_105 = tpu.memref_slice %arg6[%dma_wait3A_103, %dma_wait3A_104] : memref<40x64xi32, #tpu.memory_space<vmem>> -> memref<1x64xi32, #tpu.memory_space<vmem>>
    %dma_wait3A_106 = tpu.memref_squeeze %dma_wait3A_105 : memref<1x64xi32, #tpu.memory_space<vmem>> -> memref<64xi32, #tpu.memory_space<vmem>>
    %dma_wait3A_107 = arith.constant 0 : i32
    %dma_wait3A_108 = arith.constant 0 : i32
    %dma_wait3A_109 = tpu.memref_slice %arg2[%dma_wait3A_107, %dma_wait3A_108] : memref<10240x128xf32, #tpu.memory_space<hbm>> -> memref<10240x128xf32, #tpu.memory_space<hbm>>
    tpu.wait_indirect_dma semaphore(%arg12 : memref<!tpu.dma_semaphore, #tpu.memory_space<semaphore_mem>>) src(%dma_wait3A_109 : memref<10240x128xf32, #tpu.memory_space<hbm>>) dst(%arg8 : memref<64x128xf32, #tpu.memory_space<vmem>>)
    %run_scoped3A_110 = arith.constant 36 : i32
    "tpu.region"() ({
      %run_scoped3A_274 = tpu.sem_alloc : memref<!tpu.dma_semaphore, #tpu.memory_space<semaphore_mem>>
      %dma_start3A_275 = arith.constant 0 : i32
      %dma_start3A_276 = tpu.memref_slice %arg7[%run_scoped3A_110, %dma_start3A_275] : memref<40x64xi32, #tpu.memory_space<vmem>> -> memref<1x64xi32, #tpu.memory_space<vmem>>
      %dma_start3A_277 = tpu.memref_squeeze %dma_start3A_276 : memref<1x64xi32, #tpu.memory_space<vmem>> -> memref<64xi32, #tpu.memory_space<vmem>>
      %dma_start3A_278 = arith.constant 0 : i32
      %dma_start3A_279 = arith.constant 0 : i32
      %dma_start3A_280 = tpu.memref_slice %arg5[%dma_start3A_278, %dma_start3A_279] : memref<10240x128xf32, #tpu.memory_space<vmem_shared>> -> memref<10240x128xf32, #tpu.memory_space<vmem_shared>>
      tpu.enqueue_indirect_dma source(%arg8 : memref<64x128xf32, #tpu.memory_space<vmem>>) target(%dma_start3A_280 : memref<10240x128xf32, #tpu.memory_space<vmem_shared>>) offsets(%dma_start3A_277 : memref<64xi32, #tpu.memory_space<vmem>>) semaphore(%run_scoped3A_274 : memref<!tpu.dma_semaphore, #tpu.memory_space<semaphore_mem>>) {add = true}
      %dma_wait3A_281 = arith.constant 0 : i32
      %dma_wait3A_282 = tpu.memref_slice %arg7[%run_scoped3A_110, %dma_wait3A_281] : memref<40x64xi32, #tpu.memory_space<vmem>> -> memref<1x64xi32, #tpu.memory_space<vmem>>
      %dma_wait3A_283 = tpu.memref_squeeze %dma_wait3A_282 : memref<1x64xi32, #tpu.memory_space<vmem>> -> memref<64xi32, #tpu.memory_space<vmem>>
      %dma_wait3A_284 = arith.constant 0 : i32
      %dma_wait3A_285 = arith.constant 0 : i32
      %dma_wait3A_286 = tpu.memref_slice %arg5[%dma_wait3A_284, %dma_wait3A_285] : memref<10240x128xf32, #tpu.memory_space<vmem_shared>> -> memref<10240x128xf32, #tpu.memory_space<vmem_shared>>
      tpu.wait_indirect_dma semaphore(%run_scoped3A_274 : memref<!tpu.dma_semaphore, #tpu.memory_space<semaphore_mem>>) src(%arg8 : memref<64x128xf32, #tpu.memory_space<vmem>>) dst(%dma_wait3A_286 : memref<10240x128xf32, #tpu.memory_space<vmem_shared>>)
      tpu.yield
    }) : () -> ()
    %dma_wait3A_111 = arith.constant 37 : i32
    %dma_wait3A_112 = arith.constant 0 : i32
    %dma_wait3A_113 = tpu.memref_slice %arg6[%dma_wait3A_111, %dma_wait3A_112] : memref<40x64xi32, #tpu.memory_space<vmem>> -> memref<1x64xi32, #tpu.memory_space<vmem>>
    %dma_wait3A_114 = tpu.memref_squeeze %dma_wait3A_113 : memref<1x64xi32, #tpu.memory_space<vmem>> -> memref<64xi32, #tpu.memory_space<vmem>>
    %dma_wait3A_115 = arith.constant 0 : i32
    %dma_wait3A_116 = arith.constant 0 : i32
    %dma_wait3A_117 = tpu.memref_slice %arg2[%dma_wait3A_115, %dma_wait3A_116] : memref<10240x128xf32, #tpu.memory_space<hbm>> -> memref<10240x128xf32, #tpu.memory_space<hbm>>
    tpu.wait_indirect_dma semaphore(%arg13 : memref<!tpu.dma_semaphore, #tpu.memory_space<semaphore_mem>>) src(%dma_wait3A_117 : memref<10240x128xf32, #tpu.memory_space<hbm>>) dst(%arg9 : memref<64x128xf32, #tpu.memory_space<vmem>>)
    %run_scoped3A_118 = arith.constant 37 : i32
    "tpu.region"() ({
      %run_scoped3A_274 = tpu.sem_alloc : memref<!tpu.dma_semaphore, #tpu.memory_space<semaphore_mem>>
      %dma_start3A_275 = arith.constant 0 : i32
      %dma_start3A_276 = tpu.memref_slice %arg7[%run_scoped3A_118, %dma_start3A_275] : memref<40x64xi32, #tpu.memory_space<vmem>> -> memref<1x64xi32, #tpu.memory_space<vmem>>
      %dma_start3A_277 = tpu.memref_squeeze %dma_start3A_276 : memref<1x64xi32, #tpu.memory_space<vmem>> -> memref<64xi32, #tpu.memory_space<vmem>>
      %dma_start3A_278 = arith.constant 0 : i32
      %dma_start3A_279 = arith.constant 0 : i32
      %dma_start3A_280 = tpu.memref_slice %arg5[%dma_start3A_278, %dma_start3A_279] : memref<10240x128xf32, #tpu.memory_space<vmem_shared>> -> memref<10240x128xf32, #tpu.memory_space<vmem_shared>>
      tpu.enqueue_indirect_dma source(%arg9 : memref<64x128xf32, #tpu.memory_space<vmem>>) target(%dma_start3A_280 : memref<10240x128xf32, #tpu.memory_space<vmem_shared>>) offsets(%dma_start3A_277 : memref<64xi32, #tpu.memory_space<vmem>>) semaphore(%run_scoped3A_274 : memref<!tpu.dma_semaphore, #tpu.memory_space<semaphore_mem>>) {add = true}
      %dma_wait3A_281 = arith.constant 0 : i32
      %dma_wait3A_282 = tpu.memref_slice %arg7[%run_scoped3A_118, %dma_wait3A_281] : memref<40x64xi32, #tpu.memory_space<vmem>> -> memref<1x64xi32, #tpu.memory_space<vmem>>
      %dma_wait3A_283 = tpu.memref_squeeze %dma_wait3A_282 : memref<1x64xi32, #tpu.memory_space<vmem>> -> memref<64xi32, #tpu.memory_space<vmem>>
      %dma_wait3A_284 = arith.constant 0 : i32
      %dma_wait3A_285 = arith.constant 0 : i32
      %dma_wait3A_286 = tpu.memref_slice %arg5[%dma_wait3A_284, %dma_wait3A_285] : memref<10240x128xf32, #tpu.memory_space<vmem_shared>> -> memref<10240x128xf32, #tpu.memory_space<vmem_shared>>
      tpu.wait_indirect_dma semaphore(%run_scoped3A_274 : memref<!tpu.dma_semaphore, #tpu.memory_space<semaphore_mem>>) src(%arg9 : memref<64x128xf32, #tpu.memory_space<vmem>>) dst(%dma_wait3A_286 : memref<10240x128xf32, #tpu.memory_space<vmem_shared>>)
      tpu.yield
    }) : () -> ()
    %dma_wait3A_119 = arith.constant 38 : i32
    %dma_wait3A_120 = arith.constant 0 : i32
    %dma_wait3A_121 = tpu.memref_slice %arg6[%dma_wait3A_119, %dma_wait3A_120] : memref<40x64xi32, #tpu.memory_space<vmem>> -> memref<1x64xi32, #tpu.memory_space<vmem>>
    %dma_wait3A_122 = tpu.memref_squeeze %dma_wait3A_121 : memref<1x64xi32, #tpu.memory_space<vmem>> -> memref<64xi32, #tpu.memory_space<vmem>>
    %dma_wait3A_123 = arith.constant 0 : i32
    %dma_wait3A_124 = arith.constant 0 : i32
    %dma_wait3A_125 = tpu.memref_slice %arg2[%dma_wait3A_123, %dma_wait3A_124] : memref<10240x128xf32, #tpu.memory_space<hbm>> -> memref<10240x128xf32, #tpu.memory_space<hbm>>
    tpu.wait_indirect_dma semaphore(%arg14 : memref<!tpu.dma_semaphore, #tpu.memory_space<semaphore_mem>>) src(%dma_wait3A_125 : memref<10240x128xf32, #tpu.memory_space<hbm>>) dst(%arg10 : memref<64x128xf32, #tpu.memory_space<vmem>>)
    %run_scoped3A_126 = arith.constant 38 : i32
    "tpu.region"() ({
      %run_scoped3A_274 = tpu.sem_alloc : memref<!tpu.dma_semaphore, #tpu.memory_space<semaphore_mem>>
      %dma_start3A_275 = arith.constant 0 : i32
      %dma_start3A_276 = tpu.memref_slice %arg7[%run_scoped3A_126, %dma_start3A_275] : memref<40x64xi32, #tpu.memory_space<vmem>> -> memref<1x64xi32, #tpu.memory_space<vmem>>
      %dma_start3A_277 = tpu.memref_squeeze %dma_start3A_276 : memref<1x64xi32, #tpu.memory_space<vmem>> -> memref<64xi32, #tpu.memory_space<vmem>>
      %dma_start3A_278 = arith.constant 0 : i32
      %dma_start3A_279 = arith.constant 0 : i32
      %dma_start3A_280 = tpu.memref_slice %arg5[%dma_start3A_278, %dma_start3A_279] : memref<10240x128xf32, #tpu.memory_space<vmem_shared>> -> memref<10240x128xf32, #tpu.memory_space<vmem_shared>>
      tpu.enqueue_indirect_dma source(%arg10 : memref<64x128xf32, #tpu.memory_space<vmem>>) target(%dma_start3A_280 : memref<10240x128xf32, #tpu.memory_space<vmem_shared>>) offsets(%dma_start3A_277 : memref<64xi32, #tpu.memory_space<vmem>>) semaphore(%run_scoped3A_274 : memref<!tpu.dma_semaphore, #tpu.memory_space<semaphore_mem>>) {add = true}
      %dma_wait3A_281 = arith.constant 0 : i32
      %dma_wait3A_282 = tpu.memref_slice %arg7[%run_scoped3A_126, %dma_wait3A_281] : memref<40x64xi32, #tpu.memory_space<vmem>> -> memref<1x64xi32, #tpu.memory_space<vmem>>
      %dma_wait3A_283 = tpu.memref_squeeze %dma_wait3A_282 : memref<1x64xi32, #tpu.memory_space<vmem>> -> memref<64xi32, #tpu.memory_space<vmem>>
      %dma_wait3A_284 = arith.constant 0 : i32
      %dma_wait3A_285 = arith.constant 0 : i32
      %dma_wait3A_286 = tpu.memref_slice %arg5[%dma_wait3A_284, %dma_wait3A_285] : memref<10240x128xf32, #tpu.memory_space<vmem_shared>> -> memref<10240x128xf32, #tpu.memory_space<vmem_shared>>
      tpu.wait_indirect_dma semaphore(%run_scoped3A_274 : memref<!tpu.dma_semaphore, #tpu.memory_space<semaphore_mem>>) src(%arg10 : memref<64x128xf32, #tpu.memory_space<vmem>>) dst(%dma_wait3A_286 : memref<10240x128xf32, #tpu.memory_space<vmem_shared>>)
      tpu.yield
    }) : () -> ()
    %dma_wait3A_127 = arith.constant 39 : i32
    %dma_wait3A_128 = arith.constant 0 : i32
    %dma_wait3A_129 = tpu.memref_slice %arg6[%dma_wait3A_127, %dma_wait3A_128] : memref<40x64xi32, #tpu.memory_space<vmem>> -> memref<1x64xi32, #tpu.memory_space<vmem>>
    %dma_wait3A_130 = tpu.memref_squeeze %dma_wait3A_129 : memref<1x64xi32, #tpu.memory_space<vmem>> -> memref<64xi32, #tpu.memory_space<vmem>>
    %dma_wait3A_131 = arith.constant 0 : i32
    %dma_wait3A_132 = arith.constant 0 : i32
    %dma_wait3A_133 = tpu.memref_slice %arg2[%dma_wait3A_131, %dma_wait3A_132] : memref<10240x128xf32, #tpu.memory_space<hbm>> -> memref<10240x128xf32, #tpu.memory_space<hbm>>
    tpu.wait_indirect_dma semaphore(%arg15 : memref<!tpu.dma_semaphore, #tpu.memory_space<semaphore_mem>>) src(%dma_wait3A_133 : memref<10240x128xf32, #tpu.memory_space<hbm>>) dst(%arg11 : memref<64x128xf32, #tpu.memory_space<vmem>>)
    %run_scoped3A_134 = arith.constant 39 : i32
    "tpu.region"() ({
      %run_scoped3A_274 = tpu.sem_alloc : memref<!tpu.dma_semaphore, #tpu.memory_space<semaphore_mem>>
      %dma_start3A_275 = arith.constant 0 : i32
      %dma_start3A_276 = tpu.memref_slice %arg7[%run_scoped3A_134, %dma_start3A_275] : memref<40x64xi32, #tpu.memory_space<vmem>> -> memref<1x64xi32, #tpu.memory_space<vmem>>
      %dma_start3A_277 = tpu.memref_squeeze %dma_start3A_276 : memref<1x64xi32, #tpu.memory_space<vmem>> -> memref<64xi32, #tpu.memory_space<vmem>>
      %dma_start3A_278 = arith.constant 0 : i32
      %dma_start3A_279 = arith.constant 0 : i32
      %dma_start3A_280 = tpu.memref_slice %arg5[%dma_start3A_278, %dma_start3A_279] : memref<10240x128xf32, #tpu.memory_space<vmem_shared>> -> memref<10240x128xf32, #tpu.memory_space<vmem_shared>>
      tpu.enqueue_indirect_dma source(%arg11 : memref<64x128xf32, #tpu.memory_space<vmem>>) target(%dma_start3A_280 : memref<10240x128xf32, #tpu.memory_space<vmem_shared>>) offsets(%dma_start3A_277 : memref<64xi32, #tpu.memory_space<vmem>>) semaphore(%run_scoped3A_274 : memref<!tpu.dma_semaphore, #tpu.memory_space<semaphore_mem>>) {add = true}
      %dma_wait3A_281 = arith.constant 0 : i32
      %dma_wait3A_282 = tpu.memref_slice %arg7[%run_scoped3A_134, %dma_wait3A_281] : memref<40x64xi32, #tpu.memory_space<vmem>> -> memref<1x64xi32, #tpu.memory_space<vmem>>
      %dma_wait3A_283 = tpu.memref_squeeze %dma_wait3A_282 : memref<1x64xi32, #tpu.memory_space<vmem>> -> memref<64xi32, #tpu.memory_space<vmem>>
      %dma_wait3A_284 = arith.constant 0 : i32
      %dma_wait3A_285 = arith.constant 0 : i32
      %dma_wait3A_286 = tpu.memref_slice %arg5[%dma_wait3A_284, %dma_wait3A_285] : memref<10240x128xf32, #tpu.memory_space<vmem_shared>> -> memref<10240x128xf32, #tpu.memory_space<vmem_shared>>
      tpu.wait_indirect_dma semaphore(%run_scoped3A_274 : memref<!tpu.dma_semaphore, #tpu.memory_space<semaphore_mem>>) src(%arg11 : memref<64x128xf32, #tpu.memory_space<vmem>>) dst(%dma_wait3A_286 : memref<10240x128xf32, #tpu.memory_space<vmem_shared>>)
      tpu.yield
    }) : () -> ()
    %run_scoped3A_135 = arith.constant 0 : i32
    "tpu.region"() ({
      %run_scoped3A_274 = tpu.sem_alloc : memref<!tpu.dma_semaphore, #tpu.memory_space<semaphore_mem>>
      %dma_start3A_275 = arith.constant 80 : i32
      %dma_start3A_276 = arith.constant 0 : i32
      %dma_start3A_277 = tpu.memref_slice %arg3[%run_scoped3A_135, %add3A, %dma_start3A_275, %dma_start3A_276] : memref<2x32x160x64xi32, #tpu.memory_space<hbm>> -> memref<1x1x40x64xi32, #tpu.memory_space<hbm>>
      %dma_start3A_278 = tpu.memref_squeeze %dma_start3A_277 : memref<1x1x40x64xi32, #tpu.memory_space<hbm>> -> memref<40x64xi32, #tpu.memory_space<hbm>>
      %dma_start3A_279 = arith.constant 80 : i32
      %dma_start3A_280 = arith.constant 0 : i32
      %dma_start3A_281 = tpu.memref_slice %arg3[%run_scoped3A_135, %add3A, %dma_start3A_279, %dma_start3A_280] : memref<2x32x160x64xi32, #tpu.memory_space<hbm>> -> memref<1x1x40x64xi32, #tpu.memory_space<hbm>>
      %dma_start3A_282 = tpu.memref_squeeze %dma_start3A_281 : memref<1x1x40x64xi32, #tpu.memory_space<hbm>> -> memref<40x64xi32, #tpu.memory_space<hbm>>
      tpu.enqueue_dma source(%dma_start3A_282 : memref<40x64xi32, #tpu.memory_space<hbm>>) target(%arg6 : memref<40x64xi32, #tpu.memory_space<vmem>>) target_semaphore(%run_scoped3A_274 : memref<!tpu.dma_semaphore, #tpu.memory_space<semaphore_mem>>)
      %dma_wait3A_283 = arith.constant 80 : i32
      %dma_wait3A_284 = arith.constant 0 : i32
      %dma_wait3A_285 = tpu.memref_slice %arg3[%run_scoped3A_135, %add3A, %dma_wait3A_283, %dma_wait3A_284] : memref<2x32x160x64xi32, #tpu.memory_space<hbm>> -> memref<1x1x40x64xi32, #tpu.memory_space<hbm>>
      %dma_wait3A_286 = tpu.memref_squeeze %dma_wait3A_285 : memref<1x1x40x64xi32, #tpu.memory_space<hbm>> -> memref<40x64xi32, #tpu.memory_space<hbm>>
      %dma_wait3A_287 = arith.constant 80 : i32
      %dma_wait3A_288 = arith.constant 0 : i32
      %dma_wait3A_289 = tpu.memref_slice %arg3[%run_scoped3A_135, %add3A, %dma_wait3A_287, %dma_wait3A_288] : memref<2x32x160x64xi32, #tpu.memory_space<hbm>> -> memref<1x1x40x64xi32, #tpu.memory_space<hbm>>
      %dma_wait3A_290 = tpu.memref_squeeze %dma_wait3A_289 : memref<1x1x40x64xi32, #tpu.memory_space<hbm>> -> memref<40x64xi32, #tpu.memory_space<hbm>>
      tpu.wait_dma2 semaphore(%run_scoped3A_274 : memref<!tpu.dma_semaphore, #tpu.memory_space<semaphore_mem>>) src(%dma_wait3A_290 : memref<40x64xi32, #tpu.memory_space<hbm>>) dst(%arg6 : memref<40x64xi32, #tpu.memory_space<vmem>>)
      tpu.yield
    }) : () -> ()
    %run_scoped3A_136 = arith.constant 1 : i32
    "tpu.region"() ({
      %run_scoped3A_274 = tpu.sem_alloc : memref<!tpu.dma_semaphore, #tpu.memory_space<semaphore_mem>>
      %dma_start3A_275 = arith.constant 80 : i32
      %dma_start3A_276 = arith.constant 0 : i32
      %dma_start3A_277 = tpu.memref_slice %arg3[%run_scoped3A_136, %add3A, %dma_start3A_275, %dma_start3A_276] : memref<2x32x160x64xi32, #tpu.memory_space<hbm>> -> memref<1x1x40x64xi32, #tpu.memory_space<hbm>>
      %dma_start3A_278 = tpu.memref_squeeze %dma_start3A_277 : memref<1x1x40x64xi32, #tpu.memory_space<hbm>> -> memref<40x64xi32, #tpu.memory_space<hbm>>
      %dma_start3A_279 = arith.constant 80 : i32
      %dma_start3A_280 = arith.constant 0 : i32
      %dma_start3A_281 = tpu.memref_slice %arg3[%run_scoped3A_136, %add3A, %dma_start3A_279, %dma_start3A_280] : memref<2x32x160x64xi32, #tpu.memory_space<hbm>> -> memref<1x1x40x64xi32, #tpu.memory_space<hbm>>
      %dma_start3A_282 = tpu.memref_squeeze %dma_start3A_281 : memref<1x1x40x64xi32, #tpu.memory_space<hbm>> -> memref<40x64xi32, #tpu.memory_space<hbm>>
      tpu.enqueue_dma source(%dma_start3A_282 : memref<40x64xi32, #tpu.memory_space<hbm>>) target(%arg7 : memref<40x64xi32, #tpu.memory_space<vmem>>) target_semaphore(%run_scoped3A_274 : memref<!tpu.dma_semaphore, #tpu.memory_space<semaphore_mem>>)
      %dma_wait3A_283 = arith.constant 80 : i32
      %dma_wait3A_284 = arith.constant 0 : i32
      %dma_wait3A_285 = tpu.memref_slice %arg3[%run_scoped3A_136, %add3A, %dma_wait3A_283, %dma_wait3A_284] : memref<2x32x160x64xi32, #tpu.memory_space<hbm>> -> memref<1x1x40x64xi32, #tpu.memory_space<hbm>>
      %dma_wait3A_286 = tpu.memref_squeeze %dma_wait3A_285 : memref<1x1x40x64xi32, #tpu.memory_space<hbm>> -> memref<40x64xi32, #tpu.memory_space<hbm>>
      %dma_wait3A_287 = arith.constant 80 : i32
      %dma_wait3A_288 = arith.constant 0 : i32
      %dma_wait3A_289 = tpu.memref_slice %arg3[%run_scoped3A_136, %add3A, %dma_wait3A_287, %dma_wait3A_288] : memref<2x32x160x64xi32, #tpu.memory_space<hbm>> -> memref<1x1x40x64xi32, #tpu.memory_space<hbm>>
      %dma_wait3A_290 = tpu.memref_squeeze %dma_wait3A_289 : memref<1x1x40x64xi32, #tpu.memory_space<hbm>> -> memref<40x64xi32, #tpu.memory_space<hbm>>
      tpu.wait_dma2 semaphore(%run_scoped3A_274 : memref<!tpu.dma_semaphore, #tpu.memory_space<semaphore_mem>>) src(%dma_wait3A_290 : memref<40x64xi32, #tpu.memory_space<hbm>>) dst(%arg7 : memref<40x64xi32, #tpu.memory_space<vmem>>)
      tpu.yield
    }) : () -> ()
    %dma_start3A_137 = arith.constant 0 : i32
    %dma_start3A_138 = arith.constant 0 : i32
    %dma_start3A_139 = tpu.memref_slice %arg6[%dma_start3A_137, %dma_start3A_138] : memref<40x64xi32, #tpu.memory_space<vmem>> -> memref<1x64xi32, #tpu.memory_space<vmem>>
    %dma_start3A_140 = tpu.memref_squeeze %dma_start3A_139 : memref<1x64xi32, #tpu.memory_space<vmem>> -> memref<64xi32, #tpu.memory_space<vmem>>
    %dma_start3A_141 = arith.constant 0 : i32
    %dma_start3A_142 = arith.constant 0 : i32
    %dma_start3A_143 = tpu.memref_slice %arg2[%dma_start3A_141, %dma_start3A_142] : memref<10240x128xf32, #tpu.memory_space<hbm>> -> memref<10240x128xf32, #tpu.memory_space<hbm>>
    tpu.enqueue_indirect_dma source(%dma_start3A_143 : memref<10240x128xf32, #tpu.memory_space<hbm>>) target(%arg8 : memref<64x128xf32, #tpu.memory_space<vmem>>) offsets(%dma_start3A_140 : memref<64xi32, #tpu.memory_space<vmem>>) semaphore(%arg12 : memref<!tpu.dma_semaphore, #tpu.memory_space<semaphore_mem>>)
    %dma_start3A_144 = arith.constant 1 : i32
    %dma_start3A_145 = arith.constant 0 : i32
    %dma_start3A_146 = tpu.memref_slice %arg6[%dma_start3A_144, %dma_start3A_145] : memref<40x64xi32, #tpu.memory_space<vmem>> -> memref<1x64xi32, #tpu.memory_space<vmem>>
    %dma_start3A_147 = tpu.memref_squeeze %dma_start3A_146 : memref<1x64xi32, #tpu.memory_space<vmem>> -> memref<64xi32, #tpu.memory_space<vmem>>
    %dma_start3A_148 = arith.constant 0 : i32
    %dma_start3A_149 = arith.constant 0 : i32
    %dma_start3A_150 = tpu.memref_slice %arg2[%dma_start3A_148, %dma_start3A_149] : memref<10240x128xf32, #tpu.memory_space<hbm>> -> memref<10240x128xf32, #tpu.memory_space<hbm>>
    tpu.enqueue_indirect_dma source(%dma_start3A_150 : memref<10240x128xf32, #tpu.memory_space<hbm>>) target(%arg9 : memref<64x128xf32, #tpu.memory_space<vmem>>) offsets(%dma_start3A_147 : memref<64xi32, #tpu.memory_space<vmem>>) semaphore(%arg13 : memref<!tpu.dma_semaphore, #tpu.memory_space<semaphore_mem>>)
    %dma_start3A_151 = arith.constant 2 : i32
    %dma_start3A_152 = arith.constant 0 : i32
    %dma_start3A_153 = tpu.memref_slice %arg6[%dma_start3A_151, %dma_start3A_152] : memref<40x64xi32, #tpu.memory_space<vmem>> -> memref<1x64xi32, #tpu.memory_space<vmem>>
    %dma_start3A_154 = tpu.memref_squeeze %dma_start3A_153 : memref<1x64xi32, #tpu.memory_space<vmem>> -> memref<64xi32, #tpu.memory_space<vmem>>
    %dma_start3A_155 = arith.constant 0 : i32
    %dma_start3A_156 = arith.constant 0 : i32
    %dma_start3A_157 = tpu.memref_slice %arg2[%dma_start3A_155, %dma_start3A_156] : memref<10240x128xf32, #tpu.memory_space<hbm>> -> memref<10240x128xf32, #tpu.memory_space<hbm>>
    tpu.enqueue_indirect_dma source(%dma_start3A_157 : memref<10240x128xf32, #tpu.memory_space<hbm>>) target(%arg10 : memref<64x128xf32, #tpu.memory_space<vmem>>) offsets(%dma_start3A_154 : memref<64xi32, #tpu.memory_space<vmem>>) semaphore(%arg14 : memref<!tpu.dma_semaphore, #tpu.memory_space<semaphore_mem>>)
    %dma_start3A_158 = arith.constant 3 : i32
    %dma_start3A_159 = arith.constant 0 : i32
    %dma_start3A_160 = tpu.memref_slice %arg6[%dma_start3A_158, %dma_start3A_159] : memref<40x64xi32, #tpu.memory_space<vmem>> -> memref<1x64xi32, #tpu.memory_space<vmem>>
    %dma_start3A_161 = tpu.memref_squeeze %dma_start3A_160 : memref<1x64xi32, #tpu.memory_space<vmem>> -> memref<64xi32, #tpu.memory_space<vmem>>
    %dma_start3A_162 = arith.constant 0 : i32
    %dma_start3A_163 = arith.constant 0 : i32
    %dma_start3A_164 = tpu.memref_slice %arg2[%dma_start3A_162, %dma_start3A_163] : memref<10240x128xf32, #tpu.memory_space<hbm>> -> memref<10240x128xf32, #tpu.memory_space<hbm>>
    tpu.enqueue_indirect_dma source(%dma_start3A_164 : memref<10240x128xf32, #tpu.memory_space<hbm>>) target(%arg11 : memref<64x128xf32, #tpu.memory_space<vmem>>) offsets(%dma_start3A_161 : memref<64xi32, #tpu.memory_space<vmem>>) semaphore(%arg15 : memref<!tpu.dma_semaphore, #tpu.memory_space<semaphore_mem>>)
    %scan3A_165 = arith.constant 0 : i32
    %scan3A_166 = arith.constant 9 : i32
    %scan3A_167 = arith.addi %scan3A_165, %scan3A_166 : i32
    %scan3A_168 = arith.constant 1 : i32
    scf.for %scan3A_274 = %scan3A_165 to %scan3A_167 step %scan3A_168  : i32 {
      %mul3A_275 = arith.constant 4 : i32
      %mul3A_276 = arith.muli %scan3A_274, %mul3A_275 : i32
      %add3A_277 = arith.constant 0 : i32
      %add3A_278 = arith.addi %add3A_277, %mul3A_276 : i32
      %add3A_279 = arith.constant 0 : i32
      %add3A_280 = arith.addi %add3A_278, %add3A_279 : i32
      %dma_wait3A_281 = arith.constant 0 : i32
      %dma_wait3A_282 = tpu.memref_slice %arg6[%add3A_280, %dma_wait3A_281] : memref<40x64xi32, #tpu.memory_space<vmem>> -> memref<1x64xi32, #tpu.memory_space<vmem>>
      %dma_wait3A_283 = tpu.memref_squeeze %dma_wait3A_282 : memref<1x64xi32, #tpu.memory_space<vmem>> -> memref<64xi32, #tpu.memory_space<vmem>>
      %dma_wait3A_284 = arith.constant 0 : i32
      %dma_wait3A_285 = arith.constant 0 : i32
      %dma_wait3A_286 = tpu.memref_slice %arg2[%dma_wait3A_284, %dma_wait3A_285] : memref<10240x128xf32, #tpu.memory_space<hbm>> -> memref<10240x128xf32, #tpu.memory_space<hbm>>
      tpu.wait_indirect_dma semaphore(%arg12 : memref<!tpu.dma_semaphore, #tpu.memory_space<semaphore_mem>>) src(%dma_wait3A_286 : memref<10240x128xf32, #tpu.memory_space<hbm>>) dst(%arg8 : memref<64x128xf32, #tpu.memory_space<vmem>>)
      "tpu.region"() ({
        %run_scoped3A_351 = tpu.sem_alloc : memref<!tpu.dma_semaphore, #tpu.memory_space<semaphore_mem>>
        %dma_start3A_352 = arith.constant 0 : i32
        %dma_start3A_353 = tpu.memref_slice %arg7[%add3A_280, %dma_start3A_352] : memref<40x64xi32, #tpu.memory_space<vmem>> -> memref<1x64xi32, #tpu.memory_space<vmem>>
        %dma_start3A_354 = tpu.memref_squeeze %dma_start3A_353 : memref<1x64xi32, #tpu.memory_space<vmem>> -> memref<64xi32, #tpu.memory_space<vmem>>
        %dma_start3A_355 = arith.constant 0 : i32
        %dma_start3A_356 = arith.constant 0 : i32
        %dma_start3A_357 = tpu.memref_slice %arg5[%dma_start3A_355, %dma_start3A_356] : memref<10240x128xf32, #tpu.memory_space<vmem_shared>> -> memref<10240x128xf32, #tpu.memory_space<vmem_shared>>
        tpu.enqueue_indirect_dma source(%arg8 : memref<64x128xf32, #tpu.memory_space<vmem>>) target(%dma_start3A_357 : memref<10240x128xf32, #tpu.memory_space<vmem_shared>>) offsets(%dma_start3A_354 : memref<64xi32, #tpu.memory_space<vmem>>) semaphore(%run_scoped3A_351 : memref<!tpu.dma_semaphore, #tpu.memory_space<semaphore_mem>>) {add = true}
        %dma_wait3A_358 = arith.constant 0 : i32
        %dma_wait3A_359 = tpu.memref_slice %arg7[%add3A_280, %dma_wait3A_358] : memref<40x64xi32, #tpu.memory_space<vmem>> -> memref<1x64xi32, #tpu.memory_space<vmem>>
        %dma_wait3A_360 = tpu.memref_squeeze %dma_wait3A_359 : memref<1x64xi32, #tpu.memory_space<vmem>> -> memref<64xi32, #tpu.memory_space<vmem>>
        %dma_wait3A_361 = arith.constant 0 : i32
        %dma_wait3A_362 = arith.constant 0 : i32
        %dma_wait3A_363 = tpu.memref_slice %arg5[%dma_wait3A_361, %dma_wait3A_362] : memref<10240x128xf32, #tpu.memory_space<vmem_shared>> -> memref<10240x128xf32, #tpu.memory_space<vmem_shared>>
        tpu.wait_indirect_dma semaphore(%run_scoped3A_351 : memref<!tpu.dma_semaphore, #tpu.memory_space<semaphore_mem>>) src(%arg8 : memref<64x128xf32, #tpu.memory_space<vmem>>) dst(%dma_wait3A_363 : memref<10240x128xf32, #tpu.memory_space<vmem_shared>>)
        tpu.yield
      }) : () -> ()
      %add3A_287 = arith.constant 4 : i32
      %add3A_288 = arith.addi %add3A_278, %add3A_287 : i32
      %add3A_289 = arith.constant 0 : i32
      %add3A_290 = arith.addi %add3A_288, %add3A_289 : i32
      %dma_start3A_291 = arith.constant 0 : i32
      %dma_start3A_292 = tpu.memref_slice %arg6[%add3A_290, %dma_start3A_291] : memref<40x64xi32, #tpu.memory_space<vmem>> -> memref<1x64xi32, #tpu.memory_space<vmem>>
      %dma_start3A_293 = tpu.memref_squeeze %dma_start3A_292 : memref<1x64xi32, #tpu.memory_space<vmem>> -> memref<64xi32, #tpu.memory_space<vmem>>
      %dma_start3A_294 = arith.constant 0 : i32
      %dma_start3A_295 = arith.constant 0 : i32
      %dma_start3A_296 = tpu.memref_slice %arg2[%dma_start3A_294, %dma_start3A_295] : memref<10240x128xf32, #tpu.memory_space<hbm>> -> memref<10240x128xf32, #tpu.memory_space<hbm>>
      tpu.enqueue_indirect_dma source(%dma_start3A_296 : memref<10240x128xf32, #tpu.memory_space<hbm>>) target(%arg8 : memref<64x128xf32, #tpu.memory_space<vmem>>) offsets(%dma_start3A_293 : memref<64xi32, #tpu.memory_space<vmem>>) semaphore(%arg12 : memref<!tpu.dma_semaphore, #tpu.memory_space<semaphore_mem>>)
      %add3A_297 = arith.constant 1 : i32
      %add3A_298 = arith.addi %add3A_278, %add3A_297 : i32
      %dma_wait3A_299 = arith.constant 0 : i32
      %dma_wait3A_300 = tpu.memref_slice %arg6[%add3A_298, %dma_wait3A_299] : memref<40x64xi32, #tpu.memory_space<vmem>> -> memref<1x64xi32, #tpu.memory_space<vmem>>
      %dma_wait3A_301 = tpu.memref_squeeze %dma_wait3A_300 : memref<1x64xi32, #tpu.memory_space<vmem>> -> memref<64xi32, #tpu.memory_space<vmem>>
      %dma_wait3A_302 = arith.constant 0 : i32
      %dma_wait3A_303 = arith.constant 0 : i32
      %dma_wait3A_304 = tpu.memref_slice %arg2[%dma_wait3A_302, %dma_wait3A_303] : memref<10240x128xf32, #tpu.memory_space<hbm>> -> memref<10240x128xf32, #tpu.memory_space<hbm>>
      tpu.wait_indirect_dma semaphore(%arg13 : memref<!tpu.dma_semaphore, #tpu.memory_space<semaphore_mem>>) src(%dma_wait3A_304 : memref<10240x128xf32, #tpu.memory_space<hbm>>) dst(%arg9 : memref<64x128xf32, #tpu.memory_space<vmem>>)
      "tpu.region"() ({
        %run_scoped3A_351 = tpu.sem_alloc : memref<!tpu.dma_semaphore, #tpu.memory_space<semaphore_mem>>
        %dma_start3A_352 = arith.constant 0 : i32
        %dma_start3A_353 = tpu.memref_slice %arg7[%add3A_298, %dma_start3A_352] : memref<40x64xi32, #tpu.memory_space<vmem>> -> memref<1x64xi32, #tpu.memory_space<vmem>>
        %dma_start3A_354 = tpu.memref_squeeze %dma_start3A_353 : memref<1x64xi32, #tpu.memory_space<vmem>> -> memref<64xi32, #tpu.memory_space<vmem>>
        %dma_start3A_355 = arith.constant 0 : i32
        %dma_start3A_356 = arith.constant 0 : i32
        %dma_start3A_357 = tpu.memref_slice %arg5[%dma_start3A_355, %dma_start3A_356] : memref<10240x128xf32, #tpu.memory_space<vmem_shared>> -> memref<10240x128xf32, #tpu.memory_space<vmem_shared>>
        tpu.enqueue_indirect_dma source(%arg9 : memref<64x128xf32, #tpu.memory_space<vmem>>) target(%dma_start3A_357 : memref<10240x128xf32, #tpu.memory_space<vmem_shared>>) offsets(%dma_start3A_354 : memref<64xi32, #tpu.memory_space<vmem>>) semaphore(%run_scoped3A_351 : memref<!tpu.dma_semaphore, #tpu.memory_space<semaphore_mem>>) {add = true}
        %dma_wait3A_358 = arith.constant 0 : i32
        %dma_wait3A_359 = tpu.memref_slice %arg7[%add3A_298, %dma_wait3A_358] : memref<40x64xi32, #tpu.memory_space<vmem>> -> memref<1x64xi32, #tpu.memory_space<vmem>>
        %dma_wait3A_360 = tpu.memref_squeeze %dma_wait3A_359 : memref<1x64xi32, #tpu.memory_space<vmem>> -> memref<64xi32, #tpu.memory_space<vmem>>
        %dma_wait3A_361 = arith.constant 0 : i32
        %dma_wait3A_362 = arith.constant 0 : i32
        %dma_wait3A_363 = tpu.memref_slice %arg5[%dma_wait3A_361, %dma_wait3A_362] : memref<10240x128xf32, #tpu.memory_space<vmem_shared>> -> memref<10240x128xf32, #tpu.memory_space<vmem_shared>>
        tpu.wait_indirect_dma semaphore(%run_scoped3A_351 : memref<!tpu.dma_semaphore, #tpu.memory_space<semaphore_mem>>) src(%arg9 : memref<64x128xf32, #tpu.memory_space<vmem>>) dst(%dma_wait3A_363 : memref<10240x128xf32, #tpu.memory_space<vmem_shared>>)
        tpu.yield
      }) : () -> ()
      %add3A_305 = arith.constant 4 : i32
      %add3A_306 = arith.addi %add3A_278, %add3A_305 : i32
      %add3A_307 = arith.constant 1 : i32
      %add3A_308 = arith.addi %add3A_306, %add3A_307 : i32
      %dma_start3A_309 = arith.constant 0 : i32
      %dma_start3A_310 = tpu.memref_slice %arg6[%add3A_308, %dma_start3A_309] : memref<40x64xi32, #tpu.memory_space<vmem>> -> memref<1x64xi32, #tpu.memory_space<vmem>>
      %dma_start3A_311 = tpu.memref_squeeze %dma_start3A_310 : memref<1x64xi32, #tpu.memory_space<vmem>> -> memref<64xi32, #tpu.memory_space<vmem>>
      %dma_start3A_312 = arith.constant 0 : i32
      %dma_start3A_313 = arith.constant 0 : i32
      %dma_start3A_314 = tpu.memref_slice %arg2[%dma_start3A_312, %dma_start3A_313] : memref<10240x128xf32, #tpu.memory_space<hbm>> -> memref<10240x128xf32, #tpu.memory_space<hbm>>
      tpu.enqueue_indirect_dma source(%dma_start3A_314 : memref<10240x128xf32, #tpu.memory_space<hbm>>) target(%arg9 : memref<64x128xf32, #tpu.memory_space<vmem>>) offsets(%dma_start3A_311 : memref<64xi32, #tpu.memory_space<vmem>>) semaphore(%arg13 : memref<!tpu.dma_semaphore, #tpu.memory_space<semaphore_mem>>)
      %add3A_315 = arith.constant 2 : i32
      %add3A_316 = arith.addi %add3A_278, %add3A_315 : i32
      %dma_wait3A_317 = arith.constant 0 : i32
      %dma_wait3A_318 = tpu.memref_slice %arg6[%add3A_316, %dma_wait3A_317] : memref<40x64xi32, #tpu.memory_space<vmem>> -> memref<1x64xi32, #tpu.memory_space<vmem>>
      %dma_wait3A_319 = tpu.memref_squeeze %dma_wait3A_318 : memref<1x64xi32, #tpu.memory_space<vmem>> -> memref<64xi32, #tpu.memory_space<vmem>>
      %dma_wait3A_320 = arith.constant 0 : i32
      %dma_wait3A_321 = arith.constant 0 : i32
      %dma_wait3A_322 = tpu.memref_slice %arg2[%dma_wait3A_320, %dma_wait3A_321] : memref<10240x128xf32, #tpu.memory_space<hbm>> -> memref<10240x128xf32, #tpu.memory_space<hbm>>
      tpu.wait_indirect_dma semaphore(%arg14 : memref<!tpu.dma_semaphore, #tpu.memory_space<semaphore_mem>>) src(%dma_wait3A_322 : memref<10240x128xf32, #tpu.memory_space<hbm>>) dst(%arg10 : memref<64x128xf32, #tpu.memory_space<vmem>>)
      "tpu.region"() ({
        %run_scoped3A_351 = tpu.sem_alloc : memref<!tpu.dma_semaphore, #tpu.memory_space<semaphore_mem>>
        %dma_start3A_352 = arith.constant 0 : i32
        %dma_start3A_353 = tpu.memref_slice %arg7[%add3A_316, %dma_start3A_352] : memref<40x64xi32, #tpu.memory_space<vmem>> -> memref<1x64xi32, #tpu.memory_space<vmem>>
        %dma_start3A_354 = tpu.memref_squeeze %dma_start3A_353 : memref<1x64xi32, #tpu.memory_space<vmem>> -> memref<64xi32, #tpu.memory_space<vmem>>
        %dma_start3A_355 = arith.constant 0 : i32
        %dma_start3A_356 = arith.constant 0 : i32
        %dma_start3A_357 = tpu.memref_slice %arg5[%dma_start3A_355, %dma_start3A_356] : memref<10240x128xf32, #tpu.memory_space<vmem_shared>> -> memref<10240x128xf32, #tpu.memory_space<vmem_shared>>
        tpu.enqueue_indirect_dma source(%arg10 : memref<64x128xf32, #tpu.memory_space<vmem>>) target(%dma_start3A_357 : memref<10240x128xf32, #tpu.memory_space<vmem_shared>>) offsets(%dma_start3A_354 : memref<64xi32, #tpu.memory_space<vmem>>) semaphore(%run_scoped3A_351 : memref<!tpu.dma_semaphore, #tpu.memory_space<semaphore_mem>>) {add = true}
        %dma_wait3A_358 = arith.constant 0 : i32
        %dma_wait3A_359 = tpu.memref_slice %arg7[%add3A_316, %dma_wait3A_358] : memref<40x64xi32, #tpu.memory_space<vmem>> -> memref<1x64xi32, #tpu.memory_space<vmem>>
        %dma_wait3A_360 = tpu.memref_squeeze %dma_wait3A_359 : memref<1x64xi32, #tpu.memory_space<vmem>> -> memref<64xi32, #tpu.memory_space<vmem>>
        %dma_wait3A_361 = arith.constant 0 : i32
        %dma_wait3A_362 = arith.constant 0 : i32
        %dma_wait3A_363 = tpu.memref_slice %arg5[%dma_wait3A_361, %dma_wait3A_362] : memref<10240x128xf32, #tpu.memory_space<vmem_shared>> -> memref<10240x128xf32, #tpu.memory_space<vmem_shared>>
        tpu.wait_indirect_dma semaphore(%run_scoped3A_351 : memref<!tpu.dma_semaphore, #tpu.memory_space<semaphore_mem>>) src(%arg10 : memref<64x128xf32, #tpu.memory_space<vmem>>) dst(%dma_wait3A_363 : memref<10240x128xf32, #tpu.memory_space<vmem_shared>>)
        tpu.yield
      }) : () -> ()
      %add3A_323 = arith.constant 4 : i32
      %add3A_324 = arith.addi %add3A_278, %add3A_323 : i32
      %add3A_325 = arith.constant 2 : i32
      %add3A_326 = arith.addi %add3A_324, %add3A_325 : i32
      %dma_start3A_327 = arith.constant 0 : i32
      %dma_start3A_328 = tpu.memref_slice %arg6[%add3A_326, %dma_start3A_327] : memref<40x64xi32, #tpu.memory_space<vmem>> -> memref<1x64xi32, #tpu.memory_space<vmem>>
      %dma_start3A_329 = tpu.memref_squeeze %dma_start3A_328 : memref<1x64xi32, #tpu.memory_space<vmem>> -> memref<64xi32, #tpu.memory_space<vmem>>
      %dma_start3A_330 = arith.constant 0 : i32
      %dma_start3A_331 = arith.constant 0 : i32
      %dma_start3A_332 = tpu.memref_slice %arg2[%dma_start3A_330, %dma_start3A_331] : memref<10240x128xf32, #tpu.memory_space<hbm>> -> memref<10240x128xf32, #tpu.memory_space<hbm>>
      tpu.enqueue_indirect_dma source(%dma_start3A_332 : memref<10240x128xf32, #tpu.memory_space<hbm>>) target(%arg10 : memref<64x128xf32, #tpu.memory_space<vmem>>) offsets(%dma_start3A_329 : memref<64xi32, #tpu.memory_space<vmem>>) semaphore(%arg14 : memref<!tpu.dma_semaphore, #tpu.memory_space<semaphore_mem>>)
      %add3A_333 = arith.constant 3 : i32
      %add3A_334 = arith.addi %add3A_278, %add3A_333 : i32
      %dma_wait3A_335 = arith.constant 0 : i32
      %dma_wait3A_336 = tpu.memref_slice %arg6[%add3A_334, %dma_wait3A_335] : memref<40x64xi32, #tpu.memory_space<vmem>> -> memref<1x64xi32, #tpu.memory_space<vmem>>
      %dma_wait3A_337 = tpu.memref_squeeze %dma_wait3A_336 : memref<1x64xi32, #tpu.memory_space<vmem>> -> memref<64xi32, #tpu.memory_space<vmem>>
      %dma_wait3A_338 = arith.constant 0 : i32
      %dma_wait3A_339 = arith.constant 0 : i32
      %dma_wait3A_340 = tpu.memref_slice %arg2[%dma_wait3A_338, %dma_wait3A_339] : memref<10240x128xf32, #tpu.memory_space<hbm>> -> memref<10240x128xf32, #tpu.memory_space<hbm>>
      tpu.wait_indirect_dma semaphore(%arg15 : memref<!tpu.dma_semaphore, #tpu.memory_space<semaphore_mem>>) src(%dma_wait3A_340 : memref<10240x128xf32, #tpu.memory_space<hbm>>) dst(%arg11 : memref<64x128xf32, #tpu.memory_space<vmem>>)
      "tpu.region"() ({
        %run_scoped3A_351 = tpu.sem_alloc : memref<!tpu.dma_semaphore, #tpu.memory_space<semaphore_mem>>
        %dma_start3A_352 = arith.constant 0 : i32
        %dma_start3A_353 = tpu.memref_slice %arg7[%add3A_334, %dma_start3A_352] : memref<40x64xi32, #tpu.memory_space<vmem>> -> memref<1x64xi32, #tpu.memory_space<vmem>>
        %dma_start3A_354 = tpu.memref_squeeze %dma_start3A_353 : memref<1x64xi32, #tpu.memory_space<vmem>> -> memref<64xi32, #tpu.memory_space<vmem>>
        %dma_start3A_355 = arith.constant 0 : i32
        %dma_start3A_356 = arith.constant 0 : i32
        %dma_start3A_357 = tpu.memref_slice %arg5[%dma_start3A_355, %dma_start3A_356] : memref<10240x128xf32, #tpu.memory_space<vmem_shared>> -> memref<10240x128xf32, #tpu.memory_space<vmem_shared>>
        tpu.enqueue_indirect_dma source(%arg11 : memref<64x128xf32, #tpu.memory_space<vmem>>) target(%dma_start3A_357 : memref<10240x128xf32, #tpu.memory_space<vmem_shared>>) offsets(%dma_start3A_354 : memref<64xi32, #tpu.memory_space<vmem>>) semaphore(%run_scoped3A_351 : memref<!tpu.dma_semaphore, #tpu.memory_space<semaphore_mem>>) {add = true}
        %dma_wait3A_358 = arith.constant 0 : i32
        %dma_wait3A_359 = tpu.memref_slice %arg7[%add3A_334, %dma_wait3A_358] : memref<40x64xi32, #tpu.memory_space<vmem>> -> memref<1x64xi32, #tpu.memory_space<vmem>>
        %dma_wait3A_360 = tpu.memref_squeeze %dma_wait3A_359 : memref<1x64xi32, #tpu.memory_space<vmem>> -> memref<64xi32, #tpu.memory_space<vmem>>
        %dma_wait3A_361 = arith.constant 0 : i32
        %dma_wait3A_362 = arith.constant 0 : i32
        %dma_wait3A_363 = tpu.memref_slice %arg5[%dma_wait3A_361, %dma_wait3A_362] : memref<10240x128xf32, #tpu.memory_space<vmem_shared>> -> memref<10240x128xf32, #tpu.memory_space<vmem_shared>>
        tpu.wait_indirect_dma semaphore(%run_scoped3A_351 : memref<!tpu.dma_semaphore, #tpu.memory_space<semaphore_mem>>) src(%arg11 : memref<64x128xf32, #tpu.memory_space<vmem>>) dst(%dma_wait3A_363 : memref<10240x128xf32, #tpu.memory_space<vmem_shared>>)
        tpu.yield
      }) : () -> ()
      %add3A_341 = arith.constant 4 : i32
      %add3A_342 = arith.addi %add3A_278, %add3A_341 : i32
      %add3A_343 = arith.constant 3 : i32
      %add3A_344 = arith.addi %add3A_342, %add3A_343 : i32
      %dma_start3A_345 = arith.constant 0 : i32
      %dma_start3A_346 = tpu.memref_slice %arg6[%add3A_344, %dma_start3A_345] : memref<40x64xi32, #tpu.memory_space<vmem>> -> memref<1x64xi32, #tpu.memory_space<vmem>>
      %dma_start3A_347 = tpu.memref_squeeze %dma_start3A_346 : memref<1x64xi32, #tpu.memory_space<vmem>> -> memref<64xi32, #tpu.memory_space<vmem>>
      %dma_start3A_348 = arith.constant 0 : i32
      %dma_start3A_349 = arith.constant 0 : i32
      %dma_start3A_350 = tpu.memref_slice %arg2[%dma_start3A_348, %dma_start3A_349] : memref<10240x128xf32, #tpu.memory_space<hbm>> -> memref<10240x128xf32, #tpu.memory_space<hbm>>
      tpu.enqueue_indirect_dma source(%dma_start3A_350 : memref<10240x128xf32, #tpu.memory_space<hbm>>) target(%arg11 : memref<64x128xf32, #tpu.memory_space<vmem>>) offsets(%dma_start3A_347 : memref<64xi32, #tpu.memory_space<vmem>>) semaphore(%arg15 : memref<!tpu.dma_semaphore, #tpu.memory_space<semaphore_mem>>)
    }
    %scan3A_169 = arith.constant 9 : i32
    %dma_wait3A_170 = arith.constant 36 : i32
    %dma_wait3A_171 = arith.constant 0 : i32
    %dma_wait3A_172 = tpu.memref_slice %arg6[%dma_wait3A_170, %dma_wait3A_171] : memref<40x64xi32, #tpu.memory_space<vmem>> -> memref<1x64xi32, #tpu.memory_space<vmem>>
    %dma_wait3A_173 = tpu.memref_squeeze %dma_wait3A_172 : memref<1x64xi32, #tpu.memory_space<vmem>> -> memref<64xi32, #tpu.memory_space<vmem>>
    %dma_wait3A_174 = arith.constant 0 : i32
    %dma_wait3A_175 = arith.constant 0 : i32
    %dma_wait3A_176 = tpu.memref_slice %arg2[%dma_wait3A_174, %dma_wait3A_175] : memref<10240x128xf32, #tpu.memory_space<hbm>> -> memref<10240x128xf32, #tpu.memory_space<hbm>>
    tpu.wait_indirect_dma semaphore(%arg12 : memref<!tpu.dma_semaphore, #tpu.memory_space<semaphore_mem>>) src(%dma_wait3A_176 : memref<10240x128xf32, #tpu.memory_space<hbm>>) dst(%arg8 : memref<64x128xf32, #tpu.memory_space<vmem>>)
    %run_scoped3A_177 = arith.constant 36 : i32
    "tpu.region"() ({
      %run_scoped3A_274 = tpu.sem_alloc : memref<!tpu.dma_semaphore, #tpu.memory_space<semaphore_mem>>
      %dma_start3A_275 = arith.constant 0 : i32
      %dma_start3A_276 = tpu.memref_slice %arg7[%run_scoped3A_177, %dma_start3A_275] : memref<40x64xi32, #tpu.memory_space<vmem>> -> memref<1x64xi32, #tpu.memory_space<vmem>>
      %dma_start3A_277 = tpu.memref_squeeze %dma_start3A_276 : memref<1x64xi32, #tpu.memory_space<vmem>> -> memref<64xi32, #tpu.memory_space<vmem>>
      %dma_start3A_278 = arith.constant 0 : i32
      %dma_start3A_279 = arith.constant 0 : i32
      %dma_start3A_280 = tpu.memref_slice %arg5[%dma_start3A_278, %dma_start3A_279] : memref<10240x128xf32, #tpu.memory_space<vmem_shared>> -> memref<10240x128xf32, #tpu.memory_space<vmem_shared>>
      tpu.enqueue_indirect_dma source(%arg8 : memref<64x128xf32, #tpu.memory_space<vmem>>) target(%dma_start3A_280 : memref<10240x128xf32, #tpu.memory_space<vmem_shared>>) offsets(%dma_start3A_277 : memref<64xi32, #tpu.memory_space<vmem>>) semaphore(%run_scoped3A_274 : memref<!tpu.dma_semaphore, #tpu.memory_space<semaphore_mem>>) {add = true}
      %dma_wait3A_281 = arith.constant 0 : i32
      %dma_wait3A_282 = tpu.memref_slice %arg7[%run_scoped3A_177, %dma_wait3A_281] : memref<40x64xi32, #tpu.memory_space<vmem>> -> memref<1x64xi32, #tpu.memory_space<vmem>>
      %dma_wait3A_283 = tpu.memref_squeeze %dma_wait3A_282 : memref<1x64xi32, #tpu.memory_space<vmem>> -> memref<64xi32, #tpu.memory_space<vmem>>
      %dma_wait3A_284 = arith.constant 0 : i32
      %dma_wait3A_285 = arith.constant 0 : i32
      %dma_wait3A_286 = tpu.memref_slice %arg5[%dma_wait3A_284, %dma_wait3A_285] : memref<10240x128xf32, #tpu.memory_space<vmem_shared>> -> memref<10240x128xf32, #tpu.memory_space<vmem_shared>>
      tpu.wait_indirect_dma semaphore(%run_scoped3A_274 : memref<!tpu.dma_semaphore, #tpu.memory_space<semaphore_mem>>) src(%arg8 : memref<64x128xf32, #tpu.memory_space<vmem>>) dst(%dma_wait3A_286 : memref<10240x128xf32, #tpu.memory_space<vmem_shared>>)
      tpu.yield
    }) : () -> ()
    %dma_wait3A_178 = arith.constant 37 : i32
    %dma_wait3A_179 = arith.constant 0 : i32
    %dma_wait3A_180 = tpu.memref_slice %arg6[%dma_wait3A_178, %dma_wait3A_179] : memref<40x64xi32, #tpu.memory_space<vmem>> -> memref<1x64xi32, #tpu.memory_space<vmem>>
    %dma_wait3A_181 = tpu.memref_squeeze %dma_wait3A_180 : memref<1x64xi32, #tpu.memory_space<vmem>> -> memref<64xi32, #tpu.memory_space<vmem>>
    %dma_wait3A_182 = arith.constant 0 : i32
    %dma_wait3A_183 = arith.constant 0 : i32
    %dma_wait3A_184 = tpu.memref_slice %arg2[%dma_wait3A_182, %dma_wait3A_183] : memref<10240x128xf32, #tpu.memory_space<hbm>> -> memref<10240x128xf32, #tpu.memory_space<hbm>>
    tpu.wait_indirect_dma semaphore(%arg13 : memref<!tpu.dma_semaphore, #tpu.memory_space<semaphore_mem>>) src(%dma_wait3A_184 : memref<10240x128xf32, #tpu.memory_space<hbm>>) dst(%arg9 : memref<64x128xf32, #tpu.memory_space<vmem>>)
    %run_scoped3A_185 = arith.constant 37 : i32
    "tpu.region"() ({
      %run_scoped3A_274 = tpu.sem_alloc : memref<!tpu.dma_semaphore, #tpu.memory_space<semaphore_mem>>
      %dma_start3A_275 = arith.constant 0 : i32
      %dma_start3A_276 = tpu.memref_slice %arg7[%run_scoped3A_185, %dma_start3A_275] : memref<40x64xi32, #tpu.memory_space<vmem>> -> memref<1x64xi32, #tpu.memory_space<vmem>>
      %dma_start3A_277 = tpu.memref_squeeze %dma_start3A_276 : memref<1x64xi32, #tpu.memory_space<vmem>> -> memref<64xi32, #tpu.memory_space<vmem>>
      %dma_start3A_278 = arith.constant 0 : i32
      %dma_start3A_279 = arith.constant 0 : i32
      %dma_start3A_280 = tpu.memref_slice %arg5[%dma_start3A_278, %dma_start3A_279] : memref<10240x128xf32, #tpu.memory_space<vmem_shared>> -> memref<10240x128xf32, #tpu.memory_space<vmem_shared>>
      tpu.enqueue_indirect_dma source(%arg9 : memref<64x128xf32, #tpu.memory_space<vmem>>) target(%dma_start3A_280 : memref<10240x128xf32, #tpu.memory_space<vmem_shared>>) offsets(%dma_start3A_277 : memref<64xi32, #tpu.memory_space<vmem>>) semaphore(%run_scoped3A_274 : memref<!tpu.dma_semaphore, #tpu.memory_space<semaphore_mem>>) {add = true}
      %dma_wait3A_281 = arith.constant 0 : i32
      %dma_wait3A_282 = tpu.memref_slice %arg7[%run_scoped3A_185, %dma_wait3A_281] : memref<40x64xi32, #tpu.memory_space<vmem>> -> memref<1x64xi32, #tpu.memory_space<vmem>>
      %dma_wait3A_283 = tpu.memref_squeeze %dma_wait3A_282 : memref<1x64xi32, #tpu.memory_space<vmem>> -> memref<64xi32, #tpu.memory_space<vmem>>
      %dma_wait3A_284 = arith.constant 0 : i32
      %dma_wait3A_285 = arith.constant 0 : i32
      %dma_wait3A_286 = tpu.memref_slice %arg5[%dma_wait3A_284, %dma_wait3A_285] : memref<10240x128xf32, #tpu.memory_space<vmem_shared>> -> memref<10240x128xf32, #tpu.memory_space<vmem_shared>>
      tpu.wait_indirect_dma semaphore(%run_scoped3A_274 : memref<!tpu.dma_semaphore, #tpu.memory_space<semaphore_mem>>) src(%arg9 : memref<64x128xf32, #tpu.memory_space<vmem>>) dst(%dma_wait3A_286 : memref<10240x128xf32, #tpu.memory_space<vmem_shared>>)
      tpu.yield
    }) : () -> ()
    %dma_wait3A_186 = arith.constant 38 : i32
    %dma_wait3A_187 = arith.constant 0 : i32
    %dma_wait3A_188 = tpu.memref_slice %arg6[%dma_wait3A_186, %dma_wait3A_187] : memref<40x64xi32, #tpu.memory_space<vmem>> -> memref<1x64xi32, #tpu.memory_space<vmem>>
    %dma_wait3A_189 = tpu.memref_squeeze %dma_wait3A_188 : memref<1x64xi32, #tpu.memory_space<vmem>> -> memref<64xi32, #tpu.memory_space<vmem>>
    %dma_wait3A_190 = arith.constant 0 : i32
    %dma_wait3A_191 = arith.constant 0 : i32
    %dma_wait3A_192 = tpu.memref_slice %arg2[%dma_wait3A_190, %dma_wait3A_191] : memref<10240x128xf32, #tpu.memory_space<hbm>> -> memref<10240x128xf32, #tpu.memory_space<hbm>>
    tpu.wait_indirect_dma semaphore(%arg14 : memref<!tpu.dma_semaphore, #tpu.memory_space<semaphore_mem>>) src(%dma_wait3A_192 : memref<10240x128xf32, #tpu.memory_space<hbm>>) dst(%arg10 : memref<64x128xf32, #tpu.memory_space<vmem>>)
    %run_scoped3A_193 = arith.constant 38 : i32
    "tpu.region"() ({
      %run_scoped3A_274 = tpu.sem_alloc : memref<!tpu.dma_semaphore, #tpu.memory_space<semaphore_mem>>
      %dma_start3A_275 = arith.constant 0 : i32
      %dma_start3A_276 = tpu.memref_slice %arg7[%run_scoped3A_193, %dma_start3A_275] : memref<40x64xi32, #tpu.memory_space<vmem>> -> memref<1x64xi32, #tpu.memory_space<vmem>>
      %dma_start3A_277 = tpu.memref_squeeze %dma_start3A_276 : memref<1x64xi32, #tpu.memory_space<vmem>> -> memref<64xi32, #tpu.memory_space<vmem>>
      %dma_start3A_278 = arith.constant 0 : i32
      %dma_start3A_279 = arith.constant 0 : i32
      %dma_start3A_280 = tpu.memref_slice %arg5[%dma_start3A_278, %dma_start3A_279] : memref<10240x128xf32, #tpu.memory_space<vmem_shared>> -> memref<10240x128xf32, #tpu.memory_space<vmem_shared>>
      tpu.enqueue_indirect_dma source(%arg10 : memref<64x128xf32, #tpu.memory_space<vmem>>) target(%dma_start3A_280 : memref<10240x128xf32, #tpu.memory_space<vmem_shared>>) offsets(%dma_start3A_277 : memref<64xi32, #tpu.memory_space<vmem>>) semaphore(%run_scoped3A_274 : memref<!tpu.dma_semaphore, #tpu.memory_space<semaphore_mem>>) {add = true}
      %dma_wait3A_281 = arith.constant 0 : i32
      %dma_wait3A_282 = tpu.memref_slice %arg7[%run_scoped3A_193, %dma_wait3A_281] : memref<40x64xi32, #tpu.memory_space<vmem>> -> memref<1x64xi32, #tpu.memory_space<vmem>>
      %dma_wait3A_283 = tpu.memref_squeeze %dma_wait3A_282 : memref<1x64xi32, #tpu.memory_space<vmem>> -> memref<64xi32, #tpu.memory_space<vmem>>
      %dma_wait3A_284 = arith.constant 0 : i32
      %dma_wait3A_285 = arith.constant 0 : i32
      %dma_wait3A_286 = tpu.memref_slice %arg5[%dma_wait3A_284, %dma_wait3A_285] : memref<10240x128xf32, #tpu.memory_space<vmem_shared>> -> memref<10240x128xf32, #tpu.memory_space<vmem_shared>>
      tpu.wait_indirect_dma semaphore(%run_scoped3A_274 : memref<!tpu.dma_semaphore, #tpu.memory_space<semaphore_mem>>) src(%arg10 : memref<64x128xf32, #tpu.memory_space<vmem>>) dst(%dma_wait3A_286 : memref<10240x128xf32, #tpu.memory_space<vmem_shared>>)
      tpu.yield
    }) : () -> ()
    %dma_wait3A_194 = arith.constant 39 : i32
    %dma_wait3A_195 = arith.constant 0 : i32
    %dma_wait3A_196 = tpu.memref_slice %arg6[%dma_wait3A_194, %dma_wait3A_195] : memref<40x64xi32, #tpu.memory_space<vmem>> -> memref<1x64xi32, #tpu.memory_space<vmem>>
    %dma_wait3A_197 = tpu.memref_squeeze %dma_wait3A_196 : memref<1x64xi32, #tpu.memory_space<vmem>> -> memref<64xi32, #tpu.memory_space<vmem>>
    %dma_wait3A_198 = arith.constant 0 : i32
    %dma_wait3A_199 = arith.constant 0 : i32
    %dma_wait3A_200 = tpu.memref_slice %arg2[%dma_wait3A_198, %dma_wait3A_199] : memref<10240x128xf32, #tpu.memory_space<hbm>> -> memref<10240x128xf32, #tpu.memory_space<hbm>>
    tpu.wait_indirect_dma semaphore(%arg15 : memref<!tpu.dma_semaphore, #tpu.memory_space<semaphore_mem>>) src(%dma_wait3A_200 : memref<10240x128xf32, #tpu.memory_space<hbm>>) dst(%arg11 : memref<64x128xf32, #tpu.memory_space<vmem>>)
    %run_scoped3A_201 = arith.constant 39 : i32
    "tpu.region"() ({
      %run_scoped3A_274 = tpu.sem_alloc : memref<!tpu.dma_semaphore, #tpu.memory_space<semaphore_mem>>
      %dma_start3A_275 = arith.constant 0 : i32
      %dma_start3A_276 = tpu.memref_slice %arg7[%run_scoped3A_201, %dma_start3A_275] : memref<40x64xi32, #tpu.memory_space<vmem>> -> memref<1x64xi32, #tpu.memory_space<vmem>>
      %dma_start3A_277 = tpu.memref_squeeze %dma_start3A_276 : memref<1x64xi32, #tpu.memory_space<vmem>> -> memref<64xi32, #tpu.memory_space<vmem>>
      %dma_start3A_278 = arith.constant 0 : i32
      %dma_start3A_279 = arith.constant 0 : i32
      %dma_start3A_280 = tpu.memref_slice %arg5[%dma_start3A_278, %dma_start3A_279] : memref<10240x128xf32, #tpu.memory_space<vmem_shared>> -> memref<10240x128xf32, #tpu.memory_space<vmem_shared>>
      tpu.enqueue_indirect_dma source(%arg11 : memref<64x128xf32, #tpu.memory_space<vmem>>) target(%dma_start3A_280 : memref<10240x128xf32, #tpu.memory_space<vmem_shared>>) offsets(%dma_start3A_277 : memref<64xi32, #tpu.memory_space<vmem>>) semaphore(%run_scoped3A_274 : memref<!tpu.dma_semaphore, #tpu.memory_space<semaphore_mem>>) {add = true}
      %dma_wait3A_281 = arith.constant 0 : i32
      %dma_wait3A_282 = tpu.memref_slice %arg7[%run_scoped3A_201, %dma_wait3A_281] : memref<40x64xi32, #tpu.memory_space<vmem>> -> memref<1x64xi32, #tpu.memory_space<vmem>>
      %dma_wait3A_283 = tpu.memref_squeeze %dma_wait3A_282 : memref<1x64xi32, #tpu.memory_space<vmem>> -> memref<64xi32, #tpu.memory_space<vmem>>
      %dma_wait3A_284 = arith.constant 0 : i32
      %dma_wait3A_285 = arith.constant 0 : i32
      %dma_wait3A_286 = tpu.memref_slice %arg5[%dma_wait3A_284, %dma_wait3A_285] : memref<10240x128xf32, #tpu.memory_space<vmem_shared>> -> memref<10240x128xf32, #tpu.memory_space<vmem_shared>>
      tpu.wait_indirect_dma semaphore(%run_scoped3A_274 : memref<!tpu.dma_semaphore, #tpu.memory_space<semaphore_mem>>) src(%arg11 : memref<64x128xf32, #tpu.memory_space<vmem>>) dst(%dma_wait3A_286 : memref<10240x128xf32, #tpu.memory_space<vmem_shared>>)
      tpu.yield
    }) : () -> ()
    %run_scoped3A_202 = arith.constant 0 : i32
    "tpu.region"() ({
      %run_scoped3A_274 = tpu.sem_alloc : memref<!tpu.dma_semaphore, #tpu.memory_space<semaphore_mem>>
      %dma_start3A_275 = arith.constant 120 : i32
      %dma_start3A_276 = arith.constant 0 : i32
      %dma_start3A_277 = tpu.memref_slice %arg3[%run_scoped3A_202, %add3A, %dma_start3A_275, %dma_start3A_276] : memref<2x32x160x64xi32, #tpu.memory_space<hbm>> -> memref<1x1x40x64xi32, #tpu.memory_space<hbm>>
      %dma_start3A_278 = tpu.memref_squeeze %dma_start3A_277 : memref<1x1x40x64xi32, #tpu.memory_space<hbm>> -> memref<40x64xi32, #tpu.memory_space<hbm>>
      %dma_start3A_279 = arith.constant 120 : i32
      %dma_start3A_280 = arith.constant 0 : i32
      %dma_start3A_281 = tpu.memref_slice %arg3[%run_scoped3A_202, %add3A, %dma_start3A_279, %dma_start3A_280] : memref<2x32x160x64xi32, #tpu.memory_space<hbm>> -> memref<1x1x40x64xi32, #tpu.memory_space<hbm>>
      %dma_start3A_282 = tpu.memref_squeeze %dma_start3A_281 : memref<1x1x40x64xi32, #tpu.memory_space<hbm>> -> memref<40x64xi32, #tpu.memory_space<hbm>>
      tpu.enqueue_dma source(%dma_start3A_282 : memref<40x64xi32, #tpu.memory_space<hbm>>) target(%arg6 : memref<40x64xi32, #tpu.memory_space<vmem>>) target_semaphore(%run_scoped3A_274 : memref<!tpu.dma_semaphore, #tpu.memory_space<semaphore_mem>>)
      %dma_wait3A_283 = arith.constant 120 : i32
      %dma_wait3A_284 = arith.constant 0 : i32
      %dma_wait3A_285 = tpu.memref_slice %arg3[%run_scoped3A_202, %add3A, %dma_wait3A_283, %dma_wait3A_284] : memref<2x32x160x64xi32, #tpu.memory_space<hbm>> -> memref<1x1x40x64xi32, #tpu.memory_space<hbm>>
      %dma_wait3A_286 = tpu.memref_squeeze %dma_wait3A_285 : memref<1x1x40x64xi32, #tpu.memory_space<hbm>> -> memref<40x64xi32, #tpu.memory_space<hbm>>
      %dma_wait3A_287 = arith.constant 120 : i32
      %dma_wait3A_288 = arith.constant 0 : i32
      %dma_wait3A_289 = tpu.memref_slice %arg3[%run_scoped3A_202, %add3A, %dma_wait3A_287, %dma_wait3A_288] : memref<2x32x160x64xi32, #tpu.memory_space<hbm>> -> memref<1x1x40x64xi32, #tpu.memory_space<hbm>>
      %dma_wait3A_290 = tpu.memref_squeeze %dma_wait3A_289 : memref<1x1x40x64xi32, #tpu.memory_space<hbm>> -> memref<40x64xi32, #tpu.memory_space<hbm>>
      tpu.wait_dma2 semaphore(%run_scoped3A_274 : memref<!tpu.dma_semaphore, #tpu.memory_space<semaphore_mem>>) src(%dma_wait3A_290 : memref<40x64xi32, #tpu.memory_space<hbm>>) dst(%arg6 : memref<40x64xi32, #tpu.memory_space<vmem>>)
      tpu.yield
    }) : () -> ()
    %run_scoped3A_203 = arith.constant 1 : i32
    "tpu.region"() ({
      %run_scoped3A_274 = tpu.sem_alloc : memref<!tpu.dma_semaphore, #tpu.memory_space<semaphore_mem>>
      %dma_start3A_275 = arith.constant 120 : i32
      %dma_start3A_276 = arith.constant 0 : i32
      %dma_start3A_277 = tpu.memref_slice %arg3[%run_scoped3A_203, %add3A, %dma_start3A_275, %dma_start3A_276] : memref<2x32x160x64xi32, #tpu.memory_space<hbm>> -> memref<1x1x40x64xi32, #tpu.memory_space<hbm>>
      %dma_start3A_278 = tpu.memref_squeeze %dma_start3A_277 : memref<1x1x40x64xi32, #tpu.memory_space<hbm>> -> memref<40x64xi32, #tpu.memory_space<hbm>>
      %dma_start3A_279 = arith.constant 120 : i32
      %dma_start3A_280 = arith.constant 0 : i32
      %dma_start3A_281 = tpu.memref_slice %arg3[%run_scoped3A_203, %add3A, %dma_start3A_279, %dma_start3A_280] : memref<2x32x160x64xi32, #tpu.memory_space<hbm>> -> memref<1x1x40x64xi32, #tpu.memory_space<hbm>>
      %dma_start3A_282 = tpu.memref_squeeze %dma_start3A_281 : memref<1x1x40x64xi32, #tpu.memory_space<hbm>> -> memref<40x64xi32, #tpu.memory_space<hbm>>
      tpu.enqueue_dma source(%dma_start3A_282 : memref<40x64xi32, #tpu.memory_space<hbm>>) target(%arg7 : memref<40x64xi32, #tpu.memory_space<vmem>>) target_semaphore(%run_scoped3A_274 : memref<!tpu.dma_semaphore, #tpu.memory_space<semaphore_mem>>)
      %dma_wait3A_283 = arith.constant 120 : i32
      %dma_wait3A_284 = arith.constant 0 : i32
      %dma_wait3A_285 = tpu.memref_slice %arg3[%run_scoped3A_203, %add3A, %dma_wait3A_283, %dma_wait3A_284] : memref<2x32x160x64xi32, #tpu.memory_space<hbm>> -> memref<1x1x40x64xi32, #tpu.memory_space<hbm>>
      %dma_wait3A_286 = tpu.memref_squeeze %dma_wait3A_285 : memref<1x1x40x64xi32, #tpu.memory_space<hbm>> -> memref<40x64xi32, #tpu.memory_space<hbm>>
      %dma_wait3A_287 = arith.constant 120 : i32
      %dma_wait3A_288 = arith.constant 0 : i32
      %dma_wait3A_289 = tpu.memref_slice %arg3[%run_scoped3A_203, %add3A, %dma_wait3A_287, %dma_wait3A_288] : memref<2x32x160x64xi32, #tpu.memory_space<hbm>> -> memref<1x1x40x64xi32, #tpu.memory_space<hbm>>
      %dma_wait3A_290 = tpu.memref_squeeze %dma_wait3A_289 : memref<1x1x40x64xi32, #tpu.memory_space<hbm>> -> memref<40x64xi32, #tpu.memory_space<hbm>>
      tpu.wait_dma2 semaphore(%run_scoped3A_274 : memref<!tpu.dma_semaphore, #tpu.memory_space<semaphore_mem>>) src(%dma_wait3A_290 : memref<40x64xi32, #tpu.memory_space<hbm>>) dst(%arg7 : memref<40x64xi32, #tpu.memory_space<vmem>>)
      tpu.yield
    }) : () -> ()
    %dma_start3A_204 = arith.constant 0 : i32
    %dma_start3A_205 = arith.constant 0 : i32
    %dma_start3A_206 = tpu.memref_slice %arg6[%dma_start3A_204, %dma_start3A_205] : memref<40x64xi32, #tpu.memory_space<vmem>> -> memref<1x64xi32, #tpu.memory_space<vmem>>
    %dma_start3A_207 = tpu.memref_squeeze %dma_start3A_206 : memref<1x64xi32, #tpu.memory_space<vmem>> -> memref<64xi32, #tpu.memory_space<vmem>>
    %dma_start3A_208 = arith.constant 0 : i32
    %dma_start3A_209 = arith.constant 0 : i32
    %dma_start3A_210 = tpu.memref_slice %arg2[%dma_start3A_208, %dma_start3A_209] : memref<10240x128xf32, #tpu.memory_space<hbm>> -> memref<10240x128xf32, #tpu.memory_space<hbm>>
    tpu.enqueue_indirect_dma source(%dma_start3A_210 : memref<10240x128xf32, #tpu.memory_space<hbm>>) target(%arg8 : memref<64x128xf32, #tpu.memory_space<vmem>>) offsets(%dma_start3A_207 : memref<64xi32, #tpu.memory_space<vmem>>) semaphore(%arg12 : memref<!tpu.dma_semaphore, #tpu.memory_space<semaphore_mem>>)
    %dma_start3A_211 = arith.constant 1 : i32
    %dma_start3A_212 = arith.constant 0 : i32
    %dma_start3A_213 = tpu.memref_slice %arg6[%dma_start3A_211, %dma_start3A_212] : memref<40x64xi32, #tpu.memory_space<vmem>> -> memref<1x64xi32, #tpu.memory_space<vmem>>
    %dma_start3A_214 = tpu.memref_squeeze %dma_start3A_213 : memref<1x64xi32, #tpu.memory_space<vmem>> -> memref<64xi32, #tpu.memory_space<vmem>>
    %dma_start3A_215 = arith.constant 0 : i32
    %dma_start3A_216 = arith.constant 0 : i32
    %dma_start3A_217 = tpu.memref_slice %arg2[%dma_start3A_215, %dma_start3A_216] : memref<10240x128xf32, #tpu.memory_space<hbm>> -> memref<10240x128xf32, #tpu.memory_space<hbm>>
    tpu.enqueue_indirect_dma source(%dma_start3A_217 : memref<10240x128xf32, #tpu.memory_space<hbm>>) target(%arg9 : memref<64x128xf32, #tpu.memory_space<vmem>>) offsets(%dma_start3A_214 : memref<64xi32, #tpu.memory_space<vmem>>) semaphore(%arg13 : memref<!tpu.dma_semaphore, #tpu.memory_space<semaphore_mem>>)
    %dma_start3A_218 = arith.constant 2 : i32
    %dma_start3A_219 = arith.constant 0 : i32
    %dma_start3A_220 = tpu.memref_slice %arg6[%dma_start3A_218, %dma_start3A_219] : memref<40x64xi32, #tpu.memory_space<vmem>> -> memref<1x64xi32, #tpu.memory_space<vmem>>
    %dma_start3A_221 = tpu.memref_squeeze %dma_start3A_220 : memref<1x64xi32, #tpu.memory_space<vmem>> -> memref<64xi32, #tpu.memory_space<vmem>>
    %dma_start3A_222 = arith.constant 0 : i32
    %dma_start3A_223 = arith.constant 0 : i32
    %dma_start3A_224 = tpu.memref_slice %arg2[%dma_start3A_222, %dma_start3A_223] : memref<10240x128xf32, #tpu.memory_space<hbm>> -> memref<10240x128xf32, #tpu.memory_space<hbm>>
    tpu.enqueue_indirect_dma source(%dma_start3A_224 : memref<10240x128xf32, #tpu.memory_space<hbm>>) target(%arg10 : memref<64x128xf32, #tpu.memory_space<vmem>>) offsets(%dma_start3A_221 : memref<64xi32, #tpu.memory_space<vmem>>) semaphore(%arg14 : memref<!tpu.dma_semaphore, #tpu.memory_space<semaphore_mem>>)
    %dma_start3A_225 = arith.constant 3 : i32
    %dma_start3A_226 = arith.constant 0 : i32
    %dma_start3A_227 = tpu.memref_slice %arg6[%dma_start3A_225, %dma_start3A_226] : memref<40x64xi32, #tpu.memory_space<vmem>> -> memref<1x64xi32, #tpu.memory_space<vmem>>
    %dma_start3A_228 = tpu.memref_squeeze %dma_start3A_227 : memref<1x64xi32, #tpu.memory_space<vmem>> -> memref<64xi32, #tpu.memory_space<vmem>>
    %dma_start3A_229 = arith.constant 0 : i32
    %dma_start3A_230 = arith.constant 0 : i32
    %dma_start3A_231 = tpu.memref_slice %arg2[%dma_start3A_229, %dma_start3A_230] : memref<10240x128xf32, #tpu.memory_space<hbm>> -> memref<10240x128xf32, #tpu.memory_space<hbm>>
    tpu.enqueue_indirect_dma source(%dma_start3A_231 : memref<10240x128xf32, #tpu.memory_space<hbm>>) target(%arg11 : memref<64x128xf32, #tpu.memory_space<vmem>>) offsets(%dma_start3A_228 : memref<64xi32, #tpu.memory_space<vmem>>) semaphore(%arg15 : memref<!tpu.dma_semaphore, #tpu.memory_space<semaphore_mem>>)
    %scan3A_232 = arith.constant 0 : i32
    %scan3A_233 = arith.constant 9 : i32
    %scan3A_234 = arith.addi %scan3A_232, %scan3A_233 : i32
    %scan3A_235 = arith.constant 1 : i32
    scf.for %scan3A_274 = %scan3A_232 to %scan3A_234 step %scan3A_235  : i32 {
      %mul3A_275 = arith.constant 4 : i32
      %mul3A_276 = arith.muli %scan3A_274, %mul3A_275 : i32
      %add3A_277 = arith.constant 0 : i32
      %add3A_278 = arith.addi %add3A_277, %mul3A_276 : i32
      %add3A_279 = arith.constant 0 : i32
      %add3A_280 = arith.addi %add3A_278, %add3A_279 : i32
      %dma_wait3A_281 = arith.constant 0 : i32
      %dma_wait3A_282 = tpu.memref_slice %arg6[%add3A_280, %dma_wait3A_281] : memref<40x64xi32, #tpu.memory_space<vmem>> -> memref<1x64xi32, #tpu.memory_space<vmem>>
      %dma_wait3A_283 = tpu.memref_squeeze %dma_wait3A_282 : memref<1x64xi32, #tpu.memory_space<vmem>> -> memref<64xi32, #tpu.memory_space<vmem>>
      %dma_wait3A_284 = arith.constant 0 : i32
      %dma_wait3A_285 = arith.constant 0 : i32
      %dma_wait3A_286 = tpu.memref_slice %arg2[%dma_wait3A_284, %dma_wait3A_285] : memref<10240x128xf32, #tpu.memory_space<hbm>> -> memref<10240x128xf32, #tpu.memory_space<hbm>>
      tpu.wait_indirect_dma semaphore(%arg12 : memref<!tpu.dma_semaphore, #tpu.memory_space<semaphore_mem>>) src(%dma_wait3A_286 : memref<10240x128xf32, #tpu.memory_space<hbm>>) dst(%arg8 : memref<64x128xf32, #tpu.memory_space<vmem>>)
      "tpu.region"() ({
        %run_scoped3A_351 = tpu.sem_alloc : memref<!tpu.dma_semaphore, #tpu.memory_space<semaphore_mem>>
        %dma_start3A_352 = arith.constant 0 : i32
        %dma_start3A_353 = tpu.memref_slice %arg7[%add3A_280, %dma_start3A_352] : memref<40x64xi32, #tpu.memory_space<vmem>> -> memref<1x64xi32, #tpu.memory_space<vmem>>
        %dma_start3A_354 = tpu.memref_squeeze %dma_start3A_353 : memref<1x64xi32, #tpu.memory_space<vmem>> -> memref<64xi32, #tpu.memory_space<vmem>>
        %dma_start3A_355 = arith.constant 0 : i32
        %dma_start3A_356 = arith.constant 0 : i32
        %dma_start3A_357 = tpu.memref_slice %arg5[%dma_start3A_355, %dma_start3A_356] : memref<10240x128xf32, #tpu.memory_space<vmem_shared>> -> memref<10240x128xf32, #tpu.memory_space<vmem_shared>>
        tpu.enqueue_indirect_dma source(%arg8 : memref<64x128xf32, #tpu.memory_space<vmem>>) target(%dma_start3A_357 : memref<10240x128xf32, #tpu.memory_space<vmem_shared>>) offsets(%dma_start3A_354 : memref<64xi32, #tpu.memory_space<vmem>>) semaphore(%run_scoped3A_351 : memref<!tpu.dma_semaphore, #tpu.memory_space<semaphore_mem>>) {add = true}
        %dma_wait3A_358 = arith.constant 0 : i32
        %dma_wait3A_359 = tpu.memref_slice %arg7[%add3A_280, %dma_wait3A_358] : memref<40x64xi32, #tpu.memory_space<vmem>> -> memref<1x64xi32, #tpu.memory_space<vmem>>
        %dma_wait3A_360 = tpu.memref_squeeze %dma_wait3A_359 : memref<1x64xi32, #tpu.memory_space<vmem>> -> memref<64xi32, #tpu.memory_space<vmem>>
        %dma_wait3A_361 = arith.constant 0 : i32
        %dma_wait3A_362 = arith.constant 0 : i32
        %dma_wait3A_363 = tpu.memref_slice %arg5[%dma_wait3A_361, %dma_wait3A_362] : memref<10240x128xf32, #tpu.memory_space<vmem_shared>> -> memref<10240x128xf32, #tpu.memory_space<vmem_shared>>
        tpu.wait_indirect_dma semaphore(%run_scoped3A_351 : memref<!tpu.dma_semaphore, #tpu.memory_space<semaphore_mem>>) src(%arg8 : memref<64x128xf32, #tpu.memory_space<vmem>>) dst(%dma_wait3A_363 : memref<10240x128xf32, #tpu.memory_space<vmem_shared>>)
        tpu.yield
      }) : () -> ()
      %add3A_287 = arith.constant 4 : i32
      %add3A_288 = arith.addi %add3A_278, %add3A_287 : i32
      %add3A_289 = arith.constant 0 : i32
      %add3A_290 = arith.addi %add3A_288, %add3A_289 : i32
      %dma_start3A_291 = arith.constant 0 : i32
      %dma_start3A_292 = tpu.memref_slice %arg6[%add3A_290, %dma_start3A_291] : memref<40x64xi32, #tpu.memory_space<vmem>> -> memref<1x64xi32, #tpu.memory_space<vmem>>
      %dma_start3A_293 = tpu.memref_squeeze %dma_start3A_292 : memref<1x64xi32, #tpu.memory_space<vmem>> -> memref<64xi32, #tpu.memory_space<vmem>>
      %dma_start3A_294 = arith.constant 0 : i32
      %dma_start3A_295 = arith.constant 0 : i32
      %dma_start3A_296 = tpu.memref_slice %arg2[%dma_start3A_294, %dma_start3A_295] : memref<10240x128xf32, #tpu.memory_space<hbm>> -> memref<10240x128xf32, #tpu.memory_space<hbm>>
      tpu.enqueue_indirect_dma source(%dma_start3A_296 : memref<10240x128xf32, #tpu.memory_space<hbm>>) target(%arg8 : memref<64x128xf32, #tpu.memory_space<vmem>>) offsets(%dma_start3A_293 : memref<64xi32, #tpu.memory_space<vmem>>) semaphore(%arg12 : memref<!tpu.dma_semaphore, #tpu.memory_space<semaphore_mem>>)
      %add3A_297 = arith.constant 1 : i32
      %add3A_298 = arith.addi %add3A_278, %add3A_297 : i32
      %dma_wait3A_299 = arith.constant 0 : i32
      %dma_wait3A_300 = tpu.memref_slice %arg6[%add3A_298, %dma_wait3A_299] : memref<40x64xi32, #tpu.memory_space<vmem>> -> memref<1x64xi32, #tpu.memory_space<vmem>>
      %dma_wait3A_301 = tpu.memref_squeeze %dma_wait3A_300 : memref<1x64xi32, #tpu.memory_space<vmem>> -> memref<64xi32, #tpu.memory_space<vmem>>
      %dma_wait3A_302 = arith.constant 0 : i32
      %dma_wait3A_303 = arith.constant 0 : i32
      %dma_wait3A_304 = tpu.memref_slice %arg2[%dma_wait3A_302, %dma_wait3A_303] : memref<10240x128xf32, #tpu.memory_space<hbm>> -> memref<10240x128xf32, #tpu.memory_space<hbm>>
      tpu.wait_indirect_dma semaphore(%arg13 : memref<!tpu.dma_semaphore, #tpu.memory_space<semaphore_mem>>) src(%dma_wait3A_304 : memref<10240x128xf32, #tpu.memory_space<hbm>>) dst(%arg9 : memref<64x128xf32, #tpu.memory_space<vmem>>)
      "tpu.region"() ({
        %run_scoped3A_351 = tpu.sem_alloc : memref<!tpu.dma_semaphore, #tpu.memory_space<semaphore_mem>>
        %dma_start3A_352 = arith.constant 0 : i32
        %dma_start3A_353 = tpu.memref_slice %arg7[%add3A_298, %dma_start3A_352] : memref<40x64xi32, #tpu.memory_space<vmem>> -> memref<1x64xi32, #tpu.memory_space<vmem>>
        %dma_start3A_354 = tpu.memref_squeeze %dma_start3A_353 : memref<1x64xi32, #tpu.memory_space<vmem>> -> memref<64xi32, #tpu.memory_space<vmem>>
        %dma_start3A_355 = arith.constant 0 : i32
        %dma_start3A_356 = arith.constant 0 : i32
        %dma_start3A_357 = tpu.memref_slice %arg5[%dma_start3A_355, %dma_start3A_356] : memref<10240x128xf32, #tpu.memory_space<vmem_shared>> -> memref<10240x128xf32, #tpu.memory_space<vmem_shared>>
        tpu.enqueue_indirect_dma source(%arg9 : memref<64x128xf32, #tpu.memory_space<vmem>>) target(%dma_start3A_357 : memref<10240x128xf32, #tpu.memory_space<vmem_shared>>) offsets(%dma_start3A_354 : memref<64xi32, #tpu.memory_space<vmem>>) semaphore(%run_scoped3A_351 : memref<!tpu.dma_semaphore, #tpu.memory_space<semaphore_mem>>) {add = true}
        %dma_wait3A_358 = arith.constant 0 : i32
        %dma_wait3A_359 = tpu.memref_slice %arg7[%add3A_298, %dma_wait3A_358] : memref<40x64xi32, #tpu.memory_space<vmem>> -> memref<1x64xi32, #tpu.memory_space<vmem>>
        %dma_wait3A_360 = tpu.memref_squeeze %dma_wait3A_359 : memref<1x64xi32, #tpu.memory_space<vmem>> -> memref<64xi32, #tpu.memory_space<vmem>>
        %dma_wait3A_361 = arith.constant 0 : i32
        %dma_wait3A_362 = arith.constant 0 : i32
        %dma_wait3A_363 = tpu.memref_slice %arg5[%dma_wait3A_361, %dma_wait3A_362] : memref<10240x128xf32, #tpu.memory_space<vmem_shared>> -> memref<10240x128xf32, #tpu.memory_space<vmem_shared>>
        tpu.wait_indirect_dma semaphore(%run_scoped3A_351 : memref<!tpu.dma_semaphore, #tpu.memory_space<semaphore_mem>>) src(%arg9 : memref<64x128xf32, #tpu.memory_space<vmem>>) dst(%dma_wait3A_363 : memref<10240x128xf32, #tpu.memory_space<vmem_shared>>)
        tpu.yield
      }) : () -> ()
      %add3A_305 = arith.constant 4 : i32
      %add3A_306 = arith.addi %add3A_278, %add3A_305 : i32
      %add3A_307 = arith.constant 1 : i32
      %add3A_308 = arith.addi %add3A_306, %add3A_307 : i32
      %dma_start3A_309 = arith.constant 0 : i32
      %dma_start3A_310 = tpu.memref_slice %arg6[%add3A_308, %dma_start3A_309] : memref<40x64xi32, #tpu.memory_space<vmem>> -> memref<1x64xi32, #tpu.memory_space<vmem>>
      %dma_start3A_311 = tpu.memref_squeeze %dma_start3A_310 : memref<1x64xi32, #tpu.memory_space<vmem>> -> memref<64xi32, #tpu.memory_space<vmem>>
      %dma_start3A_312 = arith.constant 0 : i32
      %dma_start3A_313 = arith.constant 0 : i32
      %dma_start3A_314 = tpu.memref_slice %arg2[%dma_start3A_312, %dma_start3A_313] : memref<10240x128xf32, #tpu.memory_space<hbm>> -> memref<10240x128xf32, #tpu.memory_space<hbm>>
      tpu.enqueue_indirect_dma source(%dma_start3A_314 : memref<10240x128xf32, #tpu.memory_space<hbm>>) target(%arg9 : memref<64x128xf32, #tpu.memory_space<vmem>>) offsets(%dma_start3A_311 : memref<64xi32, #tpu.memory_space<vmem>>) semaphore(%arg13 : memref<!tpu.dma_semaphore, #tpu.memory_space<semaphore_mem>>)
      %add3A_315 = arith.constant 2 : i32
      %add3A_316 = arith.addi %add3A_278, %add3A_315 : i32
      %dma_wait3A_317 = arith.constant 0 : i32
      %dma_wait3A_318 = tpu.memref_slice %arg6[%add3A_316, %dma_wait3A_317] : memref<40x64xi32, #tpu.memory_space<vmem>> -> memref<1x64xi32, #tpu.memory_space<vmem>>
      %dma_wait3A_319 = tpu.memref_squeeze %dma_wait3A_318 : memref<1x64xi32, #tpu.memory_space<vmem>> -> memref<64xi32, #tpu.memory_space<vmem>>
      %dma_wait3A_320 = arith.constant 0 : i32
      %dma_wait3A_321 = arith.constant 0 : i32
      %dma_wait3A_322 = tpu.memref_slice %arg2[%dma_wait3A_320, %dma_wait3A_321] : memref<10240x128xf32, #tpu.memory_space<hbm>> -> memref<10240x128xf32, #tpu.memory_space<hbm>>
      tpu.wait_indirect_dma semaphore(%arg14 : memref<!tpu.dma_semaphore, #tpu.memory_space<semaphore_mem>>) src(%dma_wait3A_322 : memref<10240x128xf32, #tpu.memory_space<hbm>>) dst(%arg10 : memref<64x128xf32, #tpu.memory_space<vmem>>)
      "tpu.region"() ({
        %run_scoped3A_351 = tpu.sem_alloc : memref<!tpu.dma_semaphore, #tpu.memory_space<semaphore_mem>>
        %dma_start3A_352 = arith.constant 0 : i32
        %dma_start3A_353 = tpu.memref_slice %arg7[%add3A_316, %dma_start3A_352] : memref<40x64xi32, #tpu.memory_space<vmem>> -> memref<1x64xi32, #tpu.memory_space<vmem>>
        %dma_start3A_354 = tpu.memref_squeeze %dma_start3A_353 : memref<1x64xi32, #tpu.memory_space<vmem>> -> memref<64xi32, #tpu.memory_space<vmem>>
        %dma_start3A_355 = arith.constant 0 : i32
        %dma_start3A_356 = arith.constant 0 : i32
        %dma_start3A_357 = tpu.memref_slice %arg5[%dma_start3A_355, %dma_start3A_356] : memref<10240x128xf32, #tpu.memory_space<vmem_shared>> -> memref<10240x128xf32, #tpu.memory_space<vmem_shared>>
        tpu.enqueue_indirect_dma source(%arg10 : memref<64x128xf32, #tpu.memory_space<vmem>>) target(%dma_start3A_357 : memref<10240x128xf32, #tpu.memory_space<vmem_shared>>) offsets(%dma_start3A_354 : memref<64xi32, #tpu.memory_space<vmem>>) semaphore(%run_scoped3A_351 : memref<!tpu.dma_semaphore, #tpu.memory_space<semaphore_mem>>) {add = true}
        %dma_wait3A_358 = arith.constant 0 : i32
        %dma_wait3A_359 = tpu.memref_slice %arg7[%add3A_316, %dma_wait3A_358] : memref<40x64xi32, #tpu.memory_space<vmem>> -> memref<1x64xi32, #tpu.memory_space<vmem>>
        %dma_wait3A_360 = tpu.memref_squeeze %dma_wait3A_359 : memref<1x64xi32, #tpu.memory_space<vmem>> -> memref<64xi32, #tpu.memory_space<vmem>>
        %dma_wait3A_361 = arith.constant 0 : i32
        %dma_wait3A_362 = arith.constant 0 : i32
        %dma_wait3A_363 = tpu.memref_slice %arg5[%dma_wait3A_361, %dma_wait3A_362] : memref<10240x128xf32, #tpu.memory_space<vmem_shared>> -> memref<10240x128xf32, #tpu.memory_space<vmem_shared>>
        tpu.wait_indirect_dma semaphore(%run_scoped3A_351 : memref<!tpu.dma_semaphore, #tpu.memory_space<semaphore_mem>>) src(%arg10 : memref<64x128xf32, #tpu.memory_space<vmem>>) dst(%dma_wait3A_363 : memref<10240x128xf32, #tpu.memory_space<vmem_shared>>)
        tpu.yield
      }) : () -> ()
      %add3A_323 = arith.constant 4 : i32
      %add3A_324 = arith.addi %add3A_278, %add3A_323 : i32
      %add3A_325 = arith.constant 2 : i32
      %add3A_326 = arith.addi %add3A_324, %add3A_325 : i32
      %dma_start3A_327 = arith.constant 0 : i32
      %dma_start3A_328 = tpu.memref_slice %arg6[%add3A_326, %dma_start3A_327] : memref<40x64xi32, #tpu.memory_space<vmem>> -> memref<1x64xi32, #tpu.memory_space<vmem>>
      %dma_start3A_329 = tpu.memref_squeeze %dma_start3A_328 : memref<1x64xi32, #tpu.memory_space<vmem>> -> memref<64xi32, #tpu.memory_space<vmem>>
      %dma_start3A_330 = arith.constant 0 : i32
      %dma_start3A_331 = arith.constant 0 : i32
      %dma_start3A_332 = tpu.memref_slice %arg2[%dma_start3A_330, %dma_start3A_331] : memref<10240x128xf32, #tpu.memory_space<hbm>> -> memref<10240x128xf32, #tpu.memory_space<hbm>>
      tpu.enqueue_indirect_dma source(%dma_start3A_332 : memref<10240x128xf32, #tpu.memory_space<hbm>>) target(%arg10 : memref<64x128xf32, #tpu.memory_space<vmem>>) offsets(%dma_start3A_329 : memref<64xi32, #tpu.memory_space<vmem>>) semaphore(%arg14 : memref<!tpu.dma_semaphore, #tpu.memory_space<semaphore_mem>>)
      %add3A_333 = arith.constant 3 : i32
      %add3A_334 = arith.addi %add3A_278, %add3A_333 : i32
      %dma_wait3A_335 = arith.constant 0 : i32
      %dma_wait3A_336 = tpu.memref_slice %arg6[%add3A_334, %dma_wait3A_335] : memref<40x64xi32, #tpu.memory_space<vmem>> -> memref<1x64xi32, #tpu.memory_space<vmem>>
      %dma_wait3A_337 = tpu.memref_squeeze %dma_wait3A_336 : memref<1x64xi32, #tpu.memory_space<vmem>> -> memref<64xi32, #tpu.memory_space<vmem>>
      %dma_wait3A_338 = arith.constant 0 : i32
      %dma_wait3A_339 = arith.constant 0 : i32
      %dma_wait3A_340 = tpu.memref_slice %arg2[%dma_wait3A_338, %dma_wait3A_339] : memref<10240x128xf32, #tpu.memory_space<hbm>> -> memref<10240x128xf32, #tpu.memory_space<hbm>>
      tpu.wait_indirect_dma semaphore(%arg15 : memref<!tpu.dma_semaphore, #tpu.memory_space<semaphore_mem>>) src(%dma_wait3A_340 : memref<10240x128xf32, #tpu.memory_space<hbm>>) dst(%arg11 : memref<64x128xf32, #tpu.memory_space<vmem>>)
      "tpu.region"() ({
        %run_scoped3A_351 = tpu.sem_alloc : memref<!tpu.dma_semaphore, #tpu.memory_space<semaphore_mem>>
        %dma_start3A_352 = arith.constant 0 : i32
        %dma_start3A_353 = tpu.memref_slice %arg7[%add3A_334, %dma_start3A_352] : memref<40x64xi32, #tpu.memory_space<vmem>> -> memref<1x64xi32, #tpu.memory_space<vmem>>
        %dma_start3A_354 = tpu.memref_squeeze %dma_start3A_353 : memref<1x64xi32, #tpu.memory_space<vmem>> -> memref<64xi32, #tpu.memory_space<vmem>>
        %dma_start3A_355 = arith.constant 0 : i32
        %dma_start3A_356 = arith.constant 0 : i32
        %dma_start3A_357 = tpu.memref_slice %arg5[%dma_start3A_355, %dma_start3A_356] : memref<10240x128xf32, #tpu.memory_space<vmem_shared>> -> memref<10240x128xf32, #tpu.memory_space<vmem_shared>>
        tpu.enqueue_indirect_dma source(%arg11 : memref<64x128xf32, #tpu.memory_space<vmem>>) target(%dma_start3A_357 : memref<10240x128xf32, #tpu.memory_space<vmem_shared>>) offsets(%dma_start3A_354 : memref<64xi32, #tpu.memory_space<vmem>>) semaphore(%run_scoped3A_351 : memref<!tpu.dma_semaphore, #tpu.memory_space<semaphore_mem>>) {add = true}
        %dma_wait3A_358 = arith.constant 0 : i32
        %dma_wait3A_359 = tpu.memref_slice %arg7[%add3A_334, %dma_wait3A_358] : memref<40x64xi32, #tpu.memory_space<vmem>> -> memref<1x64xi32, #tpu.memory_space<vmem>>
        %dma_wait3A_360 = tpu.memref_squeeze %dma_wait3A_359 : memref<1x64xi32, #tpu.memory_space<vmem>> -> memref<64xi32, #tpu.memory_space<vmem>>
        %dma_wait3A_361 = arith.constant 0 : i32
        %dma_wait3A_362 = arith.constant 0 : i32
        %dma_wait3A_363 = tpu.memref_slice %arg5[%dma_wait3A_361, %dma_wait3A_362] : memref<10240x128xf32, #tpu.memory_space<vmem_shared>> -> memref<10240x128xf32, #tpu.memory_space<vmem_shared>>
        tpu.wait_indirect_dma semaphore(%run_scoped3A_351 : memref<!tpu.dma_semaphore, #tpu.memory_space<semaphore_mem>>) src(%arg11 : memref<64x128xf32, #tpu.memory_space<vmem>>) dst(%dma_wait3A_363 : memref<10240x128xf32, #tpu.memory_space<vmem_shared>>)
        tpu.yield
      }) : () -> ()
      %add3A_341 = arith.constant 4 : i32
      %add3A_342 = arith.addi %add3A_278, %add3A_341 : i32
      %add3A_343 = arith.constant 3 : i32
      %add3A_344 = arith.addi %add3A_342, %add3A_343 : i32
      %dma_start3A_345 = arith.constant 0 : i32
      %dma_start3A_346 = tpu.memref_slice %arg6[%add3A_344, %dma_start3A_345] : memref<40x64xi32, #tpu.memory_space<vmem>> -> memref<1x64xi32, #tpu.memory_space<vmem>>
      %dma_start3A_347 = tpu.memref_squeeze %dma_start3A_346 : memref<1x64xi32, #tpu.memory_space<vmem>> -> memref<64xi32, #tpu.memory_space<vmem>>
      %dma_start3A_348 = arith.constant 0 : i32
      %dma_start3A_349 = arith.constant 0 : i32
      %dma_start3A_350 = tpu.memref_slice %arg2[%dma_start3A_348, %dma_start3A_349] : memref<10240x128xf32, #tpu.memory_space<hbm>> -> memref<10240x128xf32, #tpu.memory_space<hbm>>
      tpu.enqueue_indirect_dma source(%dma_start3A_350 : memref<10240x128xf32, #tpu.memory_space<hbm>>) target(%arg11 : memref<64x128xf32, #tpu.memory_space<vmem>>) offsets(%dma_start3A_347 : memref<64xi32, #tpu.memory_space<vmem>>) semaphore(%arg15 : memref<!tpu.dma_semaphore, #tpu.memory_space<semaphore_mem>>)
    }
    %scan3A_236 = arith.constant 9 : i32
    %dma_wait3A_237 = arith.constant 36 : i32
    %dma_wait3A_238 = arith.constant 0 : i32
    %dma_wait3A_239 = tpu.memref_slice %arg6[%dma_wait3A_237, %dma_wait3A_238] : memref<40x64xi32, #tpu.memory_space<vmem>> -> memref<1x64xi32, #tpu.memory_space<vmem>>
    %dma_wait3A_240 = tpu.memref_squeeze %dma_wait3A_239 : memref<1x64xi32, #tpu.memory_space<vmem>> -> memref<64xi32, #tpu.memory_space<vmem>>
    %dma_wait3A_241 = arith.constant 0 : i32
    %dma_wait3A_242 = arith.constant 0 : i32
    %dma_wait3A_243 = tpu.memref_slice %arg2[%dma_wait3A_241, %dma_wait3A_242] : memref<10240x128xf32, #tpu.memory_space<hbm>> -> memref<10240x128xf32, #tpu.memory_space<hbm>>
    tpu.wait_indirect_dma semaphore(%arg12 : memref<!tpu.dma_semaphore, #tpu.memory_space<semaphore_mem>>) src(%dma_wait3A_243 : memref<10240x128xf32, #tpu.memory_space<hbm>>) dst(%arg8 : memref<64x128xf32, #tpu.memory_space<vmem>>)
    %run_scoped3A_244 = arith.constant 36 : i32
    "tpu.region"() ({
      %run_scoped3A_274 = tpu.sem_alloc : memref<!tpu.dma_semaphore, #tpu.memory_space<semaphore_mem>>
      %dma_start3A_275 = arith.constant 0 : i32
      %dma_start3A_276 = tpu.memref_slice %arg7[%run_scoped3A_244, %dma_start3A_275] : memref<40x64xi32, #tpu.memory_space<vmem>> -> memref<1x64xi32, #tpu.memory_space<vmem>>
      %dma_start3A_277 = tpu.memref_squeeze %dma_start3A_276 : memref<1x64xi32, #tpu.memory_space<vmem>> -> memref<64xi32, #tpu.memory_space<vmem>>
      %dma_start3A_278 = arith.constant 0 : i32
      %dma_start3A_279 = arith.constant 0 : i32
      %dma_start3A_280 = tpu.memref_slice %arg5[%dma_start3A_278, %dma_start3A_279] : memref<10240x128xf32, #tpu.memory_space<vmem_shared>> -> memref<10240x128xf32, #tpu.memory_space<vmem_shared>>
      tpu.enqueue_indirect_dma source(%arg8 : memref<64x128xf32, #tpu.memory_space<vmem>>) target(%dma_start3A_280 : memref<10240x128xf32, #tpu.memory_space<vmem_shared>>) offsets(%dma_start3A_277 : memref<64xi32, #tpu.memory_space<vmem>>) semaphore(%run_scoped3A_274 : memref<!tpu.dma_semaphore, #tpu.memory_space<semaphore_mem>>) {add = true}
      %dma_wait3A_281 = arith.constant 0 : i32
      %dma_wait3A_282 = tpu.memref_slice %arg7[%run_scoped3A_244, %dma_wait3A_281] : memref<40x64xi32, #tpu.memory_space<vmem>> -> memref<1x64xi32, #tpu.memory_space<vmem>>
      %dma_wait3A_283 = tpu.memref_squeeze %dma_wait3A_282 : memref<1x64xi32, #tpu.memory_space<vmem>> -> memref<64xi32, #tpu.memory_space<vmem>>
      %dma_wait3A_284 = arith.constant 0 : i32
      %dma_wait3A_285 = arith.constant 0 : i32
      %dma_wait3A_286 = tpu.memref_slice %arg5[%dma_wait3A_284, %dma_wait3A_285] : memref<10240x128xf32, #tpu.memory_space<vmem_shared>> -> memref<10240x128xf32, #tpu.memory_space<vmem_shared>>
      tpu.wait_indirect_dma semaphore(%run_scoped3A_274 : memref<!tpu.dma_semaphore, #tpu.memory_space<semaphore_mem>>) src(%arg8 : memref<64x128xf32, #tpu.memory_space<vmem>>) dst(%dma_wait3A_286 : memref<10240x128xf32, #tpu.memory_space<vmem_shared>>)
      tpu.yield
    }) : () -> ()
    %dma_wait3A_245 = arith.constant 37 : i32
    %dma_wait3A_246 = arith.constant 0 : i32
    %dma_wait3A_247 = tpu.memref_slice %arg6[%dma_wait3A_245, %dma_wait3A_246] : memref<40x64xi32, #tpu.memory_space<vmem>> -> memref<1x64xi32, #tpu.memory_space<vmem>>
    %dma_wait3A_248 = tpu.memref_squeeze %dma_wait3A_247 : memref<1x64xi32, #tpu.memory_space<vmem>> -> memref<64xi32, #tpu.memory_space<vmem>>
    %dma_wait3A_249 = arith.constant 0 : i32
    %dma_wait3A_250 = arith.constant 0 : i32
    %dma_wait3A_251 = tpu.memref_slice %arg2[%dma_wait3A_249, %dma_wait3A_250] : memref<10240x128xf32, #tpu.memory_space<hbm>> -> memref<10240x128xf32, #tpu.memory_space<hbm>>
    tpu.wait_indirect_dma semaphore(%arg13 : memref<!tpu.dma_semaphore, #tpu.memory_space<semaphore_mem>>) src(%dma_wait3A_251 : memref<10240x128xf32, #tpu.memory_space<hbm>>) dst(%arg9 : memref<64x128xf32, #tpu.memory_space<vmem>>)
    %run_scoped3A_252 = arith.constant 37 : i32
    "tpu.region"() ({
      %run_scoped3A_274 = tpu.sem_alloc : memref<!tpu.dma_semaphore, #tpu.memory_space<semaphore_mem>>
      %dma_start3A_275 = arith.constant 0 : i32
      %dma_start3A_276 = tpu.memref_slice %arg7[%run_scoped3A_252, %dma_start3A_275] : memref<40x64xi32, #tpu.memory_space<vmem>> -> memref<1x64xi32, #tpu.memory_space<vmem>>
      %dma_start3A_277 = tpu.memref_squeeze %dma_start3A_276 : memref<1x64xi32, #tpu.memory_space<vmem>> -> memref<64xi32, #tpu.memory_space<vmem>>
      %dma_start3A_278 = arith.constant 0 : i32
      %dma_start3A_279 = arith.constant 0 : i32
      %dma_start3A_280 = tpu.memref_slice %arg5[%dma_start3A_278, %dma_start3A_279] : memref<10240x128xf32, #tpu.memory_space<vmem_shared>> -> memref<10240x128xf32, #tpu.memory_space<vmem_shared>>
      tpu.enqueue_indirect_dma source(%arg9 : memref<64x128xf32, #tpu.memory_space<vmem>>) target(%dma_start3A_280 : memref<10240x128xf32, #tpu.memory_space<vmem_shared>>) offsets(%dma_start3A_277 : memref<64xi32, #tpu.memory_space<vmem>>) semaphore(%run_scoped3A_274 : memref<!tpu.dma_semaphore, #tpu.memory_space<semaphore_mem>>) {add = true}
      %dma_wait3A_281 = arith.constant 0 : i32
      %dma_wait3A_282 = tpu.memref_slice %arg7[%run_scoped3A_252, %dma_wait3A_281] : memref<40x64xi32, #tpu.memory_space<vmem>> -> memref<1x64xi32, #tpu.memory_space<vmem>>
      %dma_wait3A_283 = tpu.memref_squeeze %dma_wait3A_282 : memref<1x64xi32, #tpu.memory_space<vmem>> -> memref<64xi32, #tpu.memory_space<vmem>>
      %dma_wait3A_284 = arith.constant 0 : i32
      %dma_wait3A_285 = arith.constant 0 : i32
      %dma_wait3A_286 = tpu.memref_slice %arg5[%dma_wait3A_284, %dma_wait3A_285] : memref<10240x128xf32, #tpu.memory_space<vmem_shared>> -> memref<10240x128xf32, #tpu.memory_space<vmem_shared>>
      tpu.wait_indirect_dma semaphore(%run_scoped3A_274 : memref<!tpu.dma_semaphore, #tpu.memory_space<semaphore_mem>>) src(%arg9 : memref<64x128xf32, #tpu.memory_space<vmem>>) dst(%dma_wait3A_286 : memref<10240x128xf32, #tpu.memory_space<vmem_shared>>)
      tpu.yield
    }) : () -> ()
    %dma_wait3A_253 = arith.constant 38 : i32
    %dma_wait3A_254 = arith.constant 0 : i32
    %dma_wait3A_255 = tpu.memref_slice %arg6[%dma_wait3A_253, %dma_wait3A_254] : memref<40x64xi32, #tpu.memory_space<vmem>> -> memref<1x64xi32, #tpu.memory_space<vmem>>
    %dma_wait3A_256 = tpu.memref_squeeze %dma_wait3A_255 : memref<1x64xi32, #tpu.memory_space<vmem>> -> memref<64xi32, #tpu.memory_space<vmem>>
    %dma_wait3A_257 = arith.constant 0 : i32
    %dma_wait3A_258 = arith.constant 0 : i32
    %dma_wait3A_259 = tpu.memref_slice %arg2[%dma_wait3A_257, %dma_wait3A_258] : memref<10240x128xf32, #tpu.memory_space<hbm>> -> memref<10240x128xf32, #tpu.memory_space<hbm>>
    tpu.wait_indirect_dma semaphore(%arg14 : memref<!tpu.dma_semaphore, #tpu.memory_space<semaphore_mem>>) src(%dma_wait3A_259 : memref<10240x128xf32, #tpu.memory_space<hbm>>) dst(%arg10 : memref<64x128xf32, #tpu.memory_space<vmem>>)
    %run_scoped3A_260 = arith.constant 38 : i32
    "tpu.region"() ({
      %run_scoped3A_274 = tpu.sem_alloc : memref<!tpu.dma_semaphore, #tpu.memory_space<semaphore_mem>>
      %dma_start3A_275 = arith.constant 0 : i32
      %dma_start3A_276 = tpu.memref_slice %arg7[%run_scoped3A_260, %dma_start3A_275] : memref<40x64xi32, #tpu.memory_space<vmem>> -> memref<1x64xi32, #tpu.memory_space<vmem>>
      %dma_start3A_277 = tpu.memref_squeeze %dma_start3A_276 : memref<1x64xi32, #tpu.memory_space<vmem>> -> memref<64xi32, #tpu.memory_space<vmem>>
      %dma_start3A_278 = arith.constant 0 : i32
      %dma_start3A_279 = arith.constant 0 : i32
      %dma_start3A_280 = tpu.memref_slice %arg5[%dma_start3A_278, %dma_start3A_279] : memref<10240x128xf32, #tpu.memory_space<vmem_shared>> -> memref<10240x128xf32, #tpu.memory_space<vmem_shared>>
      tpu.enqueue_indirect_dma source(%arg10 : memref<64x128xf32, #tpu.memory_space<vmem>>) target(%dma_start3A_280 : memref<10240x128xf32, #tpu.memory_space<vmem_shared>>) offsets(%dma_start3A_277 : memref<64xi32, #tpu.memory_space<vmem>>) semaphore(%run_scoped3A_274 : memref<!tpu.dma_semaphore, #tpu.memory_space<semaphore_mem>>) {add = true}
      %dma_wait3A_281 = arith.constant 0 : i32
      %dma_wait3A_282 = tpu.memref_slice %arg7[%run_scoped3A_260, %dma_wait3A_281] : memref<40x64xi32, #tpu.memory_space<vmem>> -> memref<1x64xi32, #tpu.memory_space<vmem>>
      %dma_wait3A_283 = tpu.memref_squeeze %dma_wait3A_282 : memref<1x64xi32, #tpu.memory_space<vmem>> -> memref<64xi32, #tpu.memory_space<vmem>>
      %dma_wait3A_284 = arith.constant 0 : i32
      %dma_wait3A_285 = arith.constant 0 : i32
      %dma_wait3A_286 = tpu.memref_slice %arg5[%dma_wait3A_284, %dma_wait3A_285] : memref<10240x128xf32, #tpu.memory_space<vmem_shared>> -> memref<10240x128xf32, #tpu.memory_space<vmem_shared>>
      tpu.wait_indirect_dma semaphore(%run_scoped3A_274 : memref<!tpu.dma_semaphore, #tpu.memory_space<semaphore_mem>>) src(%arg10 : memref<64x128xf32, #tpu.memory_space<vmem>>) dst(%dma_wait3A_286 : memref<10240x128xf32, #tpu.memory_space<vmem_shared>>)
      tpu.yield
    }) : () -> ()
    %dma_wait3A_261 = arith.constant 39 : i32
    %dma_wait3A_262 = arith.constant 0 : i32
    %dma_wait3A_263 = tpu.memref_slice %arg6[%dma_wait3A_261, %dma_wait3A_262] : memref<40x64xi32, #tpu.memory_space<vmem>> -> memref<1x64xi32, #tpu.memory_space<vmem>>
    %dma_wait3A_264 = tpu.memref_squeeze %dma_wait3A_263 : memref<1x64xi32, #tpu.memory_space<vmem>> -> memref<64xi32, #tpu.memory_space<vmem>>
    %dma_wait3A_265 = arith.constant 0 : i32
    %dma_wait3A_266 = arith.constant 0 : i32
    %dma_wait3A_267 = tpu.memref_slice %arg2[%dma_wait3A_265, %dma_wait3A_266] : memref<10240x128xf32, #tpu.memory_space<hbm>> -> memref<10240x128xf32, #tpu.memory_space<hbm>>
    tpu.wait_indirect_dma semaphore(%arg15 : memref<!tpu.dma_semaphore, #tpu.memory_space<semaphore_mem>>) src(%dma_wait3A_267 : memref<10240x128xf32, #tpu.memory_space<hbm>>) dst(%arg11 : memref<64x128xf32, #tpu.memory_space<vmem>>)
    %run_scoped3A_268 = arith.constant 39 : i32
    "tpu.region"() ({
      %run_scoped3A_274 = tpu.sem_alloc : memref<!tpu.dma_semaphore, #tpu.memory_space<semaphore_mem>>
      %dma_start3A_275 = arith.constant 0 : i32
      %dma_start3A_276 = tpu.memref_slice %arg7[%run_scoped3A_268, %dma_start3A_275] : memref<40x64xi32, #tpu.memory_space<vmem>> -> memref<1x64xi32, #tpu.memory_space<vmem>>
      %dma_start3A_277 = tpu.memref_squeeze %dma_start3A_276 : memref<1x64xi32, #tpu.memory_space<vmem>> -> memref<64xi32, #tpu.memory_space<vmem>>
      %dma_start3A_278 = arith.constant 0 : i32
      %dma_start3A_279 = arith.constant 0 : i32
      %dma_start3A_280 = tpu.memref_slice %arg5[%dma_start3A_278, %dma_start3A_279] : memref<10240x128xf32, #tpu.memory_space<vmem_shared>> -> memref<10240x128xf32, #tpu.memory_space<vmem_shared>>
      tpu.enqueue_indirect_dma source(%arg11 : memref<64x128xf32, #tpu.memory_space<vmem>>) target(%dma_start3A_280 : memref<10240x128xf32, #tpu.memory_space<vmem_shared>>) offsets(%dma_start3A_277 : memref<64xi32, #tpu.memory_space<vmem>>) semaphore(%run_scoped3A_274 : memref<!tpu.dma_semaphore, #tpu.memory_space<semaphore_mem>>) {add = true}
      %dma_wait3A_281 = arith.constant 0 : i32
      %dma_wait3A_282 = tpu.memref_slice %arg7[%run_scoped3A_268, %dma_wait3A_281] : memref<40x64xi32, #tpu.memory_space<vmem>> -> memref<1x64xi32, #tpu.memory_space<vmem>>
      %dma_wait3A_283 = tpu.memref_squeeze %dma_wait3A_282 : memref<1x64xi32, #tpu.memory_space<vmem>> -> memref<64xi32, #tpu.memory_space<vmem>>
      %dma_wait3A_284 = arith.constant 0 : i32
      %dma_wait3A_285 = arith.constant 0 : i32
      %dma_wait3A_286 = tpu.memref_slice %arg5[%dma_wait3A_284, %dma_wait3A_285] : memref<10240x128xf32, #tpu.memory_space<vmem_shared>> -> memref<10240x128xf32, #tpu.memory_space<vmem_shared>>
      tpu.wait_indirect_dma semaphore(%run_scoped3A_274 : memref<!tpu.dma_semaphore, #tpu.memory_space<semaphore_mem>>) src(%arg11 : memref<64x128xf32, #tpu.memory_space<vmem>>) dst(%dma_wait3A_286 : memref<10240x128xf32, #tpu.memory_space<vmem_shared>>)
      tpu.yield
    }) : () -> ()
    %barrier3A_269 = arith.constant 0 : index
    tpu.barrier barrier_id(%barrier3A_269)
    %mul3A_270 = arith.constant 640 : i32
    %mul3A_271 = arith.muli %arg1, %mul3A_270 : i32
    %mul3A_272 = arith.constant 640 : i32
    %mul3A_273 = arith.muli %arg1, %mul3A_272 : i32
    "tpu.region"() ({
      %run_scoped3A_274 = tpu.sem_alloc : memref<!tpu.dma_semaphore, #tpu.memory_space<semaphore_mem>>
      %dma_start3A_275 = arith.constant 0 : i32
      %dma_start3A_276 = tpu.memref_slice %arg4[%arg0, %mul3A_273, %dma_start3A_275] : memref<2x10240x128xf32, #tpu.memory_space<hbm>> -> memref<1x640x128xf32, #tpu.memory_space<hbm>>
      %dma_start3A_277 = tpu.memref_squeeze %dma_start3A_276 : memref<1x640x128xf32, #tpu.memory_space<hbm>> -> memref<640x128xf32, #tpu.memory_space<hbm>>
      %dma_start3A_278 = arith.constant 0 : i32
      %dma_start3A_279 = tpu.memref_slice %arg5[%mul3A_271, %dma_start3A_278] : memref<10240x128xf32, #tpu.memory_space<vmem_shared>> -> memref<640x128xf32, #tpu.memory_space<vmem_shared>>
      tpu.enqueue_dma source(%dma_start3A_279 : memref<640x128xf32, #tpu.memory_space<vmem_shared>>) target(%dma_start3A_277 : memref<640x128xf32, #tpu.memory_space<hbm>>) target_semaphore(%run_scoped3A_274 : memref<!tpu.dma_semaphore, #tpu.memory_space<semaphore_mem>>)
      %dma_wait3A_280 = arith.constant 0 : i32
      %dma_wait3A_281 = tpu.memref_slice %arg4[%arg0, %mul3A_273, %dma_wait3A_280] : memref<2x10240x128xf32, #tpu.memory_space<hbm>> -> memref<1x640x128xf32, #tpu.memory_space<hbm>>
      %dma_wait3A_282 = tpu.memref_squeeze %dma_wait3A_281 : memref<1x640x128xf32, #tpu.memory_space<hbm>> -> memref<640x128xf32, #tpu.memory_space<hbm>>
      %dma_wait3A_283 = arith.constant 0 : i32
      %dma_wait3A_284 = tpu.memref_slice %arg5[%mul3A_271, %dma_wait3A_283] : memref<10240x128xf32, #tpu.memory_space<vmem_shared>> -> memref<640x128xf32, #tpu.memory_space<vmem_shared>>
      tpu.wait_dma2 semaphore(%run_scoped3A_274 : memref<!tpu.dma_semaphore, #tpu.memory_space<semaphore_mem>>) src(%dma_wait3A_284 : memref<640x128xf32, #tpu.memory_space<vmem_shared>>) dst(%dma_wait3A_282 : memref<640x128xf32, #tpu.memory_space<hbm>>)
      tpu.yield
    }) : () -> ()
    return
  }
}

module attributes {stable_mosaic.version = 14 : i64} {
  func.func @body(%arg0: i32, %arg1: memref<2048x128xf32, #tpu.memory_space<vmem>>, %arg2: memref<128x128xf32, #tpu.memory_space<vmem>>, %arg3: memref<2048x128xf32, #tpu.memory_space<vmem>>) attributes {dimension_semantics = [#tpu.dimension_semantics<arbitrary>], iteration_bounds = array<i64: 5>, scalar_prefetch = 0 : i64, scratch_operands = 0 : i64, tpu.core_type = #tpu.core_type<tc>, window_params = [{transform_indices = @transform_0, window_bounds = array<i64: 2048, 128>}, {pipeline_mode = #tpu.pipeline_mode<synchronous>, transform_indices = @transform_1, window_bounds = array<i64: 128, 128>}, {transform_indices = @transform_2, window_bounds = array<i64: 2048, 128>}]} {
    %get3A = arith.constant 0 : index
    %get3A_0 = arith.constant 0 : index
    %get3A_1 = vector.load %arg1[%get3A, %get3A_0] : memref<2048x128xf32, #tpu.memory_space<vmem>>, vector<2048x128xf32>
    %get3A_2 = arith.constant 0 : index
    %get3A_3 = arith.constant 0 : index
    %get3A_4 = vector.load %arg2[%get3A_2, %get3A_3] : memref<128x128xf32, #tpu.memory_space<vmem>>, vector<128x128xf32>
    %dot_general3A = arith.constant dense<0.000000e+00> : vector<2048x128xf32>
    %dot_general3A_5 = tpu.matmul %get3A_1, %get3A_4, %dot_general3A {dimension_numbers = #tpu.dot_dimension_numbers<[1], [0], [0], [1], [0, 0, 1, 1], [], []>, precision = #tpu.contract_precision<fp32>, transpose_lhs_hint = false} : vector<2048x128xf32>, vector<128x128xf32>, vector<2048x128xf32> -> vector<2048x128xf32>
    %swap3A = arith.constant 0 : index
    %swap3A_6 = arith.constant 0 : index
    %swap3A_7 = vector.load %arg3[%swap3A, %swap3A_6] : memref<2048x128xf32, #tpu.memory_space<vmem>>, vector<2048x128xf32>
    tpu.vector_store %arg3[%swap3A, %swap3A_6], %dot_general3A_5 {strides = array<i32>} : memref<2048x128xf32, #tpu.memory_space<vmem>>, vector<2048x128xf32>,
    return
  }
  func.func @transform_0(%arg0: i32) -> (i32, i32) {
    %c0_i32 = arith.constant 0 : i32
    %c0_i32_0 = arith.constant 0 : i32
    return %arg0, %c0_i32 : i32, i32
  }
  func.func @transform_1(%arg0: i32) -> (i32, i32) {
    %c0_i32 = arith.constant 0 : i32
    %c0_i32_0 = arith.constant 0 : i32
    %c0_i32_1 = arith.constant 0 : i32
    return %c0_i32, %c0_i32_0 : i32, i32
  }
  func.func @transform_2(%arg0: i32) -> (i32, i32) {
    %c0_i32 = arith.constant 0 : i32
    %c0_i32_0 = arith.constant 0 : i32
    return %arg0, %c0_i32 : i32, i32
  }
}

module attributes {stable_mosaic.version = 14 : i64} {
  func.func @body(%arg0: i32, %arg1: memref<2048x128xf32, #tpu.memory_space<vmem>>, %arg2: memref<2x2048xf32, #tpu.memory_space<vmem>>, %arg3: memref<2048x128xf32, #tpu.memory_space<vmem>>, %arg4: memref<2048x1xf32, #tpu.memory_space<vmem>>) attributes {dimension_semantics = [#tpu.dimension_semantics<arbitrary>], iteration_bounds = array<i64: 5>, scalar_prefetch = 0 : i64, scratch_operands = 0 : i64, tpu.core_type = #tpu.core_type<tc>, window_params = [{transform_indices = @transform_0, window_bounds = array<i64: 2048, 128>}, {transform_indices = @transform_1, window_bounds = array<i64: 2, 2048>}, {transform_indices = @transform_2, window_bounds = array<i64: 2048, 128>}, {transform_indices = @transform_3, window_bounds = array<i64: 2048, 1>}]} {
    %get3A = arith.constant 0 : index
    %get3A_0 = arith.constant 0 : index
    %get3A_1 = vector.load %arg2[%get3A, %get3A_0] : memref<2x2048xf32, #tpu.memory_space<vmem>>, vector<1x2048xf32>
    %get3A_2 = vector.shape_cast %get3A_1 : vector<1x2048xf32> to vector<2048xf32>
    %get3A_3 = arith.constant 1 : index
    %get3A_4 = arith.constant 0 : index
    %get3A_5 = vector.load %arg2[%get3A_3, %get3A_4] : memref<2x2048xf32, #tpu.memory_space<vmem>>, vector<1x2048xf32>
    %get3A_6 = vector.shape_cast %get3A_5 : vector<1x2048xf32> to vector<2048xf32>
    %add3A = arith.addf %get3A_2, %get3A_6 : vector<2048xf32>
    %add3A_7 = arith.constant 1.000000e+00 : f32
    %add3A_8 = vector.broadcast %add3A_7 : f32 to vector<2048xf32>
    %add3A_9 = arith.addf %add3A, %add3A_8 : vector<2048xf32>
    %rsqrt3A = math.rsqrt %add3A_9 : vector<2048xf32>
    %broadcast_in_dim3A = vector.shape_cast %rsqrt3A : vector<2048xf32> to vector<2048x1xf32>
    %swap3A = arith.constant 0 : index
    %swap3A_10 = arith.constant 0 : index
    %swap3A_11 = vector.load %arg4[%swap3A, %swap3A_10] : memref<2048x1xf32, #tpu.memory_space<vmem>>, vector<2048x1xf32>
    tpu.vector_store %arg4[%swap3A, %swap3A_10], %broadcast_in_dim3A {strides = array<i32>} : memref<2048x1xf32, #tpu.memory_space<vmem>>, vector<2048x1xf32>,
    %get3A_12 = arith.constant 0 : index
    %get3A_13 = arith.constant 0 : index
    %get3A_14 = vector.load %arg1[%get3A_12, %get3A_13] : memref<2048x128xf32, #tpu.memory_space<vmem>>, vector<2048x128xf32>
    %broadcast_in_dim3A_15 = vector.shape_cast %rsqrt3A : vector<2048xf32> to vector<2048x1xf32>
    %mul3A = vector.broadcast %broadcast_in_dim3A_15 : vector<2048x1xf32> to vector<2048x128xf32>
    %mul3A_16 = arith.mulf %get3A_14, %mul3A : vector<2048x128xf32>
    %swap3A_17 = arith.constant 0 : index
    %swap3A_18 = arith.constant 0 : index
    %swap3A_19 = vector.load %arg3[%swap3A_17, %swap3A_18] : memref<2048x128xf32, #tpu.memory_space<vmem>>, vector<2048x128xf32>
    tpu.vector_store %arg3[%swap3A_17, %swap3A_18], %mul3A_16 {strides = array<i32>} : memref<2048x128xf32, #tpu.memory_space<vmem>>, vector<2048x128xf32>,
    return
  }
  func.func @transform_0(%arg0: i32) -> (i32, i32) {
    %c0_i32 = arith.constant 0 : i32
    %c0_i32_0 = arith.constant 0 : i32
    return %arg0, %c0_i32 : i32, i32
  }
  func.func @transform_1(%arg0: i32) -> (i32, i32) {
    %c0_i32 = arith.constant 0 : i32
    %c0_i32_0 = arith.constant 0 : i32
    return %c0_i32, %arg0 : i32, i32
  }
  func.func @transform_2(%arg0: i32) -> (i32, i32) {
    %c0_i32 = arith.constant 0 : i32
    %c0_i32_0 = arith.constant 0 : i32
    return %arg0, %c0_i32 : i32, i32
  }
  func.func @transform_3(%arg0: i32) -> (i32, i32) {
    %c0_i32 = arith.constant 0 : i32
    %c0_i32_0 = arith.constant 0 : i32
    return %arg0, %c0_i32 : i32, i32
  }
}

module attributes {stable_mosaic.version = 14 : i64} {
  func.func @body(%arg0: i32, %arg1: memref<2x2048x128xf32, #tpu.memory_space<vmem>>, %arg2: memref<2048x128xf32, #tpu.memory_space<vmem>>, %arg3: memref<2048x1xf32, #tpu.memory_space<vmem>>, %arg4: memref<1x128xf32, #tpu.memory_space<vmem>>, %arg5: memref<128x128xf32, #tpu.memory_space<vmem>>, %arg6: memref<2048x128xf32, #tpu.memory_space<vmem>>) attributes {dimension_semantics = [#tpu.dimension_semantics<arbitrary>], iteration_bounds = array<i64: 5>, scalar_prefetch = 0 : i64, scratch_operands = 0 : i64, tpu.core_type = #tpu.core_type<tc>, window_params = [{transform_indices = @transform_0, window_bounds = array<i64: 2, 2048, 128>}, {transform_indices = @transform_1, window_bounds = array<i64: 2048, 128>}, {transform_indices = @transform_2, window_bounds = array<i64: 2048, 1>}, {pipeline_mode = #tpu.pipeline_mode<synchronous>, transform_indices = @transform_3, window_bounds = array<i64: 1, 128>}, {pipeline_mode = #tpu.pipeline_mode<synchronous>, transform_indices = @transform_4, window_bounds = array<i64: 128, 128>}, {transform_indices = @transform_5, window_bounds = array<i64: 2048, 128>}]} {
    %get3A = arith.constant 0 : index
    %get3A_0 = arith.constant 0 : index
    %get3A_1 = vector.load %arg3[%get3A, %get3A_0] : memref<2048x1xf32, #tpu.memory_space<vmem>>, vector<2048x1xf32>
    %get3A_2 = arith.constant 0 : index
    %get3A_3 = arith.constant 0 : index
    %get3A_4 = arith.constant 0 : index
    %get3A_5 = vector.load %arg1[%get3A_2, %get3A_3, %get3A_4] : memref<2x2048x128xf32, #tpu.memory_space<vmem>>, vector<1x2048x128xf32>
    %get3A_6 = vector.shape_cast %get3A_5 : vector<1x2048x128xf32> to vector<2048x128xf32>
    %get3A_7 = arith.constant 1 : index
    %get3A_8 = arith.constant 0 : index
    %get3A_9 = arith.constant 0 : index
    %get3A_10 = vector.load %arg1[%get3A_7, %get3A_8, %get3A_9] : memref<2x2048x128xf32, #tpu.memory_space<vmem>>, vector<1x2048x128xf32>
    %get3A_11 = vector.shape_cast %get3A_10 : vector<1x2048x128xf32> to vector<2048x128xf32>
    %add3A = arith.addf %get3A_6, %get3A_11 : vector<2048x128xf32>
    %get3A_12 = arith.constant 0 : index
    %get3A_13 = arith.constant 0 : index
    %get3A_14 = vector.load %arg2[%get3A_12, %get3A_13] : memref<2048x128xf32, #tpu.memory_space<vmem>>, vector<2048x128xf32>
    %sub3A = arith.subf %add3A, %get3A_14 : vector<2048x128xf32>
    %mul3A = vector.broadcast %get3A_1 : vector<2048x1xf32> to vector<2048x128xf32>
    %mul3A_15 = arith.mulf %sub3A, %mul3A : vector<2048x128xf32>
    %get3A_16 = arith.constant 0 : index
    %get3A_17 = arith.constant 0 : index
    %get3A_18 = vector.load %arg4[%get3A_16, %get3A_17] : memref<1x128xf32, #tpu.memory_space<vmem>>, vector<1x128xf32>
    %add3A_19 = vector.broadcast %get3A_18 : vector<1x128xf32> to vector<2048x128xf32>
    %add3A_20 = arith.addf %mul3A_15, %add3A_19 : vector<2048x128xf32>
    %max3A = arith.constant 0.000000e+00 : f32
    %max3A_21 = vector.broadcast %max3A : f32 to vector<2048x128xf32>
    %max3A_22 = arith.maximumf %add3A_20, %max3A_21 : vector<2048x128xf32>
    %get3A_23 = arith.constant 0 : index
    %get3A_24 = arith.constant 0 : index
    %get3A_25 = vector.load %arg5[%get3A_23, %get3A_24] : memref<128x128xf32, #tpu.memory_space<vmem>>, vector<128x128xf32>
    %dot_general3A = arith.constant dense<0.000000e+00> : vector<2048x128xf32>
    %dot_general3A_26 = tpu.matmul %max3A_22, %get3A_25, %dot_general3A {dimension_numbers = #tpu.dot_dimension_numbers<[1], [0], [0], [1], [0, 0, 1, 1], [], []>, precision = #tpu.contract_precision<fp32>, transpose_lhs_hint = false} : vector<2048x128xf32>, vector<128x128xf32>, vector<2048x128xf32> -> vector<2048x128xf32>
    %mul3A_27 = vector.broadcast %get3A_1 : vector<2048x1xf32> to vector<2048x128xf32>
    %mul3A_28 = arith.mulf %dot_general3A_26, %mul3A_27 : vector<2048x128xf32>
    %swap3A = arith.constant 0 : index
    %swap3A_29 = arith.constant 0 : index
    %swap3A_30 = vector.load %arg6[%swap3A, %swap3A_29] : memref<2048x128xf32, #tpu.memory_space<vmem>>, vector<2048x128xf32>
    tpu.vector_store %arg6[%swap3A, %swap3A_29], %mul3A_28 {strides = array<i32>} : memref<2048x128xf32, #tpu.memory_space<vmem>>, vector<2048x128xf32>,
    return
  }
  func.func @transform_0(%arg0: i32) -> (i32, i32, i32) {
    %c0_i32 = arith.constant 0 : i32
    %c0_i32_0 = arith.constant 0 : i32
    %c0_i32_1 = arith.constant 0 : i32
    return %c0_i32, %arg0, %c0_i32_0 : i32, i32, i32
  }
  func.func @transform_1(%arg0: i32) -> (i32, i32) {
    %c0_i32 = arith.constant 0 : i32
    %c0_i32_0 = arith.constant 0 : i32
    return %arg0, %c0_i32 : i32, i32
  }
  func.func @transform_2(%arg0: i32) -> (i32, i32) {
    %c0_i32 = arith.constant 0 : i32
    %c0_i32_0 = arith.constant 0 : i32
    return %arg0, %c0_i32 : i32, i32
  }
  func.func @transform_3(%arg0: i32) -> (i32, i32) {
    %c0_i32 = arith.constant 0 : i32
    %c0_i32_0 = arith.constant 0 : i32
    %c0_i32_1 = arith.constant 0 : i32
    return %c0_i32, %c0_i32_0 : i32, i32
  }
  func.func @transform_4(%arg0: i32) -> (i32, i32) {
    %c0_i32 = arith.constant 0 : i32
    %c0_i32_0 = arith.constant 0 : i32
    %c0_i32_1 = arith.constant 0 : i32
    return %c0_i32, %c0_i32_0 : i32, i32
  }
  func.func @transform_5(%arg0: i32) -> (i32, i32) {
    %c0_i32 = arith.constant 0 : i32
    %c0_i32_0 = arith.constant 0 : i32
    return %arg0, %c0_i32 : i32, i32
  }
}

module attributes {stable_mosaic.version = 14 : i64} {
  func.func @body(%arg0: i32, %arg1: memref<2x2048x128xf32, #tpu.memory_space<vmem>>, %arg2: memref<2048x128xf32, #tpu.memory_space<vmem>>, %arg3: memref<2048x1xf32, #tpu.memory_space<vmem>>, %arg4: memref<1x128xf32, #tpu.memory_space<vmem>>, %arg5: memref<2048x1xi32, #tpu.memory_space<vmem>>, %arg6: memref<128x128xf32, #tpu.memory_space<vmem>>, %arg7: memref<1x128xf32, #tpu.memory_space<vmem>>, %arg8: memref<64x128xf32, #tpu.memory_space<vmem>>, %arg9: memref<64x128xf32, #tpu.memory_space<vmem>>) attributes {dimension_semantics = [#tpu.dimension_semantics<arbitrary>], iteration_bounds = array<i64: 5>, scalar_prefetch = 0 : i64, scratch_operands = 1 : i64, tpu.core_type = #tpu.core_type<tc>, window_params = [{transform_indices = @transform_0, window_bounds = array<i64: 2, 2048, 128>}, {transform_indices = @transform_1, window_bounds = array<i64: 2048, 128>}, {transform_indices = @transform_2, window_bounds = array<i64: 2048, 1>}, {pipeline_mode = #tpu.pipeline_mode<synchronous>, transform_indices = @transform_3, window_bounds = array<i64: 1, 128>}, {transform_indices = @transform_4, window_bounds = array<i64: 2048, 1>}, {pipeline_mode = #tpu.pipeline_mode<synchronous>, transform_indices = @transform_5, window_bounds = array<i64: 128, 128>}, {pipeline_mode = #tpu.pipeline_mode<synchronous>, transform_indices = @transform_6, window_bounds = array<i64: 1, 128>}, {pipeline_mode = #tpu.pipeline_mode<synchronous>, transform_indices = @transform_7, window_bounds = array<i64: 64, 128>}]} {
    %eq3A = arith.constant 0 : i32
    %eq3A_0 = arith.cmpi eq, %arg0, %eq3A : i32
    %convert_element_type3A = arith.extui %eq3A_0 : i1 to i32
    %cond3A = arith.constant 0 : i32
    %cond3A_1 = arith.cmpi ne, %convert_element_type3A, %cond3A : i32
    scf.if %cond3A_1 {
      %broadcast_in_dim3A = arith.constant 0.000000e+00 : f32
      %broadcast_in_dim3A_45 = vector.broadcast %broadcast_in_dim3A : f32 to vector<64x128xf32>
      %swap3A_46 = arith.constant 0 : index
      %swap3A_47 = arith.constant 0 : index
      %swap3A_48 = vector.load %arg9[%swap3A_46, %swap3A_47] : memref<64x128xf32, #tpu.memory_space<vmem>>, vector<64x128xf32>
      tpu.vector_store %arg9[%swap3A_46, %swap3A_47], %broadcast_in_dim3A_45 {strides = array<i32>} : memref<64x128xf32, #tpu.memory_space<vmem>>, vector<64x128xf32>,
    } else {
    }
    %get3A = arith.constant 0 : index
    %get3A_2 = arith.constant 0 : index
    %get3A_3 = vector.load %arg3[%get3A, %get3A_2] : memref<2048x1xf32, #tpu.memory_space<vmem>>, vector<2048x1xf32>
    %get3A_4 = arith.constant 0 : index
    %get3A_5 = arith.constant 0 : index
    %get3A_6 = arith.constant 0 : index
    %get3A_7 = vector.load %arg1[%get3A_4, %get3A_5, %get3A_6] : memref<2x2048x128xf32, #tpu.memory_space<vmem>>, vector<1x2048x128xf32>
    %get3A_8 = vector.shape_cast %get3A_7 : vector<1x2048x128xf32> to vector<2048x128xf32>
    %get3A_9 = arith.constant 1 : index
    %get3A_10 = arith.constant 0 : index
    %get3A_11 = arith.constant 0 : index
    %get3A_12 = vector.load %arg1[%get3A_9, %get3A_10, %get3A_11] : memref<2x2048x128xf32, #tpu.memory_space<vmem>>, vector<1x2048x128xf32>
    %get3A_13 = vector.shape_cast %get3A_12 : vector<1x2048x128xf32> to vector<2048x128xf32>
    %add3A = arith.addf %get3A_8, %get3A_13 : vector<2048x128xf32>
    %get3A_14 = arith.constant 0 : index
    %get3A_15 = arith.constant 0 : index
    %get3A_16 = vector.load %arg2[%get3A_14, %get3A_15] : memref<2048x128xf32, #tpu.memory_space<vmem>>, vector<2048x128xf32>
    %sub3A = arith.subf %add3A, %get3A_16 : vector<2048x128xf32>
    %mul3A = vector.broadcast %get3A_3 : vector<2048x1xf32> to vector<2048x128xf32>
    %mul3A_17 = arith.mulf %sub3A, %mul3A : vector<2048x128xf32>
    %get3A_18 = arith.constant 0 : index
    %get3A_19 = arith.constant 0 : index
    %get3A_20 = vector.load %arg4[%get3A_18, %get3A_19] : memref<1x128xf32, #tpu.memory_space<vmem>>, vector<1x128xf32>
    %add3A_21 = vector.broadcast %get3A_20 : vector<1x128xf32> to vector<2048x128xf32>
    %add3A_22 = arith.addf %mul3A_17, %add3A_21 : vector<2048x128xf32>
    %max3A = arith.constant 0.000000e+00 : f32
    %max3A_23 = vector.broadcast %max3A : f32 to vector<2048x128xf32>
    %max3A_24 = arith.maximumf %add3A_22, %max3A_23 : vector<2048x128xf32>
    %iota3A = tpu.iota {dimensions = array<i32: 1>} : vector<1x64xi32>
    %get3A_25 = arith.constant 0 : index
    %get3A_26 = arith.constant 0 : index
    %get3A_27 = vector.load %arg5[%get3A_25, %get3A_26] : memref<2048x1xi32, #tpu.memory_space<vmem>>, vector<2048x1xi32>
    %eq3A_28 = vector.broadcast %get3A_27 : vector<2048x1xi32> to vector<2048x64xi32>
    %eq3A_29 = vector.broadcast %iota3A : vector<1x64xi32> to vector<2048x64xi32>
    %eq3A_30 = arith.cmpi eq, %eq3A_28, %eq3A_29 : vector<2048x64xi32>
    %convert_element_type3A_31 = arith.extui %eq3A_30 : vector<2048x64xi1> to vector<2048x64xi32>
    %convert_element_type3A_32 = arith.sitofp %convert_element_type3A_31 : vector<2048x64xi32> to vector<2048x64xf32>
    %get3A_33 = arith.constant 0 : index
    %get3A_34 = arith.constant 0 : index
    %get3A_35 = vector.load %arg9[%get3A_33, %get3A_34] : memref<64x128xf32, #tpu.memory_space<vmem>>, vector<64x128xf32>
    %dot_general3A = arith.constant dense<0.000000e+00> : vector<64x128xf32>
    %dot_general3A_36 = tpu.matmul %convert_element_type3A_32, %max3A_24, %dot_general3A {dimension_numbers = #tpu.dot_dimension_numbers<[0], [0], [1], [1], [0, 1, 1, 1], [], []>, precision = #tpu.contract_precision<fp32>, transpose_lhs_hint = false} : vector<2048x64xf32>, vector<2048x128xf32>, vector<64x128xf32> -> vector<64x128xf32>
    %add3A_37 = arith.addf %get3A_35, %dot_general3A_36 : vector<64x128xf32>
    %swap3A = arith.constant 0 : index
    %swap3A_38 = arith.constant 0 : index
    %swap3A_39 = vector.load %arg9[%swap3A, %swap3A_38] : memref<64x128xf32, #tpu.memory_space<vmem>>, vector<64x128xf32>
    tpu.vector_store %arg9[%swap3A, %swap3A_38], %add3A_37 {strides = array<i32>} : memref<64x128xf32, #tpu.memory_space<vmem>>, vector<64x128xf32>,
    %eq3A_40 = arith.constant 4 : i32
    %eq3A_41 = arith.cmpi eq, %arg0, %eq3A_40 : i32
    %convert_element_type3A_42 = arith.extui %eq3A_41 : i1 to i32
    %cond3A_43 = arith.constant 0 : i32
    %cond3A_44 = arith.cmpi ne, %convert_element_type3A_42, %cond3A_43 : i32
    scf.if %cond3A_44 {
      %get3A_45 = arith.constant 0 : index
      %get3A_46 = arith.constant 0 : index
      %get3A_47 = vector.load %arg9[%get3A_45, %get3A_46] : memref<64x128xf32, #tpu.memory_space<vmem>>, vector<64x128xf32>
      %get3A_48 = arith.constant 0 : index
      %get3A_49 = arith.constant 0 : index
      %get3A_50 = vector.load %arg6[%get3A_48, %get3A_49] : memref<128x128xf32, #tpu.memory_space<vmem>>, vector<128x128xf32>
      %dot_general3A_51 = arith.constant dense<0.000000e+00> : vector<64x128xf32>
      %dot_general3A_52 = tpu.matmul %get3A_47, %get3A_50, %dot_general3A_51 {dimension_numbers = #tpu.dot_dimension_numbers<[1], [0], [0], [1], [0, 0, 1, 1], [], []>, precision = #tpu.contract_precision<fp32>, transpose_lhs_hint = false} : vector<64x128xf32>, vector<128x128xf32>, vector<64x128xf32> -> vector<64x128xf32>
      %get3A_53 = arith.constant 0 : index
      %get3A_54 = arith.constant 0 : index
      %get3A_55 = vector.load %arg7[%get3A_53, %get3A_54] : memref<1x128xf32, #tpu.memory_space<vmem>>, vector<1x128xf32>
      %add3A_56 = vector.broadcast %get3A_55 : vector<1x128xf32> to vector<64x128xf32>
      %add3A_57 = arith.addf %dot_general3A_52, %add3A_56 : vector<64x128xf32>
      %swap3A_58 = arith.constant 0 : index
      %swap3A_59 = arith.constant 0 : index
      %swap3A_60 = vector.load %arg8[%swap3A_58, %swap3A_59] : memref<64x128xf32, #tpu.memory_space<vmem>>, vector<64x128xf32>
      tpu.vector_store %arg8[%swap3A_58, %swap3A_59], %add3A_57 {strides = array<i32>} : memref<64x128xf32, #tpu.memory_space<vmem>>, vector<64x128xf32>,
    } else {
    }
    return
  }
  func.func @transform_0(%arg0: i32) -> (i32, i32, i32) {
    %c0_i32 = arith.constant 0 : i32
    %c0_i32_0 = arith.constant 0 : i32
    %c0_i32_1 = arith.constant 0 : i32
    return %c0_i32, %arg0, %c0_i32_0 : i32, i32, i32
  }
  func.func @transform_1(%arg0: i32) -> (i32, i32) {
    %c0_i32 = arith.constant 0 : i32
    %c0_i32_0 = arith.constant 0 : i32
    return %arg0, %c0_i32 : i32, i32
  }
  func.func @transform_2(%arg0: i32) -> (i32, i32) {
    %c0_i32 = arith.constant 0 : i32
    %c0_i32_0 = arith.constant 0 : i32
    return %arg0, %c0_i32 : i32, i32
  }
  func.func @transform_3(%arg0: i32) -> (i32, i32) {
    %c0_i32 = arith.constant 0 : i32
    %c0_i32_0 = arith.constant 0 : i32
    %c0_i32_1 = arith.constant 0 : i32
    return %c0_i32, %c0_i32_0 : i32, i32
  }
  func.func @transform_4(%arg0: i32) -> (i32, i32) {
    %c0_i32 = arith.constant 0 : i32
    %c0_i32_0 = arith.constant 0 : i32
    return %arg0, %c0_i32 : i32, i32
  }
  func.func @transform_5(%arg0: i32) -> (i32, i32) {
    %c0_i32 = arith.constant 0 : i32
    %c0_i32_0 = arith.constant 0 : i32
    %c0_i32_1 = arith.constant 0 : i32
    return %c0_i32, %c0_i32_0 : i32, i32
  }
  func.func @transform_6(%arg0: i32) -> (i32, i32) {
    %c0_i32 = arith.constant 0 : i32
    %c0_i32_0 = arith.constant 0 : i32
    %c0_i32_1 = arith.constant 0 : i32
    return %c0_i32, %c0_i32_0 : i32, i32
  }
  func.func @transform_7(%arg0: i32) -> (i32, i32) {
    %c0_i32 = arith.constant 0 : i32
    %c0_i32_0 = arith.constant 0 : i32
    %c0_i32_1 = arith.constant 0 : i32
    return %c0_i32, %c0_i32_0 : i32, i32
  }
}

</mosaic_0001>

<sc_bundles>
// kernel: kernel.12.cloned.1.call-start
scs
__scs_entry_jumppad:
0x0: {  	(pc) =	sbr.rel $0x88, $3  }
0x1: {  	(tag) =	ssettag $0x0;
	lr =	simm.s32 $0x1  }
0x2: {  	[smem:$0x3F98] =	sst lr;
	_ =	strace $0xD0000000  }
0x3: {  	_ = 	snop  }
0x4: {  	_ = 	snop  }
0x5: {  	_ = 	snop  }
0x6: {  	_ = 	snop  }
0x7: {  	_ = 	snop  }
__scs_overlays_trampoline_lowered:
0x8: {  	[smem:$0x3FA7] =	sst s0  }
0x9: {  	[smem:$0x3FA8] =	sst s1  }
0xa: {  	[smem:$0x3FA9] =	sst s2  }
0xb: {  	[smem:$0x3FAA] =	sst s3  }
0xc: {  	[smem:$0x3FAB] =	sst s4  }
0xd: {  	[smem:$0x3FAC] =	sst s5  }
0xe: {  	[smem:$0x3FAD] =	sst s6  }
0xf: {  	[smem:$0x3FAE] =	sst s7  }
0x10: {  	[smem:$0x3FAF] =	sst s8  }
0x11: {  	[smem:$0x3FB0] =	sst s9;
	s0 =	simm.s32 @!p0 $0x0  }
0x12: {  	s1 =	sld [smem:$0x3F96];
	s0 =	simm.s32 @p0 $0x1  }
0x13: {  	[smem:$0x3FB1] =	sst s0;
	s0 =	simm.s32 @!p1 $0x0  }
0x14: {  	s2 =	sld [smem:$0x3F95];
	s0 =	simm.s32 @p1 $0x1  }
0x15: {  	[smem:$0x3FB2] =	sst s0;
	s0 =	simm.s32 @!p2 $0x0  }
0x16: {  	s3 =	sld [smem:$0x3FDB];
	s0 =	simm.s32 @p2 $0x1  }
0x17: {  	s4 =	simm.s32 $0x1BF5;
	[smem:$0x3FB4] =	sst s0  }
0x18: {  	s0 =	sld [smem:$0x3F97];
	_ =	swait.ge [sflag:s4], $0x0  }
0x19: {  	s7 =	sld [smem:$0x3F98]  }
0x1a: {  	s8 =	sadd.s32 $0xFFFFE003, lr  }
0x1b: {  	s9 =	sadd.s32 $0xFFFFFEF7, lr;
	s5 =	simm.s32 $0xFFFFFFFF;
	p2 =	slt.u32 s8, $0xFFFFF086  }
0x1c: {  	p1 =	slt.u32 s9, $0xF7A;
	s5 =	simm.s32 @!p2 $0x0  }
0x1d: {  	s5 =	simm.s32 @p1 $0x1;
	p0 =	seq.s32 s7, s2  }
0x1e: {  	s7 =	smul.u32 @!p0 $0xF7A, s2;
	p2 =	seq.s32 @!p0 s5, $0x0  }
0x1f: {  	s9 =	smul.u32 $0xF7A, s1;
	s8 =	simm.s32 @!p0 $0x1BF5;
	p2 =	por !p2, p0  }
0x20: {  	[sflag:s8] =	ssyncset.s32 @!p0 $0xFFFFF086;
	s6 =	sadd.s32 @!p0 s3, s7;
	s7 =	simm.s32 @!p0 $0x108  }
0x21: {  	s3 =	sadd.s32 s3, s9;
	s6 =	sadd.s32 @!p0 $0x88, s6;
	s7 =	simm.s32 @p2 $0x1082  }
0x22: {  	[simem:s7], [sflag:s8] =	dma.local @!p0 [hbm:s6], $0xF7A  }
0x23: {  	s9 =	sor.u32 $0xD0000000, s2;
	s6 =	simm.s32 $0x108;
	_ =	swait.ge @!p0 [sflag:s8], $0x0  }
0x24: {  	s3 =	sadd.s32 $0x88, s3;
	s6 =	simm.s32 @!p1 $0x1082;
	[sflag:s4] =	ssyncset.s32 $0xFFFFF086  }
0x25: {  	[simem:s6], [sflag:s4] =	dma.local [hbm:s3], $0xF7A  }
0x26: {  	[smem:$0x3F98] =	sst s1;
	(tag) =	ssettag s2;
	_ =	strace s9  }
0x27: {  	s1 =	sld [smem:$0x3FA8]  }
0x28: {  	s2 =	sld [smem:$0x3FA9]  }
0x29: {  	s4 =	sld [smem:$0x3FAB]  }
0x2a: {  	p0 =	seq.s32 s5, $0x0;
	s5 =	sld [smem:$0x3FAC]  }
0x2b: {  	s6 =	sld [smem:$0x3FAD]  }
0x2c: {  	s7 =	sld [smem:$0x3FAE]  }
0x2d: {  	s3 =	simm.s32 $0x108;
	s8 =	sld [smem:$0x3FAF]  }
0x2e: {  	s3 =	simm.s32 @!p0 $0x1082;
	s9 =	sld [smem:$0x3FB0]  }
0x2f: {  	lr =	sadd.s32 s0, s3;
	s0 =	sld [smem:$0x3FA7]  }
0x30: {  	s3 =	sld [smem:$0x3FAA]  }
0x31: {  	[smem:$0x3FB3] =	sst s10  }
0x32: {  	s10 =	sld [smem:$0x3FB1];
	_ =	sdelay $0x3  }
0x33: {  	p0 =	seq.s32 s10, $0x1;
	s10 =	sld [smem:$0x3FB3];
	_ =	sdelay $0x3  }
0x34: {  	[smem:$0x3FB3] =	sst s10  }
0x35: {  	s10 =	sld [smem:$0x3FB2];
	_ =	sdelay $0x3  }
0x36: {  	p1 =	seq.s32 s10, $0x1;
	s10 =	sld [smem:$0x3FB3];
	_ =	sdelay $0x3  }
0x37: {  	[smem:$0x3FB3] =	sst s10  }
0x38: {  	s10 =	sld [smem:$0x3FB4]  }
0x39: {  	_ = 	snop;
	(pc) =	sbr.ind lr, $3  }
0x3a: {  	_ = 	snop  }
0x3b: {  	_ = 	snop  }
0x3c: {  	p2 =	seq.s32 s10, $0x1;
	s10 =	sld [smem:$0x3FB3]  }
0x3d: {  	_ =	shalt  }
0x3e: {  	_ =	shalt  }
0x3f: {  	_ =	shalt  }
0x40: {  	_ =	shalt  }
0x41: {  	_ =	shalt  }
0x42: {  	_ =	shalt  }
0x43: {  	_ =	shalt  }
0x44: {  	_ =	shalt  }
0x45: {  	_ =	shalt  }
0x46: {  	_ =	shalt  }
0x47: {  	_ =	shalt  }
0x48: {  	_ =	shalt  }
0x49: {  	_ =	shalt  }
0x4a: {  	_ =	shalt  }
0x4b: {  	_ =	shalt  }
0x4c: {  	_ =	shalt  }
0x4d: {  	_ =	shalt  }
0x4e: {  	_ =	shalt  }
0x4f: {  	_ =	shalt  }
0x50: {  	_ =	shalt  }
0x51: {  	_ =	shalt  }
0x52: {  	_ =	shalt  }
0x53: {  	_ =	shalt  }
0x54: {  	_ =	shalt  }
0x55: {  	_ =	shalt  }
0x56: {  	_ =	shalt  }
0x57: {  	_ =	shalt  }
0x58: {  	_ =	shalt  }
0x59: {  	_ =	shalt  }
0x5a: {  	_ =	shalt  }
0x5b: {  	_ =	shalt  }
0x5c: {  	_ =	shalt  }
0x5d: {  	_ =	shalt  }
0x5e: {  	_ =	shalt  }
0x5f: {  	_ =	shalt  }
0x60: {  	_ =	shalt  }
0x61: {  	_ =	shalt  }
0x62: {  	_ =	shalt  }
0x63: {  	_ =	shalt  }
0x64: {  	_ =	shalt  }
0x65: {  	_ =	shalt  }
0x66: {  	_ =	shalt  }
0x67: {  	_ =	shalt  }
0x68: {  	_ =	shalt  }
0x69: {  	_ =	shalt  }
0x6a: {  	_ =	shalt  }
0x6b: {  	_ =	shalt  }
0x6c: {  	_ =	shalt  }
0x6d: {  	_ =	shalt  }
0x6e: {  	_ =	shalt  }
0x6f: {  	_ =	shalt  }
0x70: {  	_ =	shalt  }
0x71: {  	_ =	shalt  }
0x72: {  	_ =	shalt  }
0x73: {  	_ =	shalt  }
0x74: {  	_ =	shalt  }
0x75: {  	_ =	shalt  }
0x76: {  	_ =	shalt  }
0x77: {  	_ =	shalt  }
0x78: {  	_ =	shalt  }
0x79: {  	_ =	shalt  }
0x7a: {  	_ =	shalt  }
0x7b: {  	_ =	shalt  }
0x7c: {  	_ =	shalt  }
0x7d: {  	_ =	shalt  }
0x7e: {  	_ =	shalt  }
0x7f: {  	_ =	shalt  }
0x80: {  	_ =	shalt  }
0x81: {  	_ =	shalt  }
0x82: {  	_ =	shalt  }
0x83: {  	_ =	shalt  }
0x84: {  	_ =	shalt  }
0x85: {  	_ =	shalt  }
0x86: {  	_ =	shalt  }
0x87: {  	_ =	shalt  }
.Lfunc_end0:
.L_simem_size_0:
called_computation.1_lowered:
.L_overlay_start_0:
0x88: {  	s2 =	sld [smem:$0x3FD9]  }
0x89: {  	s3 =	sld [smem:$0x3FFE];
	_ =	sdelay $0x1  }
0x8a: {  	s1 =	srdreg.scid  }
0x8b: {  	s0 =	sand.u32 $0x1, s1  }
0x8c: {  	s16 =	sshll.u32 s0, $0xA;
	s2 =	sadd.s32 s3, s2  }
0x8d: {  	s2 =	sadd.s32 s2, s16  }
0x8e: {  	[smem:$0x3FBF] =	sst s2  }
0x8f: {  	_ = 	snop  }
0x90: {  	(tm) =	ssettm $0x1  }
0x91: {  	s17 =	sld [smem:$0x3FFB];
	_ =	sdelay $0x3  }
0x92: {  	_ =	strace s17  }
0x93: {  	s2 =	sld [smem:$0x3FFC];
	_ =	sdelay $0x3  }
0x94: {  	_ =	strace s2  }
0x95: {  	s2 =	sld [smem:$0x3FFD];
	_ =	sdelay $0x3  }
0x96: {  	_ =	strace s2  }
0x97: {  	_ =	strace $0x8FFFFFFF  }
0x98: {  	s18 =	sld [smem:$0x3FDB];
	_ =	sdelay $0x1  }
0x99: {  	s19 =	simm.s32 $_scs_section_size  }
0x9a: {  	s4 =	simm.s32 $_size__tile_overlayer_lowered;
	s5 =	simm.s32 $_tile_overlayer_lowered  }
0x9b: {  	s22 =	simm.s32 $0x1BFF;
	s21 =	sshll.u32 s5, $0x1;
	s2 =	sadd.s32 s19, s18  }
0x9c: {  	s6 =	simm.s32 $0x0;
	s20 =	sshll.u32 s4, $0x1;
	s4 =	sadd.s32 s21, s2  }
0x9d: {  	[timem:s6], [sflag:s22] =	dma.local [hbm:s4], s20  }
0x9e: {  	_ =	swait.ge [sflag:s22], s20  }
0x9f: {  	s3 =	ssub.s32 $0x0, s20;
	[sflag:s22] =	ssyncset.done $0x0  }
0xa0: {  	[sflag:s22] =	ssyncadd.s32 s3;
	_ =	sdelay $0x1  }
0xa1: {  	s23 =	simm.s32 $0x1B8B  }
0xa2: {  	_ =	swait.ge [sflag:s23], $0x1  }
0xa3: {  	[sflag:s23] =	ssyncset.done $0x0  }
0xa4: {  	s25 =	simm.s32 $0x1B8E;
	s24 =	sld [smem:$0x3FFE];
	[sflag:s23] =	ssyncadd.s32 $0xFFFFFFFF  }
0xa5: {  	s26 =	simm.s32 $execute0_lowered;
	[smem:$0x3FD2] =	sst s25  }
0xa6: {  	s4 =	sshll.u32 s26, $0x1;
	_ =	strace $0x80000049;
	[dreg:$0x1] =	wrdreg $0xFFFFFFFF  }
0xa7: {  	s28 =	simm.s32 $_size_execute0_lowered;
	s2 =	sadd.s32 s2, s4;
	[dreg:$0x0] =	wrdreg $0x0  }
0xa8: {  	s4 =	sshll.u32 s28, $0x1;
	[dreg:$0x2] =	wrdreg s2  }
0xa9: {  	[dreg:$0x3] =	wrdreg s4  }
0xaa: {  	[dreg:$0x4] =	wrdreg $0xC0  }
0xab: {  	_ =	task [dreg:s6], $0x5FFFF  }
0xac: {  	[dreg:$0x1] =	wrdreg $0xFFFFFFFF  }
0xad: {  	[dreg:$0x0] =	wrdreg $0x60  }
0xae: {  	[dreg:$0x2] =	wrdreg s24  }
0xaf: {  	[dreg:$0x3] =	wrdreg $0x0  }
0xb0: {  	[dreg:$0x4] =	wrdreg $0x9  }
0xb1: {  	_ =	task.clear_ibuf [dreg:s6], $0x5FFFF;
	_ =	strace $0x90000049  }
0xb2: {  	s29 =	simm.s32 $0x9;
	_ =	strace $0x8000004B  }
0xb3: {  	_ =	swait.ge [sflag:s29], $0x1  }
0xb4: {  	[sflag:s29] =	ssyncadd.s32 $0xFFFFFFFF  }
0xb5: {  	_ =	strace $0x9000004B  }
0xb6: {  	_ =	sfence  }
0xb7: {  	s30 =	sld [smem:$0x0];
	_ =	sdelay $0x2  }
0xb8: {  	s31 =	sshll.u32 s1, $0xD;
	s1 =	sshrl.u32 s1, $0x2  }
0xb9: {  	s3 =	sand.u32 $0x4000, s31;
	s1 =	sadd.s32 s1, s30  }
0xba: {  	s0 =	sor.u32 s3, s0;
	s1 =	sshll.u32 s1, $0x11  }
0xbb: {  	s0 =	sor.u32 s1, s0  }
0xbc: {  	s0 =	sadd.s32 $0x8F2B, s0  }
0xbd: {  	[sflag:s0] =	ssyncadd.remote.s32 $0x1  }
0xbe: {  	_ =	sfence.sel $0xFFFF  }
0xbf: {  	[dreg:$0x0] =	wrdreg $0xFFFFFFFF;
	(pc) =	sbr.abs _section_cstart, $3  }
0xc0: {  	[dreg:$0x1] =	wrdreg $0xFFFFFFFF  }
0xc1: {  	_ =	task.clear_ibuf [dreg:s6], $0x2FFFF;
	_ =	strace $0x9FFFFFFF  }
0xc2: {  	(tm) =	ssettm $0x7FFFFFFF  }
0xc3: {  	_ =	shalt  }
tec
execute0_lowered:
.L_overlay_start_1:
0x0: {  	(tag) =	ssettag $0x1  }
0x1: {  	s0 =	srdreg.scid;
	s3 =	rddreg [dreg:$0x0]  }
0x2: {  	s9 =	stileid.u32;
	s2 =	rddreg [dreg:$0x1]  }
0x3: {  	s4 =	simm.s32 $0x0;
	s18 =	simm.s32 $0x5;
	s28 =	simm.s32 $0x14180  }
0x4: {  	s29 =	simm.s32 $0x1C800;
	s30 =	simm.s32 $0x1;
	s31 =	simm.s32 $0x2  }
0x5: {  	s0 =	sand.u32 $0x1, s0;
	s5 =	smul.u32 $0x14000, s9;
	[smem:$0x7FF] =	sst s4  }
0x6: {  	s4 =	sadd.s32 $0x2AE00, s3;
	s7 =	smul.u32 $0x50000, s9;
	s20 =	sshll.u32 s9, $0x6  }
0x7: {  	s1 =	sshll.u32 s0, $0x4;
	s6 =	smul.u32 $0x140000, s0;
	s0 =	ssub.s32 $0x2, s0  }
0x8: {  	_ =	strace $0x8000004A;
	s1 =	sor.u32 s9, s1;
	s8 =	sshrl.u32 s0, $0x1  }
0x9: {  	s19 =	sshrl.u32 s7, $0x2;
	s9 =	simm.s32 $0x0;
	s1 =	smul.u32 $0x5000, s1  }
0xa: {  	s6 =	sadd.s32 s5, s6;
	s0 =	ssub.s32 s0, s8;
	s7 =	sadd.s32 s19, s2  }
0xb: {  	s5 =	sshrl.u32 s5, $0x3;
	s19 =	simm.s32 $0x14000;
	s8 =	simm.s32 $0x16780  }
0xc: {  	s6 =	sshrl.u32 s6, $0x3;
	s5 =	sadd.s32 s4, s5;
	s16 =	smax.u32 s0, $0x1  }
0xd: {  	s17 =	sshrl.u32 s7, $0x3;
	s0 =	simm.s32 $0x4;
	s1 =	sshrl.u32 s1, $0x3  }
0xe: {  	s7 =	simm.s32 $0x16700;
	[dreg:$0x3] =	wrdreg s5;
	s1 =	sadd.s32 s1, s3  }
0xf: {  	s5 =	simm.s32 $0x16680;
	s3 =	sadd.s32 s6, s3;
	s21 =	sadd.s32 $0x2E00, s1  }
0x10: {  	s6 =	sor.u32 $0x1C05, s20;
	s22 =	sadd.s32 $0x16E00, s1;
	[dreg:$0x4] =	wrdreg s21  }
0x11: {  	s20 =	simm.s32 $0x15400;
	s23 =	sadd.s32 $0x3080, s1;
	[dreg:$0x5] =	wrdreg s22  }
0x12: {  	s24 =	sadd.s32 $0x17080, s1;
	s25 =	sadd.s32 $0x3300, s1;
	[dreg:$0x6] =	wrdreg s23  }
0x13: {  	s26 =	sadd.s32 $0x17300, s1;
	s13 =	sadd.s32 $0x3580, s1;
	[dreg:$0x7] =	wrdreg s24  }
0x14: {  	s14 =	sadd.s32 $0x17580, s1;
	s15 =	sadd.s32 $0x52E00, s3;
	[dreg:$0x8] =	wrdreg s25  }
0x15: {  	s1 =	simm.s32 $0x3;
	s3 =	simm.s32 $0x16600;
	[dreg:$0x9] =	wrdreg s26  }
0x16: {  	s21 =	simm.s32 $0x40;
	s22 =	simm.s32 $0x16800;
	s23 =	simm.s32 $0x14080  }
0x17: {  	s24 =	simm.s32 $0x18800;
	s25 =	simm.s32 $0x14100;
	s26 =	simm.s32 $0x1A800  }
.LBB2_1:
0x18: {  	s10 =	rddreg [dreg:$0x3]  }
0x19: {  	[spmem:s17], [sflag:s6] =	dma.local [hbm:s10], $0x2800  }
0x1a: {  	_ =	swait.ge [sflag:s18], $0x2800  }
0x1b: {  	[sflag:s18] =	ssyncset.done $0x0  }
0x1c: {  	[sflag:s18] =	ssyncadd.s32 $0xFFFFD800  }
0x1d: {  	[bflag:$0x0] =	sbarrier.arrive $0xFFFF  }
0x1e: {  	s10 =	simm.s32 $0x0;
	s11 =	rddreg [dreg:$0x4]  }
0x1f: {  	[tilespmem:s19], [sflag:$0x5] =	stream.linear.gather [hbm4b:s11+s10], $0x1400, $0x38;
	[tilespmem:$0x1E800] =	vst v63  }
0x20: {  	_ =	swait.ge [sflag:s18], $0x1400  }
0x21: {  	[sflag:s18] =	ssyncset.done $0x0  }
0x22: {  	s12 =	rddreg [dreg:$0x5];
	[sflag:s18] =	ssyncadd.s32 $0xFFFFEC00  }
0x23: {  	[tilespmem:s20], [sflag:$0x5] =	stream.linear.gather [hbm4b:s12+s10], $0x1400, $0x38;
	[tilespmem:$0x1E800] =	vst v63  }
0x24: {  	_ =	swait.ge [sflag:s18], $0x1400  }
0x25: {  	[sflag:s18] =	ssyncset.done $0x0  }
0x26: {  	[sflag:s18] =	ssyncadd.s32 $0xFFFFEC00  }
0x27: {  	[tilespmem:s22], [sflag:$0x1] =	stream.indirect.gather [hbm4b:s4+s21], $0x80, s19, s21, $0xb8;
	[tilespmem:$0x1E800] =	vst v63  }
0x28: {  	_ = 	snop  }
0x29: {  	[tilespmem:s24], [sflag:$0x2] =	stream.indirect.gather [hbm4b:s4+s21], $0x80, s23, s21, $0xb8;
	[tilespmem:$0x1E800] =	vst v63  }
0x2a: {  	_ = 	snop  }
0x2b: {  	[tilespmem:s26], [sflag:$0x3] =	stream.indirect.gather [hbm4b:s4+s21], $0x80, s25, s21, $0xb8;
	[tilespmem:$0x1E800] =	vst v63  }
0x2c: {  	_ = 	snop  }
0x2d: {  	[tilespmem:s29], [sflag:$0x4] =	stream.indirect.gather [hbm4b:s4+s21], $0x80, s28, s21, $0xb8;
	[tilespmem:$0x1E800] =	vst v63  }
0x2e: {  	_ =	swait.ge [sflag:s30], $0x2000  }
0x2f: {  	[sflag:s30] =	ssyncset.done $0x0  }
0x30: {  	s12 =	simm.s32 $0x15400;
	[sflag:s30] =	ssyncadd.s32 $0xFFFFE000  }
0x31: {  	[spmem:s2] =	stream.indirect.scatter.add.f32 [tilespmem:s22], [sflag:$0x5], $0x80, s12, s21, $0xb8;
	[tilespmem:$0x1E800] =	vst v63  }
0x32: {  	_ =	swait.ge [sflag:s18], $0x2000  }
0x33: {  	[sflag:s18] =	ssyncset.done $0x0  }
0x34: {  	s11 =	simm.s32 $0x14200;
	[sflag:s18] =	ssyncadd.s32 $0xFFFFE000  }
0x35: {  	[tilespmem:s22], [sflag:$0x1] =	stream.indirect.gather [hbm4b:s4+s21], $0x80, s11, s21, $0xb8;
	[tilespmem:$0x1E800] =	vst v63  }
0x36: {  	_ =	swait.ge [sflag:s31], $0x2000  }
0x37: {  	[sflag:s31] =	ssyncset.done $0x0  }
0x38: {  	s12 =	simm.s32 $0x15480;
	[sflag:s31] =	ssyncadd.s32 $0xFFFFE000  }
0x39: {  	[spmem:s2] =	stream.indirect.scatter.add.f32 [tilespmem:s24], [sflag:$0x5], $0x80, s12, s21, $0xb8;
	[tilespmem:$0x1E800] =	vst v63  }
0x3a: {  	_ =	swait.ge [sflag:s18], $0x2000  }
0x3b: {  	[sflag:s18] =	ssyncset.done $0x0  }
0x3c: {  	s11 =	simm.s32 $0x14280;
	[sflag:s18] =	ssyncadd.s32 $0xFFFFE000  }
0x3d: {  	[tilespmem:s24], [sflag:$0x2] =	stream.indirect.gather [hbm4b:s4+s21], $0x80, s11, s21, $0xb8;
	[tilespmem:$0x1E800] =	vst v63  }
0x3e: {  	_ =	swait.ge [sflag:s1], $0x2000  }
0x3f: {  	[sflag:s1] =	ssyncset.done $0x0  }
0x40: {  	s12 =	simm.s32 $0x15500;
	[sflag:s1] =	ssyncadd.s32 $0xFFFFE000  }
0x41: {  	[spmem:s2] =	stream.indirect.scatter.add.f32 [tilespmem:s26], [sflag:$0x5], $0x80, s12, s21, $0xb8;
	[tilespmem:$0x1E800] =	vst v63  }
0x42: {  	_ =	swait.ge [sflag:s18], $0x2000  }
0x43: {  	[sflag:s18] =	ssyncset.done $0x0  }
0x44: {  	s11 =	simm.s32 $0x14300;
	[sflag:s18] =	ssyncadd.s32 $0xFFFFE000  }
0x45: {  	[tilespmem:s26], [sflag:$0x3] =	stream.indirect.gather [hbm4b:s4+s21], $0x80, s11, s21, $0xb8;
	[tilespmem:$0x1E800] =	vst v63  }
0x46: {  	_ =	swait.ge [sflag:s0], $0x2000  }
0x47: {  	[sflag:s0] =	ssyncset.done $0x0  }
0x48: {  	s12 =	simm.s32 $0x15580;
	[sflag:s0] =	ssyncadd.s32 $0xFFFFE000  }
0x49: {  	[spmem:s2] =	stream.indirect.scatter.add.f32 [tilespmem:s29], [sflag:$0x5], $0x80, s12, s21, $0xb8;
	[tilespmem:$0x1E800] =	vst v63  }
0x4a: {  	_ =	swait.ge [sflag:s18], $0x2000  }
0x4b: {  	[sflag:s18] =	ssyncset.done $0x0  }
0x4c: {  	s10 =	simm.s32 $0x800;
	s11 =	simm.s32 $0x14380;
	[sflag:s18] =	ssyncadd.s32 $0xFFFFE000  }
.LBB2_2:
0x4d: {  	[tilespmem:s29], [sflag:$0x4] =	stream.indirect.gather [hbm4b:s4+s21], $0x80, s11, s21, $0xb8;
	[tilespmem:$0x1E800] =	vst v63  }
0x4e: {  	s11 =	smov.u32 s10  }
0x4f: {  	p0 =	sne.s32 s10, $0x4000;
	s10 =	sadd.s32 $0x800, s10;
	_ =	swait.ge [sflag:s30], $0x2000  }
0x50: {  	s11 =	sshra.s32 s11, $0x2;
	[sflag:s30] =	ssyncset.done $0x0  }
0x51: {  	s12 =	sadd.s32 $0x15400, s11;
	[sflag:s30] =	ssyncadd.s32 $0xFFFFE000  }
0x52: {  	[spmem:s2] =	stream.indirect.scatter.add.f32 [tilespmem:s22], [sflag:$0x5], $0x80, s12, s21, $0xb8;
	[tilespmem:$0x1E800] =	vst v63  }
0x53: {  	_ =	swait.ge [sflag:s18], $0x2000  }
0x54: {  	[sflag:s18] =	ssyncset.done $0x0  }
0x55: {  	s12 =	sadd.s32 $0x14200, s11;
	[sflag:s18] =	ssyncadd.s32 $0xFFFFE000  }
0x56: {  	[tilespmem:s22], [sflag:$0x1] =	stream.indirect.gather [hbm4b:s4+s21], $0x80, s12, s21, $0xb8;
	[tilespmem:$0x1E800] =	vst v63  }
0x57: {  	_ =	swait.ge [sflag:s31], $0x2000  }
0x58: {  	[sflag:s31] =	ssyncset.done $0x0  }
0x59: {  	s12 =	sadd.s32 $0x15480, s11;
	[sflag:s31] =	ssyncadd.s32 $0xFFFFE000  }
0x5a: {  	[spmem:s2] =	stream.indirect.scatter.add.f32 [tilespmem:s24], [sflag:$0x5], $0x80, s12, s21, $0xb8;
	[tilespmem:$0x1E800] =	vst v63  }
0x5b: {  	_ =	swait.ge [sflag:s18], $0x2000  }
0x5c: {  	[sflag:s18] =	ssyncset.done $0x0  }
0x5d: {  	s12 =	sadd.s32 $0x14280, s11;
	[sflag:s18] =	ssyncadd.s32 $0xFFFFE000  }
0x5e: {  	[tilespmem:s24], [sflag:$0x2] =	stream.indirect.gather [hbm4b:s4+s21], $0x80, s12, s21, $0xb8;
	[tilespmem:$0x1E800] =	vst v63  }
0x5f: {  	_ =	swait.ge [sflag:s1], $0x2000  }
0x60: {  	[sflag:s1] =	ssyncset.done $0x0  }
0x61: {  	s12 =	sadd.s32 $0x15500, s11;
	[sflag:s1] =	ssyncadd.s32 $0xFFFFE000  }
0x62: {  	[spmem:s2] =	stream.indirect.scatter.add.f32 [tilespmem:s26], [sflag:$0x5], $0x80, s12, s21, $0xb8;
	[tilespmem:$0x1E800] =	vst v63  }
0x63: {  	_ =	swait.ge [sflag:s18], $0x2000  }
0x64: {  	[sflag:s18] =	ssyncset.done $0x0  }
0x65: {  	s12 =	sadd.s32 $0x14300, s11;
	[sflag:s18] =	ssyncadd.s32 $0xFFFFE000  }
0x66: {  	[tilespmem:s26], [sflag:$0x3] =	stream.indirect.gather [hbm4b:s4+s21], $0x80, s12, s21, $0xb8;
	[tilespmem:$0x1E800] =	vst v63  }
0x67: {  	_ =	swait.ge [sflag:s0], $0x2000  }
0x68: {  	[sflag:s0] =	ssyncset.done $0x0  }
.Ltmp0:
0x69: {  	s12 =	sadd.s32 $0x15580, s11;
	[sflag:s0] =	ssyncadd.s32 $0xFFFFE000;
	(pc) =	sbr.rel @p0 .LBB2_2-.Ltmp0, $4  }
0x6a: {  	[spmem:s2] =	stream.indirect.scatter.add.f32 [tilespmem:s29], [sflag:$0x5], $0x80, s12, s21, $0xb8;
	[tilespmem:$0x1E800] =	vst v63  }
0x6b: {  	_ =	swait.ge [sflag:s18], $0x2000  }
0x6c: {  	[sflag:s18] =	ssyncset.done $0x0  }
0x6d: {  	s11 =	sadd.s32 $0x14380, s11;
	[sflag:s18] =	ssyncadd.s32 $0xFFFFE000  }
0x6e: {  	[tilespmem:s29], [sflag:$0x4] =	stream.indirect.gather [hbm4b:s4+s21], $0x80, s11, s21, $0xb8;
	[tilespmem:$0x1E800] =	vst v63  }
0x6f: {  	_ =	swait.ge [sflag:s30], $0x2000  }
0x70: {  	[sflag:s30] =	ssyncset.done $0x0  }
0x71: {  	[sflag:s30] =	ssyncadd.s32 $0xFFFFE000  }
0x72: {  	[spmem:s2] =	stream.indirect.scatter.add.f32 [tilespmem:s22], [sflag:$0x5], $0x80, s3, s21, $0xb8;
	[tilespmem:$0x1E800] =	vst v63  }
0x73: {  	_ =	swait.ge [sflag:s18], $0x2000  }
0x74: {  	[sflag:s18] =	ssyncset.done $0x0  }
0x75: {  	[sflag:s18] =	ssyncadd.s32 $0xFFFFE000  }
0x76: {  	_ =	swait.ge [sflag:s31], $0x2000  }
0x77: {  	[sflag:s31] =	ssyncset.done $0x0  }
0x78: {  	[sflag:s31] =	ssyncadd.s32 $0xFFFFE000  }
0x79: {  	[spmem:s2] =	stream.indirect.scatter.add.f32 [tilespmem:s24], [sflag:$0x5], $0x80, s5, s21, $0xb8;
	[tilespmem:$0x1E800] =	vst v63  }
0x7a: {  	_ =	swait.ge [sflag:s18], $0x2000  }
0x7b: {  	[sflag:s18] =	ssyncset.done $0x0  }
0x7c: {  	[sflag:s18] =	ssyncadd.s32 $0xFFFFE000  }
0x7d: {  	_ =	swait.ge [sflag:s1], $0x2000  }
0x7e: {  	[sflag:s1] =	ssyncset.done $0x0  }
0x7f: {  	[sflag:s1] =	ssyncadd.s32 $0xFFFFE000  }
0x80: {  	[spmem:s2] =	stream.indirect.scatter.add.f32 [tilespmem:s26], [sflag:$0x5], $0x80, s7, s21, $0xb8;
	[tilespmem:$0x1E800] =	vst v63  }
0x81: {  	_ =	swait.ge [sflag:s18], $0x2000  }
0x82: {  	[sflag:s18] =	ssyncset.done $0x0  }
0x83: {  	[sflag:s18] =	ssyncadd.s32 $0xFFFFE000  }
0x84: {  	_ =	swait.ge [sflag:s0], $0x2000  }
0x85: {  	[sflag:s0] =	ssyncset.done $0x0  }
0x86: {  	[sflag:s0] =	ssyncadd.s32 $0xFFFFE000  }
0x87: {  	[spmem:s2] =	stream.indirect.scatter.add.f32 [tilespmem:s29], [sflag:$0x5], $0x80, s8, s21, $0xb8;
	[tilespmem:$0x1E800] =	vst v63  }
0x88: {  	_ =	swait.ge [sflag:s18], $0x2000  }
0x89: {  	[sflag:s18] =	ssyncset.done $0x0  }
0x8a: {  	s10 =	simm.s32 $0x0;
	s12 =	rddreg [dreg:$0x6];
	[sflag:s18] =	ssyncadd.s32 $0xFFFFE000  }
0x8b: {  	[tilespmem:s19], [sflag:$0x5] =	stream.linear.gather [hbm4b:s12+s10], $0x1400, $0x38;
	[tilespmem:$0x1E800] =	vst v63  }
0x8c: {  	_ =	swait.ge [sflag:s18], $0x1400  }
0x8d: {  	[sflag:s18] =	ssyncset.done $0x0  }
0x8e: {  	s12 =	rddreg [dreg:$0x7];
	[sflag:s18] =	ssyncadd.s32 $0xFFFFEC00  }
0x8f: {  	[tilespmem:s20], [sflag:$0x5] =	stream.linear.gather [hbm4b:s12+s10], $0x1400, $0x38;
	[tilespmem:$0x1E800] =	vst v63  }
0x90: {  	_ =	swait.ge [sflag:s18], $0x1400  }
0x91: {  	[sflag:s18] =	ssyncset.done $0x0  }
0x92: {  	[sflag:s18] =	ssyncadd.s32 $0xFFFFEC00  }
0x93: {  	[tilespmem:s22], [sflag:$0x1] =	stream.indirect.gather [hbm4b:s4+s21], $0x80, s19, s21, $0xb8;
	[tilespmem:$0x1E800] =	vst v63  }
0x94: {  	_ = 	snop  }
0x95: {  	[tilespmem:s24], [sflag:$0x2] =	stream.indirect.gather [hbm4b:s4+s21], $0x80, s23, s21, $0xb8;
	[tilespmem:$0x1E800] =	vst v63  }
0x96: {  	_ = 	snop  }
0x97: {  	[tilespmem:s26], [sflag:$0x3] =	stream.indirect.gather [hbm4b:s4+s21], $0x80, s25, s21, $0xb8;
	[tilespmem:$0x1E800] =	vst v63  }
0x98: {  	_ = 	snop  }
0x99: {  	[tilespmem:s29], [sflag:$0x4] =	stream.indirect.gather [hbm4b:s4+s21], $0x80, s28, s21, $0xb8;
	[tilespmem:$0x1E800] =	vst v63  }
0x9a: {  	_ =	swait.ge [sflag:s30], $0x2000  }
0x9b: {  	[sflag:s30] =	ssyncset.done $0x0  }
0x9c: {  	s12 =	simm.s32 $0x15400;
	[sflag:s30] =	ssyncadd.s32 $0xFFFFE000  }
0x9d: {  	[spmem:s2] =	stream.indirect.scatter.add.f32 [tilespmem:s22], [sflag:$0x5], $0x80, s12, s21, $0xb8;
	[tilespmem:$0x1E800] =	vst v63  }
0x9e: {  	_ =	swait.ge [sflag:s18], $0x2000  }
0x9f: {  	[sflag:s18] =	ssyncset.done $0x0  }
0xa0: {  	s11 =	simm.s32 $0x14200;
	[sflag:s18] =	ssyncadd.s32 $0xFFFFE000  }
0xa1: {  	[tilespmem:s22], [sflag:$0x1] =	stream.indirect.gather [hbm4b:s4+s21], $0x80, s11, s21, $0xb8;
	[tilespmem:$0x1E800] =	vst v63  }
0xa2: {  	_ =	swait.ge [sflag:s31], $0x2000  }
0xa3: {  	[sflag:s31] =	ssyncset.done $0x0  }
0xa4: {  	s12 =	simm.s32 $0x15480;
	[sflag:s31] =	ssyncadd.s32 $0xFFFFE000  }
0xa5: {  	[spmem:s2] =	stream.indirect.scatter.add.f32 [tilespmem:s24], [sflag:$0x5], $0x80, s12, s21, $0xb8;
	[tilespmem:$0x1E800] =	vst v63  }
0xa6: {  	_ =	swait.ge [sflag:s18], $0x2000  }
0xa7: {  	[sflag:s18] =	ssyncset.done $0x0  }
0xa8: {  	s11 =	simm.s32 $0x14280;
	[sflag:s18] =	ssyncadd.s32 $0xFFFFE000  }
0xa9: {  	[tilespmem:s24], [sflag:$0x2] =	stream.indirect.gather [hbm4b:s4+s21], $0x80, s11, s21, $0xb8;
	[tilespmem:$0x1E800] =	vst v63  }
0xaa: {  	_ =	swait.ge [sflag:s1], $0x2000  }
0xab: {  	[sflag:s1] =	ssyncset.done $0x0  }
0xac: {  	s12 =	simm.s32 $0x15500;
	[sflag:s1] =	ssyncadd.s32 $0xFFFFE000  }
0xad: {  	[spmem:s2] =	stream.indirect.scatter.add.f32 [tilespmem:s26], [sflag:$0x5], $0x80, s12, s21, $0xb8;
	[tilespmem:$0x1E800] =	vst v63  }
0xae: {  	_ =	swait.ge [sflag:s18], $0x2000  }
0xaf: {  	[sflag:s18] =	ssyncset.done $0x0  }
0xb0: {  	s11 =	simm.s32 $0x14300;
	[sflag:s18] =	ssyncadd.s32 $0xFFFFE000  }
0xb1: {  	[tilespmem:s26], [sflag:$0x3] =	stream.indirect.gather [hbm4b:s4+s21], $0x80, s11, s21, $0xb8;
	[tilespmem:$0x1E800] =	vst v63  }
0xb2: {  	_ =	swait.ge [sflag:s0], $0x2000  }
0xb3: {  	[sflag:s0] =	ssyncset.done $0x0  }
0xb4: {  	s12 =	simm.s32 $0x15580;
	[sflag:s0] =	ssyncadd.s32 $0xFFFFE000  }
0xb5: {  	[spmem:s2] =	stream.indirect.scatter.add.f32 [tilespmem:s29], [sflag:$0x5], $0x80, s12, s21, $0xb8;
	[tilespmem:$0x1E800] =	vst v63  }
0xb6: {  	_ =	swait.ge [sflag:s18], $0x2000  }
0xb7: {  	[sflag:s18] =	ssyncset.done $0x0  }
0xb8: {  	s10 =	simm.s32 $0x800;
	s11 =	simm.s32 $0x14380;
	[sflag:s18] =	ssyncadd.s32 $0xFFFFE000  }
.LBB2_4:
0xb9: {  	[tilespmem:s29], [sflag:$0x4] =	stream.indirect.gather [hbm4b:s4+s21], $0x80, s11, s21, $0xb8;
	[tilespmem:$0x1E800] =	vst v63  }
0xba: {  	s11 =	smov.u32 s10  }
0xbb: {  	p0 =	sne.s32 s10, $0x4000;
	s10 =	sadd.s32 $0x800, s10;
	_ =	swait.ge [sflag:s30], $0x2000  }
0xbc: {  	s11 =	sshra.s32 s11, $0x2;
	[sflag:s30] =	ssyncset.done $0x0  }
0xbd: {  	s12 =	sadd.s32 $0x15400, s11;
	[sflag:s30] =	ssyncadd.s32 $0xFFFFE000  }
0xbe: {  	[spmem:s2] =	stream.indirect.scatter.add.f32 [tilespmem:s22], [sflag:$0x5], $0x80, s12, s21, $0xb8;
	[tilespmem:$0x1E800] =	vst v63  }
0xbf: {  	_ =	swait.ge [sflag:s18], $0x2000  }
0xc0: {  	[sflag:s18] =	ssyncset.done $0x0  }
0xc1: {  	s12 =	sadd.s32 $0x14200, s11;
	[sflag:s18] =	ssyncadd.s32 $0xFFFFE000  }
0xc2: {  	[tilespmem:s22], [sflag:$0x1] =	stream.indirect.gather [hbm4b:s4+s21], $0x80, s12, s21, $0xb8;
	[tilespmem:$0x1E800] =	vst v63  }
0xc3: {  	_ =	swait.ge [sflag:s31], $0x2000  }
0xc4: {  	[sflag:s31] =	ssyncset.done $0x0  }
0xc5: {  	s12 =	sadd.s32 $0x15480, s11;
	[sflag:s31] =	ssyncadd.s32 $0xFFFFE000  }
0xc6: {  	[spmem:s2] =	stream.indirect.scatter.add.f32 [tilespmem:s24], [sflag:$0x5], $0x80, s12, s21, $0xb8;
	[tilespmem:$0x1E800] =	vst v63  }
0xc7: {  	_ =	swait.ge [sflag:s18], $0x2000  }
0xc8: {  	[sflag:s18] =	ssyncset.done $0x0  }
0xc9: {  	s12 =	sadd.s32 $0x14280, s11;
	[sflag:s18] =	ssyncadd.s32 $0xFFFFE000  }
0xca: {  	[tilespmem:s24], [sflag:$0x2] =	stream.indirect.gather [hbm4b:s4+s21], $0x80, s12, s21, $0xb8;
	[tilespmem:$0x1E800] =	vst v63  }
0xcb: {  	_ =	swait.ge [sflag:s1], $0x2000  }
0xcc: {  	[sflag:s1] =	ssyncset.done $0x0  }
0xcd: {  	s12 =	sadd.s32 $0x15500, s11;
	[sflag:s1] =	ssyncadd.s32 $0xFFFFE000  }
0xce: {  	[spmem:s2] =	stream.indirect.scatter.add.f32 [tilespmem:s26], [sflag:$0x5], $0x80, s12, s21, $0xb8;
	[tilespmem:$0x1E800] =	vst v63  }
0xcf: {  	_ =	swait.ge [sflag:s18], $0x2000  }
0xd0: {  	[sflag:s18] =	ssyncset.done $0x0  }
0xd1: {  	s12 =	sadd.s32 $0x14300, s11;
	[sflag:s18] =	ssyncadd.s32 $0xFFFFE000  }
0xd2: {  	[tilespmem:s26], [sflag:$0x3] =	stream.indirect.gather [hbm4b:s4+s21], $0x80, s12, s21, $0xb8;
	[tilespmem:$0x1E800] =	vst v63  }
0xd3: {  	_ =	swait.ge [sflag:s0], $0x2000  }
0xd4: {  	[sflag:s0] =	ssyncset.done $0x0  }
.Ltmp1:
0xd5: {  	s12 =	sadd.s32 $0x15580, s11;
	[sflag:s0] =	ssyncadd.s32 $0xFFFFE000;
	(pc) =	sbr.rel @p0 .LBB2_4-.Ltmp1, $4  }
0xd6: {  	[spmem:s2] =	stream.indirect.scatter.add.f32 [tilespmem:s29], [sflag:$0x5], $0x80, s12, s21, $0xb8;
	[tilespmem:$0x1E800] =	vst v63  }
0xd7: {  	_ =	swait.ge [sflag:s18], $0x2000  }
0xd8: {  	[sflag:s18] =	ssyncset.done $0x0  }
0xd9: {  	s11 =	sadd.s32 $0x14380, s11;
	[sflag:s18] =	ssyncadd.s32 $0xFFFFE000  }
0xda: {  	[tilespmem:s29], [sflag:$0x4] =	stream.indirect.gather [hbm4b:s4+s21], $0x80, s11, s21, $0xb8;
	[tilespmem:$0x1E800] =	vst v63  }
0xdb: {  	_ =	swait.ge [sflag:s30], $0x2000  }
0xdc: {  	[sflag:s30] =	ssyncset.done $0x0  }
0xdd: {  	[sflag:s30] =	ssyncadd.s32 $0xFFFFE000  }
0xde: {  	[spmem:s2] =	stream.indirect.scatter.add.f32 [tilespmem:s22], [sflag:$0x5], $0x80, s3, s21, $0xb8;
	[tilespmem:$0x1E800] =	vst v63  }
0xdf: {  	_ =	swait.ge [sflag:s18], $0x2000  }
0xe0: {  	[sflag:s18] =	ssyncset.done $0x0  }
0xe1: {  	[sflag:s18] =	ssyncadd.s32 $0xFFFFE000  }
0xe2: {  	_ =	swait.ge [sflag:s31], $0x2000  }
0xe3: {  	[sflag:s31] =	ssyncset.done $0x0  }
0xe4: {  	[sflag:s31] =	ssyncadd.s32 $0xFFFFE000  }
0xe5: {  	[spmem:s2] =	stream.indirect.scatter.add.f32 [tilespmem:s24], [sflag:$0x5], $0x80, s5, s21, $0xb8;
	[tilespmem:$0x1E800] =	vst v63  }
0xe6: {  	_ =	swait.ge [sflag:s18], $0x2000  }
0xe7: {  	[sflag:s18] =	ssyncset.done $0x0  }
0xe8: {  	[sflag:s18] =	ssyncadd.s32 $0xFFFFE000  }
0xe9: {  	_ =	swait.ge [sflag:s1], $0x2000  }
0xea: {  	[sflag:s1] =	ssyncset.done $0x0  }
0xeb: {  	[sflag:s1] =	ssyncadd.s32 $0xFFFFE000  }
0xec: {  	[spmem:s2] =	stream.indirect.scatter.add.f32 [tilespmem:s26], [sflag:$0x5], $0x80, s7, s21, $0xb8;
	[tilespmem:$0x1E800] =	vst v63  }
0xed: {  	_ =	swait.ge [sflag:s18], $0x2000  }
0xee: {  	[sflag:s18] =	ssyncset.done $0x0  }
0xef: {  	[sflag:s18] =	ssyncadd.s32 $0xFFFFE000  }
0xf0: {  	_ =	swait.ge [sflag:s0], $0x2000  }
0xf1: {  	[sflag:s0] =	ssyncset.done $0x0  }
0xf2: {  	[sflag:s0] =	ssyncadd.s32 $0xFFFFE000  }
0xf3: {  	[spmem:s2] =	stream.indirect.scatter.add.f32 [tilespmem:s29], [sflag:$0x5], $0x80, s8, s21, $0xb8;
	[tilespmem:$0x1E800] =	vst v63  }
0xf4: {  	_ =	swait.ge [sflag:s18], $0x2000  }
0xf5: {  	[sflag:s18] =	ssyncset.done $0x0  }
0xf6: {  	s10 =	simm.s32 $0x0;
	s12 =	rddreg [dreg:$0x8];
	[sflag:s18] =	ssyncadd.s32 $0xFFFFE000  }
0xf7: {  	[tilespmem:s19], [sflag:$0x5] =	stream.linear.gather [hbm4b:s12+s10], $0x1400, $0x38;
	[tilespmem:$0x1E800] =	vst v63  }
0xf8: {  	_ =	swait.ge [sflag:s18], $0x1400  }
0xf9: {  	[sflag:s18] =	ssyncset.done $0x0  }
0xfa: {  	s12 =	rddreg [dreg:$0x9];
	[sflag:s18] =	ssyncadd.s32 $0xFFFFEC00  }
0xfb: {  	[tilespmem:s20], [sflag:$0x5] =	stream.linear.gather [hbm4b:s12+s10], $0x1400, $0x38;
	[tilespmem:$0x1E800] =	vst v63  }
0xfc: {  	_ =	swait.ge [sflag:s18], $0x1400  }
0xfd: {  	[sflag:s18] =	ssyncset.done $0x0  }
0xfe: {  	[sflag:s18] =	ssyncadd.s32 $0xFFFFEC00  }
0xff: {  	[tilespmem:s22], [sflag:$0x1] =	stream.indirect.gather [hbm4b:s4+s21], $0x80, s19, s21, $0xb8;
	[tilespmem:$0x1E800] =	vst v63  }
0x100: {  	_ = 	snop  }
0x101: {  	[tilespmem:s24], [sflag:$0x2] =	stream.indirect.gather [hbm4b:s4+s21], $0x80, s23, s21, $0xb8;
	[tilespmem:$0x1E800] =	vst v63  }
0x102: {  	_ = 	snop  }
0x103: {  	[tilespmem:s26], [sflag:$0x3] =	stream.indirect.gather [hbm4b:s4+s21], $0x80, s25, s21, $0xb8;
	[tilespmem:$0x1E800] =	vst v63  }
0x104: {  	_ = 	snop  }
0x105: {  	[tilespmem:s29], [sflag:$0x4] =	stream.indirect.gather [hbm4b:s4+s21], $0x80, s28, s21, $0xb8;
	[tilespmem:$0x1E800] =	vst v63  }
0x106: {  	_ =	swait.ge [sflag:s30], $0x2000  }
0x107: {  	[sflag:s30] =	ssyncset.done $0x0  }
0x108: {  	s12 =	simm.s32 $0x15400;
	[sflag:s30] =	ssyncadd.s32 $0xFFFFE000  }
0x109: {  	[spmem:s2] =	stream.indirect.scatter.add.f32 [tilespmem:s22], [sflag:$0x5], $0x80, s12, s21, $0xb8;
	[tilespmem:$0x1E800] =	vst v63  }
0x10a: {  	_ =	swait.ge [sflag:s18], $0x2000  }
0x10b: {  	[sflag:s18] =	ssyncset.done $0x0  }
0x10c: {  	s11 =	simm.s32 $0x14200;
	[sflag:s18] =	ssyncadd.s32 $0xFFFFE000  }
0x10d: {  	[tilespmem:s22], [sflag:$0x1] =	stream.indirect.gather [hbm4b:s4+s21], $0x80, s11, s21, $0xb8;
	[tilespmem:$0x1E800] =	vst v63  }
0x10e: {  	_ =	swait.ge [sflag:s31], $0x2000  }
0x10f: {  	[sflag:s31] =	ssyncset.done $0x0  }
0x110: {  	s12 =	simm.s32 $0x15480;
	[sflag:s31] =	ssyncadd.s32 $0xFFFFE000  }
0x111: {  	[spmem:s2] =	stream.indirect.scatter.add.f32 [tilespmem:s24], [sflag:$0x5], $0x80, s12, s21, $0xb8;
	[tilespmem:$0x1E800] =	vst v63  }
0x112: {  	_ =	swait.ge [sflag:s18], $0x2000  }
0x113: {  	[sflag:s18] =	ssyncset.done $0x0  }
0x114: {  	s11 =	simm.s32 $0x14280;
	[sflag:s18] =	ssyncadd.s32 $0xFFFFE000  }
0x115: {  	[tilespmem:s24], [sflag:$0x2] =	stream.indirect.gather [hbm4b:s4+s21], $0x80, s11, s21, $0xb8;
	[tilespmem:$0x1E800] =	vst v63  }
0x116: {  	_ =	swait.ge [sflag:s1], $0x2000  }
0x117: {  	[sflag:s1] =	ssyncset.done $0x0  }
0x118: {  	s12 =	simm.s32 $0x15500;
	[sflag:s1] =	ssyncadd.s32 $0xFFFFE000  }
0x119: {  	[spmem:s2] =	stream.indirect.scatter.add.f32 [tilespmem:s26], [sflag:$0x5], $0x80, s12, s21, $0xb8;
	[tilespmem:$0x1E800] =	vst v63  }
0x11a: {  	_ =	swait.ge [sflag:s18], $0x2000  }
0x11b: {  	[sflag:s18] =	ssyncset.done $0x0  }
0x11c: {  	s11 =	simm.s32 $0x14300;
	[sflag:s18] =	ssyncadd.s32 $0xFFFFE000  }
0x11d: {  	[tilespmem:s26], [sflag:$0x3] =	stream.indirect.gather [hbm4b:s4+s21], $0x80, s11, s21, $0xb8;
	[tilespmem:$0x1E800] =	vst v63  }
0x11e: {  	_ =	swait.ge [sflag:s0], $0x2000  }
0x11f: {  	[sflag:s0] =	ssyncset.done $0x0  }
0x120: {  	s12 =	simm.s32 $0x15580;
	[sflag:s0] =	ssyncadd.s32 $0xFFFFE000  }
0x121: {  	[spmem:s2] =	stream.indirect.scatter.add.f32 [tilespmem:s29], [sflag:$0x5], $0x80, s12, s21, $0xb8;
	[tilespmem:$0x1E800] =	vst v63  }
0x122: {  	_ =	swait.ge [sflag:s18], $0x2000  }
0x123: {  	[sflag:s18] =	ssyncset.done $0x0  }
0x124: {  	s10 =	simm.s32 $0x800;
	s11 =	simm.s32 $0x14380;
	[sflag:s18] =	ssyncadd.s32 $0xFFFFE000  }
.LBB2_6:
0x125: {  	[tilespmem:s29], [sflag:$0x4] =	stream.indirect.gather [hbm4b:s4+s21], $0x80, s11, s21, $0xb8;
	[tilespmem:$0x1E800] =	vst v63  }
0x126: {  	s11 =	smov.u32 s10  }
0x127: {  	p0 =	sne.s32 s10, $0x4000;
	s10 =	sadd.s32 $0x800, s10;
	_ =	swait.ge [sflag:s30], $0x2000  }
0x128: {  	s11 =	sshra.s32 s11, $0x2;
	[sflag:s30] =	ssyncset.done $0x0  }
0x129: {  	s12 =	sadd.s32 $0x15400, s11;
	[sflag:s30] =	ssyncadd.s32 $0xFFFFE000  }
0x12a: {  	[spmem:s2] =	stream.indirect.scatter.add.f32 [tilespmem:s22], [sflag:$0x5], $0x80, s12, s21, $0xb8;
	[tilespmem:$0x1E800] =	vst v63  }
0x12b: {  	_ =	swait.ge [sflag:s18], $0x2000  }
0x12c: {  	[sflag:s18] =	ssyncset.done $0x0  }
0x12d: {  	s12 =	sadd.s32 $0x14200, s11;
	[sflag:s18] =	ssyncadd.s32 $0xFFFFE000  }
0x12e: {  	[tilespmem:s22], [sflag:$0x1] =	stream.indirect.gather [hbm4b:s4+s21], $0x80, s12, s21, $0xb8;
	[tilespmem:$0x1E800] =	vst v63  }
0x12f: {  	_ =	swait.ge [sflag:s31], $0x2000  }
0x130: {  	[sflag:s31] =	ssyncset.done $0x0  }
0x131: {  	s12 =	sadd.s32 $0x15480, s11;
	[sflag:s31] =	ssyncadd.s32 $0xFFFFE000  }
0x132: {  	[spmem:s2] =	stream.indirect.scatter.add.f32 [tilespmem:s24], [sflag:$0x5], $0x80, s12, s21, $0xb8;
	[tilespmem:$0x1E800] =	vst v63  }
0x133: {  	_ =	swait.ge [sflag:s18], $0x2000  }
0x134: {  	[sflag:s18] =	ssyncset.done $0x0  }
0x135: {  	s12 =	sadd.s32 $0x14280, s11;
	[sflag:s18] =	ssyncadd.s32 $0xFFFFE000  }
0x136: {  	[tilespmem:s24], [sflag:$0x2] =	stream.indirect.gather [hbm4b:s4+s21], $0x80, s12, s21, $0xb8;
	[tilespmem:$0x1E800] =	vst v63  }
0x137: {  	_ =	swait.ge [sflag:s1], $0x2000  }
0x138: {  	[sflag:s1] =	ssyncset.done $0x0  }
0x139: {  	s12 =	sadd.s32 $0x15500, s11;
	[sflag:s1] =	ssyncadd.s32 $0xFFFFE000  }
0x13a: {  	[spmem:s2] =	stream.indirect.scatter.add.f32 [tilespmem:s26], [sflag:$0x5], $0x80, s12, s21, $0xb8;
	[tilespmem:$0x1E800] =	vst v63  }
0x13b: {  	_ =	swait.ge [sflag:s18], $0x2000  }
0x13c: {  	[sflag:s18] =	ssyncset.done $0x0  }
0x13d: {  	s12 =	sadd.s32 $0x14300, s11;
	[sflag:s18] =	ssyncadd.s32 $0xFFFFE000  }
0x13e: {  	[tilespmem:s26], [sflag:$0x3] =	stream.indirect.gather [hbm4b:s4+s21], $0x80, s12, s21, $0xb8;
	[tilespmem:$0x1E800] =	vst v63  }
0x13f: {  	_ =	swait.ge [sflag:s0], $0x2000  }
0x140: {  	[sflag:s0] =	ssyncset.done $0x0  }
.Ltmp2:
0x141: {  	s12 =	sadd.s32 $0x15580, s11;
	[sflag:s0] =	ssyncadd.s32 $0xFFFFE000;
	(pc) =	sbr.rel @p0 .LBB2_6-.Ltmp2, $4  }
0x142: {  	[spmem:s2] =	stream.indirect.scatter.add.f32 [tilespmem:s29], [sflag:$0x5], $0x80, s12, s21, $0xb8;
	[tilespmem:$0x1E800] =	vst v63  }
0x143: {  	_ =	swait.ge [sflag:s18], $0x2000  }
0x144: {  	[sflag:s18] =	ssyncset.done $0x0  }
0x145: {  	s11 =	sadd.s32 $0x14380, s11;
	[sflag:s18] =	ssyncadd.s32 $0xFFFFE000  }
0x146: {  	[tilespmem:s29], [sflag:$0x4] =	stream.indirect.gather [hbm4b:s4+s21], $0x80, s11, s21, $0xb8;
	[tilespmem:$0x1E800] =	vst v63  }
0x147: {  	_ =	swait.ge [sflag:s30], $0x2000  }
0x148: {  	[sflag:s30] =	ssyncset.done $0x0  }
0x149: {  	[sflag:s30] =	ssyncadd.s32 $0xFFFFE000  }
0x14a: {  	[spmem:s2] =	stream.indirect.scatter.add.f32 [tilespmem:s22], [sflag:$0x5], $0x80, s3, s21, $0xb8;
	[tilespmem:$0x1E800] =	vst v63  }
0x14b: {  	_ =	swait.ge [sflag:s18], $0x2000  }
0x14c: {  	[sflag:s18] =	ssyncset.done $0x0  }
0x14d: {  	[sflag:s18] =	ssyncadd.s32 $0xFFFFE000  }
0x14e: {  	_ =	swait.ge [sflag:s31], $0x2000  }
0x14f: {  	[sflag:s31] =	ssyncset.done $0x0  }
0x150: {  	[sflag:s31] =	ssyncadd.s32 $0xFFFFE000  }
0x151: {  	[spmem:s2] =	stream.indirect.scatter.add.f32 [tilespmem:s24], [sflag:$0x5], $0x80, s5, s21, $0xb8;
	[tilespmem:$0x1E800] =	vst v63  }
0x152: {  	_ =	swait.ge [sflag:s18], $0x2000  }
0x153: {  	[sflag:s18] =	ssyncset.done $0x0  }
0x154: {  	[sflag:s18] =	ssyncadd.s32 $0xFFFFE000  }
0x155: {  	_ =	swait.ge [sflag:s1], $0x2000  }
0x156: {  	[sflag:s1] =	ssyncset.done $0x0  }
0x157: {  	[sflag:s1] =	ssyncadd.s32 $0xFFFFE000  }
0x158: {  	[spmem:s2] =	stream.indirect.scatter.add.f32 [tilespmem:s26], [sflag:$0x5], $0x80, s7, s21, $0xb8;
	[tilespmem:$0x1E800] =	vst v63  }
0x159: {  	_ =	swait.ge [sflag:s18], $0x2000  }
0x15a: {  	[sflag:s18] =	ssyncset.done $0x0  }
0x15b: {  	[sflag:s18] =	ssyncadd.s32 $0xFFFFE000  }
0x15c: {  	_ =	swait.ge [sflag:s0], $0x2000  }
0x15d: {  	[sflag:s0] =	ssyncset.done $0x0  }
0x15e: {  	[sflag:s0] =	ssyncadd.s32 $0xFFFFE000  }
0x15f: {  	[spmem:s2] =	stream.indirect.scatter.add.f32 [tilespmem:s29], [sflag:$0x5], $0x80, s8, s21, $0xb8;
	[tilespmem:$0x1E800] =	vst v63  }
0x160: {  	_ =	swait.ge [sflag:s18], $0x2000  }
0x161: {  	[sflag:s18] =	ssyncset.done $0x0  }
0x162: {  	s10 =	simm.s32 $0x0;
	[sflag:s18] =	ssyncadd.s32 $0xFFFFE000  }
0x163: {  	[tilespmem:s19], [sflag:$0x5] =	stream.linear.gather [hbm4b:s13+s10], $0x1400, $0x38;
	[tilespmem:$0x1E800] =	vst v63  }
0x164: {  	_ =	swait.ge [sflag:s18], $0x1400  }
0x165: {  	[sflag:s18] =	ssyncset.done $0x0  }
0x166: {  	[sflag:s18] =	ssyncadd.s32 $0xFFFFEC00  }
0x167: {  	[tilespmem:s20], [sflag:$0x5] =	stream.linear.gather [hbm4b:s14+s10], $0x1400, $0x38;
	[tilespmem:$0x1E800] =	vst v63  }
0x168: {  	_ =	swait.ge [sflag:s18], $0x1400  }
0x169: {  	[sflag:s18] =	ssyncset.done $0x0  }
0x16a: {  	[sflag:s18] =	ssyncadd.s32 $0xFFFFEC00  }
0x16b: {  	[tilespmem:s22], [sflag:$0x1] =	stream.indirect.gather [hbm4b:s4+s21], $0x80, s19, s21, $0xb8;
	[tilespmem:$0x1E800] =	vst v63  }
0x16c: {  	_ = 	snop  }
0x16d: {  	[tilespmem:s24], [sflag:$0x2] =	stream.indirect.gather [hbm4b:s4+s21], $0x80, s23, s21, $0xb8;
	[tilespmem:$0x1E800] =	vst v63  }
0x16e: {  	_ = 	snop  }
0x16f: {  	[tilespmem:s26], [sflag:$0x3] =	stream.indirect.gather [hbm4b:s4+s21], $0x80, s25, s21, $0xb8;
	[tilespmem:$0x1E800] =	vst v63  }
0x170: {  	_ = 	snop  }
0x171: {  	[tilespmem:s29], [sflag:$0x4] =	stream.indirect.gather [hbm4b:s4+s21], $0x80, s28, s21, $0xb8;
	[tilespmem:$0x1E800] =	vst v63  }
0x172: {  	_ =	swait.ge [sflag:s30], $0x2000  }
0x173: {  	[sflag:s30] =	ssyncset.done $0x0  }
0x174: {  	s12 =	simm.s32 $0x15400;
	[sflag:s30] =	ssyncadd.s32 $0xFFFFE000  }
0x175: {  	[spmem:s2] =	stream.indirect.scatter.add.f32 [tilespmem:s22], [sflag:$0x5], $0x80, s12, s21, $0xb8;
	[tilespmem:$0x1E800] =	vst v63  }
0x176: {  	_ =	swait.ge [sflag:s18], $0x2000  }
0x177: {  	[sflag:s18] =	ssyncset.done $0x0  }
0x178: {  	s11 =	simm.s32 $0x14200;
	[sflag:s18] =	ssyncadd.s32 $0xFFFFE000  }
0x179: {  	[tilespmem:s22], [sflag:$0x1] =	stream.indirect.gather [hbm4b:s4+s21], $0x80, s11, s21, $0xb8;
	[tilespmem:$0x1E800] =	vst v63  }
0x17a: {  	_ =	swait.ge [sflag:s31], $0x2000  }
0x17b: {  	[sflag:s31] =	ssyncset.done $0x0  }
0x17c: {  	s12 =	simm.s32 $0x15480;
	[sflag:s31] =	ssyncadd.s32 $0xFFFFE000  }
0x17d: {  	[spmem:s2] =	stream.indirect.scatter.add.f32 [tilespmem:s24], [sflag:$0x5], $0x80, s12, s21, $0xb8;
	[tilespmem:$0x1E800] =	vst v63  }
0x17e: {  	_ =	swait.ge [sflag:s18], $0x2000  }
0x17f: {  	[sflag:s18] =	ssyncset.done $0x0  }
0x180: {  	s11 =	simm.s32 $0x14280;
	[sflag:s18] =	ssyncadd.s32 $0xFFFFE000  }
0x181: {  	[tilespmem:s24], [sflag:$0x2] =	stream.indirect.gather [hbm4b:s4+s21], $0x80, s11, s21, $0xb8;
	[tilespmem:$0x1E800] =	vst v63  }
0x182: {  	_ =	swait.ge [sflag:s1], $0x2000  }
0x183: {  	[sflag:s1] =	ssyncset.done $0x0  }
0x184: {  	s12 =	simm.s32 $0x15500;
	[sflag:s1] =	ssyncadd.s32 $0xFFFFE000  }
0x185: {  	[spmem:s2] =	stream.indirect.scatter.add.f32 [tilespmem:s26], [sflag:$0x5], $0x80, s12, s21, $0xb8;
	[tilespmem:$0x1E800] =	vst v63  }
0x186: {  	_ =	swait.ge [sflag:s18], $0x2000  }
0x187: {  	[sflag:s18] =	ssyncset.done $0x0  }
0x188: {  	s11 =	simm.s32 $0x14300;
	[sflag:s18] =	ssyncadd.s32 $0xFFFFE000  }
0x189: {  	[tilespmem:s26], [sflag:$0x3] =	stream.indirect.gather [hbm4b:s4+s21], $0x80, s11, s21, $0xb8;
	[tilespmem:$0x1E800] =	vst v63  }
0x18a: {  	_ =	swait.ge [sflag:s0], $0x2000  }
0x18b: {  	[sflag:s0] =	ssyncset.done $0x0  }
0x18c: {  	s12 =	simm.s32 $0x15580;
	[sflag:s0] =	ssyncadd.s32 $0xFFFFE000  }
0x18d: {  	[spmem:s2] =	stream.indirect.scatter.add.f32 [tilespmem:s29], [sflag:$0x5], $0x80, s12, s21, $0xb8;
	[tilespmem:$0x1E800] =	vst v63  }
0x18e: {  	_ =	swait.ge [sflag:s18], $0x2000  }
0x18f: {  	[sflag:s18] =	ssyncset.done $0x0  }
0x190: {  	s10 =	simm.s32 $0x800;
	s11 =	simm.s32 $0x14380;
	[sflag:s18] =	ssyncadd.s32 $0xFFFFE000  }
.LBB2_8:
0x191: {  	[tilespmem:s29], [sflag:$0x4] =	stream.indirect.gather [hbm4b:s4+s21], $0x80, s11, s21, $0xb8;
	[tilespmem:$0x1E800] =	vst v63  }
0x192: {  	s11 =	smov.u32 s10  }
0x193: {  	p0 =	sne.s32 s10, $0x4000;
	s10 =	sadd.s32 $0x800, s10;
	_ =	swait.ge [sflag:s30], $0x2000  }
0x194: {  	s11 =	sshra.s32 s11, $0x2;
	[sflag:s30] =	ssyncset.done $0x0  }
0x195: {  	s12 =	sadd.s32 $0x15400, s11;
	[sflag:s30] =	ssyncadd.s32 $0xFFFFE000  }
0x196: {  	[spmem:s2] =	stream.indirect.scatter.add.f32 [tilespmem:s22], [sflag:$0x5], $0x80, s12, s21, $0xb8;
	[tilespmem:$0x1E800] =	vst v63  }
0x197: {  	_ =	swait.ge [sflag:s18], $0x2000  }
0x198: {  	[sflag:s18] =	ssyncset.done $0x0  }
0x199: {  	s12 =	sadd.s32 $0x14200, s11;
	[sflag:s18] =	ssyncadd.s32 $0xFFFFE000  }
0x19a: {  	[tilespmem:s22], [sflag:$0x1] =	stream.indirect.gather [hbm4b:s4+s21], $0x80, s12, s21, $0xb8;
	[tilespmem:$0x1E800] =	vst v63  }
0x19b: {  	_ =	swait.ge [sflag:s31], $0x2000  }
0x19c: {  	[sflag:s31] =	ssyncset.done $0x0  }
0x19d: {  	s12 =	sadd.s32 $0x15480, s11;
	[sflag:s31] =	ssyncadd.s32 $0xFFFFE000  }
0x19e: {  	[spmem:s2] =	stream.indirect.scatter.add.f32 [tilespmem:s24], [sflag:$0x5], $0x80, s12, s21, $0xb8;
	[tilespmem:$0x1E800] =	vst v63  }
0x19f: {  	_ =	swait.ge [sflag:s18], $0x2000  }
0x1a0: {  	[sflag:s18] =	ssyncset.done $0x0  }
0x1a1: {  	s12 =	sadd.s32 $0x14280, s11;
	[sflag:s18] =	ssyncadd.s32 $0xFFFFE000  }
0x1a2: {  	[tilespmem:s24], [sflag:$0x2] =	stream.indirect.gather [hbm4b:s4+s21], $0x80, s12, s21, $0xb8;
	[tilespmem:$0x1E800] =	vst v63  }
0x1a3: {  	_ =	swait.ge [sflag:s1], $0x2000  }
0x1a4: {  	[sflag:s1] =	ssyncset.done $0x0  }
0x1a5: {  	s12 =	sadd.s32 $0x15500, s11;
	[sflag:s1] =	ssyncadd.s32 $0xFFFFE000  }
0x1a6: {  	[spmem:s2] =	stream.indirect.scatter.add.f32 [tilespmem:s26], [sflag:$0x5], $0x80, s12, s21, $0xb8;
	[tilespmem:$0x1E800] =	vst v63  }
0x1a7: {  	_ =	swait.ge [sflag:s18], $0x2000  }
0x1a8: {  	[sflag:s18] =	ssyncset.done $0x0  }
0x1a9: {  	s12 =	sadd.s32 $0x14300, s11;
	[sflag:s18] =	ssyncadd.s32 $0xFFFFE000  }
0x1aa: {  	[tilespmem:s26], [sflag:$0x3] =	stream.indirect.gather [hbm4b:s4+s21], $0x80, s12, s21, $0xb8;
	[tilespmem:$0x1E800] =	vst v63  }
0x1ab: {  	_ =	swait.ge [sflag:s0], $0x2000  }
0x1ac: {  	[sflag:s0] =	ssyncset.done $0x0  }
.Ltmp3:
0x1ad: {  	s12 =	sadd.s32 $0x15580, s11;
	[sflag:s0] =	ssyncadd.s32 $0xFFFFE000;
	(pc) =	sbr.rel @p0 .LBB2_8-.Ltmp3, $4  }
0x1ae: {  	[spmem:s2] =	stream.indirect.scatter.add.f32 [tilespmem:s29], [sflag:$0x5], $0x80, s12, s21, $0xb8;
	[tilespmem:$0x1E800] =	vst v63  }
0x1af: {  	_ =	swait.ge [sflag:s18], $0x2000  }
0x1b0: {  	[sflag:s18] =	ssyncset.done $0x0  }
0x1b1: {  	s11 =	sadd.s32 $0x14380, s11;
	[sflag:s18] =	ssyncadd.s32 $0xFFFFE000  }
0x1b2: {  	[tilespmem:s29], [sflag:$0x4] =	stream.indirect.gather [hbm4b:s4+s21], $0x80, s11, s21, $0xb8;
	[tilespmem:$0x1E800] =	vst v63  }
0x1b3: {  	_ =	swait.ge [sflag:s30], $0x2000  }
0x1b4: {  	[sflag:s30] =	ssyncset.done $0x0  }
0x1b5: {  	[sflag:s30] =	ssyncadd.s32 $0xFFFFE000  }
0x1b6: {  	[spmem:s2] =	stream.indirect.scatter.add.f32 [tilespmem:s22], [sflag:$0x5], $0x80, s3, s21, $0xb8;
	[tilespmem:$0x1E800] =	vst v63  }
0x1b7: {  	_ =	swait.ge [sflag:s18], $0x2000  }
0x1b8: {  	[sflag:s18] =	ssyncset.done $0x0  }
0x1b9: {  	[sflag:s18] =	ssyncadd.s32 $0xFFFFE000  }
0x1ba: {  	_ =	swait.ge [sflag:s31], $0x2000  }
0x1bb: {  	[sflag:s31] =	ssyncset.done $0x0  }
0x1bc: {  	[sflag:s31] =	ssyncadd.s32 $0xFFFFE000  }
0x1bd: {  	[spmem:s2] =	stream.indirect.scatter.add.f32 [tilespmem:s24], [sflag:$0x5], $0x80, s5, s21, $0xb8;
	[tilespmem:$0x1E800] =	vst v63  }
0x1be: {  	_ =	swait.ge [sflag:s18], $0x2000  }
0x1bf: {  	[sflag:s18] =	ssyncset.done $0x0  }
0x1c0: {  	[sflag:s18] =	ssyncadd.s32 $0xFFFFE000  }
0x1c1: {  	_ =	swait.ge [sflag:s1], $0x2000  }
0x1c2: {  	[sflag:s1] =	ssyncset.done $0x0  }
0x1c3: {  	[sflag:s1] =	ssyncadd.s32 $0xFFFFE000  }
0x1c4: {  	[spmem:s2] =	stream.indirect.scatter.add.f32 [tilespmem:s26], [sflag:$0x5], $0x80, s7, s21, $0xb8;
	[tilespmem:$0x1E800] =	vst v63  }
0x1c5: {  	_ =	swait.ge [sflag:s18], $0x2000  }
0x1c6: {  	[sflag:s18] =	ssyncset.done $0x0  }
0x1c7: {  	[sflag:s18] =	ssyncadd.s32 $0xFFFFE000  }
0x1c8: {  	_ =	swait.ge [sflag:s0], $0x2000  }
0x1c9: {  	[sflag:s0] =	ssyncset.done $0x0  }
0x1ca: {  	[sflag:s0] =	ssyncadd.s32 $0xFFFFE000  }
0x1cb: {  	[spmem:s2] =	stream.indirect.scatter.add.f32 [tilespmem:s29], [sflag:$0x5], $0x80, s8, s21, $0xb8;
	[tilespmem:$0x1E800] =	vst v63  }
0x1cc: {  	_ =	swait.ge [sflag:s18], $0x2000  }
0x1cd: {  	s9 =	sadd.s32 $0x1, s9;
	[sflag:s18] =	ssyncset.done $0x0  }
0x1ce: {  	p0 =	sne.s32 s9, s16;
	[sflag:s18] =	ssyncadd.s32 $0xFFFFE000  }
.Ltmp4:
0x1cf: {  	[bflag:$0x0] =	sbarrier.arrive $0xFFFF;
	(pc) =	sbr.rel @p0 .LBB2_1-.Ltmp4, $4  }
0x1d0: {  	[hbm:s15], [sflag:s6] =	dma.local [spmem:s17], $0x2800  }
0x1d1: {  	_ =	swait.ge [sflag:s18], $0x2800  }
0x1d2: {  	[sflag:s18] =	ssyncset.done $0x0  }
0x1d3: {  	[sflag:s18] =	ssyncadd.s32 $0xFFFFD800  }
0x1d4: {  	_ =	sfence.sel $0x180000  }
0x1d5: {  	[bflag:$0x0] =	sbarrier.arrive $0xFFFF  }
0x1d6: {  	_ =	strace $0x9000004A  }
0x1d7: {  	s0 =	stileid.u32;
	[bflag:$0x2] =	sbarrier.arrive $0xFFFF  }
0x1d8: {  	p0 =	sne.s32 s0, $0x0;
	s0 =	rddreg [dreg:$0x2]  }
0x1d9: {  	s0 =	sadd.s32 @!p0 $0x100000, s0  }
0x1da: {  	[sflag:s0] =	ssyncadd.tile.s32 @!p0 $0x1;
	_ =	shalt  }
.Lfunc_end2:
_tile_overlayer_lowered:
.L_overlay_start_2:
0x1db: {  	(tag) =	ssettag $0x2  }
0x1dc: {  	s0 =	rddreg [dreg:$0x0];
	s2 =	stileid.u32  }
0x1dd: {  	s1 =	rddreg [dreg:$0x1];
	p0 =	sne.s32 s2, $0x0  }
0x1de: {  	s3 =	rddreg [dreg:$0x2];
	[bflag:$0x3] =	sbarrier.arrive $0xFFFF;
	s2 =	simm.s32 @!p0 $0x1C05  }
0x1df: {  	[timem:s3], [sflag:s2] =	dma.local @!p0 [hbm:s0], s1  }
0x1e0: {  	s0 =	simm.s32 @!p0 $0x5  }
0x1e1: {  	_ =	swait.ge @!p0 [sflag:s0], s1  }
0x1e2: {  	s1 =	ssub.s32 @!p0 $0x0, s1;
	[sflag:s0] =	ssyncset.done @!p0 $0x0  }
0x1e3: {  	[sflag:s0] =	ssyncadd.s32 @!p0 s1  }
0x1e4: {  	[bflag:$0x3] =	sbarrier.arrive $0xFFFF  }
0x1e5: {  	_ =	shalt  }

// kernel: kernel.15.cloned.1.call-start
scs
__scs_entry_jumppad:
0x0: {  	(pc) =	sbr.rel $0x88, $3  }
0x1: {  	(tag) =	ssettag $0x0;
	lr =	simm.s32 $0x1  }
0x2: {  	[smem:$0x3F98] =	sst lr;
	_ =	strace $0xD0000000  }
0x3: {  	_ = 	snop  }
0x4: {  	_ = 	snop  }
0x5: {  	_ = 	snop  }
0x6: {  	_ = 	snop  }
0x7: {  	_ = 	snop  }
__scs_overlays_trampoline_lowered:
0x8: {  	[smem:$0x3FA7] =	sst s0  }
0x9: {  	[smem:$0x3FA8] =	sst s1  }
0xa: {  	[smem:$0x3FA9] =	sst s2  }
0xb: {  	[smem:$0x3FAA] =	sst s3  }
0xc: {  	[smem:$0x3FAB] =	sst s4  }
0xd: {  	[smem:$0x3FAC] =	sst s5  }
0xe: {  	[smem:$0x3FAD] =	sst s6  }
0xf: {  	[smem:$0x3FAE] =	sst s7  }
0x10: {  	[smem:$0x3FAF] =	sst s8  }
0x11: {  	[smem:$0x3FB0] =	sst s9;
	s0 =	simm.s32 @!p0 $0x0  }
0x12: {  	s1 =	sld [smem:$0x3F96];
	s0 =	simm.s32 @p0 $0x1  }
0x13: {  	[smem:$0x3FB1] =	sst s0;
	s0 =	simm.s32 @!p1 $0x0  }
0x14: {  	s2 =	sld [smem:$0x3F95];
	s0 =	simm.s32 @p1 $0x1  }
0x15: {  	[smem:$0x3FB2] =	sst s0;
	s0 =	simm.s32 @!p2 $0x0  }
0x16: {  	s3 =	sld [smem:$0x3FDB];
	s0 =	simm.s32 @p2 $0x1  }
0x17: {  	s4 =	simm.s32 $0x1BF5;
	[smem:$0x3FB4] =	sst s0  }
0x18: {  	s0 =	sld [smem:$0x3F97];
	_ =	swait.ge [sflag:s4], $0x0  }
0x19: {  	s7 =	sld [smem:$0x3F98]  }
0x1a: {  	s8 =	sadd.s32 $0xFFFFE003, lr  }
0x1b: {  	s9 =	sadd.s32 $0xFFFFFEF7, lr;
	s5 =	simm.s32 $0xFFFFFFFF;
	p2 =	slt.u32 s8, $0xFFFFF086  }
0x1c: {  	p1 =	slt.u32 s9, $0xF7A;
	s5 =	simm.s32 @!p2 $0x0  }
0x1d: {  	s5 =	simm.s32 @p1 $0x1;
	p0 =	seq.s32 s7, s2  }
0x1e: {  	s7 =	smul.u32 @!p0 $0xF7A, s2;
	p2 =	seq.s32 @!p0 s5, $0x0  }
0x1f: {  	s9 =	smul.u32 $0xF7A, s1;
	s8 =	simm.s32 @!p0 $0x1BF5;
	p2 =	por !p2, p0  }
0x20: {  	[sflag:s8] =	ssyncset.s32 @!p0 $0xFFFFF086;
	s6 =	sadd.s32 @!p0 s3, s7;
	s7 =	simm.s32 @!p0 $0x108  }
0x21: {  	s3 =	sadd.s32 s3, s9;
	s6 =	sadd.s32 @!p0 $0x88, s6;
	s7 =	simm.s32 @p2 $0x1082  }
0x22: {  	[simem:s7], [sflag:s8] =	dma.local @!p0 [hbm:s6], $0xF7A  }
0x23: {  	s9 =	sor.u32 $0xD0000000, s2;
	s6 =	simm.s32 $0x108;
	_ =	swait.ge @!p0 [sflag:s8], $0x0  }
0x24: {  	s3 =	sadd.s32 $0x88, s3;
	s6 =	simm.s32 @!p1 $0x1082;
	[sflag:s4] =	ssyncset.s32 $0xFFFFF086  }
0x25: {  	[simem:s6], [sflag:s4] =	dma.local [hbm:s3], $0xF7A  }
0x26: {  	[smem:$0x3F98] =	sst s1;
	(tag) =	ssettag s2;
	_ =	strace s9  }
0x27: {  	s1 =	sld [smem:$0x3FA8]  }
0x28: {  	s2 =	sld [smem:$0x3FA9]  }
0x29: {  	s4 =	sld [smem:$0x3FAB]  }
0x2a: {  	p0 =	seq.s32 s5, $0x0;
	s5 =	sld [smem:$0x3FAC]  }
0x2b: {  	s6 =	sld [smem:$0x3FAD]  }
0x2c: {  	s7 =	sld [smem:$0x3FAE]  }
0x2d: {  	s3 =	simm.s32 $0x108;
	s8 =	sld [smem:$0x3FAF]  }
0x2e: {  	s3 =	simm.s32 @!p0 $0x1082;
	s9 =	sld [smem:$0x3FB0]  }
0x2f: {  	lr =	sadd.s32 s0, s3;
	s0 =	sld [smem:$0x3FA7]  }
0x30: {  	s3 =	sld [smem:$0x3FAA]  }
0x31: {  	[smem:$0x3FB3] =	sst s10  }
0x32: {  	s10 =	sld [smem:$0x3FB1];
	_ =	sdelay $0x3  }
0x33: {  	p0 =	seq.s32 s10, $0x1;
	s10 =	sld [smem:$0x3FB3];
	_ =	sdelay $0x3  }
0x34: {  	[smem:$0x3FB3] =	sst s10  }
0x35: {  	s10 =	sld [smem:$0x3FB2];
	_ =	sdelay $0x3  }
0x36: {  	p1 =	seq.s32 s10, $0x1;
	s10 =	sld [smem:$0x3FB3];
	_ =	sdelay $0x3  }
0x37: {  	[smem:$0x3FB3] =	sst s10  }
0x38: {  	s10 =	sld [smem:$0x3FB4]  }
0x39: {  	_ = 	snop;
	(pc) =	sbr.ind lr, $3  }
0x3a: {  	_ = 	snop  }
0x3b: {  	_ = 	snop  }
0x3c: {  	p2 =	seq.s32 s10, $0x1;
	s10 =	sld [smem:$0x3FB3]  }
0x3d: {  	_ =	shalt  }
0x3e: {  	_ =	shalt  }
0x3f: {  	_ =	shalt  }
0x40: {  	_ =	shalt  }
0x41: {  	_ =	shalt  }
0x42: {  	_ =	shalt  }
0x43: {  	_ =	shalt  }
0x44: {  	_ =	shalt  }
0x45: {  	_ =	shalt  }
0x46: {  	_ =	shalt  }
0x47: {  	_ =	shalt  }
0x48: {  	_ =	shalt  }
0x49: {  	_ =	shalt  }
0x4a: {  	_ =	shalt  }
0x4b: {  	_ =	shalt  }
0x4c: {  	_ =	shalt  }
0x4d: {  	_ =	shalt  }
0x4e: {  	_ =	shalt  }
0x4f: {  	_ =	shalt  }
0x50: {  	_ =	shalt  }
0x51: {  	_ =	shalt  }
0x52: {  	_ =	shalt  }
0x53: {  	_ =	shalt  }
0x54: {  	_ =	shalt  }
0x55: {  	_ =	shalt  }
0x56: {  	_ =	shalt  }
0x57: {  	_ =	shalt  }
0x58: {  	_ =	shalt  }
0x59: {  	_ =	shalt  }
0x5a: {  	_ =	shalt  }
0x5b: {  	_ =	shalt  }
0x5c: {  	_ =	shalt  }
0x5d: {  	_ =	shalt  }
0x5e: {  	_ =	shalt  }
0x5f: {  	_ =	shalt  }
0x60: {  	_ =	shalt  }
0x61: {  	_ =	shalt  }
0x62: {  	_ =	shalt  }
0x63: {  	_ =	shalt  }
0x64: {  	_ =	shalt  }
0x65: {  	_ =	shalt  }
0x66: {  	_ =	shalt  }
0x67: {  	_ =	shalt  }
0x68: {  	_ =	shalt  }
0x69: {  	_ =	shalt  }
0x6a: {  	_ =	shalt  }
0x6b: {  	_ =	shalt  }
0x6c: {  	_ =	shalt  }
0x6d: {  	_ =	shalt  }
0x6e: {  	_ =	shalt  }
0x6f: {  	_ =	shalt  }
0x70: {  	_ =	shalt  }
0x71: {  	_ =	shalt  }
0x72: {  	_ =	shalt  }
0x73: {  	_ =	shalt  }
0x74: {  	_ =	shalt  }
0x75: {  	_ =	shalt  }
0x76: {  	_ =	shalt  }
0x77: {  	_ =	shalt  }
0x78: {  	_ =	shalt  }
0x79: {  	_ =	shalt  }
0x7a: {  	_ =	shalt  }
0x7b: {  	_ =	shalt  }
0x7c: {  	_ =	shalt  }
0x7d: {  	_ =	shalt  }
0x7e: {  	_ =	shalt  }
0x7f: {  	_ =	shalt  }
0x80: {  	_ =	shalt  }
0x81: {  	_ =	shalt  }
0x82: {  	_ =	shalt  }
0x83: {  	_ =	shalt  }
0x84: {  	_ =	shalt  }
0x85: {  	_ =	shalt  }
0x86: {  	_ =	shalt  }
0x87: {  	_ =	shalt  }
.Lfunc_end0:
.L_simem_size_0:
called_computation.2_lowered:
.L_overlay_start_0:
0x88: {  	s2 =	sld [smem:$0x3FD9]  }
0x89: {  	s3 =	sld [smem:$0x3FFE];
	_ =	sdelay $0x1  }
0x8a: {  	s1 =	srdreg.scid  }
0x8b: {  	s0 =	sand.u32 $0x1, s1  }
0x8c: {  	s16 =	sshll.u32 s0, $0xA;
	s2 =	sadd.s32 s3, s2  }
0x8d: {  	s2 =	sadd.s32 s2, s16  }
0x8e: {  	[smem:$0x3FBF] =	sst s2  }
0x8f: {  	_ = 	snop  }
0x90: {  	(tm) =	ssettm $0x1  }
0x91: {  	s17 =	sld [smem:$0x3FFB];
	_ =	sdelay $0x3  }
0x92: {  	_ =	strace s17  }
0x93: {  	s2 =	sld [smem:$0x3FFC];
	_ =	sdelay $0x3  }
0x94: {  	_ =	strace s2  }
0x95: {  	s2 =	sld [smem:$0x3FFD];
	_ =	sdelay $0x3  }
0x96: {  	_ =	strace s2  }
0x97: {  	_ =	strace $0x8FFFFFFF  }
0x98: {  	s18 =	sld [smem:$0x3FDB];
	_ =	sdelay $0x1  }
0x99: {  	s19 =	simm.s32 $_scs_section_size  }
0x9a: {  	s4 =	simm.s32 $_size__tile_overlayer_lowered;
	s5 =	simm.s32 $_tile_overlayer_lowered  }
0x9b: {  	s22 =	simm.s32 $0x1BFF;
	s21 =	sshll.u32 s5, $0x1;
	s2 =	sadd.s32 s19, s18  }
0x9c: {  	s6 =	simm.s32 $0x0;
	s20 =	sshll.u32 s4, $0x1;
	s4 =	sadd.s32 s21, s2  }
0x9d: {  	[timem:s6], [sflag:s22] =	dma.local [hbm:s4], s20  }
0x9e: {  	_ =	swait.ge [sflag:s22], s20  }
0x9f: {  	s3 =	ssub.s32 $0x0, s20;
	[sflag:s22] =	ssyncset.done $0x0  }
0xa0: {  	[sflag:s22] =	ssyncadd.s32 s3;
	_ =	sdelay $0x1  }
0xa1: {  	s23 =	simm.s32 $0x1B8B  }
0xa2: {  	_ =	swait.ge [sflag:s23], $0x1  }
0xa3: {  	[sflag:s23] =	ssyncset.done $0x0  }
0xa4: {  	s25 =	simm.s32 $0x1B8E;
	s24 =	sld [smem:$0x3FFE];
	[sflag:s23] =	ssyncadd.s32 $0xFFFFFFFF  }
0xa5: {  	s26 =	simm.s32 $execute0_lowered;
	[smem:$0x3FD2] =	sst s25  }
0xa6: {  	s4 =	sshll.u32 s26, $0x1;
	_ =	strace $0x8000004C;
	[dreg:$0x1] =	wrdreg $0xFFFFFFFF  }
0xa7: {  	s28 =	simm.s32 $_size_execute0_lowered;
	s2 =	sadd.s32 s2, s4;
	[dreg:$0x0] =	wrdreg $0x0  }
0xa8: {  	s4 =	sshll.u32 s28, $0x1;
	[dreg:$0x2] =	wrdreg s2  }
0xa9: {  	[dreg:$0x3] =	wrdreg s4  }
0xaa: {  	[dreg:$0x4] =	wrdreg $0xC0  }
0xab: {  	_ =	task [dreg:s6], $0x5FFFF  }
0xac: {  	[dreg:$0x1] =	wrdreg $0xFFFFFFFF  }
0xad: {  	[dreg:$0x0] =	wrdreg $0x60  }
0xae: {  	[dreg:$0x2] =	wrdreg s24  }
0xaf: {  	[dreg:$0x3] =	wrdreg $0x0  }
0xb0: {  	[dreg:$0x4] =	wrdreg $0x9  }
0xb1: {  	_ =	task.clear_ibuf [dreg:s6], $0x5FFFF;
	_ =	strace $0x9000004C  }
0xb2: {  	s29 =	simm.s32 $0x9;
	_ =	strace $0x8000004E  }
0xb3: {  	_ =	swait.ge [sflag:s29], $0x1  }
0xb4: {  	[sflag:s29] =	ssyncadd.s32 $0xFFFFFFFF  }
0xb5: {  	_ =	strace $0x9000004E  }
0xb6: {  	_ =	sfence  }
0xb7: {  	s30 =	sld [smem:$0x0];
	_ =	sdelay $0x2  }
0xb8: {  	s31 =	sshll.u32 s1, $0xD;
	s1 =	sshrl.u32 s1, $0x2  }
0xb9: {  	s3 =	sand.u32 $0x4000, s31;
	s1 =	sadd.s32 s1, s30  }
0xba: {  	s0 =	sor.u32 s3, s0;
	s1 =	sshll.u32 s1, $0x11  }
0xbb: {  	s0 =	sor.u32 s1, s0  }
0xbc: {  	s0 =	sadd.s32 $0x8F2B, s0  }
0xbd: {  	[sflag:s0] =	ssyncadd.remote.s32 $0x1  }
0xbe: {  	_ =	sfence.sel $0xFFFF  }
0xbf: {  	[dreg:$0x0] =	wrdreg $0xFFFFFFFF;
	(pc) =	sbr.abs _section_cstart, $3  }
0xc0: {  	[dreg:$0x1] =	wrdreg $0xFFFFFFFF  }
0xc1: {  	_ =	task.clear_ibuf [dreg:s6], $0x2FFFF;
	_ =	strace $0x9FFFFFFF  }
0xc2: {  	(tm) =	ssettm $0x7FFFFFFF  }
0xc3: {  	_ =	shalt  }
tec
execute0_lowered:
.L_overlay_start_1:
0x0: {  	(tag) =	ssettag $0x1  }
0x1: {  	s0 =	srdreg.scid;
	s3 =	rddreg [dreg:$0x0]  }
0x2: {  	s9 =	stileid.u32;
	s2 =	rddreg [dreg:$0x1]  }
0x3: {  	s4 =	simm.s32 $0x0;
	s18 =	simm.s32 $0x5;
	s28 =	simm.s32 $0x14180  }
0x4: {  	s29 =	simm.s32 $0x1C800;
	s30 =	simm.s32 $0x1;
	s31 =	simm.s32 $0x2  }
0x5: {  	s0 =	sand.u32 $0x1, s0;
	s5 =	smul.u32 $0x14000, s9;
	[smem:$0x7FF] =	sst s4  }
0x6: {  	s4 =	sadd.s32 $0x2AE00, s3;
	s7 =	smul.u32 $0x50000, s9;
	s20 =	sshll.u32 s9, $0x6  }
0x7: {  	s1 =	sshll.u32 s0, $0x4;
	s6 =	smul.u32 $0x140000, s0;
	s0 =	ssub.s32 $0x2, s0  }
0x8: {  	_ =	strace $0x8000004D;
	s1 =	sor.u32 s9, s1;
	s8 =	sshrl.u32 s0, $0x1  }
0x9: {  	s19 =	sshrl.u32 s7, $0x2;
	s9 =	simm.s32 $0x0;
	s1 =	smul.u32 $0x5000, s1  }
0xa: {  	s6 =	sadd.s32 s5, s6;
	s0 =	ssub.s32 s0, s8;
	s7 =	sadd.s32 s19, s2  }
0xb: {  	s5 =	sshrl.u32 s5, $0x3;
	s19 =	simm.s32 $0x14000;
	s8 =	simm.s32 $0x16780  }
0xc: {  	s6 =	sshrl.u32 s6, $0x3;
	s5 =	sadd.s32 s4, s5;
	s16 =	smax.u32 s0, $0x1  }
0xd: {  	s17 =	sshrl.u32 s7, $0x3;
	s0 =	simm.s32 $0x4;
	s1 =	sshrl.u32 s1, $0x3  }
0xe: {  	s7 =	simm.s32 $0x16700;
	[dreg:$0x3] =	wrdreg s5;
	s1 =	sadd.s32 s1, s3  }
0xf: {  	s5 =	simm.s32 $0x16680;
	s3 =	sadd.s32 s6, s3;
	s21 =	sadd.s32 $0x2E00, s1  }
0x10: {  	s6 =	sor.u32 $0x1C05, s20;
	s22 =	sadd.s32 $0x16E00, s1;
	[dreg:$0x4] =	wrdreg s21  }
0x11: {  	s20 =	simm.s32 $0x15400;
	s23 =	sadd.s32 $0x3080, s1;
	[dreg:$0x5] =	wrdreg s22  }
0x12: {  	s24 =	sadd.s32 $0x17080, s1;
	s25 =	sadd.s32 $0x3300, s1;
	[dreg:$0x6] =	wrdreg s23  }
0x13: {  	s26 =	sadd.s32 $0x17300, s1;
	s13 =	sadd.s32 $0x3580, s1;
	[dreg:$0x7] =	wrdreg s24  }
0x14: {  	s14 =	sadd.s32 $0x17580, s1;
	s15 =	sadd.s32 $0x52E00, s3;
	[dreg:$0x8] =	wrdreg s25  }
0x15: {  	s1 =	simm.s32 $0x3;
	s3 =	simm.s32 $0x16600;
	[dreg:$0x9] =	wrdreg s26  }
0x16: {  	s21 =	simm.s32 $0x40;
	s22 =	simm.s32 $0x16800;
	s23 =	simm.s32 $0x14080  }
0x17: {  	s24 =	simm.s32 $0x18800;
	s25 =	simm.s32 $0x14100;
	s26 =	simm.s32 $0x1A800  }
.LBB2_1:
0x18: {  	s10 =	rddreg [dreg:$0x3]  }
0x19: {  	[spmem:s17], [sflag:s6] =	dma.local [hbm:s10], $0x2800  }
0x1a: {  	_ =	swait.ge [sflag:s18], $0x2800  }
0x1b: {  	[sflag:s18] =	ssyncset.done $0x0  }
0x1c: {  	[sflag:s18] =	ssyncadd.s32 $0xFFFFD800  }
0x1d: {  	[bflag:$0x0] =	sbarrier.arrive $0xFFFF  }
0x1e: {  	s10 =	simm.s32 $0x0;
	s11 =	rddreg [dreg:$0x4]  }
0x1f: {  	[tilespmem:s19], [sflag:$0x5] =	stream.linear.gather [hbm4b:s11+s10], $0x1400, $0x38;
	[tilespmem:$0x1E800] =	vst v63  }
0x20: {  	_ =	swait.ge [sflag:s18], $0x1400  }
0x21: {  	[sflag:s18] =	ssyncset.done $0x0  }
0x22: {  	s12 =	rddreg [dreg:$0x5];
	[sflag:s18] =	ssyncadd.s32 $0xFFFFEC00  }
0x23: {  	[tilespmem:s20], [sflag:$0x5] =	stream.linear.gather [hbm4b:s12+s10], $0x1400, $0x38;
	[tilespmem:$0x1E800] =	vst v63  }
0x24: {  	_ =	swait.ge [sflag:s18], $0x1400  }
0x25: {  	[sflag:s18] =	ssyncset.done $0x0  }
0x26: {  	[sflag:s18] =	ssyncadd.s32 $0xFFFFEC00  }
0x27: {  	[tilespmem:s22], [sflag:$0x1] =	stream.indirect.gather [hbm4b:s4+s21], $0x80, s19, s21, $0xb8;
	[tilespmem:$0x1E800] =	vst v63  }
0x28: {  	_ = 	snop  }
0x29: {  	[tilespmem:s24], [sflag:$0x2] =	stream.indirect.gather [hbm4b:s4+s21], $0x80, s23, s21, $0xb8;
	[tilespmem:$0x1E800] =	vst v63  }
0x2a: {  	_ = 	snop  }
0x2b: {  	[tilespmem:s26], [sflag:$0x3] =	stream.indirect.gather [hbm4b:s4+s21], $0x80, s25, s21, $0xb8;
	[tilespmem:$0x1E800] =	vst v63  }
0x2c: {  	_ = 	snop  }
0x2d: {  	[tilespmem:s29], [sflag:$0x4] =	stream.indirect.gather [hbm4b:s4+s21], $0x80, s28, s21, $0xb8;
	[tilespmem:$0x1E800] =	vst v63  }
0x2e: {  	_ =	swait.ge [sflag:s30], $0x2000  }
0x2f: {  	[sflag:s30] =	ssyncset.done $0x0  }
0x30: {  	s12 =	simm.s32 $0x15400;
	[sflag:s30] =	ssyncadd.s32 $0xFFFFE000  }
0x31: {  	[spmem:s2] =	stream.indirect.scatter.add.f32 [tilespmem:s22], [sflag:$0x5], $0x80, s12, s21, $0xb8;
	[tilespmem:$0x1E800] =	vst v63  }
0x32: {  	_ =	swait.ge [sflag:s18], $0x2000  }
0x33: {  	[sflag:s18] =	ssyncset.done $0x0  }
0x34: {  	s11 =	simm.s32 $0x14200;
	[sflag:s18] =	ssyncadd.s32 $0xFFFFE000  }
0x35: {  	[tilespmem:s22], [sflag:$0x1] =	stream.indirect.gather [hbm4b:s4+s21], $0x80, s11, s21, $0xb8;
	[tilespmem:$0x1E800] =	vst v63  }
0x36: {  	_ =	swait.ge [sflag:s31], $0x2000  }
0x37: {  	[sflag:s31] =	ssyncset.done $0x0  }
0x38: {  	s12 =	simm.s32 $0x15480;
	[sflag:s31] =	ssyncadd.s32 $0xFFFFE000  }
0x39: {  	[spmem:s2] =	stream.indirect.scatter.add.f32 [tilespmem:s24], [sflag:$0x5], $0x80, s12, s21, $0xb8;
	[tilespmem:$0x1E800] =	vst v63  }
0x3a: {  	_ =	swait.ge [sflag:s18], $0x2000  }
0x3b: {  	[sflag:s18] =	ssyncset.done $0x0  }
0x3c: {  	s11 =	simm.s32 $0x14280;
	[sflag:s18] =	ssyncadd.s32 $0xFFFFE000  }
0x3d: {  	[tilespmem:s24], [sflag:$0x2] =	stream.indirect.gather [hbm4b:s4+s21], $0x80, s11, s21, $0xb8;
	[tilespmem:$0x1E800] =	vst v63  }
0x3e: {  	_ =	swait.ge [sflag:s1], $0x2000  }
0x3f: {  	[sflag:s1] =	ssyncset.done $0x0  }
0x40: {  	s12 =	simm.s32 $0x15500;
	[sflag:s1] =	ssyncadd.s32 $0xFFFFE000  }
0x41: {  	[spmem:s2] =	stream.indirect.scatter.add.f32 [tilespmem:s26], [sflag:$0x5], $0x80, s12, s21, $0xb8;
	[tilespmem:$0x1E800] =	vst v63  }
0x42: {  	_ =	swait.ge [sflag:s18], $0x2000  }
0x43: {  	[sflag:s18] =	ssyncset.done $0x0  }
0x44: {  	s11 =	simm.s32 $0x14300;
	[sflag:s18] =	ssyncadd.s32 $0xFFFFE000  }
0x45: {  	[tilespmem:s26], [sflag:$0x3] =	stream.indirect.gather [hbm4b:s4+s21], $0x80, s11, s21, $0xb8;
	[tilespmem:$0x1E800] =	vst v63  }
0x46: {  	_ =	swait.ge [sflag:s0], $0x2000  }
0x47: {  	[sflag:s0] =	ssyncset.done $0x0  }
0x48: {  	s12 =	simm.s32 $0x15580;
	[sflag:s0] =	ssyncadd.s32 $0xFFFFE000  }
0x49: {  	[spmem:s2] =	stream.indirect.scatter.add.f32 [tilespmem:s29], [sflag:$0x5], $0x80, s12, s21, $0xb8;
	[tilespmem:$0x1E800] =	vst v63  }
0x4a: {  	_ =	swait.ge [sflag:s18], $0x2000  }
0x4b: {  	[sflag:s18] =	ssyncset.done $0x0  }
0x4c: {  	s10 =	simm.s32 $0x800;
	s11 =	simm.s32 $0x14380;
	[sflag:s18] =	ssyncadd.s32 $0xFFFFE000  }
.LBB2_2:
0x4d: {  	[tilespmem:s29], [sflag:$0x4] =	stream.indirect.gather [hbm4b:s4+s21], $0x80, s11, s21, $0xb8;
	[tilespmem:$0x1E800] =	vst v63  }
0x4e: {  	s11 =	smov.u32 s10  }
0x4f: {  	p0 =	sne.s32 s10, $0x4000;
	s10 =	sadd.s32 $0x800, s10;
	_ =	swait.ge [sflag:s30], $0x2000  }
0x50: {  	s11 =	sshra.s32 s11, $0x2;
	[sflag:s30] =	ssyncset.done $0x0  }
0x51: {  	s12 =	sadd.s32 $0x15400, s11;
	[sflag:s30] =	ssyncadd.s32 $0xFFFFE000  }
0x52: {  	[spmem:s2] =	stream.indirect.scatter.add.f32 [tilespmem:s22], [sflag:$0x5], $0x80, s12, s21, $0xb8;
	[tilespmem:$0x1E800] =	vst v63  }
0x53: {  	_ =	swait.ge [sflag:s18], $0x2000  }
0x54: {  	[sflag:s18] =	ssyncset.done $0x0  }
0x55: {  	s12 =	sadd.s32 $0x14200, s11;
	[sflag:s18] =	ssyncadd.s32 $0xFFFFE000  }
0x56: {  	[tilespmem:s22], [sflag:$0x1] =	stream.indirect.gather [hbm4b:s4+s21], $0x80, s12, s21, $0xb8;
	[tilespmem:$0x1E800] =	vst v63  }
0x57: {  	_ =	swait.ge [sflag:s31], $0x2000  }
0x58: {  	[sflag:s31] =	ssyncset.done $0x0  }
0x59: {  	s12 =	sadd.s32 $0x15480, s11;
	[sflag:s31] =	ssyncadd.s32 $0xFFFFE000  }
0x5a: {  	[spmem:s2] =	stream.indirect.scatter.add.f32 [tilespmem:s24], [sflag:$0x5], $0x80, s12, s21, $0xb8;
	[tilespmem:$0x1E800] =	vst v63  }
0x5b: {  	_ =	swait.ge [sflag:s18], $0x2000  }
0x5c: {  	[sflag:s18] =	ssyncset.done $0x0  }
0x5d: {  	s12 =	sadd.s32 $0x14280, s11;
	[sflag:s18] =	ssyncadd.s32 $0xFFFFE000  }
0x5e: {  	[tilespmem:s24], [sflag:$0x2] =	stream.indirect.gather [hbm4b:s4+s21], $0x80, s12, s21, $0xb8;
	[tilespmem:$0x1E800] =	vst v63  }
0x5f: {  	_ =	swait.ge [sflag:s1], $0x2000  }
0x60: {  	[sflag:s1] =	ssyncset.done $0x0  }
0x61: {  	s12 =	sadd.s32 $0x15500, s11;
	[sflag:s1] =	ssyncadd.s32 $0xFFFFE000  }
0x62: {  	[spmem:s2] =	stream.indirect.scatter.add.f32 [tilespmem:s26], [sflag:$0x5], $0x80, s12, s21, $0xb8;
	[tilespmem:$0x1E800] =	vst v63  }
0x63: {  	_ =	swait.ge [sflag:s18], $0x2000  }
0x64: {  	[sflag:s18] =	ssyncset.done $0x0  }
0x65: {  	s12 =	sadd.s32 $0x14300, s11;
	[sflag:s18] =	ssyncadd.s32 $0xFFFFE000  }
0x66: {  	[tilespmem:s26], [sflag:$0x3] =	stream.indirect.gather [hbm4b:s4+s21], $0x80, s12, s21, $0xb8;
	[tilespmem:$0x1E800] =	vst v63  }
0x67: {  	_ =	swait.ge [sflag:s0], $0x2000  }
0x68: {  	[sflag:s0] =	ssyncset.done $0x0  }
.Ltmp0:
0x69: {  	s12 =	sadd.s32 $0x15580, s11;
	[sflag:s0] =	ssyncadd.s32 $0xFFFFE000;
	(pc) =	sbr.rel @p0 .LBB2_2-.Ltmp0, $4  }
0x6a: {  	[spmem:s2] =	stream.indirect.scatter.add.f32 [tilespmem:s29], [sflag:$0x5], $0x80, s12, s21, $0xb8;
	[tilespmem:$0x1E800] =	vst v63  }
0x6b: {  	_ =	swait.ge [sflag:s18], $0x2000  }
0x6c: {  	[sflag:s18] =	ssyncset.done $0x0  }
0x6d: {  	s11 =	sadd.s32 $0x14380, s11;
	[sflag:s18] =	ssyncadd.s32 $0xFFFFE000  }
0x6e: {  	[tilespmem:s29], [sflag:$0x4] =	stream.indirect.gather [hbm4b:s4+s21], $0x80, s11, s21, $0xb8;
	[tilespmem:$0x1E800] =	vst v63  }
0x6f: {  	_ =	swait.ge [sflag:s30], $0x2000  }
0x70: {  	[sflag:s30] =	ssyncset.done $0x0  }
0x71: {  	[sflag:s30] =	ssyncadd.s32 $0xFFFFE000  }
0x72: {  	[spmem:s2] =	stream.indirect.scatter.add.f32 [tilespmem:s22], [sflag:$0x5], $0x80, s3, s21, $0xb8;
	[tilespmem:$0x1E800] =	vst v63  }
0x73: {  	_ =	swait.ge [sflag:s18], $0x2000  }
0x74: {  	[sflag:s18] =	ssyncset.done $0x0  }
0x75: {  	[sflag:s18] =	ssyncadd.s32 $0xFFFFE000  }
0x76: {  	_ =	swait.ge [sflag:s31], $0x2000  }
0x77: {  	[sflag:s31] =	ssyncset.done $0x0  }
0x78: {  	[sflag:s31] =	ssyncadd.s32 $0xFFFFE000  }
0x79: {  	[spmem:s2] =	stream.indirect.scatter.add.f32 [tilespmem:s24], [sflag:$0x5], $0x80, s5, s21, $0xb8;
	[tilespmem:$0x1E800] =	vst v63  }
0x7a: {  	_ =	swait.ge [sflag:s18], $0x2000  }
0x7b: {  	[sflag:s18] =	ssyncset.done $0x0  }
0x7c: {  	[sflag:s18] =	ssyncadd.s32 $0xFFFFE000  }
0x7d: {  	_ =	swait.ge [sflag:s1], $0x2000  }
0x7e: {  	[sflag:s1] =	ssyncset.done $0x0  }
0x7f: {  	[sflag:s1] =	ssyncadd.s32 $0xFFFFE000  }
0x80: {  	[spmem:s2] =	stream.indirect.scatter.add.f32 [tilespmem:s26], [sflag:$0x5], $0x80, s7, s21, $0xb8;
	[tilespmem:$0x1E800] =	vst v63  }
0x81: {  	_ =	swait.ge [sflag:s18], $0x2000  }
0x82: {  	[sflag:s18] =	ssyncset.done $0x0  }
0x83: {  	[sflag:s18] =	ssyncadd.s32 $0xFFFFE000  }
0x84: {  	_ =	swait.ge [sflag:s0], $0x2000  }
0x85: {  	[sflag:s0] =	ssyncset.done $0x0  }
0x86: {  	[sflag:s0] =	ssyncadd.s32 $0xFFFFE000  }
0x87: {  	[spmem:s2] =	stream.indirect.scatter.add.f32 [tilespmem:s29], [sflag:$0x5], $0x80, s8, s21, $0xb8;
	[tilespmem:$0x1E800] =	vst v63  }
0x88: {  	_ =	swait.ge [sflag:s18], $0x2000  }
0x89: {  	[sflag:s18] =	ssyncset.done $0x0  }
0x8a: {  	s10 =	simm.s32 $0x0;
	s12 =	rddreg [dreg:$0x6];
	[sflag:s18] =	ssyncadd.s32 $0xFFFFE000  }
0x8b: {  	[tilespmem:s19], [sflag:$0x5] =	stream.linear.gather [hbm4b:s12+s10], $0x1400, $0x38;
	[tilespmem:$0x1E800] =	vst v63  }
0x8c: {  	_ =	swait.ge [sflag:s18], $0x1400  }
0x8d: {  	[sflag:s18] =	ssyncset.done $0x0  }
0x8e: {  	s12 =	rddreg [dreg:$0x7];
	[sflag:s18] =	ssyncadd.s32 $0xFFFFEC00  }
0x8f: {  	[tilespmem:s20], [sflag:$0x5] =	stream.linear.gather [hbm4b:s12+s10], $0x1400, $0x38;
	[tilespmem:$0x1E800] =	vst v63  }
0x90: {  	_ =	swait.ge [sflag:s18], $0x1400  }
0x91: {  	[sflag:s18] =	ssyncset.done $0x0  }
0x92: {  	[sflag:s18] =	ssyncadd.s32 $0xFFFFEC00  }
0x93: {  	[tilespmem:s22], [sflag:$0x1] =	stream.indirect.gather [hbm4b:s4+s21], $0x80, s19, s21, $0xb8;
	[tilespmem:$0x1E800] =	vst v63  }
0x94: {  	_ = 	snop  }
0x95: {  	[tilespmem:s24], [sflag:$0x2] =	stream.indirect.gather [hbm4b:s4+s21], $0x80, s23, s21, $0xb8;
	[tilespmem:$0x1E800] =	vst v63  }
0x96: {  	_ = 	snop  }
0x97: {  	[tilespmem:s26], [sflag:$0x3] =	stream.indirect.gather [hbm4b:s4+s21], $0x80, s25, s21, $0xb8;
	[tilespmem:$0x1E800] =	vst v63  }
0x98: {  	_ = 	snop  }
0x99: {  	[tilespmem:s29], [sflag:$0x4] =	stream.indirect.gather [hbm4b:s4+s21], $0x80, s28, s21, $0xb8;
	[tilespmem:$0x1E800] =	vst v63  }
0x9a: {  	_ =	swait.ge [sflag:s30], $0x2000  }
0x9b: {  	[sflag:s30] =	ssyncset.done $0x0  }
0x9c: {  	s12 =	simm.s32 $0x15400;
	[sflag:s30] =	ssyncadd.s32 $0xFFFFE000  }
0x9d: {  	[spmem:s2] =	stream.indirect.scatter.add.f32 [tilespmem:s22], [sflag:$0x5], $0x80, s12, s21, $0xb8;
	[tilespmem:$0x1E800] =	vst v63  }
0x9e: {  	_ =	swait.ge [sflag:s18], $0x2000  }
0x9f: {  	[sflag:s18] =	ssyncset.done $0x0  }
0xa0: {  	s11 =	simm.s32 $0x14200;
	[sflag:s18] =	ssyncadd.s32 $0xFFFFE000  }
0xa1: {  	[tilespmem:s22], [sflag:$0x1] =	stream.indirect.gather [hbm4b:s4+s21], $0x80, s11, s21, $0xb8;
	[tilespmem:$0x1E800] =	vst v63  }
0xa2: {  	_ =	swait.ge [sflag:s31], $0x2000  }
0xa3: {  	[sflag:s31] =	ssyncset.done $0x0  }
0xa4: {  	s12 =	simm.s32 $0x15480;
	[sflag:s31] =	ssyncadd.s32 $0xFFFFE000  }
0xa5: {  	[spmem:s2] =	stream.indirect.scatter.add.f32 [tilespmem:s24], [sflag:$0x5], $0x80, s12, s21, $0xb8;
	[tilespmem:$0x1E800] =	vst v63  }
0xa6: {  	_ =	swait.ge [sflag:s18], $0x2000  }
0xa7: {  	[sflag:s18] =	ssyncset.done $0x0  }
0xa8: {  	s11 =	simm.s32 $0x14280;
	[sflag:s18] =	ssyncadd.s32 $0xFFFFE000  }
0xa9: {  	[tilespmem:s24], [sflag:$0x2] =	stream.indirect.gather [hbm4b:s4+s21], $0x80, s11, s21, $0xb8;
	[tilespmem:$0x1E800] =	vst v63  }
0xaa: {  	_ =	swait.ge [sflag:s1], $0x2000  }
0xab: {  	[sflag:s1] =	ssyncset.done $0x0  }
0xac: {  	s12 =	simm.s32 $0x15500;
	[sflag:s1] =	ssyncadd.s32 $0xFFFFE000  }
0xad: {  	[spmem:s2] =	stream.indirect.scatter.add.f32 [tilespmem:s26], [sflag:$0x5], $0x80, s12, s21, $0xb8;
	[tilespmem:$0x1E800] =	vst v63  }
0xae: {  	_ =	swait.ge [sflag:s18], $0x2000  }
0xaf: {  	[sflag:s18] =	ssyncset.done $0x0  }
0xb0: {  	s11 =	simm.s32 $0x14300;
	[sflag:s18] =	ssyncadd.s32 $0xFFFFE000  }
0xb1: {  	[tilespmem:s26], [sflag:$0x3] =	stream.indirect.gather [hbm4b:s4+s21], $0x80, s11, s21, $0xb8;
	[tilespmem:$0x1E800] =	vst v63  }
0xb2: {  	_ =	swait.ge [sflag:s0], $0x2000  }
0xb3: {  	[sflag:s0] =	ssyncset.done $0x0  }
0xb4: {  	s12 =	simm.s32 $0x15580;
	[sflag:s0] =	ssyncadd.s32 $0xFFFFE000  }
0xb5: {  	[spmem:s2] =	stream.indirect.scatter.add.f32 [tilespmem:s29], [sflag:$0x5], $0x80, s12, s21, $0xb8;
	[tilespmem:$0x1E800] =	vst v63  }
0xb6: {  	_ =	swait.ge [sflag:s18], $0x2000  }
0xb7: {  	[sflag:s18] =	ssyncset.done $0x0  }
0xb8: {  	s10 =	simm.s32 $0x800;
	s11 =	simm.s32 $0x14380;
	[sflag:s18] =	ssyncadd.s32 $0xFFFFE000  }
.LBB2_4:
0xb9: {  	[tilespmem:s29], [sflag:$0x4] =	stream.indirect.gather [hbm4b:s4+s21], $0x80, s11, s21, $0xb8;
	[tilespmem:$0x1E800] =	vst v63  }
0xba: {  	s11 =	smov.u32 s10  }
0xbb: {  	p0 =	sne.s32 s10, $0x4000;
	s10 =	sadd.s32 $0x800, s10;
	_ =	swait.ge [sflag:s30], $0x2000  }
0xbc: {  	s11 =	sshra.s32 s11, $0x2;
	[sflag:s30] =	ssyncset.done $0x0  }
0xbd: {  	s12 =	sadd.s32 $0x15400, s11;
	[sflag:s30] =	ssyncadd.s32 $0xFFFFE000  }
0xbe: {  	[spmem:s2] =	stream.indirect.scatter.add.f32 [tilespmem:s22], [sflag:$0x5], $0x80, s12, s21, $0xb8;
	[tilespmem:$0x1E800] =	vst v63  }
0xbf: {  	_ =	swait.ge [sflag:s18], $0x2000  }
0xc0: {  	[sflag:s18] =	ssyncset.done $0x0  }
0xc1: {  	s12 =	sadd.s32 $0x14200, s11;
	[sflag:s18] =	ssyncadd.s32 $0xFFFFE000  }
0xc2: {  	[tilespmem:s22], [sflag:$0x1] =	stream.indirect.gather [hbm4b:s4+s21], $0x80, s12, s21, $0xb8;
	[tilespmem:$0x1E800] =	vst v63  }
0xc3: {  	_ =	swait.ge [sflag:s31], $0x2000  }
0xc4: {  	[sflag:s31] =	ssyncset.done $0x0  }
0xc5: {  	s12 =	sadd.s32 $0x15480, s11;
	[sflag:s31] =	ssyncadd.s32 $0xFFFFE000  }
0xc6: {  	[spmem:s2] =	stream.indirect.scatter.add.f32 [tilespmem:s24], [sflag:$0x5], $0x80, s12, s21, $0xb8;
	[tilespmem:$0x1E800] =	vst v63  }
0xc7: {  	_ =	swait.ge [sflag:s18], $0x2000  }
0xc8: {  	[sflag:s18] =	ssyncset.done $0x0  }
0xc9: {  	s12 =	sadd.s32 $0x14280, s11;
	[sflag:s18] =	ssyncadd.s32 $0xFFFFE000  }
0xca: {  	[tilespmem:s24], [sflag:$0x2] =	stream.indirect.gather [hbm4b:s4+s21], $0x80, s12, s21, $0xb8;
	[tilespmem:$0x1E800] =	vst v63  }
0xcb: {  	_ =	swait.ge [sflag:s1], $0x2000  }
0xcc: {  	[sflag:s1] =	ssyncset.done $0x0  }
0xcd: {  	s12 =	sadd.s32 $0x15500, s11;
	[sflag:s1] =	ssyncadd.s32 $0xFFFFE000  }
0xce: {  	[spmem:s2] =	stream.indirect.scatter.add.f32 [tilespmem:s26], [sflag:$0x5], $0x80, s12, s21, $0xb8;
	[tilespmem:$0x1E800] =	vst v63  }
0xcf: {  	_ =	swait.ge [sflag:s18], $0x2000  }
0xd0: {  	[sflag:s18] =	ssyncset.done $0x0  }
0xd1: {  	s12 =	sadd.s32 $0x14300, s11;
	[sflag:s18] =	ssyncadd.s32 $0xFFFFE000  }
0xd2: {  	[tilespmem:s26], [sflag:$0x3] =	stream.indirect.gather [hbm4b:s4+s21], $0x80, s12, s21, $0xb8;
	[tilespmem:$0x1E800] =	vst v63  }
0xd3: {  	_ =	swait.ge [sflag:s0], $0x2000  }
0xd4: {  	[sflag:s0] =	ssyncset.done $0x0  }
.Ltmp1:
0xd5: {  	s12 =	sadd.s32 $0x15580, s11;
	[sflag:s0] =	ssyncadd.s32 $0xFFFFE000;
	(pc) =	sbr.rel @p0 .LBB2_4-.Ltmp1, $4  }
0xd6: {  	[spmem:s2] =	stream.indirect.scatter.add.f32 [tilespmem:s29], [sflag:$0x5], $0x80, s12, s21, $0xb8;
	[tilespmem:$0x1E800] =	vst v63  }
0xd7: {  	_ =	swait.ge [sflag:s18], $0x2000  }
0xd8: {  	[sflag:s18] =	ssyncset.done $0x0  }
0xd9: {  	s11 =	sadd.s32 $0x14380, s11;
	[sflag:s18] =	ssyncadd.s32 $0xFFFFE000  }
0xda: {  	[tilespmem:s29], [sflag:$0x4] =	stream.indirect.gather [hbm4b:s4+s21], $0x80, s11, s21, $0xb8;
	[tilespmem:$0x1E800] =	vst v63  }
0xdb: {  	_ =	swait.ge [sflag:s30], $0x2000  }
0xdc: {  	[sflag:s30] =	ssyncset.done $0x0  }
0xdd: {  	[sflag:s30] =	ssyncadd.s32 $0xFFFFE000  }
0xde: {  	[spmem:s2] =	stream.indirect.scatter.add.f32 [tilespmem:s22], [sflag:$0x5], $0x80, s3, s21, $0xb8;
	[tilespmem:$0x1E800] =	vst v63  }
0xdf: {  	_ =	swait.ge [sflag:s18], $0x2000  }
0xe0: {  	[sflag:s18] =	ssyncset.done $0x0  }
0xe1: {  	[sflag:s18] =	ssyncadd.s32 $0xFFFFE000  }
0xe2: {  	_ =	swait.ge [sflag:s31], $0x2000  }
0xe3: {  	[sflag:s31] =	ssyncset.done $0x0  }
0xe4: {  	[sflag:s31] =	ssyncadd.s32 $0xFFFFE000  }
0xe5: {  	[spmem:s2] =	stream.indirect.scatter.add.f32 [tilespmem:s24], [sflag:$0x5], $0x80, s5, s21, $0xb8;
	[tilespmem:$0x1E800] =	vst v63  }
0xe6: {  	_ =	swait.ge [sflag:s18], $0x2000  }
0xe7: {  	[sflag:s18] =	ssyncset.done $0x0  }
0xe8: {  	[sflag:s18] =	ssyncadd.s32 $0xFFFFE000  }
0xe9: {  	_ =	swait.ge [sflag:s1], $0x2000  }
0xea: {  	[sflag:s1] =	ssyncset.done $0x0  }
0xeb: {  	[sflag:s1] =	ssyncadd.s32 $0xFFFFE000  }
0xec: {  	[spmem:s2] =	stream.indirect.scatter.add.f32 [tilespmem:s26], [sflag:$0x5], $0x80, s7, s21, $0xb8;
	[tilespmem:$0x1E800] =	vst v63  }
0xed: {  	_ =	swait.ge [sflag:s18], $0x2000  }
0xee: {  	[sflag:s18] =	ssyncset.done $0x0  }
0xef: {  	[sflag:s18] =	ssyncadd.s32 $0xFFFFE000  }
0xf0: {  	_ =	swait.ge [sflag:s0], $0x2000  }
0xf1: {  	[sflag:s0] =	ssyncset.done $0x0  }
0xf2: {  	[sflag:s0] =	ssyncadd.s32 $0xFFFFE000  }
0xf3: {  	[spmem:s2] =	stream.indirect.scatter.add.f32 [tilespmem:s29], [sflag:$0x5], $0x80, s8, s21, $0xb8;
	[tilespmem:$0x1E800] =	vst v63  }
0xf4: {  	_ =	swait.ge [sflag:s18], $0x2000  }
0xf5: {  	[sflag:s18] =	ssyncset.done $0x0  }
0xf6: {  	s10 =	simm.s32 $0x0;
	s12 =	rddreg [dreg:$0x8];
	[sflag:s18] =	ssyncadd.s32 $0xFFFFE000  }
0xf7: {  	[tilespmem:s19], [sflag:$0x5] =	stream.linear.gather [hbm4b:s12+s10], $0x1400, $0x38;
	[tilespmem:$0x1E800] =	vst v63  }
0xf8: {  	_ =	swait.ge [sflag:s18], $0x1400  }
0xf9: {  	[sflag:s18] =	ssyncset.done $0x0  }
0xfa: {  	s12 =	rddreg [dreg:$0x9];
	[sflag:s18] =	ssyncadd.s32 $0xFFFFEC00  }
0xfb: {  	[tilespmem:s20], [sflag:$0x5] =	stream.linear.gather [hbm4b:s12+s10], $0x1400, $0x38;
	[tilespmem:$0x1E800] =	vst v63  }
0xfc: {  	_ =	swait.ge [sflag:s18], $0x1400  }
0xfd: {  	[sflag:s18] =	ssyncset.done $0x0  }
0xfe: {  	[sflag:s18] =	ssyncadd.s32 $0xFFFFEC00  }
0xff: {  	[tilespmem:s22], [sflag:$0x1] =	stream.indirect.gather [hbm4b:s4+s21], $0x80, s19, s21, $0xb8;
	[tilespmem:$0x1E800] =	vst v63  }
0x100: {  	_ = 	snop  }
0x101: {  	[tilespmem:s24], [sflag:$0x2] =	stream.indirect.gather [hbm4b:s4+s21], $0x80, s23, s21, $0xb8;
	[tilespmem:$0x1E800] =	vst v63  }
0x102: {  	_ = 	snop  }
0x103: {  	[tilespmem:s26], [sflag:$0x3] =	stream.indirect.gather [hbm4b:s4+s21], $0x80, s25, s21, $0xb8;
	[tilespmem:$0x1E800] =	vst v63  }
0x104: {  	_ = 	snop  }
0x105: {  	[tilespmem:s29], [sflag:$0x4] =	stream.indirect.gather [hbm4b:s4+s21], $0x80, s28, s21, $0xb8;
	[tilespmem:$0x1E800] =	vst v63  }
0x106: {  	_ =	swait.ge [sflag:s30], $0x2000  }
0x107: {  	[sflag:s30] =	ssyncset.done $0x0  }
0x108: {  	s12 =	simm.s32 $0x15400;
	[sflag:s30] =	ssyncadd.s32 $0xFFFFE000  }
0x109: {  	[spmem:s2] =	stream.indirect.scatter.add.f32 [tilespmem:s22], [sflag:$0x5], $0x80, s12, s21, $0xb8;
	[tilespmem:$0x1E800] =	vst v63  }
0x10a: {  	_ =	swait.ge [sflag:s18], $0x2000  }
0x10b: {  	[sflag:s18] =	ssyncset.done $0x0  }
0x10c: {  	s11 =	simm.s32 $0x14200;
	[sflag:s18] =	ssyncadd.s32 $0xFFFFE000  }
0x10d: {  	[tilespmem:s22], [sflag:$0x1] =	stream.indirect.gather [hbm4b:s4+s21], $0x80, s11, s21, $0xb8;
	[tilespmem:$0x1E800] =	vst v63  }
0x10e: {  	_ =	swait.ge [sflag:s31], $0x2000  }
0x10f: {  	[sflag:s31] =	ssyncset.done $0x0  }
0x110: {  	s12 =	simm.s32 $0x15480;
	[sflag:s31] =	ssyncadd.s32 $0xFFFFE000  }
0x111: {  	[spmem:s2] =	stream.indirect.scatter.add.f32 [tilespmem:s24], [sflag:$0x5], $0x80, s12, s21, $0xb8;
	[tilespmem:$0x1E800] =	vst v63  }
0x112: {  	_ =	swait.ge [sflag:s18], $0x2000  }
0x113: {  	[sflag:s18] =	ssyncset.done $0x0  }
0x114: {  	s11 =	simm.s32 $0x14280;
	[sflag:s18] =	ssyncadd.s32 $0xFFFFE000  }
0x115: {  	[tilespmem:s24], [sflag:$0x2] =	stream.indirect.gather [hbm4b:s4+s21], $0x80, s11, s21, $0xb8;
	[tilespmem:$0x1E800] =	vst v63  }
0x116: {  	_ =	swait.ge [sflag:s1], $0x2000  }
0x117: {  	[sflag:s1] =	ssyncset.done $0x0  }
0x118: {  	s12 =	simm.s32 $0x15500;
	[sflag:s1] =	ssyncadd.s32 $0xFFFFE000  }
0x119: {  	[spmem:s2] =	stream.indirect.scatter.add.f32 [tilespmem:s26], [sflag:$0x5], $0x80, s12, s21, $0xb8;
	[tilespmem:$0x1E800] =	vst v63  }
0x11a: {  	_ =	swait.ge [sflag:s18], $0x2000  }
0x11b: {  	[sflag:s18] =	ssyncset.done $0x0  }
0x11c: {  	s11 =	simm.s32 $0x14300;
	[sflag:s18] =	ssyncadd.s32 $0xFFFFE000  }
0x11d: {  	[tilespmem:s26], [sflag:$0x3] =	stream.indirect.gather [hbm4b:s4+s21], $0x80, s11, s21, $0xb8;
	[tilespmem:$0x1E800] =	vst v63  }
0x11e: {  	_ =	swait.ge [sflag:s0], $0x2000  }
0x11f: {  	[sflag:s0] =	ssyncset.done $0x0  }
0x120: {  	s12 =	simm.s32 $0x15580;
	[sflag:s0] =	ssyncadd.s32 $0xFFFFE000  }
0x121: {  	[spmem:s2] =	stream.indirect.scatter.add.f32 [tilespmem:s29], [sflag:$0x5], $0x80, s12, s21, $0xb8;
	[tilespmem:$0x1E800] =	vst v63  }
0x122: {  	_ =	swait.ge [sflag:s18], $0x2000  }
0x123: {  	[sflag:s18] =	ssyncset.done $0x0  }
0x124: {  	s10 =	simm.s32 $0x800;
	s11 =	simm.s32 $0x14380;
	[sflag:s18] =	ssyncadd.s32 $0xFFFFE000  }
.LBB2_6:
0x125: {  	[tilespmem:s29], [sflag:$0x4] =	stream.indirect.gather [hbm4b:s4+s21], $0x80, s11, s21, $0xb8;
	[tilespmem:$0x1E800] =	vst v63  }
0x126: {  	s11 =	smov.u32 s10  }
0x127: {  	p0 =	sne.s32 s10, $0x4000;
	s10 =	sadd.s32 $0x800, s10;
	_ =	swait.ge [sflag:s30], $0x2000  }
0x128: {  	s11 =	sshra.s32 s11, $0x2;
	[sflag:s30] =	ssyncset.done $0x0  }
0x129: {  	s12 =	sadd.s32 $0x15400, s11;
	[sflag:s30] =	ssyncadd.s32 $0xFFFFE000  }
0x12a: {  	[spmem:s2] =	stream.indirect.scatter.add.f32 [tilespmem:s22], [sflag:$0x5], $0x80, s12, s21, $0xb8;
	[tilespmem:$0x1E800] =	vst v63  }
0x12b: {  	_ =	swait.ge [sflag:s18], $0x2000  }
0x12c: {  	[sflag:s18] =	ssyncset.done $0x0  }
0x12d: {  	s12 =	sadd.s32 $0x14200, s11;
	[sflag:s18] =	ssyncadd.s32 $0xFFFFE000  }
0x12e: {  	[tilespmem:s22], [sflag:$0x1] =	stream.indirect.gather [hbm4b:s4+s21], $0x80, s12, s21, $0xb8;
	[tilespmem:$0x1E800] =	vst v63  }
0x12f: {  	_ =	swait.ge [sflag:s31], $0x2000  }
0x130: {  	[sflag:s31] =	ssyncset.done $0x0  }
0x131: {  	s12 =	sadd.s32 $0x15480, s11;
	[sflag:s31] =	ssyncadd.s32 $0xFFFFE000  }
0x132: {  	[spmem:s2] =	stream.indirect.scatter.add.f32 [tilespmem:s24], [sflag:$0x5], $0x80, s12, s21, $0xb8;
	[tilespmem:$0x1E800] =	vst v63  }
0x133: {  	_ =	swait.ge [sflag:s18], $0x2000  }
0x134: {  	[sflag:s18] =	ssyncset.done $0x0  }
0x135: {  	s12 =	sadd.s32 $0x14280, s11;
	[sflag:s18] =	ssyncadd.s32 $0xFFFFE000  }
0x136: {  	[tilespmem:s24], [sflag:$0x2] =	stream.indirect.gather [hbm4b:s4+s21], $0x80, s12, s21, $0xb8;
	[tilespmem:$0x1E800] =	vst v63  }
0x137: {  	_ =	swait.ge [sflag:s1], $0x2000  }
0x138: {  	[sflag:s1] =	ssyncset.done $0x0  }
0x139: {  	s12 =	sadd.s32 $0x15500, s11;
	[sflag:s1] =	ssyncadd.s32 $0xFFFFE000  }
0x13a: {  	[spmem:s2] =	stream.indirect.scatter.add.f32 [tilespmem:s26], [sflag:$0x5], $0x80, s12, s21, $0xb8;
	[tilespmem:$0x1E800] =	vst v63  }
0x13b: {  	_ =	swait.ge [sflag:s18], $0x2000  }
0x13c: {  	[sflag:s18] =	ssyncset.done $0x0  }
0x13d: {  	s12 =	sadd.s32 $0x14300, s11;
	[sflag:s18] =	ssyncadd.s32 $0xFFFFE000  }
0x13e: {  	[tilespmem:s26], [sflag:$0x3] =	stream.indirect.gather [hbm4b:s4+s21], $0x80, s12, s21, $0xb8;
	[tilespmem:$0x1E800] =	vst v63  }
0x13f: {  	_ =	swait.ge [sflag:s0], $0x2000  }
0x140: {  	[sflag:s0] =	ssyncset.done $0x0  }
.Ltmp2:
0x141: {  	s12 =	sadd.s32 $0x15580, s11;
	[sflag:s0] =	ssyncadd.s32 $0xFFFFE000;
	(pc) =	sbr.rel @p0 .LBB2_6-.Ltmp2, $4  }
0x142: {  	[spmem:s2] =	stream.indirect.scatter.add.f32 [tilespmem:s29], [sflag:$0x5], $0x80, s12, s21, $0xb8;
	[tilespmem:$0x1E800] =	vst v63  }
0x143: {  	_ =	swait.ge [sflag:s18], $0x2000  }
0x144: {  	[sflag:s18] =	ssyncset.done $0x0  }
0x145: {  	s11 =	sadd.s32 $0x14380, s11;
	[sflag:s18] =	ssyncadd.s32 $0xFFFFE000  }
0x146: {  	[tilespmem:s29], [sflag:$0x4] =	stream.indirect.gather [hbm4b:s4+s21], $0x80, s11, s21, $0xb8;
	[tilespmem:$0x1E800] =	vst v63  }
0x147: {  	_ =	swait.ge [sflag:s30], $0x2000  }
0x148: {  	[sflag:s30] =	ssyncset.done $0x0  }
0x149: {  	[sflag:s30] =	ssyncadd.s32 $0xFFFFE000  }
0x14a: {  	[spmem:s2] =	stream.indirect.scatter.add.f32 [tilespmem:s22], [sflag:$0x5], $0x80, s3, s21, $0xb8;
	[tilespmem:$0x1E800] =	vst v63  }
0x14b: {  	_ =	swait.ge [sflag:s18], $0x2000  }
0x14c: {  	[sflag:s18] =	ssyncset.done $0x0  }
0x14d: {  	[sflag:s18] =	ssyncadd.s32 $0xFFFFE000  }
0x14e: {  	_ =	swait.ge [sflag:s31], $0x2000  }
0x14f: {  	[sflag:s31] =	ssyncset.done $0x0  }
0x150: {  	[sflag:s31] =	ssyncadd.s32 $0xFFFFE000  }
0x151: {  	[spmem:s2] =	stream.indirect.scatter.add.f32 [tilespmem:s24], [sflag:$0x5], $0x80, s5, s21, $0xb8;
	[tilespmem:$0x1E800] =	vst v63  }
0x152: {  	_ =	swait.ge [sflag:s18], $0x2000  }
0x153: {  	[sflag:s18] =	ssyncset.done $0x0  }
0x154: {  	[sflag:s18] =	ssyncadd.s32 $0xFFFFE000  }
0x155: {  	_ =	swait.ge [sflag:s1], $0x2000  }
0x156: {  	[sflag:s1] =	ssyncset.done $0x0  }
0x157: {  	[sflag:s1] =	ssyncadd.s32 $0xFFFFE000  }
0x158: {  	[spmem:s2] =	stream.indirect.scatter.add.f32 [tilespmem:s26], [sflag:$0x5], $0x80, s7, s21, $0xb8;
	[tilespmem:$0x1E800] =	vst v63  }
0x159: {  	_ =	swait.ge [sflag:s18], $0x2000  }
0x15a: {  	[sflag:s18] =	ssyncset.done $0x0  }
0x15b: {  	[sflag:s18] =	ssyncadd.s32 $0xFFFFE000  }
0x15c: {  	_ =	swait.ge [sflag:s0], $0x2000  }
0x15d: {  	[sflag:s0] =	ssyncset.done $0x0  }
0x15e: {  	[sflag:s0] =	ssyncadd.s32 $0xFFFFE000  }
0x15f: {  	[spmem:s2] =	stream.indirect.scatter.add.f32 [tilespmem:s29], [sflag:$0x5], $0x80, s8, s21, $0xb8;
	[tilespmem:$0x1E800] =	vst v63  }
0x160: {  	_ =	swait.ge [sflag:s18], $0x2000  }
0x161: {  	[sflag:s18] =	ssyncset.done $0x0  }
0x162: {  	s10 =	simm.s32 $0x0;
	[sflag:s18] =	ssyncadd.s32 $0xFFFFE000  }
0x163: {  	[tilespmem:s19], [sflag:$0x5] =	stream.linear.gather [hbm4b:s13+s10], $0x1400, $0x38;
	[tilespmem:$0x1E800] =	vst v63  }
0x164: {  	_ =	swait.ge [sflag:s18], $0x1400  }
0x165: {  	[sflag:s18] =	ssyncset.done $0x0  }
0x166: {  	[sflag:s18] =	ssyncadd.s32 $0xFFFFEC00  }
0x167: {  	[tilespmem:s20], [sflag:$0x5] =	stream.linear.gather [hbm4b:s14+s10], $0x1400, $0x38;
	[tilespmem:$0x1E800] =	vst v63  }
0x168: {  	_ =	swait.ge [sflag:s18], $0x1400  }
0x169: {  	[sflag:s18] =	ssyncset.done $0x0  }
0x16a: {  	[sflag:s18] =	ssyncadd.s32 $0xFFFFEC00  }
0x16b: {  	[tilespmem:s22], [sflag:$0x1] =	stream.indirect.gather [hbm4b:s4+s21], $0x80, s19, s21, $0xb8;
	[tilespmem:$0x1E800] =	vst v63  }
0x16c: {  	_ = 	snop  }
0x16d: {  	[tilespmem:s24], [sflag:$0x2] =	stream.indirect.gather [hbm4b:s4+s21], $0x80, s23, s21, $0xb8;
	[tilespmem:$0x1E800] =	vst v63  }
0x16e: {  	_ = 	snop  }
0x16f: {  	[tilespmem:s26], [sflag:$0x3] =	stream.indirect.gather [hbm4b:s4+s21], $0x80, s25, s21, $0xb8;
	[tilespmem:$0x1E800] =	vst v63  }
0x170: {  	_ = 	snop  }
0x171: {  	[tilespmem:s29], [sflag:$0x4] =	stream.indirect.gather [hbm4b:s4+s21], $0x80, s28, s21, $0xb8;
	[tilespmem:$0x1E800] =	vst v63  }
0x172: {  	_ =	swait.ge [sflag:s30], $0x2000  }
0x173: {  	[sflag:s30] =	ssyncset.done $0x0  }
0x174: {  	s12 =	simm.s32 $0x15400;
	[sflag:s30] =	ssyncadd.s32 $0xFFFFE000  }
0x175: {  	[spmem:s2] =	stream.indirect.scatter.add.f32 [tilespmem:s22], [sflag:$0x5], $0x80, s12, s21, $0xb8;
	[tilespmem:$0x1E800] =	vst v63  }
0x176: {  	_ =	swait.ge [sflag:s18], $0x2000  }
0x177: {  	[sflag:s18] =	ssyncset.done $0x0  }
0x178: {  	s11 =	simm.s32 $0x14200;
	[sflag:s18] =	ssyncadd.s32 $0xFFFFE000  }
0x179: {  	[tilespmem:s22], [sflag:$0x1] =	stream.indirect.gather [hbm4b:s4+s21], $0x80, s11, s21, $0xb8;
	[tilespmem:$0x1E800] =	vst v63  }
0x17a: {  	_ =	swait.ge [sflag:s31], $0x2000  }
0x17b: {  	[sflag:s31] =	ssyncset.done $0x0  }
0x17c: {  	s12 =	simm.s32 $0x15480;
	[sflag:s31] =	ssyncadd.s32 $0xFFFFE000  }
0x17d: {  	[spmem:s2] =	stream.indirect.scatter.add.f32 [tilespmem:s24], [sflag:$0x5], $0x80, s12, s21, $0xb8;
	[tilespmem:$0x1E800] =	vst v63  }
0x17e: {  	_ =	swait.ge [sflag:s18], $0x2000  }
0x17f: {  	[sflag:s18] =	ssyncset.done $0x0  }
0x180: {  	s11 =	simm.s32 $0x14280;
	[sflag:s18] =	ssyncadd.s32 $0xFFFFE000  }
0x181: {  	[tilespmem:s24], [sflag:$0x2] =	stream.indirect.gather [hbm4b:s4+s21], $0x80, s11, s21, $0xb8;
	[tilespmem:$0x1E800] =	vst v63  }
0x182: {  	_ =	swait.ge [sflag:s1], $0x2000  }
0x183: {  	[sflag:s1] =	ssyncset.done $0x0  }
0x184: {  	s12 =	simm.s32 $0x15500;
	[sflag:s1] =	ssyncadd.s32 $0xFFFFE000  }
0x185: {  	[spmem:s2] =	stream.indirect.scatter.add.f32 [tilespmem:s26], [sflag:$0x5], $0x80, s12, s21, $0xb8;
	[tilespmem:$0x1E800] =	vst v63  }
0x186: {  	_ =	swait.ge [sflag:s18], $0x2000  }
0x187: {  	[sflag:s18] =	ssyncset.done $0x0  }
0x188: {  	s11 =	simm.s32 $0x14300;
	[sflag:s18] =	ssyncadd.s32 $0xFFFFE000  }
0x189: {  	[tilespmem:s26], [sflag:$0x3] =	stream.indirect.gather [hbm4b:s4+s21], $0x80, s11, s21, $0xb8;
	[tilespmem:$0x1E800] =	vst v63  }
0x18a: {  	_ =	swait.ge [sflag:s0], $0x2000  }
0x18b: {  	[sflag:s0] =	ssyncset.done $0x0  }
0x18c: {  	s12 =	simm.s32 $0x15580;
	[sflag:s0] =	ssyncadd.s32 $0xFFFFE000  }
0x18d: {  	[spmem:s2] =	stream.indirect.scatter.add.f32 [tilespmem:s29], [sflag:$0x5], $0x80, s12, s21, $0xb8;
	[tilespmem:$0x1E800] =	vst v63  }
0x18e: {  	_ =	swait.ge [sflag:s18], $0x2000  }
0x18f: {  	[sflag:s18] =	ssyncset.done $0x0  }
0x190: {  	s10 =	simm.s32 $0x800;
	s11 =	simm.s32 $0x14380;
	[sflag:s18] =	ssyncadd.s32 $0xFFFFE000  }
.LBB2_8:
0x191: {  	[tilespmem:s29], [sflag:$0x4] =	stream.indirect.gather [hbm4b:s4+s21], $0x80, s11, s21, $0xb8;
	[tilespmem:$0x1E800] =	vst v63  }
0x192: {  	s11 =	smov.u32 s10  }
0x193: {  	p0 =	sne.s32 s10, $0x4000;
	s10 =	sadd.s32 $0x800, s10;
	_ =	swait.ge [sflag:s30], $0x2000  }
0x194: {  	s11 =	sshra.s32 s11, $0x2;
	[sflag:s30] =	ssyncset.done $0x0  }
0x195: {  	s12 =	sadd.s32 $0x15400, s11;
	[sflag:s30] =	ssyncadd.s32 $0xFFFFE000  }
0x196: {  	[spmem:s2] =	stream.indirect.scatter.add.f32 [tilespmem:s22], [sflag:$0x5], $0x80, s12, s21, $0xb8;
	[tilespmem:$0x1E800] =	vst v63  }
0x197: {  	_ =	swait.ge [sflag:s18], $0x2000  }
0x198: {  	[sflag:s18] =	ssyncset.done $0x0  }
0x199: {  	s12 =	sadd.s32 $0x14200, s11;
	[sflag:s18] =	ssyncadd.s32 $0xFFFFE000  }
0x19a: {  	[tilespmem:s22], [sflag:$0x1] =	stream.indirect.gather [hbm4b:s4+s21], $0x80, s12, s21, $0xb8;
	[tilespmem:$0x1E800] =	vst v63  }
0x19b: {  	_ =	swait.ge [sflag:s31], $0x2000  }
0x19c: {  	[sflag:s31] =	ssyncset.done $0x0  }
0x19d: {  	s12 =	sadd.s32 $0x15480, s11;
	[sflag:s31] =	ssyncadd.s32 $0xFFFFE000  }
0x19e: {  	[spmem:s2] =	stream.indirect.scatter.add.f32 [tilespmem:s24], [sflag:$0x5], $0x80, s12, s21, $0xb8;
	[tilespmem:$0x1E800] =	vst v63  }
0x19f: {  	_ =	swait.ge [sflag:s18], $0x2000  }
0x1a0: {  	[sflag:s18] =	ssyncset.done $0x0  }
0x1a1: {  	s12 =	sadd.s32 $0x14280, s11;
	[sflag:s18] =	ssyncadd.s32 $0xFFFFE000  }
0x1a2: {  	[tilespmem:s24], [sflag:$0x2] =	stream.indirect.gather [hbm4b:s4+s21], $0x80, s12, s21, $0xb8;
	[tilespmem:$0x1E800] =	vst v63  }
0x1a3: {  	_ =	swait.ge [sflag:s1], $0x2000  }
0x1a4: {  	[sflag:s1] =	ssyncset.done $0x0  }
0x1a5: {  	s12 =	sadd.s32 $0x15500, s11;
	[sflag:s1] =	ssyncadd.s32 $0xFFFFE000  }
0x1a6: {  	[spmem:s2] =	stream.indirect.scatter.add.f32 [tilespmem:s26], [sflag:$0x5], $0x80, s12, s21, $0xb8;
	[tilespmem:$0x1E800] =	vst v63  }
0x1a7: {  	_ =	swait.ge [sflag:s18], $0x2000  }
0x1a8: {  	[sflag:s18] =	ssyncset.done $0x0  }
0x1a9: {  	s12 =	sadd.s32 $0x14300, s11;
	[sflag:s18] =	ssyncadd.s32 $0xFFFFE000  }
0x1aa: {  	[tilespmem:s26], [sflag:$0x3] =	stream.indirect.gather [hbm4b:s4+s21], $0x80, s12, s21, $0xb8;
	[tilespmem:$0x1E800] =	vst v63  }
0x1ab: {  	_ =	swait.ge [sflag:s0], $0x2000  }
0x1ac: {  	[sflag:s0] =	ssyncset.done $0x0  }
.Ltmp3:
0x1ad: {  	s12 =	sadd.s32 $0x15580, s11;
	[sflag:s0] =	ssyncadd.s32 $0xFFFFE000;
	(pc) =	sbr.rel @p0 .LBB2_8-.Ltmp3, $4  }
0x1ae: {  	[spmem:s2] =	stream.indirect.scatter.add.f32 [tilespmem:s29], [sflag:$0x5], $0x80, s12, s21, $0xb8;
	[tilespmem:$0x1E800] =	vst v63  }
0x1af: {  	_ =	swait.ge [sflag:s18], $0x2000  }
0x1b0: {  	[sflag:s18] =	ssyncset.done $0x0  }
0x1b1: {  	s11 =	sadd.s32 $0x14380, s11;
	[sflag:s18] =	ssyncadd.s32 $0xFFFFE000  }
0x1b2: {  	[tilespmem:s29], [sflag:$0x4] =	stream.indirect.gather [hbm4b:s4+s21], $0x80, s11, s21, $0xb8;
	[tilespmem:$0x1E800] =	vst v63  }
0x1b3: {  	_ =	swait.ge [sflag:s30], $0x2000  }
0x1b4: {  	[sflag:s30] =	ssyncset.done $0x0  }
0x1b5: {  	[sflag:s30] =	ssyncadd.s32 $0xFFFFE000  }
0x1b6: {  	[spmem:s2] =	stream.indirect.scatter.add.f32 [tilespmem:s22], [sflag:$0x5], $0x80, s3, s21, $0xb8;
	[tilespmem:$0x1E800] =	vst v63  }
0x1b7: {  	_ =	swait.ge [sflag:s18], $0x2000  }
0x1b8: {  	[sflag:s18] =	ssyncset.done $0x0  }
0x1b9: {  	[sflag:s18] =	ssyncadd.s32 $0xFFFFE000  }
0x1ba: {  	_ =	swait.ge [sflag:s31], $0x2000  }
0x1bb: {  	[sflag:s31] =	ssyncset.done $0x0  }
0x1bc: {  	[sflag:s31] =	ssyncadd.s32 $0xFFFFE000  }
0x1bd: {  	[spmem:s2] =	stream.indirect.scatter.add.f32 [tilespmem:s24], [sflag:$0x5], $0x80, s5, s21, $0xb8;
	[tilespmem:$0x1E800] =	vst v63  }
0x1be: {  	_ =	swait.ge [sflag:s18], $0x2000  }
0x1bf: {  	[sflag:s18] =	ssyncset.done $0x0  }
0x1c0: {  	[sflag:s18] =	ssyncadd.s32 $0xFFFFE000  }
0x1c1: {  	_ =	swait.ge [sflag:s1], $0x2000  }
0x1c2: {  	[sflag:s1] =	ssyncset.done $0x0  }
0x1c3: {  	[sflag:s1] =	ssyncadd.s32 $0xFFFFE000  }
0x1c4: {  	[spmem:s2] =	stream.indirect.scatter.add.f32 [tilespmem:s26], [sflag:$0x5], $0x80, s7, s21, $0xb8;
	[tilespmem:$0x1E800] =	vst v63  }
0x1c5: {  	_ =	swait.ge [sflag:s18], $0x2000  }
0x1c6: {  	[sflag:s18] =	ssyncset.done $0x0  }
0x1c7: {  	[sflag:s18] =	ssyncadd.s32 $0xFFFFE000  }
0x1c8: {  	_ =	swait.ge [sflag:s0], $0x2000  }
0x1c9: {  	[sflag:s0] =	ssyncset.done $0x0  }
0x1ca: {  	[sflag:s0] =	ssyncadd.s32 $0xFFFFE000  }
0x1cb: {  	[spmem:s2] =	stream.indirect.scatter.add.f32 [tilespmem:s29], [sflag:$0x5], $0x80, s8, s21, $0xb8;
	[tilespmem:$0x1E800] =	vst v63  }
0x1cc: {  	_ =	swait.ge [sflag:s18], $0x2000  }
0x1cd: {  	s9 =	sadd.s32 $0x1, s9;
	[sflag:s18] =	ssyncset.done $0x0  }
0x1ce: {  	p0 =	sne.s32 s9, s16;
	[sflag:s18] =	ssyncadd.s32 $0xFFFFE000  }
.Ltmp4:
0x1cf: {  	[bflag:$0x0] =	sbarrier.arrive $0xFFFF;
	(pc) =	sbr.rel @p0 .LBB2_1-.Ltmp4, $4  }
0x1d0: {  	[hbm:s15], [sflag:s6] =	dma.local [spmem:s17], $0x2800  }
0x1d1: {  	_ =	swait.ge [sflag:s18], $0x2800  }
0x1d2: {  	[sflag:s18] =	ssyncset.done $0x0  }
0x1d3: {  	[sflag:s18] =	ssyncadd.s32 $0xFFFFD800  }
0x1d4: {  	_ =	sfence.sel $0x180000  }
0x1d5: {  	[bflag:$0x0] =	sbarrier.arrive $0xFFFF  }
0x1d6: {  	_ =	strace $0x9000004D  }
0x1d7: {  	s0 =	stileid.u32;
	[bflag:$0x2] =	sbarrier.arrive $0xFFFF  }
0x1d8: {  	p0 =	sne.s32 s0, $0x0;
	s0 =	rddreg [dreg:$0x2]  }
0x1d9: {  	s0 =	sadd.s32 @!p0 $0x100000, s0  }
0x1da: {  	[sflag:s0] =	ssyncadd.tile.s32 @!p0 $0x1;
	_ =	shalt  }
.Lfunc_end2:
_tile_overlayer_lowered:
.L_overlay_start_2:
0x1db: {  	(tag) =	ssettag $0x2  }
0x1dc: {  	s0 =	rddreg [dreg:$0x0];
	s2 =	stileid.u32  }
0x1dd: {  	s1 =	rddreg [dreg:$0x1];
	p0 =	sne.s32 s2, $0x0  }
0x1de: {  	s3 =	rddreg [dreg:$0x2];
	[bflag:$0x3] =	sbarrier.arrive $0xFFFF;
	s2 =	simm.s32 @!p0 $0x1C05  }
0x1df: {  	[timem:s3], [sflag:s2] =	dma.local @!p0 [hbm:s0], s1  }
0x1e0: {  	s0 =	simm.s32 @!p0 $0x5  }
0x1e1: {  	_ =	swait.ge @!p0 [sflag:s0], s1  }
0x1e2: {  	s1 =	ssub.s32 @!p0 $0x0, s1;
	[sflag:s0] =	ssyncset.done @!p0 $0x0  }
0x1e3: {  	[sflag:s0] =	ssyncadd.s32 @!p0 s1  }
0x1e4: {  	[bflag:$0x3] =	sbarrier.arrive $0xFFFF  }
0x1e5: {  	_ =	shalt  }

// kernel: kernel.9.cloned.1.call-start
scs
__scs_entry_jumppad:
0x0: {  	(pc) =	sbr.rel $0x88, $3  }
0x1: {  	(tag) =	ssettag $0x0;
	lr =	simm.s32 $0x1  }
0x2: {  	[smem:$0x3F98] =	sst lr;
	_ =	strace $0xD0000000  }
0x3: {  	_ = 	snop  }
0x4: {  	_ = 	snop  }
0x5: {  	_ = 	snop  }
0x6: {  	_ = 	snop  }
0x7: {  	_ = 	snop  }
__scs_overlays_trampoline_lowered:
0x8: {  	[smem:$0x3FA7] =	sst s0  }
0x9: {  	[smem:$0x3FA8] =	sst s1  }
0xa: {  	[smem:$0x3FA9] =	sst s2  }
0xb: {  	[smem:$0x3FAA] =	sst s3  }
0xc: {  	[smem:$0x3FAB] =	sst s4  }
0xd: {  	[smem:$0x3FAC] =	sst s5  }
0xe: {  	[smem:$0x3FAD] =	sst s6  }
0xf: {  	[smem:$0x3FAE] =	sst s7  }
0x10: {  	[smem:$0x3FAF] =	sst s8  }
0x11: {  	[smem:$0x3FB0] =	sst s9;
	s0 =	simm.s32 @!p0 $0x0  }
0x12: {  	s1 =	sld [smem:$0x3F96];
	s0 =	simm.s32 @p0 $0x1  }
0x13: {  	[smem:$0x3FB1] =	sst s0;
	s0 =	simm.s32 @!p1 $0x0  }
0x14: {  	s2 =	sld [smem:$0x3F95];
	s0 =	simm.s32 @p1 $0x1  }
0x15: {  	[smem:$0x3FB2] =	sst s0;
	s0 =	simm.s32 @!p2 $0x0  }
0x16: {  	s3 =	sld [smem:$0x3FDB];
	s0 =	simm.s32 @p2 $0x1  }
0x17: {  	s4 =	simm.s32 $0x1BF5;
	[smem:$0x3FB4] =	sst s0  }
0x18: {  	s0 =	sld [smem:$0x3F97];
	_ =	swait.ge [sflag:s4], $0x0  }
0x19: {  	s7 =	sld [smem:$0x3F98]  }
0x1a: {  	s8 =	sadd.s32 $0xFFFFE003, lr  }
0x1b: {  	s9 =	sadd.s32 $0xFFFFFEF7, lr;
	s5 =	simm.s32 $0xFFFFFFFF;
	p2 =	slt.u32 s8, $0xFFFFF086  }
0x1c: {  	p1 =	slt.u32 s9, $0xF7A;
	s5 =	simm.s32 @!p2 $0x0  }
0x1d: {  	s5 =	simm.s32 @p1 $0x1;
	p0 =	seq.s32 s7, s2  }
0x1e: {  	s7 =	smul.u32 @!p0 $0xF7A, s2;
	p2 =	seq.s32 @!p0 s5, $0x0  }
0x1f: {  	s9 =	smul.u32 $0xF7A, s1;
	s8 =	simm.s32 @!p0 $0x1BF5;
	p2 =	por !p2, p0  }
0x20: {  	[sflag:s8] =	ssyncset.s32 @!p0 $0xFFFFF086;
	s6 =	sadd.s32 @!p0 s3, s7;
	s7 =	simm.s32 @!p0 $0x108  }
0x21: {  	s3 =	sadd.s32 s3, s9;
	s6 =	sadd.s32 @!p0 $0x88, s6;
	s7 =	simm.s32 @p2 $0x1082  }
0x22: {  	[simem:s7], [sflag:s8] =	dma.local @!p0 [hbm:s6], $0xF7A  }
0x23: {  	s9 =	sor.u32 $0xD0000000, s2;
	s6 =	simm.s32 $0x108;
	_ =	swait.ge @!p0 [sflag:s8], $0x0  }
0x24: {  	s3 =	sadd.s32 $0x88, s3;
	s6 =	simm.s32 @!p1 $0x1082;
	[sflag:s4] =	ssyncset.s32 $0xFFFFF086  }
0x25: {  	[simem:s6], [sflag:s4] =	dma.local [hbm:s3], $0xF7A  }
0x26: {  	[smem:$0x3F98] =	sst s1;
	(tag) =	ssettag s2;
	_ =	strace s9  }
0x27: {  	s1 =	sld [smem:$0x3FA8]  }
0x28: {  	s2 =	sld [smem:$0x3FA9]  }
0x29: {  	s4 =	sld [smem:$0x3FAB]  }
0x2a: {  	p0 =	seq.s32 s5, $0x0;
	s5 =	sld [smem:$0x3FAC]  }
0x2b: {  	s6 =	sld [smem:$0x3FAD]  }
0x2c: {  	s7 =	sld [smem:$0x3FAE]  }
0x2d: {  	s3 =	simm.s32 $0x108;
	s8 =	sld [smem:$0x3FAF]  }
0x2e: {  	s3 =	simm.s32 @!p0 $0x1082;
	s9 =	sld [smem:$0x3FB0]  }
0x2f: {  	lr =	sadd.s32 s0, s3;
	s0 =	sld [smem:$0x3FA7]  }
0x30: {  	s3 =	sld [smem:$0x3FAA]  }
0x31: {  	[smem:$0x3FB3] =	sst s10  }
0x32: {  	s10 =	sld [smem:$0x3FB1];
	_ =	sdelay $0x3  }
0x33: {  	p0 =	seq.s32 s10, $0x1;
	s10 =	sld [smem:$0x3FB3];
	_ =	sdelay $0x3  }
0x34: {  	[smem:$0x3FB3] =	sst s10  }
0x35: {  	s10 =	sld [smem:$0x3FB2];
	_ =	sdelay $0x3  }
0x36: {  	p1 =	seq.s32 s10, $0x1;
	s10 =	sld [smem:$0x3FB3];
	_ =	sdelay $0x3  }
0x37: {  	[smem:$0x3FB3] =	sst s10  }
0x38: {  	s10 =	sld [smem:$0x3FB4]  }
0x39: {  	_ = 	snop;
	(pc) =	sbr.ind lr, $3  }
0x3a: {  	_ = 	snop  }
0x3b: {  	_ = 	snop  }
0x3c: {  	p2 =	seq.s32 s10, $0x1;
	s10 =	sld [smem:$0x3FB3]  }
0x3d: {  	_ =	shalt  }
0x3e: {  	_ =	shalt  }
0x3f: {  	_ =	shalt  }
0x40: {  	_ =	shalt  }
0x41: {  	_ =	shalt  }
0x42: {  	_ =	shalt  }
0x43: {  	_ =	shalt  }
0x44: {  	_ =	shalt  }
0x45: {  	_ =	shalt  }
0x46: {  	_ =	shalt  }
0x47: {  	_ =	shalt  }
0x48: {  	_ =	shalt  }
0x49: {  	_ =	shalt  }
0x4a: {  	_ =	shalt  }
0x4b: {  	_ =	shalt  }
0x4c: {  	_ =	shalt  }
0x4d: {  	_ =	shalt  }
0x4e: {  	_ =	shalt  }
0x4f: {  	_ =	shalt  }
0x50: {  	_ =	shalt  }
0x51: {  	_ =	shalt  }
0x52: {  	_ =	shalt  }
0x53: {  	_ =	shalt  }
0x54: {  	_ =	shalt  }
0x55: {  	_ =	shalt  }
0x56: {  	_ =	shalt  }
0x57: {  	_ =	shalt  }
0x58: {  	_ =	shalt  }
0x59: {  	_ =	shalt  }
0x5a: {  	_ =	shalt  }
0x5b: {  	_ =	shalt  }
0x5c: {  	_ =	shalt  }
0x5d: {  	_ =	shalt  }
0x5e: {  	_ =	shalt  }
0x5f: {  	_ =	shalt  }
0x60: {  	_ =	shalt  }
0x61: {  	_ =	shalt  }
0x62: {  	_ =	shalt  }
0x63: {  	_ =	shalt  }
0x64: {  	_ =	shalt  }
0x65: {  	_ =	shalt  }
0x66: {  	_ =	shalt  }
0x67: {  	_ =	shalt  }
0x68: {  	_ =	shalt  }
0x69: {  	_ =	shalt  }
0x6a: {  	_ =	shalt  }
0x6b: {  	_ =	shalt  }
0x6c: {  	_ =	shalt  }
0x6d: {  	_ =	shalt  }
0x6e: {  	_ =	shalt  }
0x6f: {  	_ =	shalt  }
0x70: {  	_ =	shalt  }
0x71: {  	_ =	shalt  }
0x72: {  	_ =	shalt  }
0x73: {  	_ =	shalt  }
0x74: {  	_ =	shalt  }
0x75: {  	_ =	shalt  }
0x76: {  	_ =	shalt  }
0x77: {  	_ =	shalt  }
0x78: {  	_ =	shalt  }
0x79: {  	_ =	shalt  }
0x7a: {  	_ =	shalt  }
0x7b: {  	_ =	shalt  }
0x7c: {  	_ =	shalt  }
0x7d: {  	_ =	shalt  }
0x7e: {  	_ =	shalt  }
0x7f: {  	_ =	shalt  }
0x80: {  	_ =	shalt  }
0x81: {  	_ =	shalt  }
0x82: {  	_ =	shalt  }
0x83: {  	_ =	shalt  }
0x84: {  	_ =	shalt  }
0x85: {  	_ =	shalt  }
0x86: {  	_ =	shalt  }
0x87: {  	_ =	shalt  }
.Lfunc_end0:
.L_simem_size_0:
called_computation_lowered:
.L_overlay_start_0:
0x88: {  	s2 =	sld [smem:$0x3FD9]  }
0x89: {  	s3 =	sld [smem:$0x3FFE];
	_ =	sdelay $0x1  }
0x8a: {  	s1 =	srdreg.scid  }
0x8b: {  	s0 =	sand.u32 $0x1, s1  }
0x8c: {  	s16 =	sshll.u32 s0, $0xA;
	s2 =	sadd.s32 s3, s2  }
0x8d: {  	s2 =	sadd.s32 s2, s16  }
0x8e: {  	[smem:$0x3FBF] =	sst s2  }
0x8f: {  	_ = 	snop  }
0x90: {  	(tm) =	ssettm $0x1  }
0x91: {  	s17 =	sld [smem:$0x3FFB];
	_ =	sdelay $0x3  }
0x92: {  	_ =	strace s17  }
0x93: {  	s2 =	sld [smem:$0x3FFC];
	_ =	sdelay $0x3  }
0x94: {  	_ =	strace s2  }
0x95: {  	s2 =	sld [smem:$0x3FFD];
	_ =	sdelay $0x3  }
0x96: {  	_ =	strace s2  }
0x97: {  	_ =	strace $0x8FFFFFFF  }
0x98: {  	s18 =	sld [smem:$0x3FDB];
	_ =	sdelay $0x1  }
0x99: {  	s19 =	simm.s32 $_scs_section_size  }
0x9a: {  	s4 =	simm.s32 $_size__tile_overlayer_lowered;
	s5 =	simm.s32 $_tile_overlayer_lowered  }
0x9b: {  	s22 =	simm.s32 $0x1BFF;
	s21 =	sshll.u32 s5, $0x1;
	s2 =	sadd.s32 s19, s18  }
0x9c: {  	s6 =	simm.s32 $0x0;
	s20 =	sshll.u32 s4, $0x1;
	s4 =	sadd.s32 s21, s2  }
0x9d: {  	[timem:s6], [sflag:s22] =	dma.local [hbm:s4], s20  }
0x9e: {  	_ =	swait.ge [sflag:s22], s20  }
0x9f: {  	s3 =	ssub.s32 $0x0, s20;
	[sflag:s22] =	ssyncset.done $0x0  }
0xa0: {  	[sflag:s22] =	ssyncadd.s32 s3;
	_ =	sdelay $0x1  }
0xa1: {  	s23 =	simm.s32 $0x1B8B  }
0xa2: {  	_ =	swait.ge [sflag:s23], $0x1  }
0xa3: {  	[sflag:s23] =	ssyncset.done $0x0  }
0xa4: {  	s25 =	simm.s32 $0x1B8E;
	s24 =	sld [smem:$0x3FFE];
	[sflag:s23] =	ssyncadd.s32 $0xFFFFFFFF  }
0xa5: {  	s26 =	simm.s32 $execute0_lowered;
	[smem:$0x3FD2] =	sst s25  }
0xa6: {  	s4 =	sshll.u32 s26, $0x1;
	_ =	strace $0x80000046;
	[dreg:$0x1] =	wrdreg $0xFFFFFFFF  }
0xa7: {  	s28 =	simm.s32 $_size_execute0_lowered;
	s2 =	sadd.s32 s2, s4;
	[dreg:$0x0] =	wrdreg $0x0  }
0xa8: {  	s4 =	sshll.u32 s28, $0x1;
	[dreg:$0x2] =	wrdreg s2  }
0xa9: {  	[dreg:$0x3] =	wrdreg s4  }
0xaa: {  	[dreg:$0x4] =	wrdreg $0xC0  }
0xab: {  	_ =	task [dreg:s6], $0x5FFFF  }
0xac: {  	[dreg:$0x1] =	wrdreg $0xFFFFFFFF  }
0xad: {  	[dreg:$0x0] =	wrdreg $0x60  }
0xae: {  	[dreg:$0x2] =	wrdreg s24  }
0xaf: {  	[dreg:$0x3] =	wrdreg $0x0  }
0xb0: {  	[dreg:$0x4] =	wrdreg $0x9  }
0xb1: {  	_ =	task.clear_ibuf [dreg:s6], $0x5FFFF;
	_ =	strace $0x90000046  }
0xb2: {  	s29 =	simm.s32 $0x9;
	_ =	strace $0x80000048  }
0xb3: {  	_ =	swait.ge [sflag:s29], $0x1  }
0xb4: {  	[sflag:s29] =	ssyncadd.s32 $0xFFFFFFFF  }
0xb5: {  	_ =	strace $0x90000048  }
0xb6: {  	_ =	sfence  }
0xb7: {  	s30 =	sld [smem:$0x0];
	_ =	sdelay $0x2  }
0xb8: {  	s31 =	sshll.u32 s1, $0xD;
	s1 =	sshrl.u32 s1, $0x2  }
0xb9: {  	s3 =	sand.u32 $0x4000, s31;
	s1 =	sadd.s32 s1, s30  }
0xba: {  	s0 =	sor.u32 s3, s0;
	s1 =	sshll.u32 s1, $0x11  }
0xbb: {  	s0 =	sor.u32 s1, s0  }
0xbc: {  	s0 =	sadd.s32 $0x8F2B, s0  }
0xbd: {  	[sflag:s0] =	ssyncadd.remote.s32 $0x1  }
0xbe: {  	_ =	sfence.sel $0xFFFF  }
0xbf: {  	[dreg:$0x0] =	wrdreg $0xFFFFFFFF;
	(pc) =	sbr.abs _section_cstart, $3  }
0xc0: {  	[dreg:$0x1] =	wrdreg $0xFFFFFFFF  }
0xc1: {  	_ =	task.clear_ibuf [dreg:s6], $0x2FFFF;
	_ =	strace $0x9FFFFFFF  }
0xc2: {  	(tm) =	ssettm $0x7FFFFFFF  }
0xc3: {  	_ =	shalt  }
tec
execute0_lowered:
.L_overlay_start_1:
0x0: {  	(tag) =	ssettag $0x1  }
0x1: {  	s4 =	rddreg [dreg:$0x0]  }
0x2: {  	s6 =	rddreg [dreg:$0x1]  }
0x3: {  	s0 =	rddreg [dreg:$0x2]  }
0x4: {  	s3 =	srdreg.scid;
	s1 =	stileid.u32  }
0x5: {  	s2 =	simm.s32 $0x0;
	s12 =	simm.s32 $0x80;
	s13 =	simm.s32 $0x400  }
0x6: {  	s14 =	simm.s32 $0x1400;
	s15 =	simm.s32 $0x14000;
	s16 =	simm.s32 $0xA000  }
0x7: {  	s17 =	simm.s32 $0x100;
	s18 =	simm.s32 $0xC800;
	s19 =	simm.s32 $0x0  }
0x8: {  	s5 =	sand.u32 $0x1, s3;
	s29 =	smul.u32 $0x500, s1;
	[smem:$0x7FF] =	sst s2  }
0x9: {  	s3 =	sadd.s32 $0x2AE00, s4;
	s9 =	sshrl.u32 s1, $0x3;
	s30 =	smul.u32 $0x5000, s1  }
0xa: {  	s31 =	sshll.u32 s1, $0x7;
	s7 =	sshll.u32 s5, $0x7;
	s8 =	sshll.u32 s5, $0x4  }
0xb: {  	_ =	strace $0x80000047;
	s5 =	ssub.s32 $0x2, s5;
	s9 =	smul.u32 $0x50000, s9  }
0xc: {  	s7 =	sor.u32 s7, s29;
	s8 =	sor.u32 s1, s8;
	s10 =	sshrl.u32 s5, $0x1  }
0xd: {  	s11 =	sshrl.u32 s30, $0x2;
	s7 =	sshrl.u32 s7, $0x3;
	s8 =	smul.u32 $0x5000, s8  }
0xe: {  	s10 =	ssub.s32 s5, s10;
	s9 =	sshrl.u32 s9, $0x2;
	s7 =	sadd.s32 s7, s4  }
0xf: {  	s9 =	sadd.s32 s9, s6;
	s6 =	sadd.s32 s11, s6;
	s8 =	sshrl.u32 s8, $0x3  }
0x10: {  	s11 =	simm.s32 $0x5000;
	s4 =	sadd.s32 s4, s8;
	s8 =	sand.u32 $0x380, s31  }
0x11: {  	s7 =	sadd.s32 $0x2B400, s7;
	s4 =	sadd.s32 $0x16E00, s4;
	s5 =	sadd.s32 s8, s9  }
0x12: {  	v0 =	vimm.f32 $1.000000000e+00;
	s8 =	smax.u32 s10, $0x1;
	s9 =	simm.s32 $0x2800;
	s10 =	simm.s32 $0x1  }
.LBB2_1:
0x13: {  	[tilespmem:s9], [sflag:$0x1] =	stream.linear.gather [hbm4b:s3+s2], $0x2800, $0x38;
	[tilespmem:$0xCA80] =	vst v63  }
0x14: {  	_ =	swait.ge [sflag:s10], $0x2800  }
0x15: {  	[sflag:s10] =	ssyncset.done $0x0  }
0x16: {  	[sflag:s10] =	ssyncadd.s32 $0xFFFFD800  }
0x17: {  	[tilespmem:s11], [sflag:$0x1] =	stream.linear.gather [hbm4b:s4+s2], $0x5000, $0x38;
	[tilespmem:$0xCA80] =	vst v63  }
0x18: {  	_ =	swait.ge [sflag:s10], $0x5000  }
0x19: {  	[sflag:s10] =	ssyncset.done $0x0  }
0x1a: {  	s20 =	simm.s32 $0x0;
	[sflag:s10] =	ssyncadd.s32 $0xFFFFB000  }
.LBB2_2:
0x1b: {  	s21 =	sshra.s32 s20, $0x2  }
0x1c: {  	v1 =	vld [tilespmem:s21+$0x5000];
	_ =	sdelay $0x7  }
0x1d: {  	[tilespmem:v1+s9+$0x0] =	vst.idx.add.f32.msk $0xffff, v0  }
0x1e: {  	v1 =	vld [tilespmem:s21+$0x5010];
	_ =	sdelay $0x7  }
0x1f: {  	[tilespmem:v1+s9+$0x0] =	vst.idx.add.f32.msk $0xffff, v0  }
0x20: {  	v1 =	vld [tilespmem:s21+$0x5020];
	_ =	sdelay $0x7  }
0x21: {  	[tilespmem:v1+s9+$0x0] =	vst.idx.add.f32.msk $0xffff, v0  }
0x22: {  	v1 =	vld [tilespmem:s21+$0x5030];
	_ =	sdelay $0x2  }
0x23: {  	p0 =	sne.s32 s20, $0x13E00  }
.Ltmp0:
0x24: {  	_ = 	snop;
	(pc) =	sbr.rel @p0 .LBB2_2-.Ltmp0, $2  }
0x25: {  	_ =	sdelay $0x2  }
0x26: {  	s20 =	sadd.s32 $0x200, s20;
	[tilespmem:v1+s9+$0x0] =	vst.idx.add.f32.msk $0xffff, v0  }
0x27: {  	[spmem:s5] =	stream.strided.scatter [tilespmem:s9], [sflag:$0x1], $0x2800, s13, s12, $0x38;
	[tilespmem:$0xCA80] =	vst v63  }
0x28: {  	_ =	swait.ge [sflag:s10], $0x2800  }
0x29: {  	[sflag:s10] =	ssyncset.done $0x0  }
0x2a: {  	[sflag:s10] =	ssyncadd.s32 $0xFFFFD800  }
0x2b: {  	[bflag:$0x0] =	sbarrier.arrive $0xFFFF  }
0x2c: {  	[tilespmem:s16], [sflag:$0x1] =	stream.strided.gather [spmem:s6], $0x2800, s15, s14, $0x38;
	[tilespmem:$0xCA80] =	vst v63  }
0x2d: {  	s20 =	simm.s32 $0x0;
	_ =	swait.ge [sflag:s10], $0x2800  }
0x2e: {  	s21 =	sand.u32 $0x70, s20;
	s20 =	sand.u32 $0x1C00, s20;
	[sflag:s10] =	ssyncset.done $0x0  }
0x2f: {  	s20 =	sor.u32 s21, s20;
	[sflag:s10] =	ssyncadd.s32 $0xFFFFD800  }
0x30: {  	v1 =	vld [tilespmem:s20+$0xA080]  }
0x31: {  	v2 =	vld [tilespmem:s20+$0xA000];
	_ =	sdelay $0x1  }
0x32: {  	v3 =	vld [tilespmem:s20+$0xA100];
	_ =	sdelay $0x1  }
0x33: {  	v4 =	vld [tilespmem:s20+$0xA180]  }
0x34: {  	v1 =	vadd.f32 v1, v2  }
0x35: {  	v2 =	vld [tilespmem:s20+$0xA200]  }
0x36: {  	v1 =	vadd.f32 v3, v1  }
0x37: {  	v3 =	vld [tilespmem:s20+$0xA280]  }
0x38: {  	v1 =	vadd.f32 v4, v1  }
0x39: {  	v60 =	vld [tilespmem:s20+$0xA300]  }
0x3a: {  	v1 =	vadd.f32 v2, v1  }
0x3b: {  	v2 =	vld [tilespmem:s20+$0xA380]  }
0x3c: {  	v1 =	vadd.f32 v3, v1  }
0x3d: {  	v3 =	vld [tilespmem:s20+$0xB400]  }
0x3e: {  	v1 =	vadd.f32 v60, v1  }
0x3f: {  	v61 =	vld [tilespmem:s20+$0xB480]  }
0x40: {  	v1 =	vadd.f32 v2, v1  }
0x41: {  	v2 =	vld [tilespmem:s20+$0xB500]  }
0x42: {  	v1 =	vadd.f32 v3, v1  }
0x43: {  	v3 =	vld [tilespmem:s20+$0xB580]  }
0x44: {  	v1 =	vadd.f32 v61, v1  }
0x45: {  	v62 =	vld [tilespmem:s20+$0xB600]  }
0x46: {  	v1 =	vadd.f32 v2, v1  }
0x47: {  	v2 =	vld [tilespmem:s20+$0xB680]  }
0x48: {  	v1 =	vadd.f32 v3, v1  }
0x49: {  	v3 =	vld [tilespmem:s20+$0xB700]  }
0x4a: {  	v1 =	vadd.f32 v62, v1  }
0x4b: {  	v63 =	vld [tilespmem:s20+$0xB780]  }
0x4c: {  	v1 =	vadd.f32 v2, v1;
	_ =	sdelay $0x1  }
0x4d: {  	v1 =	vadd.f32 v3, v1;
	_ =	sdelay $0x1  }
0x4e: {  	s31 =	simm.s32 $0x10;
	s22 =	simm.s32 $0x80;
	v1 =	vadd.f32 v63, v1  }
0x4f: {  	s23 =	sand.u32 $0x1C00, s22;
	s21 =	sand.u32 $0x70, s31;
	s20 =	simm.s32 $0xC800  }
0x50: {  	s21 =	sor.u32 s21, s23;
	s23 =	simm.s32 $0x20;
	[tilespmem:s20+$0x0] =	vst v1  }
.LBB2_4:
0x51: {  	p0 =	sne.s32 s23, $0x270;
	v1 =	vld [tilespmem:s21+$0xA080]  }
0x52: {  	v2 =	vld [tilespmem:s21+$0xA000];
	_ =	sdelay $0x1  }
0x53: {  	v3 =	vld [tilespmem:s21+$0xA100];
	_ =	sdelay $0x1  }
0x54: {  	v4 =	vld [tilespmem:s21+$0xA180]  }
0x55: {  	v1 =	vadd.f32 v1, v2  }
0x56: {  	v2 =	vld [tilespmem:s21+$0xA200]  }
0x57: {  	v1 =	vadd.f32 v3, v1  }
0x58: {  	v3 =	vld [tilespmem:s21+$0xA280]  }
0x59: {  	v1 =	vadd.f32 v4, v1  }
0x5a: {  	v4 =	vld [tilespmem:s21+$0xA300]  }
0x5b: {  	v1 =	vadd.f32 v2, v1  }
0x5c: {  	v2 =	vld [tilespmem:s21+$0xA380]  }
0x5d: {  	v1 =	vadd.f32 v3, v1  }
0x5e: {  	v3 =	vld [tilespmem:s21+$0xB400]  }
0x5f: {  	v1 =	vadd.f32 v4, v1  }
0x60: {  	v4 =	vld [tilespmem:s21+$0xB480]  }
0x61: {  	v1 =	vadd.f32 v2, v1  }
0x62: {  	v2 =	vld [tilespmem:s21+$0xB500]  }
0x63: {  	v1 =	vadd.f32 v3, v1  }
0x64: {  	v3 =	vld [tilespmem:s21+$0xB580]  }
0x65: {  	v1 =	vadd.f32 v4, v1  }
0x66: {  	v4 =	vld [tilespmem:s21+$0xB600]  }
0x67: {  	v1 =	vadd.f32 v2, v1  }
0x68: {  	v2 =	vld [tilespmem:s21+$0xB680]  }
0x69: {  	v1 =	vadd.f32 v3, v1  }
0x6a: {  	v3 =	vld [tilespmem:s21+$0xB700]  }
0x6b: {  	v1 =	vadd.f32 v4, v1  }
0x6c: {  	v4 =	vld [tilespmem:s21+$0xB780]  }
0x6d: {  	v1 =	vadd.f32 v2, v1;
	_ =	sdelay $0x1  }
.Ltmp1:
0x6e: {  	v1 =	vadd.f32 v3, v1;
	(pc) =	sbr.rel @p0 .LBB2_4-.Ltmp1, $4  }
0x6f: {  	_ = 	snop  }
0x70: {  	s22 =	sadd.s32 $0x80, s22;
	v1 =	vadd.f32 v4, v1  }
0x71: {  	s20 =	sadd.s32 $0x10, s20;
	s24 =	sand.u32 $0x1C00, s22;
	s21 =	sand.u32 $0x70, s23  }
0x72: {  	s23 =	sadd.s32 $0x10, s23;
	s21 =	sor.u32 s21, s24;
	[tilespmem:s20+$0x0] =	vst v1  }
0x73: {  	v1 =	vld [tilespmem:s21+$0xA080]  }
0x74: {  	v2 =	vld [tilespmem:s21+$0xA000];
	_ =	sdelay $0x1  }
0x75: {  	v3 =	vld [tilespmem:s21+$0xA100];
	_ =	sdelay $0x1  }
0x76: {  	v4 =	vld [tilespmem:s21+$0xA180]  }
0x77: {  	v1 =	vadd.f32 v1, v2  }
0x78: {  	v2 =	vld [tilespmem:s21+$0xA200]  }
0x79: {  	v1 =	vadd.f32 v3, v1  }
0x7a: {  	v3 =	vld [tilespmem:s21+$0xA280]  }
0x7b: {  	v1 =	vadd.f32 v4, v1  }
0x7c: {  	v60 =	vld [tilespmem:s21+$0xA300]  }
0x7d: {  	v1 =	vadd.f32 v2, v1  }
0x7e: {  	v2 =	vld [tilespmem:s21+$0xA380]  }
0x7f: {  	v1 =	vadd.f32 v3, v1  }
0x80: {  	v3 =	vld [tilespmem:s21+$0xB400]  }
0x81: {  	v1 =	vadd.f32 v60, v1  }
0x82: {  	v61 =	vld [tilespmem:s21+$0xB480]  }
0x83: {  	v1 =	vadd.f32 v2, v1  }
0x84: {  	v2 =	vld [tilespmem:s21+$0xB500]  }
0x85: {  	v1 =	vadd.f32 v3, v1  }
0x86: {  	v3 =	vld [tilespmem:s21+$0xB580]  }
0x87: {  	v1 =	vadd.f32 v61, v1  }
0x88: {  	v62 =	vld [tilespmem:s21+$0xB600]  }
0x89: {  	v1 =	vadd.f32 v2, v1  }
0x8a: {  	v2 =	vld [tilespmem:s21+$0xB680]  }
0x8b: {  	v1 =	vadd.f32 v3, v1  }
0x8c: {  	v3 =	vld [tilespmem:s21+$0xB700]  }
0x8d: {  	v1 =	vadd.f32 v62, v1  }
0x8e: {  	v63 =	vld [tilespmem:s21+$0xB780]  }
0x8f: {  	v1 =	vadd.f32 v2, v1;
	_ =	sdelay $0x1  }
0x90: {  	v1 =	vadd.f32 v3, v1;
	_ =	sdelay $0x1  }
0x91: {  	s19 =	sadd.s32 $0x1, s19;
	v1 =	vadd.f32 v63, v1  }
0x92: {  	s20 =	sadd.s32 $0x10, s20;
	p0 =	sne.s32 s19, s8  }
.Ltmp2:
0x93: {  	[tilespmem:s20+$0x0] =	vst v1;
	(pc) =	sbr.rel @p0 .LBB2_1-.Ltmp2, $4  }
0x94: {  	[hbm4b:s7+s12] =	stream.strided.scatter [tilespmem:s18], [sflag:$0x1], $0x280, s17, s12, $0x38;
	[tilespmem:$0xCA80] =	vst v63  }
0x95: {  	_ =	swait.ge [sflag:s10], $0x280  }
0x96: {  	[sflag:s10] =	ssyncset.done $0x0  }
0x97: {  	[sflag:s10] =	ssyncadd.s32 $0xFFFFFD80  }
0x98: {  	_ =	sfence.sel $0x180000  }
0x99: {  	[bflag:$0x0] =	sbarrier.arrive $0xFFFF  }
0x9a: {  	p0 =	sne.s32 s1, $0x0;
	_ =	strace $0x90000047  }
0x9b: {  	s0 =	sadd.s32 @!p0 $0x100000, s0;
	[bflag:$0x2] =	sbarrier.arrive $0xFFFF  }
0x9c: {  	[sflag:s0] =	ssyncadd.tile.s32 @!p0 $0x1;
	_ =	shalt  }
.Lfunc_end2:
_tile_overlayer_lowered:
.L_overlay_start_2:
0x9d: {  	(tag) =	ssettag $0x2  }
0x9e: {  	s0 =	rddreg [dreg:$0x0];
	s2 =	stileid.u32  }
0x9f: {  	s1 =	rddreg [dreg:$0x1];
	p0 =	sne.s32 s2, $0x0  }
0xa0: {  	s3 =	rddreg [dreg:$0x2];
	[bflag:$0x3] =	sbarrier.arrive $0xFFFF;
	s2 =	simm.s32 @!p0 $0x1C01  }
0xa1: {  	[timem:s3], [sflag:s2] =	dma.local @!p0 [hbm:s0], s1  }
0xa2: {  	s0 =	simm.s32 @!p0 $0x1  }
0xa3: {  	_ =	swait.ge @!p0 [sflag:s0], s1  }
0xa4: {  	s1 =	ssub.s32 @!p0 $0x0, s1;
	[sflag:s0] =	ssyncset.done @!p0 $0x0  }
0xa5: {  	[sflag:s0] =	ssyncadd.s32 @!p0 s1  }
0xa6: {  	[bflag:$0x3] =	sbarrier.arrive $0xFFFF  }
0xa7: {  	_ =	shalt  }

</sc_bundles>
